<compile_context>
chip_gen: v7x
topology: tpu7x:2x2x1
jax: 0.10.2.dev20260603
libtpu: 0.0.44.dev20260713+nightly
codegen_flags: <defaults>
</compile_context>

<pallas_src>
import functools

import jax
import jax.numpy as jnp
from jax import lax
from jax.experimental import pallas as pl
from jax.experimental.pallas import tpu as pltpu
from jax.experimental.pallas import tpu_sc as plsc

N = 10000
E = 160000
D = 256
NQ = 4
QW = D // NQ
NC = 2
NS = 16
E_TILE = E // NS
N_CHUNK = 125
CHUNKS = E_TILE // N_CHUNK
NBUF = 8
ROWS_TILE = 632


def _sc_aggregate_body(x4, srcs, dsts, out, src_v, dst_v,
                       buf0, buf1, buf2, buf3, buf4, buf5, buf6, buf7, hacc,
                       gs0, gs1, gs2, gs3, gs4, gs5, gs6, gs7,
                       ss0, ss1, ss2, ss3, ss4, ss5, ss6, ss7):
    c = lax.axis_index("c")
    s = lax.axis_index("s")
    bufs = (buf0, buf1, buf2, buf3, buf4, buf5, buf6, buf7)
    gsems = (gs0, gs1, gs2, gs3, gs4, gs5, gs6, gs7)
    ssems = (ss0, ss1, ss2, ss3, ss4, ss5, ss6, ss7)

    pltpu.sync_copy(dsts.at[s], dst_v)

    local = jnp.minimum(s * ROWS_TILE, N - ROWS_TILE)

    def load_and_prime(f):
        pltpu.sync_copy(srcs.at[f * NS + s], src_v)
        for b in range(NBUF):
            pltpu.async_copy(x4.at[src_v.at[b]], bufs[b], gsems[b])

    load_and_prime(c * 2)

    for q in range(2):
        f = c * 2 + q
        pltpu.sync_copy(x4.at[pl.ds(f * N + local, ROWS_TILE)],
                        hacc.at[pl.ds(local, ROWS_TILE)])
        plsc.subcore_barrier()

        def group(i, _):
            for b in range(NBUF):
                g = NBUF * i + b
                pltpu.make_async_copy(x4.at[src_v.at[g]], bufs[b],
                                      gsems[b]).wait()
                pltpu.async_copy(bufs[b], hacc.at[dst_v.at[g]], ssems[b],
                                 add=True)
            for b in range(NBUF):
                g = NBUF * i + b

                @pl.when(g + NBUF < CHUNKS)
                def _(b=b, g=g):
                    pltpu.make_async_copy(bufs[b], hacc.at[dst_v.at[g]],
                                          ssems[b]).wait()
                    pltpu.async_copy(x4.at[src_v.at[g + NBUF]], bufs[b],
                                     gsems[b])
            return 0

        lax.fori_loop(0, CHUNKS // NBUF, group, 0)
        for b in range(NBUF):
            pltpu.make_async_copy(bufs[b], hacc.at[dst_v.at[CHUNKS - NBUF + b]],
                                  ssems[b]).wait()
        plsc.subcore_barrier()

        if q == 0:
            load_and_prime(c * 2 + 1)

        pltpu.sync_copy(hacc.at[pl.ds(local, ROWS_TILE)],
                        out.at[pl.ds(c * N + local, ROWS_TILE),
                               pl.ds(q * QW, QW)])
        plsc.subcore_barrier()


@functools.lru_cache(maxsize=None)
def _make_sc_aggregate():
    return functools.partial(
        pl.kernel,
        out_type=jax.ShapeDtypeStruct((NC * N, 2 * QW), jnp.float32),
        mesh=plsc.VectorSubcoreMesh(core_axis_name="c", subcore_axis_name="s"),
        scratch_types=[
            pltpu.VMEM((CHUNKS, N_CHUNK), jnp.int32),
            pltpu.VMEM((CHUNKS, N_CHUNK), jnp.int32),
            *([pltpu.VMEM((N_CHUNK, QW), jnp.float32)] * NBUF),
            pltpu.VMEM_SHARED((N, QW), jnp.float32),
            *([pltpu.SemaphoreType.DMA] * (2 * NBUF)),
        ],
        compiler_params=pltpu.CompilerParams(use_tc_tiling_on_sc=False),
    )(_sc_aggregate_body)


ROW_BLK = 2000


def _mlp_body_split(ha_ref, hb_ref, wa_ref, ba_ref, wb_ref, bb_ref,
                    out_ref):
    h = jnp.concatenate([ha_ref[...], hb_ref[...]], axis=1)
    t = jnp.maximum(
        jnp.dot(h, wa_ref[...], preferred_element_type=jnp.float32)
        + ba_ref[...], 0.0)
    o = jnp.dot(t, wb_ref[...], preferred_element_type=jnp.float32) + bb_ref[...]
    o4 = o.reshape(ROW_BLK // 2, 2, NQ, QW)
    for i in range(NQ):
        out_ref[i] = o4[:, :, i, :].reshape(ROW_BLK // 2, 2 * QW)


def _mlp_body_full(ha_ref, hb_ref, wa_ref, ba_ref, wb_ref, bb_ref,
                   out_ref):
    h = jnp.concatenate([ha_ref[...], hb_ref[...]], axis=1)
    t = jnp.maximum(
        jnp.dot(h, wa_ref[...], preferred_element_type=jnp.float32)
        + ba_ref[...], 0.0)
    out_ref[...] = (
        jnp.dot(t, wb_ref[...], preferred_element_type=jnp.float32) + bb_ref[...])


def _mlp(h2col, wa, ba, wb, bb, split_out):
    grid = (N // ROW_BLK,)
    nblk = N // ROW_BLK
    in_specs = [
        pl.BlockSpec((ROW_BLK, 2 * QW), lambda i: (i, 0)),
        pl.BlockSpec((ROW_BLK, 2 * QW), lambda i: (i + nblk, 0)),
        pl.BlockSpec((D, D), lambda i: (0, 0)),
        pl.BlockSpec((1, D), lambda i: (0, 0)),
        pl.BlockSpec((D, D), lambda i: (0, 0)),
        pl.BlockSpec((1, D), lambda i: (0, 0)),
    ]
    if split_out:
        out_shape = jax.ShapeDtypeStruct((NQ, N // 2, 2 * QW), jnp.float32)
        out_specs = pl.BlockSpec((NQ, ROW_BLK // 2, 2 * QW),
                                 lambda i: (0, i, 0))
        body = _mlp_body_split
    else:
        out_shape = jax.ShapeDtypeStruct((N, D), jnp.float32)
        out_specs = pl.BlockSpec((ROW_BLK, D), lambda i: (i, 0))
        body = _mlp_body_full
    return pl.pallas_call(
        body,
        grid=grid,
        in_specs=in_specs,
        out_specs=out_specs,
        out_shape=out_shape,
    )(h2col, h2col, wa, ba.reshape(1, D), wb, bb.reshape(1, D))


def kernel(x, edge_index, W1a, b1a, W1b, b1b, W2a, b2a, W2b, b2b):
    src = edge_index[0].astype(jnp.int32)
    dst = edge_index[1].astype(jnp.int32)
    src_r = src.reshape(NS, CHUNKS, N_CHUNK)
    srcs = jnp.concatenate([src_r + f * N for f in range(NQ)], axis=0)
    dsts = dst.reshape(NS, CHUNKS, N_CHUNK)

    x4 = x.reshape(N, NQ, QW).transpose(1, 0, 2).reshape(NQ * N, QW)

    sc_aggregate = _make_sc_aggregate()
    h1 = sc_aggregate(x4, srcs, dsts)
    y1 = _mlp(h1, W1a, b1a, W1b, b1b, split_out=True)
    h2 = sc_aggregate(y1.reshape(NQ * N, QW), srcs, dsts)
    y2 = _mlp(h2, W2a, b2a, W2b, b2b, split_out=False)
    return y2

# --- scband reference (transcript-rebuilt; emitter-appended) ---
"""Pipeline reference for scband-ginencoder-58428735095627 (READ-ONLY COPY).

The authoritative reference and input builder live on the scoring server;
editing this copy changes nothing except your own understanding.
"""

import jax, jax.numpy as jnp
import numpy as np

N_NODES = 10000
N_EDGES = 160000
D = 256
H = 256


def setup_inputs(seed: int = 0) -> dict:
    key = jax.random.key(seed)
    ks = jax.random.split(key, 12)
    x = jax.random.normal(ks[0], (N_NODES, D), dtype=jnp.float32)
    edge_index = jax.random.randint(ks[1], (2, N_EDGES), 0, N_NODES, dtype=jnp.int64)
    # GINConv layer 1 MLP: Linear(D->H), ReLU, Linear(H->H)
    s1 = 1.0 / np.sqrt(D)
    s2 = 1.0 / np.sqrt(H)
    W1a = jax.random.uniform(ks[2], (D, H), jnp.float32, -s1, s1)
    b1a = jax.random.uniform(ks[3], (H,), jnp.float32, -s1, s1)
    W1b = jax.random.uniform(ks[4], (H, H), jnp.float32, -s2, s2)
    b1b = jax.random.uniform(ks[5], (H,), jnp.float32, -s2, s2)
    # GINConv layer 2 MLP: Linear(H->H), ReLU, Linear(H->H)
    W2a = jax.random.uniform(ks[6], (H, H), jnp.float32, -s2, s2)
    b2a = jax.random.uniform(ks[7], (H,), jnp.float32, -s2, s2)
    W2b = jax.random.uniform(ks[8], (H, H), jnp.float32, -s2, s2)
    b2b = jax.random.uniform(ks[9], (H,), jnp.float32, -s2, s2)
    return {"x": x, "edge_index": edge_index, "W1a": W1a, "b1a": b1a, "W1b": W1b, "b1b": b1b, "W2a": W2a, "b2a": b2a, "W2b": W2b, "b2b": b2b}


def _gin_conv(x, edge_index, Wa, ba, Wb, bb):
    # GINConv with eps=0 (default): out = MLP((1+eps)*x + sum_{j in N(i)} x_j)
    src = edge_index[0]
    dst = edge_index[1]
    msgs = jnp.take(x, src, axis=0)
    aggr = jnp.zeros_like(x).at[dst].add(msgs)
    h = x + aggr
    h = jnp.maximum(h @ Wa + ba, 0.0)
    return h @ Wb + bb


def reference(x, edge_index, W1a, b1a, W1b, b1b, W2a, b2a, W2b, b2b):
    x = _gin_conv(x, edge_index, W1a, b1a, W1b, b1b)
    x = _gin_conv(x, edge_index, W2a, b2a, W2b, b2b)
    return x

if __name__ == "__main__":
    import jax
    _d = setup_inputs()
    print(jax.jit(kernel)(*tuple(_d.values())))

</pallas_src>

<mosaic_0001>
#map = affine_map<(d0, d1) -> (0, 0)>
#map1 = affine_map<(d0, d1) -> (0, 0, 0)>
module attributes {stable_mosaic.version = 14 : i64} {
  func.func @_sc_aggregate_body(%arg0: i32, %arg1: i32, %arg2: memref<40000x64xf32, #tpu.memory_space<hbm>>, %arg3: memref<64x80x125xi32, #tpu.memory_space<hbm>>, %arg4: memref<16x80x125xi32, #tpu.memory_space<hbm>>, %arg5: memref<20000x128xf32, #tpu.memory_space<hbm>>, %arg6: memref<80x125xi32, #tpu.memory_space<vmem>>, %arg7: memref<80x125xi32, #tpu.memory_space<vmem>>, %arg8: memref<125x64xf32, #tpu.memory_space<vmem>>, %arg9: memref<125x64xf32, #tpu.memory_space<vmem>>, %arg10: memref<125x64xf32, #tpu.memory_space<vmem>>, %arg11: memref<125x64xf32, #tpu.memory_space<vmem>>, %arg12: memref<125x64xf32, #tpu.memory_space<vmem>>, %arg13: memref<125x64xf32, #tpu.memory_space<vmem>>, %arg14: memref<125x64xf32, #tpu.memory_space<vmem>>, %arg15: memref<125x64xf32, #tpu.memory_space<vmem>>, %arg16: memref<10000x64xf32, #tpu.memory_space<vmem_shared>>, %arg17: memref<!tpu.dma_semaphore, #tpu.memory_space<semaphore_mem>>, %arg18: memref<!tpu.dma_semaphore, #tpu.memory_space<semaphore_mem>>, %arg19: memref<!tpu.dma_semaphore, #tpu.memory_space<semaphore_mem>>, %arg20: memref<!tpu.dma_semaphore, #tpu.memory_space<semaphore_mem>>, %arg21: memref<!tpu.dma_semaphore, #tpu.memory_space<semaphore_mem>>, %arg22: memref<!tpu.dma_semaphore, #tpu.memory_space<semaphore_mem>>, %arg23: memref<!tpu.dma_semaphore, #tpu.memory_space<semaphore_mem>>, %arg24: memref<!tpu.dma_semaphore, #tpu.memory_space<semaphore_mem>>, %arg25: memref<!tpu.dma_semaphore, #tpu.memory_space<semaphore_mem>>, %arg26: memref<!tpu.dma_semaphore, #tpu.memory_space<semaphore_mem>>, %arg27: memref<!tpu.dma_semaphore, #tpu.memory_space<semaphore_mem>>, %arg28: memref<!tpu.dma_semaphore, #tpu.memory_space<semaphore_mem>>, %arg29: memref<!tpu.dma_semaphore, #tpu.memory_space<semaphore_mem>>, %arg30: memref<!tpu.dma_semaphore, #tpu.memory_space<semaphore_mem>>, %arg31: memref<!tpu.dma_semaphore, #tpu.memory_space<semaphore_mem>>, %arg32: memref<!tpu.dma_semaphore, #tpu.memory_space<semaphore_mem>>) attributes {dimension_semantics = [#tpu.dimension_semantics<core_parallel>, #tpu.dimension_semantics<subcore_parallel>], iteration_bounds = array<i64: 2, 16>, scalar_prefetch = 0 : i64, scratch_operands = 27 : i64, tpu.core_type = #tpu.core_type<sc_vector_subcore>, window_params = [{transform_indices = #map}, {transform_indices = #map1}, {transform_indices = #map1}, {transform_indices = #map}]} {
    "tpu.region"() ({
      %run_scoped3A = tpu.sem_alloc : memref<!tpu.dma_semaphore, #tpu.memory_space<semaphore_mem>>
      %dma_start3A_273 = arith.constant 0 : i32
      %dma_start3A_274 = arith.constant 0 : i32
      %dma_start3A_275 = tpu.memref_slice %arg4[%arg1, %dma_start3A_273, %dma_start3A_274] : memref<16x80x125xi32, #tpu.memory_space<hbm>> -> memref<1x80x125xi32, #tpu.memory_space<hbm>>
      %dma_start3A_276 = tpu.memref_squeeze %dma_start3A_275 : memref<1x80x125xi32, #tpu.memory_space<hbm>> -> memref<80x125xi32, #tpu.memory_space<hbm>>
      %dma_start3A_277 = arith.constant 0 : i32
      %dma_start3A_278 = arith.constant 0 : i32
      %dma_start3A_279 = tpu.memref_slice %arg4[%arg1, %dma_start3A_277, %dma_start3A_278] : memref<16x80x125xi32, #tpu.memory_space<hbm>> -> memref<1x80x125xi32, #tpu.memory_space<hbm>>
      %dma_start3A_280 = tpu.memref_squeeze %dma_start3A_279 : memref<1x80x125xi32, #tpu.memory_space<hbm>> -> memref<80x125xi32, #tpu.memory_space<hbm>>
      tpu.enqueue_dma source(%dma_start3A_280 : memref<80x125xi32, #tpu.memory_space<hbm>>) target(%arg7 : memref<80x125xi32, #tpu.memory_space<vmem>>) target_semaphore(%run_scoped3A : memref<!tpu.dma_semaphore, #tpu.memory_space<semaphore_mem>>)
      %dma_wait3A_281 = arith.constant 0 : i32
      %dma_wait3A_282 = arith.constant 0 : i32
      %dma_wait3A_283 = tpu.memref_slice %arg4[%arg1, %dma_wait3A_281, %dma_wait3A_282] : memref<16x80x125xi32, #tpu.memory_space<hbm>> -> memref<1x80x125xi32, #tpu.memory_space<hbm>>
      %dma_wait3A_284 = tpu.memref_squeeze %dma_wait3A_283 : memref<1x80x125xi32, #tpu.memory_space<hbm>> -> memref<80x125xi32, #tpu.memory_space<hbm>>
      %dma_wait3A_285 = arith.constant 0 : i32
      %dma_wait3A_286 = arith.constant 0 : i32
      %dma_wait3A_287 = tpu.memref_slice %arg4[%arg1, %dma_wait3A_285, %dma_wait3A_286] : memref<16x80x125xi32, #tpu.memory_space<hbm>> -> memref<1x80x125xi32, #tpu.memory_space<hbm>>
      %dma_wait3A_288 = tpu.memref_squeeze %dma_wait3A_287 : memref<1x80x125xi32, #tpu.memory_space<hbm>> -> memref<80x125xi32, #tpu.memory_space<hbm>>
      tpu.wait_dma2 semaphore(%run_scoped3A : memref<!tpu.dma_semaphore, #tpu.memory_space<semaphore_mem>>) src(%dma_wait3A_288 : memref<80x125xi32, #tpu.memory_space<hbm>>) dst(%arg7 : memref<80x125xi32, #tpu.memory_space<vmem>>)
      tpu.yield
    }) : () -> ()
    %mul3A = arith.constant 632 : i32
    %mul3A_0 = arith.muli %arg1, %mul3A : i32
    %min3A = arith.constant 9368 : i32
    %min3A_1 = arith.minsi %mul3A_0, %min3A : i32
    %mul3A_2 = arith.constant 2 : i32
    %mul3A_3 = arith.muli %arg0, %mul3A_2 : i32
    %mul3A_4 = arith.constant 16 : i32
    %mul3A_5 = arith.muli %mul3A_3, %mul3A_4 : i32
    %add3A = arith.addi %mul3A_5, %arg1 : i32
    "tpu.region"() ({
      %run_scoped3A = tpu.sem_alloc : memref<!tpu.dma_semaphore, #tpu.memory_space<semaphore_mem>>
      %dma_start3A_273 = arith.constant 0 : i32
      %dma_start3A_274 = arith.constant 0 : i32
      %dma_start3A_275 = tpu.memref_slice %arg3[%add3A, %dma_start3A_273, %dma_start3A_274] : memref<64x80x125xi32, #tpu.memory_space<hbm>> -> memref<1x80x125xi32, #tpu.memory_space<hbm>>
      %dma_start3A_276 = tpu.memref_squeeze %dma_start3A_275 : memref<1x80x125xi32, #tpu.memory_space<hbm>> -> memref<80x125xi32, #tpu.memory_space<hbm>>
      %dma_start3A_277 = arith.constant 0 : i32
      %dma_start3A_278 = arith.constant 0 : i32
      %dma_start3A_279 = tpu.memref_slice %arg3[%add3A, %dma_start3A_277, %dma_start3A_278] : memref<64x80x125xi32, #tpu.memory_space<hbm>> -> memref<1x80x125xi32, #tpu.memory_space<hbm>>
      %dma_start3A_280 = tpu.memref_squeeze %dma_start3A_279 : memref<1x80x125xi32, #tpu.memory_space<hbm>> -> memref<80x125xi32, #tpu.memory_space<hbm>>
      tpu.enqueue_dma source(%dma_start3A_280 : memref<80x125xi32, #tpu.memory_space<hbm>>) target(%arg6 : memref<80x125xi32, #tpu.memory_space<vmem>>) target_semaphore(%run_scoped3A : memref<!tpu.dma_semaphore, #tpu.memory_space<semaphore_mem>>)
      %dma_wait3A_281 = arith.constant 0 : i32
      %dma_wait3A_282 = arith.constant 0 : i32
      %dma_wait3A_283 = tpu.memref_slice %arg3[%add3A, %dma_wait3A_281, %dma_wait3A_282] : memref<64x80x125xi32, #tpu.memory_space<hbm>> -> memref<1x80x125xi32, #tpu.memory_space<hbm>>
      %dma_wait3A_284 = tpu.memref_squeeze %dma_wait3A_283 : memref<1x80x125xi32, #tpu.memory_space<hbm>> -> memref<80x125xi32, #tpu.memory_space<hbm>>
      %dma_wait3A_285 = arith.constant 0 : i32
      %dma_wait3A_286 = arith.constant 0 : i32
      %dma_wait3A_287 = tpu.memref_slice %arg3[%add3A, %dma_wait3A_285, %dma_wait3A_286] : memref<64x80x125xi32, #tpu.memory_space<hbm>> -> memref<1x80x125xi32, #tpu.memory_space<hbm>>
      %dma_wait3A_288 = tpu.memref_squeeze %dma_wait3A_287 : memref<1x80x125xi32, #tpu.memory_space<hbm>> -> memref<80x125xi32, #tpu.memory_space<hbm>>
      tpu.wait_dma2 semaphore(%run_scoped3A : memref<!tpu.dma_semaphore, #tpu.memory_space<semaphore_mem>>) src(%dma_wait3A_288 : memref<80x125xi32, #tpu.memory_space<hbm>>) dst(%arg6 : memref<80x125xi32, #tpu.memory_space<vmem>>)
      tpu.yield
    }) : () -> ()
    %dma_start3A = arith.constant 0 : i32
    %dma_start3A_6 = arith.constant 0 : i32
    %dma_start3A_7 = tpu.memref_slice %arg6[%dma_start3A, %dma_start3A_6] : memref<80x125xi32, #tpu.memory_space<vmem>> -> memref<1x125xi32, #tpu.memory_space<vmem>>
    %dma_start3A_8 = tpu.memref_squeeze %dma_start3A_7 : memref<1x125xi32, #tpu.memory_space<vmem>> -> memref<125xi32, #tpu.memory_space<vmem>>
    %dma_start3A_9 = arith.constant 0 : i32
    %dma_start3A_10 = arith.constant 0 : i32
    %dma_start3A_11 = tpu.memref_slice %arg2[%dma_start3A_9, %dma_start3A_10] : memref<40000x64xf32, #tpu.memory_space<hbm>> -> memref<40000x64xf32, #tpu.memory_space<hbm>>
    tpu.enqueue_indirect_dma source(%dma_start3A_11 : memref<40000x64xf32, #tpu.memory_space<hbm>>) target(%arg8 : memref<125x64xf32, #tpu.memory_space<vmem>>) offsets(%dma_start3A_8 : memref<125xi32, #tpu.memory_space<vmem>>) semaphore(%arg17 : memref<!tpu.dma_semaphore, #tpu.memory_space<semaphore_mem>>)
    %dma_start3A_12 = arith.constant 1 : i32
    %dma_start3A_13 = arith.constant 0 : i32
    %dma_start3A_14 = tpu.memref_slice %arg6[%dma_start3A_12, %dma_start3A_13] : memref<80x125xi32, #tpu.memory_space<vmem>> -> memref<1x125xi32, #tpu.memory_space<vmem>>
    %dma_start3A_15 = tpu.memref_squeeze %dma_start3A_14 : memref<1x125xi32, #tpu.memory_space<vmem>> -> memref<125xi32, #tpu.memory_space<vmem>>
    %dma_start3A_16 = arith.constant 0 : i32
    %dma_start3A_17 = arith.constant 0 : i32
    %dma_start3A_18 = tpu.memref_slice %arg2[%dma_start3A_16, %dma_start3A_17] : memref<40000x64xf32, #tpu.memory_space<hbm>> -> memref<40000x64xf32, #tpu.memory_space<hbm>>
    tpu.enqueue_indirect_dma source(%dma_start3A_18 : memref<40000x64xf32, #tpu.memory_space<hbm>>) target(%arg9 : memref<125x64xf32, #tpu.memory_space<vmem>>) offsets(%dma_start3A_15 : memref<125xi32, #tpu.memory_space<vmem>>) semaphore(%arg18 : memref<!tpu.dma_semaphore, #tpu.memory_space<semaphore_mem>>)
    %dma_start3A_19 = arith.constant 2 : i32
    %dma_start3A_20 = arith.constant 0 : i32
    %dma_start3A_21 = tpu.memref_slice %arg6[%dma_start3A_19, %dma_start3A_20] : memref<80x125xi32, #tpu.memory_space<vmem>> -> memref<1x125xi32, #tpu.memory_space<vmem>>
    %dma_start3A_22 = tpu.memref_squeeze %dma_start3A_21 : memref<1x125xi32, #tpu.memory_space<vmem>> -> memref<125xi32, #tpu.memory_space<vmem>>
    %dma_start3A_23 = arith.constant 0 : i32
    %dma_start3A_24 = arith.constant 0 : i32
    %dma_start3A_25 = tpu.memref_slice %arg2[%dma_start3A_23, %dma_start3A_24] : memref<40000x64xf32, #tpu.memory_space<hbm>> -> memref<40000x64xf32, #tpu.memory_space<hbm>>
    tpu.enqueue_indirect_dma source(%dma_start3A_25 : memref<40000x64xf32, #tpu.memory_space<hbm>>) target(%arg10 : memref<125x64xf32, #tpu.memory_space<vmem>>) offsets(%dma_start3A_22 : memref<125xi32, #tpu.memory_space<vmem>>) semaphore(%arg19 : memref<!tpu.dma_semaphore, #tpu.memory_space<semaphore_mem>>)
    %dma_start3A_26 = arith.constant 3 : i32
    %dma_start3A_27 = arith.constant 0 : i32
    %dma_start3A_28 = tpu.memref_slice %arg6[%dma_start3A_26, %dma_start3A_27] : memref<80x125xi32, #tpu.memory_space<vmem>> -> memref<1x125xi32, #tpu.memory_space<vmem>>
    %dma_start3A_29 = tpu.memref_squeeze %dma_start3A_28 : memref<1x125xi32, #tpu.memory_space<vmem>> -> memref<125xi32, #tpu.memory_space<vmem>>
    %dma_start3A_30 = arith.constant 0 : i32
    %dma_start3A_31 = arith.constant 0 : i32
    %dma_start3A_32 = tpu.memref_slice %arg2[%dma_start3A_30, %dma_start3A_31] : memref<40000x64xf32, #tpu.memory_space<hbm>> -> memref<40000x64xf32, #tpu.memory_space<hbm>>
    tpu.enqueue_indirect_dma source(%dma_start3A_32 : memref<40000x64xf32, #tpu.memory_space<hbm>>) target(%arg11 : memref<125x64xf32, #tpu.memory_space<vmem>>) offsets(%dma_start3A_29 : memref<125xi32, #tpu.memory_space<vmem>>) semaphore(%arg20 : memref<!tpu.dma_semaphore, #tpu.memory_space<semaphore_mem>>)
    %dma_start3A_33 = arith.constant 4 : i32
    %dma_start3A_34 = arith.constant 0 : i32
    %dma_start3A_35 = tpu.memref_slice %arg6[%dma_start3A_33, %dma_start3A_34] : memref<80x125xi32, #tpu.memory_space<vmem>> -> memref<1x125xi32, #tpu.memory_space<vmem>>
    %dma_start3A_36 = tpu.memref_squeeze %dma_start3A_35 : memref<1x125xi32, #tpu.memory_space<vmem>> -> memref<125xi32, #tpu.memory_space<vmem>>
    %dma_start3A_37 = arith.constant 0 : i32
    %dma_start3A_38 = arith.constant 0 : i32
    %dma_start3A_39 = tpu.memref_slice %arg2[%dma_start3A_37, %dma_start3A_38] : memref<40000x64xf32, #tpu.memory_space<hbm>> -> memref<40000x64xf32, #tpu.memory_space<hbm>>
    tpu.enqueue_indirect_dma source(%dma_start3A_39 : memref<40000x64xf32, #tpu.memory_space<hbm>>) target(%arg12 : memref<125x64xf32, #tpu.memory_space<vmem>>) offsets(%dma_start3A_36 : memref<125xi32, #tpu.memory_space<vmem>>) semaphore(%arg21 : memref<!tpu.dma_semaphore, #tpu.memory_space<semaphore_mem>>)
    %dma_start3A_40 = arith.constant 5 : i32
    %dma_start3A_41 = arith.constant 0 : i32
    %dma_start3A_42 = tpu.memref_slice %arg6[%dma_start3A_40, %dma_start3A_41] : memref<80x125xi32, #tpu.memory_space<vmem>> -> memref<1x125xi32, #tpu.memory_space<vmem>>
    %dma_start3A_43 = tpu.memref_squeeze %dma_start3A_42 : memref<1x125xi32, #tpu.memory_space<vmem>> -> memref<125xi32, #tpu.memory_space<vmem>>
    %dma_start3A_44 = arith.constant 0 : i32
    %dma_start3A_45 = arith.constant 0 : i32
    %dma_start3A_46 = tpu.memref_slice %arg2[%dma_start3A_44, %dma_start3A_45] : memref<40000x64xf32, #tpu.memory_space<hbm>> -> memref<40000x64xf32, #tpu.memory_space<hbm>>
    tpu.enqueue_indirect_dma source(%dma_start3A_46 : memref<40000x64xf32, #tpu.memory_space<hbm>>) target(%arg13 : memref<125x64xf32, #tpu.memory_space<vmem>>) offsets(%dma_start3A_43 : memref<125xi32, #tpu.memory_space<vmem>>) semaphore(%arg22 : memref<!tpu.dma_semaphore, #tpu.memory_space<semaphore_mem>>)
    %dma_start3A_47 = arith.constant 6 : i32
    %dma_start3A_48 = arith.constant 0 : i32
    %dma_start3A_49 = tpu.memref_slice %arg6[%dma_start3A_47, %dma_start3A_48] : memref<80x125xi32, #tpu.memory_space<vmem>> -> memref<1x125xi32, #tpu.memory_space<vmem>>
    %dma_start3A_50 = tpu.memref_squeeze %dma_start3A_49 : memref<1x125xi32, #tpu.memory_space<vmem>> -> memref<125xi32, #tpu.memory_space<vmem>>
    %dma_start3A_51 = arith.constant 0 : i32
    %dma_start3A_52 = arith.constant 0 : i32
    %dma_start3A_53 = tpu.memref_slice %arg2[%dma_start3A_51, %dma_start3A_52] : memref<40000x64xf32, #tpu.memory_space<hbm>> -> memref<40000x64xf32, #tpu.memory_space<hbm>>
    tpu.enqueue_indirect_dma source(%dma_start3A_53 : memref<40000x64xf32, #tpu.memory_space<hbm>>) target(%arg14 : memref<125x64xf32, #tpu.memory_space<vmem>>) offsets(%dma_start3A_50 : memref<125xi32, #tpu.memory_space<vmem>>) semaphore(%arg23 : memref<!tpu.dma_semaphore, #tpu.memory_space<semaphore_mem>>)
    %dma_start3A_54 = arith.constant 7 : i32
    %dma_start3A_55 = arith.constant 0 : i32
    %dma_start3A_56 = tpu.memref_slice %arg6[%dma_start3A_54, %dma_start3A_55] : memref<80x125xi32, #tpu.memory_space<vmem>> -> memref<1x125xi32, #tpu.memory_space<vmem>>
    %dma_start3A_57 = tpu.memref_squeeze %dma_start3A_56 : memref<1x125xi32, #tpu.memory_space<vmem>> -> memref<125xi32, #tpu.memory_space<vmem>>
    %dma_start3A_58 = arith.constant 0 : i32
    %dma_start3A_59 = arith.constant 0 : i32
    %dma_start3A_60 = tpu.memref_slice %arg2[%dma_start3A_58, %dma_start3A_59] : memref<40000x64xf32, #tpu.memory_space<hbm>> -> memref<40000x64xf32, #tpu.memory_space<hbm>>
    tpu.enqueue_indirect_dma source(%dma_start3A_60 : memref<40000x64xf32, #tpu.memory_space<hbm>>) target(%arg15 : memref<125x64xf32, #tpu.memory_space<vmem>>) offsets(%dma_start3A_57 : memref<125xi32, #tpu.memory_space<vmem>>) semaphore(%arg24 : memref<!tpu.dma_semaphore, #tpu.memory_space<semaphore_mem>>)
    %mul3A_61 = arith.constant 2 : i32
    %mul3A_62 = arith.muli %arg0, %mul3A_61 : i32
    %add3A_63 = arith.constant 0 : i32
    %add3A_64 = arith.addi %mul3A_62, %add3A_63 : i32
    %mul3A_65 = arith.constant 10000 : i32
    %mul3A_66 = arith.muli %add3A_64, %mul3A_65 : i32
    %add3A_67 = arith.addi %mul3A_66, %min3A_1 : i32
    "tpu.region"() ({
      %run_scoped3A = tpu.sem_alloc : memref<!tpu.dma_semaphore, #tpu.memory_space<semaphore_mem>>
      %dma_start3A_273 = arith.constant 0 : i32
      %dma_start3A_274 = tpu.memref_slice %arg16[%min3A_1, %dma_start3A_273] : memref<10000x64xf32, #tpu.memory_space<vmem_shared>> -> memref<632x64xf32, #tpu.memory_space<vmem_shared>>
      %dma_start3A_275 = arith.constant 0 : i32
      %dma_start3A_276 = tpu.memref_slice %arg2[%add3A_67, %dma_start3A_275] : memref<40000x64xf32, #tpu.memory_space<hbm>> -> memref<632x64xf32, #tpu.memory_space<hbm>>
      tpu.enqueue_dma source(%dma_start3A_276 : memref<632x64xf32, #tpu.memory_space<hbm>>) target(%dma_start3A_274 : memref<632x64xf32, #tpu.memory_space<vmem_shared>>) target_semaphore(%run_scoped3A : memref<!tpu.dma_semaphore, #tpu.memory_space<semaphore_mem>>)
      %dma_wait3A_277 = arith.constant 0 : i32
      %dma_wait3A_278 = tpu.memref_slice %arg16[%min3A_1, %dma_wait3A_277] : memref<10000x64xf32, #tpu.memory_space<vmem_shared>> -> memref<632x64xf32, #tpu.memory_space<vmem_shared>>
      %dma_wait3A_279 = arith.constant 0 : i32
      %dma_wait3A_280 = tpu.memref_slice %arg2[%add3A_67, %dma_wait3A_279] : memref<40000x64xf32, #tpu.memory_space<hbm>> -> memref<632x64xf32, #tpu.memory_space<hbm>>
      tpu.wait_dma2 semaphore(%run_scoped3A : memref<!tpu.dma_semaphore, #tpu.memory_space<semaphore_mem>>) src(%dma_wait3A_280 : memref<632x64xf32, #tpu.memory_space<hbm>>) dst(%dma_wait3A_278 : memref<632x64xf32, #tpu.memory_space<vmem_shared>>)
      tpu.yield
    }) : () -> ()
    %barrier3A = arith.constant 0 : index
    tpu.barrier barrier_id(%barrier3A)
    %scan3A = arith.constant 0 : i32
    %scan3A_68 = arith.constant 0 : i32
    %scan3A_69 = arith.constant 10 : i32
    %scan3A_70 = arith.addi %scan3A_68, %scan3A_69 : i32
    %scan3A_71 = arith.constant 1 : i32
    %scan3A_72 = scf.for %scan3A_273 = %scan3A_68 to %scan3A_70 step %scan3A_71 iter_args(%scan3A_274 = %scan3A) -> (i32)  : i32 {
      %mul3A_275 = arith.constant 8 : i32
      %mul3A_276 = arith.muli %mul3A_275, %scan3A_273 : i32
      %add3A_277 = arith.constant 0 : i32
      %add3A_278 = arith.addi %mul3A_276, %add3A_277 : i32
      %dma_wait3A_279 = arith.constant 0 : i32
      %dma_wait3A_280 = tpu.memref_slice %arg6[%add3A_278, %dma_wait3A_279] : memref<80x125xi32, #tpu.memory_space<vmem>> -> memref<1x125xi32, #tpu.memory_space<vmem>>
      %dma_wait3A_281 = tpu.memref_squeeze %dma_wait3A_280 : memref<1x125xi32, #tpu.memory_space<vmem>> -> memref<125xi32, #tpu.memory_space<vmem>>
      %dma_wait3A_282 = arith.constant 0 : i32
      %dma_wait3A_283 = arith.constant 0 : i32
      %dma_wait3A_284 = tpu.memref_slice %arg2[%dma_wait3A_282, %dma_wait3A_283] : memref<40000x64xf32, #tpu.memory_space<hbm>> -> memref<40000x64xf32, #tpu.memory_space<hbm>>
      tpu.wait_indirect_dma semaphore(%arg17 : memref<!tpu.dma_semaphore, #tpu.memory_space<semaphore_mem>>) src(%dma_wait3A_284 : memref<40000x64xf32, #tpu.memory_space<hbm>>) dst(%arg8 : memref<125x64xf32, #tpu.memory_space<vmem>>)
      %dma_start3A_285 = arith.constant 0 : i32
      %dma_start3A_286 = tpu.memref_slice %arg7[%add3A_278, %dma_start3A_285] : memref<80x125xi32, #tpu.memory_space<vmem>> -> memref<1x125xi32, #tpu.memory_space<vmem>>
      %dma_start3A_287 = tpu.memref_squeeze %dma_start3A_286 : memref<1x125xi32, #tpu.memory_space<vmem>> -> memref<125xi32, #tpu.memory_space<vmem>>
      %dma_start3A_288 = arith.constant 0 : i32
      %dma_start3A_289 = arith.constant 0 : i32
      %dma_start3A_290 = tpu.memref_slice %arg16[%dma_start3A_288, %dma_start3A_289] : memref<10000x64xf32, #tpu.memory_space<vmem_shared>> -> memref<10000x64xf32, #tpu.memory_space<vmem_shared>>
      tpu.enqueue_indirect_dma source(%arg8 : memref<125x64xf32, #tpu.memory_space<vmem>>) target(%dma_start3A_290 : memref<10000x64xf32, #tpu.memory_space<vmem_shared>>) offsets(%dma_start3A_287 : memref<125xi32, #tpu.memory_space<vmem>>) semaphore(%arg25 : memref<!tpu.dma_semaphore, #tpu.memory_space<semaphore_mem>>) {add = true}
      %mul3A_291 = arith.constant 8 : i32
      %mul3A_292 = arith.muli %mul3A_291, %scan3A_273 : i32
      %add3A_293 = arith.constant 1 : i32
      %add3A_294 = arith.addi %mul3A_292, %add3A_293 : i32
      %dma_wait3A_295 = arith.constant 0 : i32
      %dma_wait3A_296 = tpu.memref_slice %arg6[%add3A_294, %dma_wait3A_295] : memref<80x125xi32, #tpu.memory_space<vmem>> -> memref<1x125xi32, #tpu.memory_space<vmem>>
      %dma_wait3A_297 = tpu.memref_squeeze %dma_wait3A_296 : memref<1x125xi32, #tpu.memory_space<vmem>> -> memref<125xi32, #tpu.memory_space<vmem>>
      %dma_wait3A_298 = arith.constant 0 : i32
      %dma_wait3A_299 = arith.constant 0 : i32
      %dma_wait3A_300 = tpu.memref_slice %arg2[%dma_wait3A_298, %dma_wait3A_299] : memref<40000x64xf32, #tpu.memory_space<hbm>> -> memref<40000x64xf32, #tpu.memory_space<hbm>>
      tpu.wait_indirect_dma semaphore(%arg18 : memref<!tpu.dma_semaphore, #tpu.memory_space<semaphore_mem>>) src(%dma_wait3A_300 : memref<40000x64xf32, #tpu.memory_space<hbm>>) dst(%arg9 : memref<125x64xf32, #tpu.memory_space<vmem>>)
      %dma_start3A_301 = arith.constant 0 : i32
      %dma_start3A_302 = tpu.memref_slice %arg7[%add3A_294, %dma_start3A_301] : memref<80x125xi32, #tpu.memory_space<vmem>> -> memref<1x125xi32, #tpu.memory_space<vmem>>
      %dma_start3A_303 = tpu.memref_squeeze %dma_start3A_302 : memref<1x125xi32, #tpu.memory_space<vmem>> -> memref<125xi32, #tpu.memory_space<vmem>>
      %dma_start3A_304 = arith.constant 0 : i32
      %dma_start3A_305 = arith.constant 0 : i32
      %dma_start3A_306 = tpu.memref_slice %arg16[%dma_start3A_304, %dma_start3A_305] : memref<10000x64xf32, #tpu.memory_space<vmem_shared>> -> memref<10000x64xf32, #tpu.memory_space<vmem_shared>>
      tpu.enqueue_indirect_dma source(%arg9 : memref<125x64xf32, #tpu.memory_space<vmem>>) target(%dma_start3A_306 : memref<10000x64xf32, #tpu.memory_space<vmem_shared>>) offsets(%dma_start3A_303 : memref<125xi32, #tpu.memory_space<vmem>>) semaphore(%arg26 : memref<!tpu.dma_semaphore, #tpu.memory_space<semaphore_mem>>) {add = true}
      %mul3A_307 = arith.constant 8 : i32
      %mul3A_308 = arith.muli %mul3A_307, %scan3A_273 : i32
      %add3A_309 = arith.constant 2 : i32
      %add3A_310 = arith.addi %mul3A_308, %add3A_309 : i32
      %dma_wait3A_311 = arith.constant 0 : i32
      %dma_wait3A_312 = tpu.memref_slice %arg6[%add3A_310, %dma_wait3A_311] : memref<80x125xi32, #tpu.memory_space<vmem>> -> memref<1x125xi32, #tpu.memory_space<vmem>>
      %dma_wait3A_313 = tpu.memref_squeeze %dma_wait3A_312 : memref<1x125xi32, #tpu.memory_space<vmem>> -> memref<125xi32, #tpu.memory_space<vmem>>
      %dma_wait3A_314 = arith.constant 0 : i32
      %dma_wait3A_315 = arith.constant 0 : i32
      %dma_wait3A_316 = tpu.memref_slice %arg2[%dma_wait3A_314, %dma_wait3A_315] : memref<40000x64xf32, #tpu.memory_space<hbm>> -> memref<40000x64xf32, #tpu.memory_space<hbm>>
      tpu.wait_indirect_dma semaphore(%arg19 : memref<!tpu.dma_semaphore, #tpu.memory_space<semaphore_mem>>) src(%dma_wait3A_316 : memref<40000x64xf32, #tpu.memory_space<hbm>>) dst(%arg10 : memref<125x64xf32, #tpu.memory_space<vmem>>)
      %dma_start3A_317 = arith.constant 0 : i32
      %dma_start3A_318 = tpu.memref_slice %arg7[%add3A_310, %dma_start3A_317] : memref<80x125xi32, #tpu.memory_space<vmem>> -> memref<1x125xi32, #tpu.memory_space<vmem>>
      %dma_start3A_319 = tpu.memref_squeeze %dma_start3A_318 : memref<1x125xi32, #tpu.memory_space<vmem>> -> memref<125xi32, #tpu.memory_space<vmem>>
      %dma_start3A_320 = arith.constant 0 : i32
      %dma_start3A_321 = arith.constant 0 : i32
      %dma_start3A_322 = tpu.memref_slice %arg16[%dma_start3A_320, %dma_start3A_321] : memref<10000x64xf32, #tpu.memory_space<vmem_shared>> -> memref<10000x64xf32, #tpu.memory_space<vmem_shared>>
      tpu.enqueue_indirect_dma source(%arg10 : memref<125x64xf32, #tpu.memory_space<vmem>>) target(%dma_start3A_322 : memref<10000x64xf32, #tpu.memory_space<vmem_shared>>) offsets(%dma_start3A_319 : memref<125xi32, #tpu.memory_space<vmem>>) semaphore(%arg27 : memref<!tpu.dma_semaphore, #tpu.memory_space<semaphore_mem>>) {add = true}
      %mul3A_323 = arith.constant 8 : i32
      %mul3A_324 = arith.muli %mul3A_323, %scan3A_273 : i32
      %add3A_325 = arith.constant 3 : i32
      %add3A_326 = arith.addi %mul3A_324, %add3A_325 : i32
      %dma_wait3A_327 = arith.constant 0 : i32
      %dma_wait3A_328 = tpu.memref_slice %arg6[%add3A_326, %dma_wait3A_327] : memref<80x125xi32, #tpu.memory_space<vmem>> -> memref<1x125xi32, #tpu.memory_space<vmem>>
      %dma_wait3A_329 = tpu.memref_squeeze %dma_wait3A_328 : memref<1x125xi32, #tpu.memory_space<vmem>> -> memref<125xi32, #tpu.memory_space<vmem>>
      %dma_wait3A_330 = arith.constant 0 : i32
      %dma_wait3A_331 = arith.constant 0 : i32
      %dma_wait3A_332 = tpu.memref_slice %arg2[%dma_wait3A_330, %dma_wait3A_331] : memref<40000x64xf32, #tpu.memory_space<hbm>> -> memref<40000x64xf32, #tpu.memory_space<hbm>>
      tpu.wait_indirect_dma semaphore(%arg20 : memref<!tpu.dma_semaphore, #tpu.memory_space<semaphore_mem>>) src(%dma_wait3A_332 : memref<40000x64xf32, #tpu.memory_space<hbm>>) dst(%arg11 : memref<125x64xf32, #tpu.memory_space<vmem>>)
      %dma_start3A_333 = arith.constant 0 : i32
      %dma_start3A_334 = tpu.memref_slice %arg7[%add3A_326, %dma_start3A_333] : memref<80x125xi32, #tpu.memory_space<vmem>> -> memref<1x125xi32, #tpu.memory_space<vmem>>
      %dma_start3A_335 = tpu.memref_squeeze %dma_start3A_334 : memref<1x125xi32, #tpu.memory_space<vmem>> -> memref<125xi32, #tpu.memory_space<vmem>>
      %dma_start3A_336 = arith.constant 0 : i32
      %dma_start3A_337 = arith.constant 0 : i32
      %dma_start3A_338 = tpu.memref_slice %arg16[%dma_start3A_336, %dma_start3A_337] : memref<10000x64xf32, #tpu.memory_space<vmem_shared>> -> memref<10000x64xf32, #tpu.memory_space<vmem_shared>>
      tpu.enqueue_indirect_dma source(%arg11 : memref<125x64xf32, #tpu.memory_space<vmem>>) target(%dma_start3A_338 : memref<10000x64xf32, #tpu.memory_space<vmem_shared>>) offsets(%dma_start3A_335 : memref<125xi32, #tpu.memory_space<vmem>>) semaphore(%arg28 : memref<!tpu.dma_semaphore, #tpu.memory_space<semaphore_mem>>) {add = true}
      %mul3A_339 = arith.constant 8 : i32
      %mul3A_340 = arith.muli %mul3A_339, %scan3A_273 : i32
      %add3A_341 = arith.constant 4 : i32
      %add3A_342 = arith.addi %mul3A_340, %add3A_341 : i32
      %dma_wait3A_343 = arith.constant 0 : i32
      %dma_wait3A_344 = tpu.memref_slice %arg6[%add3A_342, %dma_wait3A_343] : memref<80x125xi32, #tpu.memory_space<vmem>> -> memref<1x125xi32, #tpu.memory_space<vmem>>
      %dma_wait3A_345 = tpu.memref_squeeze %dma_wait3A_344 : memref<1x125xi32, #tpu.memory_space<vmem>> -> memref<125xi32, #tpu.memory_space<vmem>>
      %dma_wait3A_346 = arith.constant 0 : i32
      %dma_wait3A_347 = arith.constant 0 : i32
      %dma_wait3A_348 = tpu.memref_slice %arg2[%dma_wait3A_346, %dma_wait3A_347] : memref<40000x64xf32, #tpu.memory_space<hbm>> -> memref<40000x64xf32, #tpu.memory_space<hbm>>
      tpu.wait_indirect_dma semaphore(%arg21 : memref<!tpu.dma_semaphore, #tpu.memory_space<semaphore_mem>>) src(%dma_wait3A_348 : memref<40000x64xf32, #tpu.memory_space<hbm>>) dst(%arg12 : memref<125x64xf32, #tpu.memory_space<vmem>>)
      %dma_start3A_349 = arith.constant 0 : i32
      %dma_start3A_350 = tpu.memref_slice %arg7[%add3A_342, %dma_start3A_349] : memref<80x125xi32, #tpu.memory_space<vmem>> -> memref<1x125xi32, #tpu.memory_space<vmem>>
      %dma_start3A_351 = tpu.memref_squeeze %dma_start3A_350 : memref<1x125xi32, #tpu.memory_space<vmem>> -> memref<125xi32, #tpu.memory_space<vmem>>
      %dma_start3A_352 = arith.constant 0 : i32
      %dma_start3A_353 = arith.constant 0 : i32
      %dma_start3A_354 = tpu.memref_slice %arg16[%dma_start3A_352, %dma_start3A_353] : memref<10000x64xf32, #tpu.memory_space<vmem_shared>> -> memref<10000x64xf32, #tpu.memory_space<vmem_shared>>
      tpu.enqueue_indirect_dma source(%arg12 : memref<125x64xf32, #tpu.memory_space<vmem>>) target(%dma_start3A_354 : memref<10000x64xf32, #tpu.memory_space<vmem_shared>>) offsets(%dma_start3A_351 : memref<125xi32, #tpu.memory_space<vmem>>) semaphore(%arg29 : memref<!tpu.dma_semaphore, #tpu.memory_space<semaphore_mem>>) {add = true}
      %mul3A_355 = arith.constant 8 : i32
      %mul3A_356 = arith.muli %mul3A_355, %scan3A_273 : i32
      %add3A_357 = arith.constant 5 : i32
      %add3A_358 = arith.addi %mul3A_356, %add3A_357 : i32
      %dma_wait3A_359 = arith.constant 0 : i32
      %dma_wait3A_360 = tpu.memref_slice %arg6[%add3A_358, %dma_wait3A_359] : memref<80x125xi32, #tpu.memory_space<vmem>> -> memref<1x125xi32, #tpu.memory_space<vmem>>
      %dma_wait3A_361 = tpu.memref_squeeze %dma_wait3A_360 : memref<1x125xi32, #tpu.memory_space<vmem>> -> memref<125xi32, #tpu.memory_space<vmem>>
      %dma_wait3A_362 = arith.constant 0 : i32
      %dma_wait3A_363 = arith.constant 0 : i32
      %dma_wait3A_364 = tpu.memref_slice %arg2[%dma_wait3A_362, %dma_wait3A_363] : memref<40000x64xf32, #tpu.memory_space<hbm>> -> memref<40000x64xf32, #tpu.memory_space<hbm>>
      tpu.wait_indirect_dma semaphore(%arg22 : memref<!tpu.dma_semaphore, #tpu.memory_space<semaphore_mem>>) src(%dma_wait3A_364 : memref<40000x64xf32, #tpu.memory_space<hbm>>) dst(%arg13 : memref<125x64xf32, #tpu.memory_space<vmem>>)
      %dma_start3A_365 = arith.constant 0 : i32
      %dma_start3A_366 = tpu.memref_slice %arg7[%add3A_358, %dma_start3A_365] : memref<80x125xi32, #tpu.memory_space<vmem>> -> memref<1x125xi32, #tpu.memory_space<vmem>>
      %dma_start3A_367 = tpu.memref_squeeze %dma_start3A_366 : memref<1x125xi32, #tpu.memory_space<vmem>> -> memref<125xi32, #tpu.memory_space<vmem>>
      %dma_start3A_368 = arith.constant 0 : i32
      %dma_start3A_369 = arith.constant 0 : i32
      %dma_start3A_370 = tpu.memref_slice %arg16[%dma_start3A_368, %dma_start3A_369] : memref<10000x64xf32, #tpu.memory_space<vmem_shared>> -> memref<10000x64xf32, #tpu.memory_space<vmem_shared>>
      tpu.enqueue_indirect_dma source(%arg13 : memref<125x64xf32, #tpu.memory_space<vmem>>) target(%dma_start3A_370 : memref<10000x64xf32, #tpu.memory_space<vmem_shared>>) offsets(%dma_start3A_367 : memref<125xi32, #tpu.memory_space<vmem>>) semaphore(%arg30 : memref<!tpu.dma_semaphore, #tpu.memory_space<semaphore_mem>>) {add = true}
      %mul3A_371 = arith.constant 8 : i32
      %mul3A_372 = arith.muli %mul3A_371, %scan3A_273 : i32
      %add3A_373 = arith.constant 6 : i32
      %add3A_374 = arith.addi %mul3A_372, %add3A_373 : i32
      %dma_wait3A_375 = arith.constant 0 : i32
      %dma_wait3A_376 = tpu.memref_slice %arg6[%add3A_374, %dma_wait3A_375] : memref<80x125xi32, #tpu.memory_space<vmem>> -> memref<1x125xi32, #tpu.memory_space<vmem>>
      %dma_wait3A_377 = tpu.memref_squeeze %dma_wait3A_376 : memref<1x125xi32, #tpu.memory_space<vmem>> -> memref<125xi32, #tpu.memory_space<vmem>>
      %dma_wait3A_378 = arith.constant 0 : i32
      %dma_wait3A_379 = arith.constant 0 : i32
      %dma_wait3A_380 = tpu.memref_slice %arg2[%dma_wait3A_378, %dma_wait3A_379] : memref<40000x64xf32, #tpu.memory_space<hbm>> -> memref<40000x64xf32, #tpu.memory_space<hbm>>
      tpu.wait_indirect_dma semaphore(%arg23 : memref<!tpu.dma_semaphore, #tpu.memory_space<semaphore_mem>>) src(%dma_wait3A_380 : memref<40000x64xf32, #tpu.memory_space<hbm>>) dst(%arg14 : memref<125x64xf32, #tpu.memory_space<vmem>>)
      %dma_start3A_381 = arith.constant 0 : i32
      %dma_start3A_382 = tpu.memref_slice %arg7[%add3A_374, %dma_start3A_381] : memref<80x125xi32, #tpu.memory_space<vmem>> -> memref<1x125xi32, #tpu.memory_space<vmem>>
      %dma_start3A_383 = tpu.memref_squeeze %dma_start3A_382 : memref<1x125xi32, #tpu.memory_space<vmem>> -> memref<125xi32, #tpu.memory_space<vmem>>
      %dma_start3A_384 = arith.constant 0 : i32
      %dma_start3A_385 = arith.constant 0 : i32
      %dma_start3A_386 = tpu.memref_slice %arg16[%dma_start3A_384, %dma_start3A_385] : memref<10000x64xf32, #tpu.memory_space<vmem_shared>> -> memref<10000x64xf32, #tpu.memory_space<vmem_shared>>
      tpu.enqueue_indirect_dma source(%arg14 : memref<125x64xf32, #tpu.memory_space<vmem>>) target(%dma_start3A_386 : memref<10000x64xf32, #tpu.memory_space<vmem_shared>>) offsets(%dma_start3A_383 : memref<125xi32, #tpu.memory_space<vmem>>) semaphore(%arg31 : memref<!tpu.dma_semaphore, #tpu.memory_space<semaphore_mem>>) {add = true}
      %mul3A_387 = arith.constant 8 : i32
      %mul3A_388 = arith.muli %mul3A_387, %scan3A_273 : i32
      %add3A_389 = arith.constant 7 : i32
      %add3A_390 = arith.addi %mul3A_388, %add3A_389 : i32
      %dma_wait3A_391 = arith.constant 0 : i32
      %dma_wait3A_392 = tpu.memref_slice %arg6[%add3A_390, %dma_wait3A_391] : memref<80x125xi32, #tpu.memory_space<vmem>> -> memref<1x125xi32, #tpu.memory_space<vmem>>
      %dma_wait3A_393 = tpu.memref_squeeze %dma_wait3A_392 : memref<1x125xi32, #tpu.memory_space<vmem>> -> memref<125xi32, #tpu.memory_space<vmem>>
      %dma_wait3A_394 = arith.constant 0 : i32
      %dma_wait3A_395 = arith.constant 0 : i32
      %dma_wait3A_396 = tpu.memref_slice %arg2[%dma_wait3A_394, %dma_wait3A_395] : memref<40000x64xf32, #tpu.memory_space<hbm>> -> memref<40000x64xf32, #tpu.memory_space<hbm>>
      tpu.wait_indirect_dma semaphore(%arg24 : memref<!tpu.dma_semaphore, #tpu.memory_space<semaphore_mem>>) src(%dma_wait3A_396 : memref<40000x64xf32, #tpu.memory_space<hbm>>) dst(%arg15 : memref<125x64xf32, #tpu.memory_space<vmem>>)
      %dma_start3A_397 = arith.constant 0 : i32
      %dma_start3A_398 = tpu.memref_slice %arg7[%add3A_390, %dma_start3A_397] : memref<80x125xi32, #tpu.memory_space<vmem>> -> memref<1x125xi32, #tpu.memory_space<vmem>>
      %dma_start3A_399 = tpu.memref_squeeze %dma_start3A_398 : memref<1x125xi32, #tpu.memory_space<vmem>> -> memref<125xi32, #tpu.memory_space<vmem>>
      %dma_start3A_400 = arith.constant 0 : i32
      %dma_start3A_401 = arith.constant 0 : i32
      %dma_start3A_402 = tpu.memref_slice %arg16[%dma_start3A_400, %dma_start3A_401] : memref<10000x64xf32, #tpu.memory_space<vmem_shared>> -> memref<10000x64xf32, #tpu.memory_space<vmem_shared>>
      tpu.enqueue_indirect_dma source(%arg15 : memref<125x64xf32, #tpu.memory_space<vmem>>) target(%dma_start3A_402 : memref<10000x64xf32, #tpu.memory_space<vmem_shared>>) offsets(%dma_start3A_399 : memref<125xi32, #tpu.memory_space<vmem>>) semaphore(%arg32 : memref<!tpu.dma_semaphore, #tpu.memory_space<semaphore_mem>>) {add = true}
      %mul3A_403 = arith.constant 8 : i32
      %mul3A_404 = arith.muli %mul3A_403, %scan3A_273 : i32
      %add3A_405 = arith.constant 0 : i32
      %add3A_406 = arith.addi %mul3A_404, %add3A_405 : i32
      %add3A_407 = arith.constant 8 : i32
      %add3A_408 = arith.addi %add3A_406, %add3A_407 : i32
      %lt3A = arith.constant 80 : i32
      %lt3A_409 = arith.cmpi slt, %add3A_408, %lt3A : i32
      %convert_element_type3A = arith.extui %lt3A_409 : i1 to i32
      %cond3A = arith.constant 0 : i32
      %cond3A_410 = arith.cmpi ne, %convert_element_type3A, %cond3A : i32
      scf.if %cond3A_410 {
        %dma_wait3A_489 = arith.constant 0 : i32
        %dma_wait3A_490 = tpu.memref_slice %arg7[%add3A_406, %dma_wait3A_489] : memref<80x125xi32, #tpu.memory_space<vmem>> -> memref<1x125xi32, #tpu.memory_space<vmem>>
        %dma_wait3A_491 = tpu.memref_squeeze %dma_wait3A_490 : memref<1x125xi32, #tpu.memory_space<vmem>> -> memref<125xi32, #tpu.memory_space<vmem>>
        %dma_wait3A_492 = arith.constant 0 : i32
        %dma_wait3A_493 = arith.constant 0 : i32
        %dma_wait3A_494 = tpu.memref_slice %arg16[%dma_wait3A_492, %dma_wait3A_493] : memref<10000x64xf32, #tpu.memory_space<vmem_shared>> -> memref<10000x64xf32, #tpu.memory_space<vmem_shared>>
        tpu.wait_indirect_dma semaphore(%arg25 : memref<!tpu.dma_semaphore, #tpu.memory_space<semaphore_mem>>) src(%arg8 : memref<125x64xf32, #tpu.memory_space<vmem>>) dst(%dma_wait3A_494 : memref<10000x64xf32, #tpu.memory_space<vmem_shared>>)
        %add3A_495 = arith.constant 8 : i32
        %add3A_496 = arith.addi %add3A_406, %add3A_495 : i32
        %dma_start3A_497 = arith.constant 0 : i32
        %dma_start3A_498 = tpu.memref_slice %arg6[%add3A_496, %dma_start3A_497] : memref<80x125xi32, #tpu.memory_space<vmem>> -> memref<1x125xi32, #tpu.memory_space<vmem>>
        %dma_start3A_499 = tpu.memref_squeeze %dma_start3A_498 : memref<1x125xi32, #tpu.memory_space<vmem>> -> memref<125xi32, #tpu.memory_space<vmem>>
        %dma_start3A_500 = arith.constant 0 : i32
        %dma_start3A_501 = arith.constant 0 : i32
        %dma_start3A_502 = tpu.memref_slice %arg2[%dma_start3A_500, %dma_start3A_501] : memref<40000x64xf32, #tpu.memory_space<hbm>> -> memref<40000x64xf32, #tpu.memory_space<hbm>>
        tpu.enqueue_indirect_dma source(%dma_start3A_502 : memref<40000x64xf32, #tpu.memory_space<hbm>>) target(%arg8 : memref<125x64xf32, #tpu.memory_space<vmem>>) offsets(%dma_start3A_499 : memref<125xi32, #tpu.memory_space<vmem>>) semaphore(%arg17 : memref<!tpu.dma_semaphore, #tpu.memory_space<semaphore_mem>>)
      } else {
      }
      %mul3A_411 = arith.constant 8 : i32
      %mul3A_412 = arith.muli %mul3A_411, %scan3A_273 : i32
      %add3A_413 = arith.constant 1 : i32
      %add3A_414 = arith.addi %mul3A_412, %add3A_413 : i32
      %add3A_415 = arith.constant 8 : i32
      %add3A_416 = arith.addi %add3A_414, %add3A_415 : i32
      %lt3A_417 = arith.constant 80 : i32
      %lt3A_418 = arith.cmpi slt, %add3A_416, %lt3A_417 : i32
      %convert_element_type3A_419 = arith.extui %lt3A_418 : i1 to i32
      %cond3A_420 = arith.constant 0 : i32
      %cond3A_421 = arith.cmpi ne, %convert_element_type3A_419, %cond3A_420 : i32
      scf.if %cond3A_421 {
        %dma_wait3A_489 = arith.constant 0 : i32
        %dma_wait3A_490 = tpu.memref_slice %arg7[%add3A_414, %dma_wait3A_489] : memref<80x125xi32, #tpu.memory_space<vmem>> -> memref<1x125xi32, #tpu.memory_space<vmem>>
        %dma_wait3A_491 = tpu.memref_squeeze %dma_wait3A_490 : memref<1x125xi32, #tpu.memory_space<vmem>> -> memref<125xi32, #tpu.memory_space<vmem>>
        %dma_wait3A_492 = arith.constant 0 : i32
        %dma_wait3A_493 = arith.constant 0 : i32
        %dma_wait3A_494 = tpu.memref_slice %arg16[%dma_wait3A_492, %dma_wait3A_493] : memref<10000x64xf32, #tpu.memory_space<vmem_shared>> -> memref<10000x64xf32, #tpu.memory_space<vmem_shared>>
        tpu.wait_indirect_dma semaphore(%arg26 : memref<!tpu.dma_semaphore, #tpu.memory_space<semaphore_mem>>) src(%arg9 : memref<125x64xf32, #tpu.memory_space<vmem>>) dst(%dma_wait3A_494 : memref<10000x64xf32, #tpu.memory_space<vmem_shared>>)
        %add3A_495 = arith.constant 8 : i32
        %add3A_496 = arith.addi %add3A_414, %add3A_495 : i32
        %dma_start3A_497 = arith.constant 0 : i32
        %dma_start3A_498 = tpu.memref_slice %arg6[%add3A_496, %dma_start3A_497] : memref<80x125xi32, #tpu.memory_space<vmem>> -> memref<1x125xi32, #tpu.memory_space<vmem>>
        %dma_start3A_499 = tpu.memref_squeeze %dma_start3A_498 : memref<1x125xi32, #tpu.memory_space<vmem>> -> memref<125xi32, #tpu.memory_space<vmem>>
        %dma_start3A_500 = arith.constant 0 : i32
        %dma_start3A_501 = arith.constant 0 : i32
        %dma_start3A_502 = tpu.memref_slice %arg2[%dma_start3A_500, %dma_start3A_501] : memref<40000x64xf32, #tpu.memory_space<hbm>> -> memref<40000x64xf32, #tpu.memory_space<hbm>>
        tpu.enqueue_indirect_dma source(%dma_start3A_502 : memref<40000x64xf32, #tpu.memory_space<hbm>>) target(%arg9 : memref<125x64xf32, #tpu.memory_space<vmem>>) offsets(%dma_start3A_499 : memref<125xi32, #tpu.memory_space<vmem>>) semaphore(%arg18 : memref<!tpu.dma_semaphore, #tpu.memory_space<semaphore_mem>>)
      } else {
      }
      %mul3A_422 = arith.constant 8 : i32
      %mul3A_423 = arith.muli %mul3A_422, %scan3A_273 : i32
      %add3A_424 = arith.constant 2 : i32
      %add3A_425 = arith.addi %mul3A_423, %add3A_424 : i32
      %add3A_426 = arith.constant 8 : i32
      %add3A_427 = arith.addi %add3A_425, %add3A_426 : i32
      %lt3A_428 = arith.constant 80 : i32
      %lt3A_429 = arith.cmpi slt, %add3A_427, %lt3A_428 : i32
      %convert_element_type3A_430 = arith.extui %lt3A_429 : i1 to i32
      %cond3A_431 = arith.constant 0 : i32
      %cond3A_432 = arith.cmpi ne, %convert_element_type3A_430, %cond3A_431 : i32
      scf.if %cond3A_432 {
        %dma_wait3A_489 = arith.constant 0 : i32
        %dma_wait3A_490 = tpu.memref_slice %arg7[%add3A_425, %dma_wait3A_489] : memref<80x125xi32, #tpu.memory_space<vmem>> -> memref<1x125xi32, #tpu.memory_space<vmem>>
        %dma_wait3A_491 = tpu.memref_squeeze %dma_wait3A_490 : memref<1x125xi32, #tpu.memory_space<vmem>> -> memref<125xi32, #tpu.memory_space<vmem>>
        %dma_wait3A_492 = arith.constant 0 : i32
        %dma_wait3A_493 = arith.constant 0 : i32
        %dma_wait3A_494 = tpu.memref_slice %arg16[%dma_wait3A_492, %dma_wait3A_493] : memref<10000x64xf32, #tpu.memory_space<vmem_shared>> -> memref<10000x64xf32, #tpu.memory_space<vmem_shared>>
        tpu.wait_indirect_dma semaphore(%arg27 : memref<!tpu.dma_semaphore, #tpu.memory_space<semaphore_mem>>) src(%arg10 : memref<125x64xf32, #tpu.memory_space<vmem>>) dst(%dma_wait3A_494 : memref<10000x64xf32, #tpu.memory_space<vmem_shared>>)
        %add3A_495 = arith.constant 8 : i32
        %add3A_496 = arith.addi %add3A_425, %add3A_495 : i32
        %dma_start3A_497 = arith.constant 0 : i32
        %dma_start3A_498 = tpu.memref_slice %arg6[%add3A_496, %dma_start3A_497] : memref<80x125xi32, #tpu.memory_space<vmem>> -> memref<1x125xi32, #tpu.memory_space<vmem>>
        %dma_start3A_499 = tpu.memref_squeeze %dma_start3A_498 : memref<1x125xi32, #tpu.memory_space<vmem>> -> memref<125xi32, #tpu.memory_space<vmem>>
        %dma_start3A_500 = arith.constant 0 : i32
        %dma_start3A_501 = arith.constant 0 : i32
        %dma_start3A_502 = tpu.memref_slice %arg2[%dma_start3A_500, %dma_start3A_501] : memref<40000x64xf32, #tpu.memory_space<hbm>> -> memref<40000x64xf32, #tpu.memory_space<hbm>>
        tpu.enqueue_indirect_dma source(%dma_start3A_502 : memref<40000x64xf32, #tpu.memory_space<hbm>>) target(%arg10 : memref<125x64xf32, #tpu.memory_space<vmem>>) offsets(%dma_start3A_499 : memref<125xi32, #tpu.memory_space<vmem>>) semaphore(%arg19 : memref<!tpu.dma_semaphore, #tpu.memory_space<semaphore_mem>>)
      } else {
      }
      %mul3A_433 = arith.constant 8 : i32
      %mul3A_434 = arith.muli %mul3A_433, %scan3A_273 : i32
      %add3A_435 = arith.constant 3 : i32
      %add3A_436 = arith.addi %mul3A_434, %add3A_435 : i32
      %add3A_437 = arith.constant 8 : i32
      %add3A_438 = arith.addi %add3A_436, %add3A_437 : i32
      %lt3A_439 = arith.constant 80 : i32
      %lt3A_440 = arith.cmpi slt, %add3A_438, %lt3A_439 : i32
      %convert_element_type3A_441 = arith.extui %lt3A_440 : i1 to i32
      %cond3A_442 = arith.constant 0 : i32
      %cond3A_443 = arith.cmpi ne, %convert_element_type3A_441, %cond3A_442 : i32
      scf.if %cond3A_443 {
        %dma_wait3A_489 = arith.constant 0 : i32
        %dma_wait3A_490 = tpu.memref_slice %arg7[%add3A_436, %dma_wait3A_489] : memref<80x125xi32, #tpu.memory_space<vmem>> -> memref<1x125xi32, #tpu.memory_space<vmem>>
        %dma_wait3A_491 = tpu.memref_squeeze %dma_wait3A_490 : memref<1x125xi32, #tpu.memory_space<vmem>> -> memref<125xi32, #tpu.memory_space<vmem>>
        %dma_wait3A_492 = arith.constant 0 : i32
        %dma_wait3A_493 = arith.constant 0 : i32
        %dma_wait3A_494 = tpu.memref_slice %arg16[%dma_wait3A_492, %dma_wait3A_493] : memref<10000x64xf32, #tpu.memory_space<vmem_shared>> -> memref<10000x64xf32, #tpu.memory_space<vmem_shared>>
        tpu.wait_indirect_dma semaphore(%arg28 : memref<!tpu.dma_semaphore, #tpu.memory_space<semaphore_mem>>) src(%arg11 : memref<125x64xf32, #tpu.memory_space<vmem>>) dst(%dma_wait3A_494 : memref<10000x64xf32, #tpu.memory_space<vmem_shared>>)
        %add3A_495 = arith.constant 8 : i32
        %add3A_496 = arith.addi %add3A_436, %add3A_495 : i32
        %dma_start3A_497 = arith.constant 0 : i32
        %dma_start3A_498 = tpu.memref_slice %arg6[%add3A_496, %dma_start3A_497] : memref<80x125xi32, #tpu.memory_space<vmem>> -> memref<1x125xi32, #tpu.memory_space<vmem>>
        %dma_start3A_499 = tpu.memref_squeeze %dma_start3A_498 : memref<1x125xi32, #tpu.memory_space<vmem>> -> memref<125xi32, #tpu.memory_space<vmem>>
        %dma_start3A_500 = arith.constant 0 : i32
        %dma_start3A_501 = arith.constant 0 : i32
        %dma_start3A_502 = tpu.memref_slice %arg2[%dma_start3A_500, %dma_start3A_501] : memref<40000x64xf32, #tpu.memory_space<hbm>> -> memref<40000x64xf32, #tpu.memory_space<hbm>>
        tpu.enqueue_indirect_dma source(%dma_start3A_502 : memref<40000x64xf32, #tpu.memory_space<hbm>>) target(%arg11 : memref<125x64xf32, #tpu.memory_space<vmem>>) offsets(%dma_start3A_499 : memref<125xi32, #tpu.memory_space<vmem>>) semaphore(%arg20 : memref<!tpu.dma_semaphore, #tpu.memory_space<semaphore_mem>>)
      } else {
      }
      %mul3A_444 = arith.constant 8 : i32
      %mul3A_445 = arith.muli %mul3A_444, %scan3A_273 : i32
      %add3A_446 = arith.constant 4 : i32
      %add3A_447 = arith.addi %mul3A_445, %add3A_446 : i32
      %add3A_448 = arith.constant 8 : i32
      %add3A_449 = arith.addi %add3A_447, %add3A_448 : i32
      %lt3A_450 = arith.constant 80 : i32
      %lt3A_451 = arith.cmpi slt, %add3A_449, %lt3A_450 : i32
      %convert_element_type3A_452 = arith.extui %lt3A_451 : i1 to i32
      %cond3A_453 = arith.constant 0 : i32
      %cond3A_454 = arith.cmpi ne, %convert_element_type3A_452, %cond3A_453 : i32
      scf.if %cond3A_454 {
        %dma_wait3A_489 = arith.constant 0 : i32
        %dma_wait3A_490 = tpu.memref_slice %arg7[%add3A_447, %dma_wait3A_489] : memref<80x125xi32, #tpu.memory_space<vmem>> -> memref<1x125xi32, #tpu.memory_space<vmem>>
        %dma_wait3A_491 = tpu.memref_squeeze %dma_wait3A_490 : memref<1x125xi32, #tpu.memory_space<vmem>> -> memref<125xi32, #tpu.memory_space<vmem>>
        %dma_wait3A_492 = arith.constant 0 : i32
        %dma_wait3A_493 = arith.constant 0 : i32
        %dma_wait3A_494 = tpu.memref_slice %arg16[%dma_wait3A_492, %dma_wait3A_493] : memref<10000x64xf32, #tpu.memory_space<vmem_shared>> -> memref<10000x64xf32, #tpu.memory_space<vmem_shared>>
        tpu.wait_indirect_dma semaphore(%arg29 : memref<!tpu.dma_semaphore, #tpu.memory_space<semaphore_mem>>) src(%arg12 : memref<125x64xf32, #tpu.memory_space<vmem>>) dst(%dma_wait3A_494 : memref<10000x64xf32, #tpu.memory_space<vmem_shared>>)
        %add3A_495 = arith.constant 8 : i32
        %add3A_496 = arith.addi %add3A_447, %add3A_495 : i32
        %dma_start3A_497 = arith.constant 0 : i32
        %dma_start3A_498 = tpu.memref_slice %arg6[%add3A_496, %dma_start3A_497] : memref<80x125xi32, #tpu.memory_space<vmem>> -> memref<1x125xi32, #tpu.memory_space<vmem>>
        %dma_start3A_499 = tpu.memref_squeeze %dma_start3A_498 : memref<1x125xi32, #tpu.memory_space<vmem>> -> memref<125xi32, #tpu.memory_space<vmem>>
        %dma_start3A_500 = arith.constant 0 : i32
        %dma_start3A_501 = arith.constant 0 : i32
        %dma_start3A_502 = tpu.memref_slice %arg2[%dma_start3A_500, %dma_start3A_501] : memref<40000x64xf32, #tpu.memory_space<hbm>> -> memref<40000x64xf32, #tpu.memory_space<hbm>>
        tpu.enqueue_indirect_dma source(%dma_start3A_502 : memref<40000x64xf32, #tpu.memory_space<hbm>>) target(%arg12 : memref<125x64xf32, #tpu.memory_space<vmem>>) offsets(%dma_start3A_499 : memref<125xi32, #tpu.memory_space<vmem>>) semaphore(%arg21 : memref<!tpu.dma_semaphore, #tpu.memory_space<semaphore_mem>>)
      } else {
      }
      %mul3A_455 = arith.constant 8 : i32
      %mul3A_456 = arith.muli %mul3A_455, %scan3A_273 : i32
      %add3A_457 = arith.constant 5 : i32
      %add3A_458 = arith.addi %mul3A_456, %add3A_457 : i32
      %add3A_459 = arith.constant 8 : i32
      %add3A_460 = arith.addi %add3A_458, %add3A_459 : i32
      %lt3A_461 = arith.constant 80 : i32
      %lt3A_462 = arith.cmpi slt, %add3A_460, %lt3A_461 : i32
      %convert_element_type3A_463 = arith.extui %lt3A_462 : i1 to i32
      %cond3A_464 = arith.constant 0 : i32
      %cond3A_465 = arith.cmpi ne, %convert_element_type3A_463, %cond3A_464 : i32
      scf.if %cond3A_465 {
        %dma_wait3A_489 = arith.constant 0 : i32
        %dma_wait3A_490 = tpu.memref_slice %arg7[%add3A_458, %dma_wait3A_489] : memref<80x125xi32, #tpu.memory_space<vmem>> -> memref<1x125xi32, #tpu.memory_space<vmem>>
        %dma_wait3A_491 = tpu.memref_squeeze %dma_wait3A_490 : memref<1x125xi32, #tpu.memory_space<vmem>> -> memref<125xi32, #tpu.memory_space<vmem>>
        %dma_wait3A_492 = arith.constant 0 : i32
        %dma_wait3A_493 = arith.constant 0 : i32
        %dma_wait3A_494 = tpu.memref_slice %arg16[%dma_wait3A_492, %dma_wait3A_493] : memref<10000x64xf32, #tpu.memory_space<vmem_shared>> -> memref<10000x64xf32, #tpu.memory_space<vmem_shared>>
        tpu.wait_indirect_dma semaphore(%arg30 : memref<!tpu.dma_semaphore, #tpu.memory_space<semaphore_mem>>) src(%arg13 : memref<125x64xf32, #tpu.memory_space<vmem>>) dst(%dma_wait3A_494 : memref<10000x64xf32, #tpu.memory_space<vmem_shared>>)
        %add3A_495 = arith.constant 8 : i32
        %add3A_496 = arith.addi %add3A_458, %add3A_495 : i32
        %dma_start3A_497 = arith.constant 0 : i32
        %dma_start3A_498 = tpu.memref_slice %arg6[%add3A_496, %dma_start3A_497] : memref<80x125xi32, #tpu.memory_space<vmem>> -> memref<1x125xi32, #tpu.memory_space<vmem>>
        %dma_start3A_499 = tpu.memref_squeeze %dma_start3A_498 : memref<1x125xi32, #tpu.memory_space<vmem>> -> memref<125xi32, #tpu.memory_space<vmem>>
        %dma_start3A_500 = arith.constant 0 : i32
        %dma_start3A_501 = arith.constant 0 : i32
        %dma_start3A_502 = tpu.memref_slice %arg2[%dma_start3A_500, %dma_start3A_501] : memref<40000x64xf32, #tpu.memory_space<hbm>> -> memref<40000x64xf32, #tpu.memory_space<hbm>>
        tpu.enqueue_indirect_dma source(%dma_start3A_502 : memref<40000x64xf32, #tpu.memory_space<hbm>>) target(%arg13 : memref<125x64xf32, #tpu.memory_space<vmem>>) offsets(%dma_start3A_499 : memref<125xi32, #tpu.memory_space<vmem>>) semaphore(%arg22 : memref<!tpu.dma_semaphore, #tpu.memory_space<semaphore_mem>>)
      } else {
      }
      %mul3A_466 = arith.constant 8 : i32
      %mul3A_467 = arith.muli %mul3A_466, %scan3A_273 : i32
      %add3A_468 = arith.constant 6 : i32
      %add3A_469 = arith.addi %mul3A_467, %add3A_468 : i32
      %add3A_470 = arith.constant 8 : i32
      %add3A_471 = arith.addi %add3A_469, %add3A_470 : i32
      %lt3A_472 = arith.constant 80 : i32
      %lt3A_473 = arith.cmpi slt, %add3A_471, %lt3A_472 : i32
      %convert_element_type3A_474 = arith.extui %lt3A_473 : i1 to i32
      %cond3A_475 = arith.constant 0 : i32
      %cond3A_476 = arith.cmpi ne, %convert_element_type3A_474, %cond3A_475 : i32
      scf.if %cond3A_476 {
        %dma_wait3A_489 = arith.constant 0 : i32
        %dma_wait3A_490 = tpu.memref_slice %arg7[%add3A_469, %dma_wait3A_489] : memref<80x125xi32, #tpu.memory_space<vmem>> -> memref<1x125xi32, #tpu.memory_space<vmem>>
        %dma_wait3A_491 = tpu.memref_squeeze %dma_wait3A_490 : memref<1x125xi32, #tpu.memory_space<vmem>> -> memref<125xi32, #tpu.memory_space<vmem>>
        %dma_wait3A_492 = arith.constant 0 : i32
        %dma_wait3A_493 = arith.constant 0 : i32
        %dma_wait3A_494 = tpu.memref_slice %arg16[%dma_wait3A_492, %dma_wait3A_493] : memref<10000x64xf32, #tpu.memory_space<vmem_shared>> -> memref<10000x64xf32, #tpu.memory_space<vmem_shared>>
        tpu.wait_indirect_dma semaphore(%arg31 : memref<!tpu.dma_semaphore, #tpu.memory_space<semaphore_mem>>) src(%arg14 : memref<125x64xf32, #tpu.memory_space<vmem>>) dst(%dma_wait3A_494 : memref<10000x64xf32, #tpu.memory_space<vmem_shared>>)
        %add3A_495 = arith.constant 8 : i32
        %add3A_496 = arith.addi %add3A_469, %add3A_495 : i32
        %dma_start3A_497 = arith.constant 0 : i32
        %dma_start3A_498 = tpu.memref_slice %arg6[%add3A_496, %dma_start3A_497] : memref<80x125xi32, #tpu.memory_space<vmem>> -> memref<1x125xi32, #tpu.memory_space<vmem>>
        %dma_start3A_499 = tpu.memref_squeeze %dma_start3A_498 : memref<1x125xi32, #tpu.memory_space<vmem>> -> memref<125xi32, #tpu.memory_space<vmem>>
        %dma_start3A_500 = arith.constant 0 : i32
        %dma_start3A_501 = arith.constant 0 : i32
        %dma_start3A_502 = tpu.memref_slice %arg2[%dma_start3A_500, %dma_start3A_501] : memref<40000x64xf32, #tpu.memory_space<hbm>> -> memref<40000x64xf32, #tpu.memory_space<hbm>>
        tpu.enqueue_indirect_dma source(%dma_start3A_502 : memref<40000x64xf32, #tpu.memory_space<hbm>>) target(%arg14 : memref<125x64xf32, #tpu.memory_space<vmem>>) offsets(%dma_start3A_499 : memref<125xi32, #tpu.memory_space<vmem>>) semaphore(%arg23 : memref<!tpu.dma_semaphore, #tpu.memory_space<semaphore_mem>>)
      } else {
      }
      %mul3A_477 = arith.constant 8 : i32
      %mul3A_478 = arith.muli %mul3A_477, %scan3A_273 : i32
      %add3A_479 = arith.constant 7 : i32
      %add3A_480 = arith.addi %mul3A_478, %add3A_479 : i32
      %add3A_481 = arith.constant 8 : i32
      %add3A_482 = arith.addi %add3A_480, %add3A_481 : i32
      %lt3A_483 = arith.constant 80 : i32
      %lt3A_484 = arith.cmpi slt, %add3A_482, %lt3A_483 : i32
      %convert_element_type3A_485 = arith.extui %lt3A_484 : i1 to i32
      %cond3A_486 = arith.constant 0 : i32
      %cond3A_487 = arith.cmpi ne, %convert_element_type3A_485, %cond3A_486 : i32
      scf.if %cond3A_487 {
        %dma_wait3A_489 = arith.constant 0 : i32
        %dma_wait3A_490 = tpu.memref_slice %arg7[%add3A_480, %dma_wait3A_489] : memref<80x125xi32, #tpu.memory_space<vmem>> -> memref<1x125xi32, #tpu.memory_space<vmem>>
        %dma_wait3A_491 = tpu.memref_squeeze %dma_wait3A_490 : memref<1x125xi32, #tpu.memory_space<vmem>> -> memref<125xi32, #tpu.memory_space<vmem>>
        %dma_wait3A_492 = arith.constant 0 : i32
        %dma_wait3A_493 = arith.constant 0 : i32
        %dma_wait3A_494 = tpu.memref_slice %arg16[%dma_wait3A_492, %dma_wait3A_493] : memref<10000x64xf32, #tpu.memory_space<vmem_shared>> -> memref<10000x64xf32, #tpu.memory_space<vmem_shared>>
        tpu.wait_indirect_dma semaphore(%arg32 : memref<!tpu.dma_semaphore, #tpu.memory_space<semaphore_mem>>) src(%arg15 : memref<125x64xf32, #tpu.memory_space<vmem>>) dst(%dma_wait3A_494 : memref<10000x64xf32, #tpu.memory_space<vmem_shared>>)
        %add3A_495 = arith.constant 8 : i32
        %add3A_496 = arith.addi %add3A_480, %add3A_495 : i32
        %dma_start3A_497 = arith.constant 0 : i32
        %dma_start3A_498 = tpu.memref_slice %arg6[%add3A_496, %dma_start3A_497] : memref<80x125xi32, #tpu.memory_space<vmem>> -> memref<1x125xi32, #tpu.memory_space<vmem>>
        %dma_start3A_499 = tpu.memref_squeeze %dma_start3A_498 : memref<1x125xi32, #tpu.memory_space<vmem>> -> memref<125xi32, #tpu.memory_space<vmem>>
        %dma_start3A_500 = arith.constant 0 : i32
        %dma_start3A_501 = arith.constant 0 : i32
        %dma_start3A_502 = tpu.memref_slice %arg2[%dma_start3A_500, %dma_start3A_501] : memref<40000x64xf32, #tpu.memory_space<hbm>> -> memref<40000x64xf32, #tpu.memory_space<hbm>>
        tpu.enqueue_indirect_dma source(%dma_start3A_502 : memref<40000x64xf32, #tpu.memory_space<hbm>>) target(%arg15 : memref<125x64xf32, #tpu.memory_space<vmem>>) offsets(%dma_start3A_499 : memref<125xi32, #tpu.memory_space<vmem>>) semaphore(%arg24 : memref<!tpu.dma_semaphore, #tpu.memory_space<semaphore_mem>>)
      } else {
      }
      %scan3A_488 = arith.constant 0 : i32
      scf.yield %scan3A_488 : i32
    }
    %scan3A_73 = arith.constant 10 : i32
    %dma_wait3A = arith.constant 72 : i32
    %dma_wait3A_74 = arith.constant 0 : i32
    %dma_wait3A_75 = tpu.memref_slice %arg7[%dma_wait3A, %dma_wait3A_74] : memref<80x125xi32, #tpu.memory_space<vmem>> -> memref<1x125xi32, #tpu.memory_space<vmem>>
    %dma_wait3A_76 = tpu.memref_squeeze %dma_wait3A_75 : memref<1x125xi32, #tpu.memory_space<vmem>> -> memref<125xi32, #tpu.memory_space<vmem>>
    %dma_wait3A_77 = arith.constant 0 : i32
    %dma_wait3A_78 = arith.constant 0 : i32
    %dma_wait3A_79 = tpu.memref_slice %arg16[%dma_wait3A_77, %dma_wait3A_78] : memref<10000x64xf32, #tpu.memory_space<vmem_shared>> -> memref<10000x64xf32, #tpu.memory_space<vmem_shared>>
    tpu.wait_indirect_dma semaphore(%arg25 : memref<!tpu.dma_semaphore, #tpu.memory_space<semaphore_mem>>) src(%arg8 : memref<125x64xf32, #tpu.memory_space<vmem>>) dst(%dma_wait3A_79 : memref<10000x64xf32, #tpu.memory_space<vmem_shared>>)
    %dma_wait3A_80 = arith.constant 73 : i32
    %dma_wait3A_81 = arith.constant 0 : i32
    %dma_wait3A_82 = tpu.memref_slice %arg7[%dma_wait3A_80, %dma_wait3A_81] : memref<80x125xi32, #tpu.memory_space<vmem>> -> memref<1x125xi32, #tpu.memory_space<vmem>>
    %dma_wait3A_83 = tpu.memref_squeeze %dma_wait3A_82 : memref<1x125xi32, #tpu.memory_space<vmem>> -> memref<125xi32, #tpu.memory_space<vmem>>
    %dma_wait3A_84 = arith.constant 0 : i32
    %dma_wait3A_85 = arith.constant 0 : i32
    %dma_wait3A_86 = tpu.memref_slice %arg16[%dma_wait3A_84, %dma_wait3A_85] : memref<10000x64xf32, #tpu.memory_space<vmem_shared>> -> memref<10000x64xf32, #tpu.memory_space<vmem_shared>>
    tpu.wait_indirect_dma semaphore(%arg26 : memref<!tpu.dma_semaphore, #tpu.memory_space<semaphore_mem>>) src(%arg9 : memref<125x64xf32, #tpu.memory_space<vmem>>) dst(%dma_wait3A_86 : memref<10000x64xf32, #tpu.memory_space<vmem_shared>>)
    %dma_wait3A_87 = arith.constant 74 : i32
    %dma_wait3A_88 = arith.constant 0 : i32
    %dma_wait3A_89 = tpu.memref_slice %arg7[%dma_wait3A_87, %dma_wait3A_88] : memref<80x125xi32, #tpu.memory_space<vmem>> -> memref<1x125xi32, #tpu.memory_space<vmem>>
    %dma_wait3A_90 = tpu.memref_squeeze %dma_wait3A_89 : memref<1x125xi32, #tpu.memory_space<vmem>> -> memref<125xi32, #tpu.memory_space<vmem>>
    %dma_wait3A_91 = arith.constant 0 : i32
    %dma_wait3A_92 = arith.constant 0 : i32
    %dma_wait3A_93 = tpu.memref_slice %arg16[%dma_wait3A_91, %dma_wait3A_92] : memref<10000x64xf32, #tpu.memory_space<vmem_shared>> -> memref<10000x64xf32, #tpu.memory_space<vmem_shared>>
    tpu.wait_indirect_dma semaphore(%arg27 : memref<!tpu.dma_semaphore, #tpu.memory_space<semaphore_mem>>) src(%arg10 : memref<125x64xf32, #tpu.memory_space<vmem>>) dst(%dma_wait3A_93 : memref<10000x64xf32, #tpu.memory_space<vmem_shared>>)
    %dma_wait3A_94 = arith.constant 75 : i32
    %dma_wait3A_95 = arith.constant 0 : i32
    %dma_wait3A_96 = tpu.memref_slice %arg7[%dma_wait3A_94, %dma_wait3A_95] : memref<80x125xi32, #tpu.memory_space<vmem>> -> memref<1x125xi32, #tpu.memory_space<vmem>>
    %dma_wait3A_97 = tpu.memref_squeeze %dma_wait3A_96 : memref<1x125xi32, #tpu.memory_space<vmem>> -> memref<125xi32, #tpu.memory_space<vmem>>
    %dma_wait3A_98 = arith.constant 0 : i32
    %dma_wait3A_99 = arith.constant 0 : i32
    %dma_wait3A_100 = tpu.memref_slice %arg16[%dma_wait3A_98, %dma_wait3A_99] : memref<10000x64xf32, #tpu.memory_space<vmem_shared>> -> memref<10000x64xf32, #tpu.memory_space<vmem_shared>>
    tpu.wait_indirect_dma semaphore(%arg28 : memref<!tpu.dma_semaphore, #tpu.memory_space<semaphore_mem>>) src(%arg11 : memref<125x64xf32, #tpu.memory_space<vmem>>) dst(%dma_wait3A_100 : memref<10000x64xf32, #tpu.memory_space<vmem_shared>>)
    %dma_wait3A_101 = arith.constant 76 : i32
    %dma_wait3A_102 = arith.constant 0 : i32
    %dma_wait3A_103 = tpu.memref_slice %arg7[%dma_wait3A_101, %dma_wait3A_102] : memref<80x125xi32, #tpu.memory_space<vmem>> -> memref<1x125xi32, #tpu.memory_space<vmem>>
    %dma_wait3A_104 = tpu.memref_squeeze %dma_wait3A_103 : memref<1x125xi32, #tpu.memory_space<vmem>> -> memref<125xi32, #tpu.memory_space<vmem>>
    %dma_wait3A_105 = arith.constant 0 : i32
    %dma_wait3A_106 = arith.constant 0 : i32
    %dma_wait3A_107 = tpu.memref_slice %arg16[%dma_wait3A_105, %dma_wait3A_106] : memref<10000x64xf32, #tpu.memory_space<vmem_shared>> -> memref<10000x64xf32, #tpu.memory_space<vmem_shared>>
    tpu.wait_indirect_dma semaphore(%arg29 : memref<!tpu.dma_semaphore, #tpu.memory_space<semaphore_mem>>) src(%arg12 : memref<125x64xf32, #tpu.memory_space<vmem>>) dst(%dma_wait3A_107 : memref<10000x64xf32, #tpu.memory_space<vmem_shared>>)
    %dma_wait3A_108 = arith.constant 77 : i32
    %dma_wait3A_109 = arith.constant 0 : i32
    %dma_wait3A_110 = tpu.memref_slice %arg7[%dma_wait3A_108, %dma_wait3A_109] : memref<80x125xi32, #tpu.memory_space<vmem>> -> memref<1x125xi32, #tpu.memory_space<vmem>>
    %dma_wait3A_111 = tpu.memref_squeeze %dma_wait3A_110 : memref<1x125xi32, #tpu.memory_space<vmem>> -> memref<125xi32, #tpu.memory_space<vmem>>
    %dma_wait3A_112 = arith.constant 0 : i32
    %dma_wait3A_113 = arith.constant 0 : i32
    %dma_wait3A_114 = tpu.memref_slice %arg16[%dma_wait3A_112, %dma_wait3A_113] : memref<10000x64xf32, #tpu.memory_space<vmem_shared>> -> memref<10000x64xf32, #tpu.memory_space<vmem_shared>>
    tpu.wait_indirect_dma semaphore(%arg30 : memref<!tpu.dma_semaphore, #tpu.memory_space<semaphore_mem>>) src(%arg13 : memref<125x64xf32, #tpu.memory_space<vmem>>) dst(%dma_wait3A_114 : memref<10000x64xf32, #tpu.memory_space<vmem_shared>>)
    %dma_wait3A_115 = arith.constant 78 : i32
    %dma_wait3A_116 = arith.constant 0 : i32
    %dma_wait3A_117 = tpu.memref_slice %arg7[%dma_wait3A_115, %dma_wait3A_116] : memref<80x125xi32, #tpu.memory_space<vmem>> -> memref<1x125xi32, #tpu.memory_space<vmem>>
    %dma_wait3A_118 = tpu.memref_squeeze %dma_wait3A_117 : memref<1x125xi32, #tpu.memory_space<vmem>> -> memref<125xi32, #tpu.memory_space<vmem>>
    %dma_wait3A_119 = arith.constant 0 : i32
    %dma_wait3A_120 = arith.constant 0 : i32
    %dma_wait3A_121 = tpu.memref_slice %arg16[%dma_wait3A_119, %dma_wait3A_120] : memref<10000x64xf32, #tpu.memory_space<vmem_shared>> -> memref<10000x64xf32, #tpu.memory_space<vmem_shared>>
    tpu.wait_indirect_dma semaphore(%arg31 : memref<!tpu.dma_semaphore, #tpu.memory_space<semaphore_mem>>) src(%arg14 : memref<125x64xf32, #tpu.memory_space<vmem>>) dst(%dma_wait3A_121 : memref<10000x64xf32, #tpu.memory_space<vmem_shared>>)
    %dma_wait3A_122 = arith.constant 79 : i32
    %dma_wait3A_123 = arith.constant 0 : i32
    %dma_wait3A_124 = tpu.memref_slice %arg7[%dma_wait3A_122, %dma_wait3A_123] : memref<80x125xi32, #tpu.memory_space<vmem>> -> memref<1x125xi32, #tpu.memory_space<vmem>>
    %dma_wait3A_125 = tpu.memref_squeeze %dma_wait3A_124 : memref<1x125xi32, #tpu.memory_space<vmem>> -> memref<125xi32, #tpu.memory_space<vmem>>
    %dma_wait3A_126 = arith.constant 0 : i32
    %dma_wait3A_127 = arith.constant 0 : i32
    %dma_wait3A_128 = tpu.memref_slice %arg16[%dma_wait3A_126, %dma_wait3A_127] : memref<10000x64xf32, #tpu.memory_space<vmem_shared>> -> memref<10000x64xf32, #tpu.memory_space<vmem_shared>>
    tpu.wait_indirect_dma semaphore(%arg32 : memref<!tpu.dma_semaphore, #tpu.memory_space<semaphore_mem>>) src(%arg15 : memref<125x64xf32, #tpu.memory_space<vmem>>) dst(%dma_wait3A_128 : memref<10000x64xf32, #tpu.memory_space<vmem_shared>>)
    %barrier3A_129 = arith.constant 0 : index
    tpu.barrier barrier_id(%barrier3A_129)
    %mul3A_130 = arith.constant 2 : i32
    %mul3A_131 = arith.muli %arg0, %mul3A_130 : i32
    %add3A_132 = arith.constant 1 : i32
    %add3A_133 = arith.addi %mul3A_131, %add3A_132 : i32
    %mul3A_134 = arith.constant 16 : i32
    %mul3A_135 = arith.muli %add3A_133, %mul3A_134 : i32
    %add3A_136 = arith.addi %mul3A_135, %arg1 : i32
    "tpu.region"() ({
      %run_scoped3A = tpu.sem_alloc : memref<!tpu.dma_semaphore, #tpu.memory_space<semaphore_mem>>
      %dma_start3A_273 = arith.constant 0 : i32
      %dma_start3A_274 = arith.constant 0 : i32
      %dma_start3A_275 = tpu.memref_slice %arg3[%add3A_136, %dma_start3A_273, %dma_start3A_274] : memref<64x80x125xi32, #tpu.memory_space<hbm>> -> memref<1x80x125xi32, #tpu.memory_space<hbm>>
      %dma_start3A_276 = tpu.memref_squeeze %dma_start3A_275 : memref<1x80x125xi32, #tpu.memory_space<hbm>> -> memref<80x125xi32, #tpu.memory_space<hbm>>
      %dma_start3A_277 = arith.constant 0 : i32
      %dma_start3A_278 = arith.constant 0 : i32
      %dma_start3A_279 = tpu.memref_slice %arg3[%add3A_136, %dma_start3A_277, %dma_start3A_278] : memref<64x80x125xi32, #tpu.memory_space<hbm>> -> memref<1x80x125xi32, #tpu.memory_space<hbm>>
      %dma_start3A_280 = tpu.memref_squeeze %dma_start3A_279 : memref<1x80x125xi32, #tpu.memory_space<hbm>> -> memref<80x125xi32, #tpu.memory_space<hbm>>
      tpu.enqueue_dma source(%dma_start3A_280 : memref<80x125xi32, #tpu.memory_space<hbm>>) target(%arg6 : memref<80x125xi32, #tpu.memory_space<vmem>>) target_semaphore(%run_scoped3A : memref<!tpu.dma_semaphore, #tpu.memory_space<semaphore_mem>>)
      %dma_wait3A_281 = arith.constant 0 : i32
      %dma_wait3A_282 = arith.constant 0 : i32
      %dma_wait3A_283 = tpu.memref_slice %arg3[%add3A_136, %dma_wait3A_281, %dma_wait3A_282] : memref<64x80x125xi32, #tpu.memory_space<hbm>> -> memref<1x80x125xi32, #tpu.memory_space<hbm>>
      %dma_wait3A_284 = tpu.memref_squeeze %dma_wait3A_283 : memref<1x80x125xi32, #tpu.memory_space<hbm>> -> memref<80x125xi32, #tpu.memory_space<hbm>>
      %dma_wait3A_285 = arith.constant 0 : i32
      %dma_wait3A_286 = arith.constant 0 : i32
      %dma_wait3A_287 = tpu.memref_slice %arg3[%add3A_136, %dma_wait3A_285, %dma_wait3A_286] : memref<64x80x125xi32, #tpu.memory_space<hbm>> -> memref<1x80x125xi32, #tpu.memory_space<hbm>>
      %dma_wait3A_288 = tpu.memref_squeeze %dma_wait3A_287 : memref<1x80x125xi32, #tpu.memory_space<hbm>> -> memref<80x125xi32, #tpu.memory_space<hbm>>
      tpu.wait_dma2 semaphore(%run_scoped3A : memref<!tpu.dma_semaphore, #tpu.memory_space<semaphore_mem>>) src(%dma_wait3A_288 : memref<80x125xi32, #tpu.memory_space<hbm>>) dst(%arg6 : memref<80x125xi32, #tpu.memory_space<vmem>>)
      tpu.yield
    }) : () -> ()
    %dma_start3A_137 = arith.constant 0 : i32
    %dma_start3A_138 = arith.constant 0 : i32
    %dma_start3A_139 = tpu.memref_slice %arg6[%dma_start3A_137, %dma_start3A_138] : memref<80x125xi32, #tpu.memory_space<vmem>> -> memref<1x125xi32, #tpu.memory_space<vmem>>
    %dma_start3A_140 = tpu.memref_squeeze %dma_start3A_139 : memref<1x125xi32, #tpu.memory_space<vmem>> -> memref<125xi32, #tpu.memory_space<vmem>>
    %dma_start3A_141 = arith.constant 0 : i32
    %dma_start3A_142 = arith.constant 0 : i32
    %dma_start3A_143 = tpu.memref_slice %arg2[%dma_start3A_141, %dma_start3A_142] : memref<40000x64xf32, #tpu.memory_space<hbm>> -> memref<40000x64xf32, #tpu.memory_space<hbm>>
    tpu.enqueue_indirect_dma source(%dma_start3A_143 : memref<40000x64xf32, #tpu.memory_space<hbm>>) target(%arg8 : memref<125x64xf32, #tpu.memory_space<vmem>>) offsets(%dma_start3A_140 : memref<125xi32, #tpu.memory_space<vmem>>) semaphore(%arg17 : memref<!tpu.dma_semaphore, #tpu.memory_space<semaphore_mem>>)
    %dma_start3A_144 = arith.constant 1 : i32
    %dma_start3A_145 = arith.constant 0 : i32
    %dma_start3A_146 = tpu.memref_slice %arg6[%dma_start3A_144, %dma_start3A_145] : memref<80x125xi32, #tpu.memory_space<vmem>> -> memref<1x125xi32, #tpu.memory_space<vmem>>
    %dma_start3A_147 = tpu.memref_squeeze %dma_start3A_146 : memref<1x125xi32, #tpu.memory_space<vmem>> -> memref<125xi32, #tpu.memory_space<vmem>>
    %dma_start3A_148 = arith.constant 0 : i32
    %dma_start3A_149 = arith.constant 0 : i32
    %dma_start3A_150 = tpu.memref_slice %arg2[%dma_start3A_148, %dma_start3A_149] : memref<40000x64xf32, #tpu.memory_space<hbm>> -> memref<40000x64xf32, #tpu.memory_space<hbm>>
    tpu.enqueue_indirect_dma source(%dma_start3A_150 : memref<40000x64xf32, #tpu.memory_space<hbm>>) target(%arg9 : memref<125x64xf32, #tpu.memory_space<vmem>>) offsets(%dma_start3A_147 : memref<125xi32, #tpu.memory_space<vmem>>) semaphore(%arg18 : memref<!tpu.dma_semaphore, #tpu.memory_space<semaphore_mem>>)
    %dma_start3A_151 = arith.constant 2 : i32
    %dma_start3A_152 = arith.constant 0 : i32
    %dma_start3A_153 = tpu.memref_slice %arg6[%dma_start3A_151, %dma_start3A_152] : memref<80x125xi32, #tpu.memory_space<vmem>> -> memref<1x125xi32, #tpu.memory_space<vmem>>
    %dma_start3A_154 = tpu.memref_squeeze %dma_start3A_153 : memref<1x125xi32, #tpu.memory_space<vmem>> -> memref<125xi32, #tpu.memory_space<vmem>>
    %dma_start3A_155 = arith.constant 0 : i32
    %dma_start3A_156 = arith.constant 0 : i32
    %dma_start3A_157 = tpu.memref_slice %arg2[%dma_start3A_155, %dma_start3A_156] : memref<40000x64xf32, #tpu.memory_space<hbm>> -> memref<40000x64xf32, #tpu.memory_space<hbm>>
    tpu.enqueue_indirect_dma source(%dma_start3A_157 : memref<40000x64xf32, #tpu.memory_space<hbm>>) target(%arg10 : memref<125x64xf32, #tpu.memory_space<vmem>>) offsets(%dma_start3A_154 : memref<125xi32, #tpu.memory_space<vmem>>) semaphore(%arg19 : memref<!tpu.dma_semaphore, #tpu.memory_space<semaphore_mem>>)
    %dma_start3A_158 = arith.constant 3 : i32
    %dma_start3A_159 = arith.constant 0 : i32
    %dma_start3A_160 = tpu.memref_slice %arg6[%dma_start3A_158, %dma_start3A_159] : memref<80x125xi32, #tpu.memory_space<vmem>> -> memref<1x125xi32, #tpu.memory_space<vmem>>
    %dma_start3A_161 = tpu.memref_squeeze %dma_start3A_160 : memref<1x125xi32, #tpu.memory_space<vmem>> -> memref<125xi32, #tpu.memory_space<vmem>>
    %dma_start3A_162 = arith.constant 0 : i32
    %dma_start3A_163 = arith.constant 0 : i32
    %dma_start3A_164 = tpu.memref_slice %arg2[%dma_start3A_162, %dma_start3A_163] : memref<40000x64xf32, #tpu.memory_space<hbm>> -> memref<40000x64xf32, #tpu.memory_space<hbm>>
    tpu.enqueue_indirect_dma source(%dma_start3A_164 : memref<40000x64xf32, #tpu.memory_space<hbm>>) target(%arg11 : memref<125x64xf32, #tpu.memory_space<vmem>>) offsets(%dma_start3A_161 : memref<125xi32, #tpu.memory_space<vmem>>) semaphore(%arg20 : memref<!tpu.dma_semaphore, #tpu.memory_space<semaphore_mem>>)
    %dma_start3A_165 = arith.constant 4 : i32
    %dma_start3A_166 = arith.constant 0 : i32
    %dma_start3A_167 = tpu.memref_slice %arg6[%dma_start3A_165, %dma_start3A_166] : memref<80x125xi32, #tpu.memory_space<vmem>> -> memref<1x125xi32, #tpu.memory_space<vmem>>
    %dma_start3A_168 = tpu.memref_squeeze %dma_start3A_167 : memref<1x125xi32, #tpu.memory_space<vmem>> -> memref<125xi32, #tpu.memory_space<vmem>>
    %dma_start3A_169 = arith.constant 0 : i32
    %dma_start3A_170 = arith.constant 0 : i32
    %dma_start3A_171 = tpu.memref_slice %arg2[%dma_start3A_169, %dma_start3A_170] : memref<40000x64xf32, #tpu.memory_space<hbm>> -> memref<40000x64xf32, #tpu.memory_space<hbm>>
    tpu.enqueue_indirect_dma source(%dma_start3A_171 : memref<40000x64xf32, #tpu.memory_space<hbm>>) target(%arg12 : memref<125x64xf32, #tpu.memory_space<vmem>>) offsets(%dma_start3A_168 : memref<125xi32, #tpu.memory_space<vmem>>) semaphore(%arg21 : memref<!tpu.dma_semaphore, #tpu.memory_space<semaphore_mem>>)
    %dma_start3A_172 = arith.constant 5 : i32
    %dma_start3A_173 = arith.constant 0 : i32
    %dma_start3A_174 = tpu.memref_slice %arg6[%dma_start3A_172, %dma_start3A_173] : memref<80x125xi32, #tpu.memory_space<vmem>> -> memref<1x125xi32, #tpu.memory_space<vmem>>
    %dma_start3A_175 = tpu.memref_squeeze %dma_start3A_174 : memref<1x125xi32, #tpu.memory_space<vmem>> -> memref<125xi32, #tpu.memory_space<vmem>>
    %dma_start3A_176 = arith.constant 0 : i32
    %dma_start3A_177 = arith.constant 0 : i32
    %dma_start3A_178 = tpu.memref_slice %arg2[%dma_start3A_176, %dma_start3A_177] : memref<40000x64xf32, #tpu.memory_space<hbm>> -> memref<40000x64xf32, #tpu.memory_space<hbm>>
    tpu.enqueue_indirect_dma source(%dma_start3A_178 : memref<40000x64xf32, #tpu.memory_space<hbm>>) target(%arg13 : memref<125x64xf32, #tpu.memory_space<vmem>>) offsets(%dma_start3A_175 : memref<125xi32, #tpu.memory_space<vmem>>) semaphore(%arg22 : memref<!tpu.dma_semaphore, #tpu.memory_space<semaphore_mem>>)
    %dma_start3A_179 = arith.constant 6 : i32
    %dma_start3A_180 = arith.constant 0 : i32
    %dma_start3A_181 = tpu.memref_slice %arg6[%dma_start3A_179, %dma_start3A_180] : memref<80x125xi32, #tpu.memory_space<vmem>> -> memref<1x125xi32, #tpu.memory_space<vmem>>
    %dma_start3A_182 = tpu.memref_squeeze %dma_start3A_181 : memref<1x125xi32, #tpu.memory_space<vmem>> -> memref<125xi32, #tpu.memory_space<vmem>>
    %dma_start3A_183 = arith.constant 0 : i32
    %dma_start3A_184 = arith.constant 0 : i32
    %dma_start3A_185 = tpu.memref_slice %arg2[%dma_start3A_183, %dma_start3A_184] : memref<40000x64xf32, #tpu.memory_space<hbm>> -> memref<40000x64xf32, #tpu.memory_space<hbm>>
    tpu.enqueue_indirect_dma source(%dma_start3A_185 : memref<40000x64xf32, #tpu.memory_space<hbm>>) target(%arg14 : memref<125x64xf32, #tpu.memory_space<vmem>>) offsets(%dma_start3A_182 : memref<125xi32, #tpu.memory_space<vmem>>) semaphore(%arg23 : memref<!tpu.dma_semaphore, #tpu.memory_space<semaphore_mem>>)
    %dma_start3A_186 = arith.constant 7 : i32
    %dma_start3A_187 = arith.constant 0 : i32
    %dma_start3A_188 = tpu.memref_slice %arg6[%dma_start3A_186, %dma_start3A_187] : memref<80x125xi32, #tpu.memory_space<vmem>> -> memref<1x125xi32, #tpu.memory_space<vmem>>
    %dma_start3A_189 = tpu.memref_squeeze %dma_start3A_188 : memref<1x125xi32, #tpu.memory_space<vmem>> -> memref<125xi32, #tpu.memory_space<vmem>>
    %dma_start3A_190 = arith.constant 0 : i32
    %dma_start3A_191 = arith.constant 0 : i32
    %dma_start3A_192 = tpu.memref_slice %arg2[%dma_start3A_190, %dma_start3A_191] : memref<40000x64xf32, #tpu.memory_space<hbm>> -> memref<40000x64xf32, #tpu.memory_space<hbm>>
    tpu.enqueue_indirect_dma source(%dma_start3A_192 : memref<40000x64xf32, #tpu.memory_space<hbm>>) target(%arg15 : memref<125x64xf32, #tpu.memory_space<vmem>>) offsets(%dma_start3A_189 : memref<125xi32, #tpu.memory_space<vmem>>) semaphore(%arg24 : memref<!tpu.dma_semaphore, #tpu.memory_space<semaphore_mem>>)
    %mul3A_193 = arith.constant 10000 : i32
    %mul3A_194 = arith.muli %arg0, %mul3A_193 : i32
    %add3A_195 = arith.addi %mul3A_194, %min3A_1 : i32
    "tpu.region"() ({
      %run_scoped3A = tpu.sem_alloc : memref<!tpu.dma_semaphore, #tpu.memory_space<semaphore_mem>>
      %dma_start3A_273 = arith.constant 0 : i32
      %dma_start3A_274 = tpu.memref_slice %arg5[%add3A_195, %dma_start3A_273] : memref<20000x128xf32, #tpu.memory_space<hbm>> -> memref<632x64xf32, #tpu.memory_space<hbm>>
      %dma_start3A_275 = arith.constant 0 : i32
      %dma_start3A_276 = tpu.memref_slice %arg16[%min3A_1, %dma_start3A_275] : memref<10000x64xf32, #tpu.memory_space<vmem_shared>> -> memref<632x64xf32, #tpu.memory_space<vmem_shared>>
      tpu.enqueue_dma source(%dma_start3A_276 : memref<632x64xf32, #tpu.memory_space<vmem_shared>>) target(%dma_start3A_274 : memref<632x64xf32, #tpu.memory_space<hbm>>) target_semaphore(%run_scoped3A : memref<!tpu.dma_semaphore, #tpu.memory_space<semaphore_mem>>)
      %dma_wait3A_277 = arith.constant 0 : i32
      %dma_wait3A_278 = tpu.memref_slice %arg5[%add3A_195, %dma_wait3A_277] : memref<20000x128xf32, #tpu.memory_space<hbm>> -> memref<632x64xf32, #tpu.memory_space<hbm>>
      %dma_wait3A_279 = arith.constant 0 : i32
      %dma_wait3A_280 = tpu.memref_slice %arg16[%min3A_1, %dma_wait3A_279] : memref<10000x64xf32, #tpu.memory_space<vmem_shared>> -> memref<632x64xf32, #tpu.memory_space<vmem_shared>>
      tpu.wait_dma2 semaphore(%run_scoped3A : memref<!tpu.dma_semaphore, #tpu.memory_space<semaphore_mem>>) src(%dma_wait3A_280 : memref<632x64xf32, #tpu.memory_space<vmem_shared>>) dst(%dma_wait3A_278 : memref<632x64xf32, #tpu.memory_space<hbm>>)
      tpu.yield
    }) : () -> ()
    %barrier3A_196 = arith.constant 0 : index
    tpu.barrier barrier_id(%barrier3A_196)
    %mul3A_197 = arith.constant 2 : i32
    %mul3A_198 = arith.muli %arg0, %mul3A_197 : i32
    %add3A_199 = arith.constant 1 : i32
    %add3A_200 = arith.addi %mul3A_198, %add3A_199 : i32
    %mul3A_201 = arith.constant 10000 : i32
    %mul3A_202 = arith.muli %add3A_200, %mul3A_201 : i32
    %add3A_203 = arith.addi %mul3A_202, %min3A_1 : i32
    "tpu.region"() ({
      %run_scoped3A = tpu.sem_alloc : memref<!tpu.dma_semaphore, #tpu.memory_space<semaphore_mem>>
      %dma_start3A_273 = arith.constant 0 : i32
      %dma_start3A_274 = tpu.memref_slice %arg16[%min3A_1, %dma_start3A_273] : memref<10000x64xf32, #tpu.memory_space<vmem_shared>> -> memref<632x64xf32, #tpu.memory_space<vmem_shared>>
      %dma_start3A_275 = arith.constant 0 : i32
      %dma_start3A_276 = tpu.memref_slice %arg2[%add3A_203, %dma_start3A_275] : memref<40000x64xf32, #tpu.memory_space<hbm>> -> memref<632x64xf32, #tpu.memory_space<hbm>>
      tpu.enqueue_dma source(%dma_start3A_276 : memref<632x64xf32, #tpu.memory_space<hbm>>) target(%dma_start3A_274 : memref<632x64xf32, #tpu.memory_space<vmem_shared>>) target_semaphore(%run_scoped3A : memref<!tpu.dma_semaphore, #tpu.memory_space<semaphore_mem>>)
      %dma_wait3A_277 = arith.constant 0 : i32
      %dma_wait3A_278 = tpu.memref_slice %arg16[%min3A_1, %dma_wait3A_277] : memref<10000x64xf32, #tpu.memory_space<vmem_shared>> -> memref<632x64xf32, #tpu.memory_space<vmem_shared>>
      %dma_wait3A_279 = arith.constant 0 : i32
      %dma_wait3A_280 = tpu.memref_slice %arg2[%add3A_203, %dma_wait3A_279] : memref<40000x64xf32, #tpu.memory_space<hbm>> -> memref<632x64xf32, #tpu.memory_space<hbm>>
      tpu.wait_dma2 semaphore(%run_scoped3A : memref<!tpu.dma_semaphore, #tpu.memory_space<semaphore_mem>>) src(%dma_wait3A_280 : memref<632x64xf32, #tpu.memory_space<hbm>>) dst(%dma_wait3A_278 : memref<632x64xf32, #tpu.memory_space<vmem_shared>>)
      tpu.yield
    }) : () -> ()
    %barrier3A_204 = arith.constant 0 : index
    tpu.barrier barrier_id(%barrier3A_204)
    %scan3A_205 = arith.constant 0 : i32
    %scan3A_206 = arith.constant 0 : i32
    %scan3A_207 = arith.constant 10 : i32
    %scan3A_208 = arith.addi %scan3A_206, %scan3A_207 : i32
    %scan3A_209 = arith.constant 1 : i32
    %scan3A_210 = scf.for %scan3A_273 = %scan3A_206 to %scan3A_208 step %scan3A_209 iter_args(%scan3A_274 = %scan3A_205) -> (i32)  : i32 {
      %mul3A_275 = arith.constant 8 : i32
      %mul3A_276 = arith.muli %mul3A_275, %scan3A_273 : i32
      %add3A_277 = arith.constant 0 : i32
      %add3A_278 = arith.addi %mul3A_276, %add3A_277 : i32
      %dma_wait3A_279 = arith.constant 0 : i32
      %dma_wait3A_280 = tpu.memref_slice %arg6[%add3A_278, %dma_wait3A_279] : memref<80x125xi32, #tpu.memory_space<vmem>> -> memref<1x125xi32, #tpu.memory_space<vmem>>
      %dma_wait3A_281 = tpu.memref_squeeze %dma_wait3A_280 : memref<1x125xi32, #tpu.memory_space<vmem>> -> memref<125xi32, #tpu.memory_space<vmem>>
      %dma_wait3A_282 = arith.constant 0 : i32
      %dma_wait3A_283 = arith.constant 0 : i32
      %dma_wait3A_284 = tpu.memref_slice %arg2[%dma_wait3A_282, %dma_wait3A_283] : memref<40000x64xf32, #tpu.memory_space<hbm>> -> memref<40000x64xf32, #tpu.memory_space<hbm>>
      tpu.wait_indirect_dma semaphore(%arg17 : memref<!tpu.dma_semaphore, #tpu.memory_space<semaphore_mem>>) src(%dma_wait3A_284 : memref<40000x64xf32, #tpu.memory_space<hbm>>) dst(%arg8 : memref<125x64xf32, #tpu.memory_space<vmem>>)
      %dma_start3A_285 = arith.constant 0 : i32
      %dma_start3A_286 = tpu.memref_slice %arg7[%add3A_278, %dma_start3A_285] : memref<80x125xi32, #tpu.memory_space<vmem>> -> memref<1x125xi32, #tpu.memory_space<vmem>>
      %dma_start3A_287 = tpu.memref_squeeze %dma_start3A_286 : memref<1x125xi32, #tpu.memory_space<vmem>> -> memref<125xi32, #tpu.memory_space<vmem>>
      %dma_start3A_288 = arith.constant 0 : i32
      %dma_start3A_289 = arith.constant 0 : i32
      %dma_start3A_290 = tpu.memref_slice %arg16[%dma_start3A_288, %dma_start3A_289] : memref<10000x64xf32, #tpu.memory_space<vmem_shared>> -> memref<10000x64xf32, #tpu.memory_space<vmem_shared>>
      tpu.enqueue_indirect_dma source(%arg8 : memref<125x64xf32, #tpu.memory_space<vmem>>) target(%dma_start3A_290 : memref<10000x64xf32, #tpu.memory_space<vmem_shared>>) offsets(%dma_start3A_287 : memref<125xi32, #tpu.memory_space<vmem>>) semaphore(%arg25 : memref<!tpu.dma_semaphore, #tpu.memory_space<semaphore_mem>>) {add = true}
      %mul3A_291 = arith.constant 8 : i32
      %mul3A_292 = arith.muli %mul3A_291, %scan3A_273 : i32
      %add3A_293 = arith.constant 1 : i32
      %add3A_294 = arith.addi %mul3A_292, %add3A_293 : i32
      %dma_wait3A_295 = arith.constant 0 : i32
      %dma_wait3A_296 = tpu.memref_slice %arg6[%add3A_294, %dma_wait3A_295] : memref<80x125xi32, #tpu.memory_space<vmem>> -> memref<1x125xi32, #tpu.memory_space<vmem>>
      %dma_wait3A_297 = tpu.memref_squeeze %dma_wait3A_296 : memref<1x125xi32, #tpu.memory_space<vmem>> -> memref<125xi32, #tpu.memory_space<vmem>>
      %dma_wait3A_298 = arith.constant 0 : i32
      %dma_wait3A_299 = arith.constant 0 : i32
      %dma_wait3A_300 = tpu.memref_slice %arg2[%dma_wait3A_298, %dma_wait3A_299] : memref<40000x64xf32, #tpu.memory_space<hbm>> -> memref<40000x64xf32, #tpu.memory_space<hbm>>
      tpu.wait_indirect_dma semaphore(%arg18 : memref<!tpu.dma_semaphore, #tpu.memory_space<semaphore_mem>>) src(%dma_wait3A_300 : memref<40000x64xf32, #tpu.memory_space<hbm>>) dst(%arg9 : memref<125x64xf32, #tpu.memory_space<vmem>>)
      %dma_start3A_301 = arith.constant 0 : i32
      %dma_start3A_302 = tpu.memref_slice %arg7[%add3A_294, %dma_start3A_301] : memref<80x125xi32, #tpu.memory_space<vmem>> -> memref<1x125xi32, #tpu.memory_space<vmem>>
      %dma_start3A_303 = tpu.memref_squeeze %dma_start3A_302 : memref<1x125xi32, #tpu.memory_space<vmem>> -> memref<125xi32, #tpu.memory_space<vmem>>
      %dma_start3A_304 = arith.constant 0 : i32
      %dma_start3A_305 = arith.constant 0 : i32
      %dma_start3A_306 = tpu.memref_slice %arg16[%dma_start3A_304, %dma_start3A_305] : memref<10000x64xf32, #tpu.memory_space<vmem_shared>> -> memref<10000x64xf32, #tpu.memory_space<vmem_shared>>
      tpu.enqueue_indirect_dma source(%arg9 : memref<125x64xf32, #tpu.memory_space<vmem>>) target(%dma_start3A_306 : memref<10000x64xf32, #tpu.memory_space<vmem_shared>>) offsets(%dma_start3A_303 : memref<125xi32, #tpu.memory_space<vmem>>) semaphore(%arg26 : memref<!tpu.dma_semaphore, #tpu.memory_space<semaphore_mem>>) {add = true}
      %mul3A_307 = arith.constant 8 : i32
      %mul3A_308 = arith.muli %mul3A_307, %scan3A_273 : i32
      %add3A_309 = arith.constant 2 : i32
      %add3A_310 = arith.addi %mul3A_308, %add3A_309 : i32
      %dma_wait3A_311 = arith.constant 0 : i32
      %dma_wait3A_312 = tpu.memref_slice %arg6[%add3A_310, %dma_wait3A_311] : memref<80x125xi32, #tpu.memory_space<vmem>> -> memref<1x125xi32, #tpu.memory_space<vmem>>
      %dma_wait3A_313 = tpu.memref_squeeze %dma_wait3A_312 : memref<1x125xi32, #tpu.memory_space<vmem>> -> memref<125xi32, #tpu.memory_space<vmem>>
      %dma_wait3A_314 = arith.constant 0 : i32
      %dma_wait3A_315 = arith.constant 0 : i32
      %dma_wait3A_316 = tpu.memref_slice %arg2[%dma_wait3A_314, %dma_wait3A_315] : memref<40000x64xf32, #tpu.memory_space<hbm>> -> memref<40000x64xf32, #tpu.memory_space<hbm>>
      tpu.wait_indirect_dma semaphore(%arg19 : memref<!tpu.dma_semaphore, #tpu.memory_space<semaphore_mem>>) src(%dma_wait3A_316 : memref<40000x64xf32, #tpu.memory_space<hbm>>) dst(%arg10 : memref<125x64xf32, #tpu.memory_space<vmem>>)
      %dma_start3A_317 = arith.constant 0 : i32
      %dma_start3A_318 = tpu.memref_slice %arg7[%add3A_310, %dma_start3A_317] : memref<80x125xi32, #tpu.memory_space<vmem>> -> memref<1x125xi32, #tpu.memory_space<vmem>>
      %dma_start3A_319 = tpu.memref_squeeze %dma_start3A_318 : memref<1x125xi32, #tpu.memory_space<vmem>> -> memref<125xi32, #tpu.memory_space<vmem>>
      %dma_start3A_320 = arith.constant 0 : i32
      %dma_start3A_321 = arith.constant 0 : i32
      %dma_start3A_322 = tpu.memref_slice %arg16[%dma_start3A_320, %dma_start3A_321] : memref<10000x64xf32, #tpu.memory_space<vmem_shared>> -> memref<10000x64xf32, #tpu.memory_space<vmem_shared>>
      tpu.enqueue_indirect_dma source(%arg10 : memref<125x64xf32, #tpu.memory_space<vmem>>) target(%dma_start3A_322 : memref<10000x64xf32, #tpu.memory_space<vmem_shared>>) offsets(%dma_start3A_319 : memref<125xi32, #tpu.memory_space<vmem>>) semaphore(%arg27 : memref<!tpu.dma_semaphore, #tpu.memory_space<semaphore_mem>>) {add = true}
      %mul3A_323 = arith.constant 8 : i32
      %mul3A_324 = arith.muli %mul3A_323, %scan3A_273 : i32
      %add3A_325 = arith.constant 3 : i32
      %add3A_326 = arith.addi %mul3A_324, %add3A_325 : i32
      %dma_wait3A_327 = arith.constant 0 : i32
      %dma_wait3A_328 = tpu.memref_slice %arg6[%add3A_326, %dma_wait3A_327] : memref<80x125xi32, #tpu.memory_space<vmem>> -> memref<1x125xi32, #tpu.memory_space<vmem>>
      %dma_wait3A_329 = tpu.memref_squeeze %dma_wait3A_328 : memref<1x125xi32, #tpu.memory_space<vmem>> -> memref<125xi32, #tpu.memory_space<vmem>>
      %dma_wait3A_330 = arith.constant 0 : i32
      %dma_wait3A_331 = arith.constant 0 : i32
      %dma_wait3A_332 = tpu.memref_slice %arg2[%dma_wait3A_330, %dma_wait3A_331] : memref<40000x64xf32, #tpu.memory_space<hbm>> -> memref<40000x64xf32, #tpu.memory_space<hbm>>
      tpu.wait_indirect_dma semaphore(%arg20 : memref<!tpu.dma_semaphore, #tpu.memory_space<semaphore_mem>>) src(%dma_wait3A_332 : memref<40000x64xf32, #tpu.memory_space<hbm>>) dst(%arg11 : memref<125x64xf32, #tpu.memory_space<vmem>>)
      %dma_start3A_333 = arith.constant 0 : i32
      %dma_start3A_334 = tpu.memref_slice %arg7[%add3A_326, %dma_start3A_333] : memref<80x125xi32, #tpu.memory_space<vmem>> -> memref<1x125xi32, #tpu.memory_space<vmem>>
      %dma_start3A_335 = tpu.memref_squeeze %dma_start3A_334 : memref<1x125xi32, #tpu.memory_space<vmem>> -> memref<125xi32, #tpu.memory_space<vmem>>
      %dma_start3A_336 = arith.constant 0 : i32
      %dma_start3A_337 = arith.constant 0 : i32
      %dma_start3A_338 = tpu.memref_slice %arg16[%dma_start3A_336, %dma_start3A_337] : memref<10000x64xf32, #tpu.memory_space<vmem_shared>> -> memref<10000x64xf32, #tpu.memory_space<vmem_shared>>
      tpu.enqueue_indirect_dma source(%arg11 : memref<125x64xf32, #tpu.memory_space<vmem>>) target(%dma_start3A_338 : memref<10000x64xf32, #tpu.memory_space<vmem_shared>>) offsets(%dma_start3A_335 : memref<125xi32, #tpu.memory_space<vmem>>) semaphore(%arg28 : memref<!tpu.dma_semaphore, #tpu.memory_space<semaphore_mem>>) {add = true}
      %mul3A_339 = arith.constant 8 : i32
      %mul3A_340 = arith.muli %mul3A_339, %scan3A_273 : i32
      %add3A_341 = arith.constant 4 : i32
      %add3A_342 = arith.addi %mul3A_340, %add3A_341 : i32
      %dma_wait3A_343 = arith.constant 0 : i32
      %dma_wait3A_344 = tpu.memref_slice %arg6[%add3A_342, %dma_wait3A_343] : memref<80x125xi32, #tpu.memory_space<vmem>> -> memref<1x125xi32, #tpu.memory_space<vmem>>
      %dma_wait3A_345 = tpu.memref_squeeze %dma_wait3A_344 : memref<1x125xi32, #tpu.memory_space<vmem>> -> memref<125xi32, #tpu.memory_space<vmem>>
      %dma_wait3A_346 = arith.constant 0 : i32
      %dma_wait3A_347 = arith.constant 0 : i32
      %dma_wait3A_348 = tpu.memref_slice %arg2[%dma_wait3A_346, %dma_wait3A_347] : memref<40000x64xf32, #tpu.memory_space<hbm>> -> memref<40000x64xf32, #tpu.memory_space<hbm>>
      tpu.wait_indirect_dma semaphore(%arg21 : memref<!tpu.dma_semaphore, #tpu.memory_space<semaphore_mem>>) src(%dma_wait3A_348 : memref<40000x64xf32, #tpu.memory_space<hbm>>) dst(%arg12 : memref<125x64xf32, #tpu.memory_space<vmem>>)
      %dma_start3A_349 = arith.constant 0 : i32
      %dma_start3A_350 = tpu.memref_slice %arg7[%add3A_342, %dma_start3A_349] : memref<80x125xi32, #tpu.memory_space<vmem>> -> memref<1x125xi32, #tpu.memory_space<vmem>>
      %dma_start3A_351 = tpu.memref_squeeze %dma_start3A_350 : memref<1x125xi32, #tpu.memory_space<vmem>> -> memref<125xi32, #tpu.memory_space<vmem>>
      %dma_start3A_352 = arith.constant 0 : i32
      %dma_start3A_353 = arith.constant 0 : i32
      %dma_start3A_354 = tpu.memref_slice %arg16[%dma_start3A_352, %dma_start3A_353] : memref<10000x64xf32, #tpu.memory_space<vmem_shared>> -> memref<10000x64xf32, #tpu.memory_space<vmem_shared>>
      tpu.enqueue_indirect_dma source(%arg12 : memref<125x64xf32, #tpu.memory_space<vmem>>) target(%dma_start3A_354 : memref<10000x64xf32, #tpu.memory_space<vmem_shared>>) offsets(%dma_start3A_351 : memref<125xi32, #tpu.memory_space<vmem>>) semaphore(%arg29 : memref<!tpu.dma_semaphore, #tpu.memory_space<semaphore_mem>>) {add = true}
      %mul3A_355 = arith.constant 8 : i32
      %mul3A_356 = arith.muli %mul3A_355, %scan3A_273 : i32
      %add3A_357 = arith.constant 5 : i32
      %add3A_358 = arith.addi %mul3A_356, %add3A_357 : i32
      %dma_wait3A_359 = arith.constant 0 : i32
      %dma_wait3A_360 = tpu.memref_slice %arg6[%add3A_358, %dma_wait3A_359] : memref<80x125xi32, #tpu.memory_space<vmem>> -> memref<1x125xi32, #tpu.memory_space<vmem>>
      %dma_wait3A_361 = tpu.memref_squeeze %dma_wait3A_360 : memref<1x125xi32, #tpu.memory_space<vmem>> -> memref<125xi32, #tpu.memory_space<vmem>>
      %dma_wait3A_362 = arith.constant 0 : i32
      %dma_wait3A_363 = arith.constant 0 : i32
      %dma_wait3A_364 = tpu.memref_slice %arg2[%dma_wait3A_362, %dma_wait3A_363] : memref<40000x64xf32, #tpu.memory_space<hbm>> -> memref<40000x64xf32, #tpu.memory_space<hbm>>
      tpu.wait_indirect_dma semaphore(%arg22 : memref<!tpu.dma_semaphore, #tpu.memory_space<semaphore_mem>>) src(%dma_wait3A_364 : memref<40000x64xf32, #tpu.memory_space<hbm>>) dst(%arg13 : memref<125x64xf32, #tpu.memory_space<vmem>>)
      %dma_start3A_365 = arith.constant 0 : i32
      %dma_start3A_366 = tpu.memref_slice %arg7[%add3A_358, %dma_start3A_365] : memref<80x125xi32, #tpu.memory_space<vmem>> -> memref<1x125xi32, #tpu.memory_space<vmem>>
      %dma_start3A_367 = tpu.memref_squeeze %dma_start3A_366 : memref<1x125xi32, #tpu.memory_space<vmem>> -> memref<125xi32, #tpu.memory_space<vmem>>
      %dma_start3A_368 = arith.constant 0 : i32
      %dma_start3A_369 = arith.constant 0 : i32
      %dma_start3A_370 = tpu.memref_slice %arg16[%dma_start3A_368, %dma_start3A_369] : memref<10000x64xf32, #tpu.memory_space<vmem_shared>> -> memref<10000x64xf32, #tpu.memory_space<vmem_shared>>
      tpu.enqueue_indirect_dma source(%arg13 : memref<125x64xf32, #tpu.memory_space<vmem>>) target(%dma_start3A_370 : memref<10000x64xf32, #tpu.memory_space<vmem_shared>>) offsets(%dma_start3A_367 : memref<125xi32, #tpu.memory_space<vmem>>) semaphore(%arg30 : memref<!tpu.dma_semaphore, #tpu.memory_space<semaphore_mem>>) {add = true}
      %mul3A_371 = arith.constant 8 : i32
      %mul3A_372 = arith.muli %mul3A_371, %scan3A_273 : i32
      %add3A_373 = arith.constant 6 : i32
      %add3A_374 = arith.addi %mul3A_372, %add3A_373 : i32
      %dma_wait3A_375 = arith.constant 0 : i32
      %dma_wait3A_376 = tpu.memref_slice %arg6[%add3A_374, %dma_wait3A_375] : memref<80x125xi32, #tpu.memory_space<vmem>> -> memref<1x125xi32, #tpu.memory_space<vmem>>
      %dma_wait3A_377 = tpu.memref_squeeze %dma_wait3A_376 : memref<1x125xi32, #tpu.memory_space<vmem>> -> memref<125xi32, #tpu.memory_space<vmem>>
      %dma_wait3A_378 = arith.constant 0 : i32
      %dma_wait3A_379 = arith.constant 0 : i32
      %dma_wait3A_380 = tpu.memref_slice %arg2[%dma_wait3A_378, %dma_wait3A_379] : memref<40000x64xf32, #tpu.memory_space<hbm>> -> memref<40000x64xf32, #tpu.memory_space<hbm>>
      tpu.wait_indirect_dma semaphore(%arg23 : memref<!tpu.dma_semaphore, #tpu.memory_space<semaphore_mem>>) src(%dma_wait3A_380 : memref<40000x64xf32, #tpu.memory_space<hbm>>) dst(%arg14 : memref<125x64xf32, #tpu.memory_space<vmem>>)
      %dma_start3A_381 = arith.constant 0 : i32
      %dma_start3A_382 = tpu.memref_slice %arg7[%add3A_374, %dma_start3A_381] : memref<80x125xi32, #tpu.memory_space<vmem>> -> memref<1x125xi32, #tpu.memory_space<vmem>>
      %dma_start3A_383 = tpu.memref_squeeze %dma_start3A_382 : memref<1x125xi32, #tpu.memory_space<vmem>> -> memref<125xi32, #tpu.memory_space<vmem>>
      %dma_start3A_384 = arith.constant 0 : i32
      %dma_start3A_385 = arith.constant 0 : i32
      %dma_start3A_386 = tpu.memref_slice %arg16[%dma_start3A_384, %dma_start3A_385] : memref<10000x64xf32, #tpu.memory_space<vmem_shared>> -> memref<10000x64xf32, #tpu.memory_space<vmem_shared>>
      tpu.enqueue_indirect_dma source(%arg14 : memref<125x64xf32, #tpu.memory_space<vmem>>) target(%dma_start3A_386 : memref<10000x64xf32, #tpu.memory_space<vmem_shared>>) offsets(%dma_start3A_383 : memref<125xi32, #tpu.memory_space<vmem>>) semaphore(%arg31 : memref<!tpu.dma_semaphore, #tpu.memory_space<semaphore_mem>>) {add = true}
      %mul3A_387 = arith.constant 8 : i32
      %mul3A_388 = arith.muli %mul3A_387, %scan3A_273 : i32
      %add3A_389 = arith.constant 7 : i32
      %add3A_390 = arith.addi %mul3A_388, %add3A_389 : i32
      %dma_wait3A_391 = arith.constant 0 : i32
      %dma_wait3A_392 = tpu.memref_slice %arg6[%add3A_390, %dma_wait3A_391] : memref<80x125xi32, #tpu.memory_space<vmem>> -> memref<1x125xi32, #tpu.memory_space<vmem>>
      %dma_wait3A_393 = tpu.memref_squeeze %dma_wait3A_392 : memref<1x125xi32, #tpu.memory_space<vmem>> -> memref<125xi32, #tpu.memory_space<vmem>>
      %dma_wait3A_394 = arith.constant 0 : i32
      %dma_wait3A_395 = arith.constant 0 : i32
      %dma_wait3A_396 = tpu.memref_slice %arg2[%dma_wait3A_394, %dma_wait3A_395] : memref<40000x64xf32, #tpu.memory_space<hbm>> -> memref<40000x64xf32, #tpu.memory_space<hbm>>
      tpu.wait_indirect_dma semaphore(%arg24 : memref<!tpu.dma_semaphore, #tpu.memory_space<semaphore_mem>>) src(%dma_wait3A_396 : memref<40000x64xf32, #tpu.memory_space<hbm>>) dst(%arg15 : memref<125x64xf32, #tpu.memory_space<vmem>>)
      %dma_start3A_397 = arith.constant 0 : i32
      %dma_start3A_398 = tpu.memref_slice %arg7[%add3A_390, %dma_start3A_397] : memref<80x125xi32, #tpu.memory_space<vmem>> -> memref<1x125xi32, #tpu.memory_space<vmem>>
      %dma_start3A_399 = tpu.memref_squeeze %dma_start3A_398 : memref<1x125xi32, #tpu.memory_space<vmem>> -> memref<125xi32, #tpu.memory_space<vmem>>
      %dma_start3A_400 = arith.constant 0 : i32
      %dma_start3A_401 = arith.constant 0 : i32
      %dma_start3A_402 = tpu.memref_slice %arg16[%dma_start3A_400, %dma_start3A_401] : memref<10000x64xf32, #tpu.memory_space<vmem_shared>> -> memref<10000x64xf32, #tpu.memory_space<vmem_shared>>
      tpu.enqueue_indirect_dma source(%arg15 : memref<125x64xf32, #tpu.memory_space<vmem>>) target(%dma_start3A_402 : memref<10000x64xf32, #tpu.memory_space<vmem_shared>>) offsets(%dma_start3A_399 : memref<125xi32, #tpu.memory_space<vmem>>) semaphore(%arg32 : memref<!tpu.dma_semaphore, #tpu.memory_space<semaphore_mem>>) {add = true}
      %mul3A_403 = arith.constant 8 : i32
      %mul3A_404 = arith.muli %mul3A_403, %scan3A_273 : i32
      %add3A_405 = arith.constant 0 : i32
      %add3A_406 = arith.addi %mul3A_404, %add3A_405 : i32
      %add3A_407 = arith.constant 8 : i32
      %add3A_408 = arith.addi %add3A_406, %add3A_407 : i32
      %lt3A = arith.constant 80 : i32
      %lt3A_409 = arith.cmpi slt, %add3A_408, %lt3A : i32
      %convert_element_type3A = arith.extui %lt3A_409 : i1 to i32
      %cond3A = arith.constant 0 : i32
      %cond3A_410 = arith.cmpi ne, %convert_element_type3A, %cond3A : i32
      scf.if %cond3A_410 {
        %dma_wait3A_489 = arith.constant 0 : i32
        %dma_wait3A_490 = tpu.memref_slice %arg7[%add3A_406, %dma_wait3A_489] : memref<80x125xi32, #tpu.memory_space<vmem>> -> memref<1x125xi32, #tpu.memory_space<vmem>>
        %dma_wait3A_491 = tpu.memref_squeeze %dma_wait3A_490 : memref<1x125xi32, #tpu.memory_space<vmem>> -> memref<125xi32, #tpu.memory_space<vmem>>
        %dma_wait3A_492 = arith.constant 0 : i32
        %dma_wait3A_493 = arith.constant 0 : i32
        %dma_wait3A_494 = tpu.memref_slice %arg16[%dma_wait3A_492, %dma_wait3A_493] : memref<10000x64xf32, #tpu.memory_space<vmem_shared>> -> memref<10000x64xf32, #tpu.memory_space<vmem_shared>>
        tpu.wait_indirect_dma semaphore(%arg25 : memref<!tpu.dma_semaphore, #tpu.memory_space<semaphore_mem>>) src(%arg8 : memref<125x64xf32, #tpu.memory_space<vmem>>) dst(%dma_wait3A_494 : memref<10000x64xf32, #tpu.memory_space<vmem_shared>>)
        %add3A_495 = arith.constant 8 : i32
        %add3A_496 = arith.addi %add3A_406, %add3A_495 : i32
        %dma_start3A_497 = arith.constant 0 : i32
        %dma_start3A_498 = tpu.memref_slice %arg6[%add3A_496, %dma_start3A_497] : memref<80x125xi32, #tpu.memory_space<vmem>> -> memref<1x125xi32, #tpu.memory_space<vmem>>
        %dma_start3A_499 = tpu.memref_squeeze %dma_start3A_498 : memref<1x125xi32, #tpu.memory_space<vmem>> -> memref<125xi32, #tpu.memory_space<vmem>>
        %dma_start3A_500 = arith.constant 0 : i32
        %dma_start3A_501 = arith.constant 0 : i32
        %dma_start3A_502 = tpu.memref_slice %arg2[%dma_start3A_500, %dma_start3A_501] : memref<40000x64xf32, #tpu.memory_space<hbm>> -> memref<40000x64xf32, #tpu.memory_space<hbm>>
        tpu.enqueue_indirect_dma source(%dma_start3A_502 : memref<40000x64xf32, #tpu.memory_space<hbm>>) target(%arg8 : memref<125x64xf32, #tpu.memory_space<vmem>>) offsets(%dma_start3A_499 : memref<125xi32, #tpu.memory_space<vmem>>) semaphore(%arg17 : memref<!tpu.dma_semaphore, #tpu.memory_space<semaphore_mem>>)
      } else {
      }
      %mul3A_411 = arith.constant 8 : i32
      %mul3A_412 = arith.muli %mul3A_411, %scan3A_273 : i32
      %add3A_413 = arith.constant 1 : i32
      %add3A_414 = arith.addi %mul3A_412, %add3A_413 : i32
      %add3A_415 = arith.constant 8 : i32
      %add3A_416 = arith.addi %add3A_414, %add3A_415 : i32
      %lt3A_417 = arith.constant 80 : i32
      %lt3A_418 = arith.cmpi slt, %add3A_416, %lt3A_417 : i32
      %convert_element_type3A_419 = arith.extui %lt3A_418 : i1 to i32
      %cond3A_420 = arith.constant 0 : i32
      %cond3A_421 = arith.cmpi ne, %convert_element_type3A_419, %cond3A_420 : i32
      scf.if %cond3A_421 {
        %dma_wait3A_489 = arith.constant 0 : i32
        %dma_wait3A_490 = tpu.memref_slice %arg7[%add3A_414, %dma_wait3A_489] : memref<80x125xi32, #tpu.memory_space<vmem>> -> memref<1x125xi32, #tpu.memory_space<vmem>>
        %dma_wait3A_491 = tpu.memref_squeeze %dma_wait3A_490 : memref<1x125xi32, #tpu.memory_space<vmem>> -> memref<125xi32, #tpu.memory_space<vmem>>
        %dma_wait3A_492 = arith.constant 0 : i32
        %dma_wait3A_493 = arith.constant 0 : i32
        %dma_wait3A_494 = tpu.memref_slice %arg16[%dma_wait3A_492, %dma_wait3A_493] : memref<10000x64xf32, #tpu.memory_space<vmem_shared>> -> memref<10000x64xf32, #tpu.memory_space<vmem_shared>>
        tpu.wait_indirect_dma semaphore(%arg26 : memref<!tpu.dma_semaphore, #tpu.memory_space<semaphore_mem>>) src(%arg9 : memref<125x64xf32, #tpu.memory_space<vmem>>) dst(%dma_wait3A_494 : memref<10000x64xf32, #tpu.memory_space<vmem_shared>>)
        %add3A_495 = arith.constant 8 : i32
        %add3A_496 = arith.addi %add3A_414, %add3A_495 : i32
        %dma_start3A_497 = arith.constant 0 : i32
        %dma_start3A_498 = tpu.memref_slice %arg6[%add3A_496, %dma_start3A_497] : memref<80x125xi32, #tpu.memory_space<vmem>> -> memref<1x125xi32, #tpu.memory_space<vmem>>
        %dma_start3A_499 = tpu.memref_squeeze %dma_start3A_498 : memref<1x125xi32, #tpu.memory_space<vmem>> -> memref<125xi32, #tpu.memory_space<vmem>>
        %dma_start3A_500 = arith.constant 0 : i32
        %dma_start3A_501 = arith.constant 0 : i32
        %dma_start3A_502 = tpu.memref_slice %arg2[%dma_start3A_500, %dma_start3A_501] : memref<40000x64xf32, #tpu.memory_space<hbm>> -> memref<40000x64xf32, #tpu.memory_space<hbm>>
        tpu.enqueue_indirect_dma source(%dma_start3A_502 : memref<40000x64xf32, #tpu.memory_space<hbm>>) target(%arg9 : memref<125x64xf32, #tpu.memory_space<vmem>>) offsets(%dma_start3A_499 : memref<125xi32, #tpu.memory_space<vmem>>) semaphore(%arg18 : memref<!tpu.dma_semaphore, #tpu.memory_space<semaphore_mem>>)
      } else {
      }
      %mul3A_422 = arith.constant 8 : i32
      %mul3A_423 = arith.muli %mul3A_422, %scan3A_273 : i32
      %add3A_424 = arith.constant 2 : i32
      %add3A_425 = arith.addi %mul3A_423, %add3A_424 : i32
      %add3A_426 = arith.constant 8 : i32
      %add3A_427 = arith.addi %add3A_425, %add3A_426 : i32
      %lt3A_428 = arith.constant 80 : i32
      %lt3A_429 = arith.cmpi slt, %add3A_427, %lt3A_428 : i32
      %convert_element_type3A_430 = arith.extui %lt3A_429 : i1 to i32
      %cond3A_431 = arith.constant 0 : i32
      %cond3A_432 = arith.cmpi ne, %convert_element_type3A_430, %cond3A_431 : i32
      scf.if %cond3A_432 {
        %dma_wait3A_489 = arith.constant 0 : i32
        %dma_wait3A_490 = tpu.memref_slice %arg7[%add3A_425, %dma_wait3A_489] : memref<80x125xi32, #tpu.memory_space<vmem>> -> memref<1x125xi32, #tpu.memory_space<vmem>>
        %dma_wait3A_491 = tpu.memref_squeeze %dma_wait3A_490 : memref<1x125xi32, #tpu.memory_space<vmem>> -> memref<125xi32, #tpu.memory_space<vmem>>
        %dma_wait3A_492 = arith.constant 0 : i32
        %dma_wait3A_493 = arith.constant 0 : i32
        %dma_wait3A_494 = tpu.memref_slice %arg16[%dma_wait3A_492, %dma_wait3A_493] : memref<10000x64xf32, #tpu.memory_space<vmem_shared>> -> memref<10000x64xf32, #tpu.memory_space<vmem_shared>>
        tpu.wait_indirect_dma semaphore(%arg27 : memref<!tpu.dma_semaphore, #tpu.memory_space<semaphore_mem>>) src(%arg10 : memref<125x64xf32, #tpu.memory_space<vmem>>) dst(%dma_wait3A_494 : memref<10000x64xf32, #tpu.memory_space<vmem_shared>>)
        %add3A_495 = arith.constant 8 : i32
        %add3A_496 = arith.addi %add3A_425, %add3A_495 : i32
        %dma_start3A_497 = arith.constant 0 : i32
        %dma_start3A_498 = tpu.memref_slice %arg6[%add3A_496, %dma_start3A_497] : memref<80x125xi32, #tpu.memory_space<vmem>> -> memref<1x125xi32, #tpu.memory_space<vmem>>
        %dma_start3A_499 = tpu.memref_squeeze %dma_start3A_498 : memref<1x125xi32, #tpu.memory_space<vmem>> -> memref<125xi32, #tpu.memory_space<vmem>>
        %dma_start3A_500 = arith.constant 0 : i32
        %dma_start3A_501 = arith.constant 0 : i32
        %dma_start3A_502 = tpu.memref_slice %arg2[%dma_start3A_500, %dma_start3A_501] : memref<40000x64xf32, #tpu.memory_space<hbm>> -> memref<40000x64xf32, #tpu.memory_space<hbm>>
        tpu.enqueue_indirect_dma source(%dma_start3A_502 : memref<40000x64xf32, #tpu.memory_space<hbm>>) target(%arg10 : memref<125x64xf32, #tpu.memory_space<vmem>>) offsets(%dma_start3A_499 : memref<125xi32, #tpu.memory_space<vmem>>) semaphore(%arg19 : memref<!tpu.dma_semaphore, #tpu.memory_space<semaphore_mem>>)
      } else {
      }
      %mul3A_433 = arith.constant 8 : i32
      %mul3A_434 = arith.muli %mul3A_433, %scan3A_273 : i32
      %add3A_435 = arith.constant 3 : i32
      %add3A_436 = arith.addi %mul3A_434, %add3A_435 : i32
      %add3A_437 = arith.constant 8 : i32
      %add3A_438 = arith.addi %add3A_436, %add3A_437 : i32
      %lt3A_439 = arith.constant 80 : i32
      %lt3A_440 = arith.cmpi slt, %add3A_438, %lt3A_439 : i32
      %convert_element_type3A_441 = arith.extui %lt3A_440 : i1 to i32
      %cond3A_442 = arith.constant 0 : i32
      %cond3A_443 = arith.cmpi ne, %convert_element_type3A_441, %cond3A_442 : i32
      scf.if %cond3A_443 {
        %dma_wait3A_489 = arith.constant 0 : i32
        %dma_wait3A_490 = tpu.memref_slice %arg7[%add3A_436, %dma_wait3A_489] : memref<80x125xi32, #tpu.memory_space<vmem>> -> memref<1x125xi32, #tpu.memory_space<vmem>>
        %dma_wait3A_491 = tpu.memref_squeeze %dma_wait3A_490 : memref<1x125xi32, #tpu.memory_space<vmem>> -> memref<125xi32, #tpu.memory_space<vmem>>
        %dma_wait3A_492 = arith.constant 0 : i32
        %dma_wait3A_493 = arith.constant 0 : i32
        %dma_wait3A_494 = tpu.memref_slice %arg16[%dma_wait3A_492, %dma_wait3A_493] : memref<10000x64xf32, #tpu.memory_space<vmem_shared>> -> memref<10000x64xf32, #tpu.memory_space<vmem_shared>>
        tpu.wait_indirect_dma semaphore(%arg28 : memref<!tpu.dma_semaphore, #tpu.memory_space<semaphore_mem>>) src(%arg11 : memref<125x64xf32, #tpu.memory_space<vmem>>) dst(%dma_wait3A_494 : memref<10000x64xf32, #tpu.memory_space<vmem_shared>>)
        %add3A_495 = arith.constant 8 : i32
        %add3A_496 = arith.addi %add3A_436, %add3A_495 : i32
        %dma_start3A_497 = arith.constant 0 : i32
        %dma_start3A_498 = tpu.memref_slice %arg6[%add3A_496, %dma_start3A_497] : memref<80x125xi32, #tpu.memory_space<vmem>> -> memref<1x125xi32, #tpu.memory_space<vmem>>
        %dma_start3A_499 = tpu.memref_squeeze %dma_start3A_498 : memref<1x125xi32, #tpu.memory_space<vmem>> -> memref<125xi32, #tpu.memory_space<vmem>>
        %dma_start3A_500 = arith.constant 0 : i32
        %dma_start3A_501 = arith.constant 0 : i32
        %dma_start3A_502 = tpu.memref_slice %arg2[%dma_start3A_500, %dma_start3A_501] : memref<40000x64xf32, #tpu.memory_space<hbm>> -> memref<40000x64xf32, #tpu.memory_space<hbm>>
        tpu.enqueue_indirect_dma source(%dma_start3A_502 : memref<40000x64xf32, #tpu.memory_space<hbm>>) target(%arg11 : memref<125x64xf32, #tpu.memory_space<vmem>>) offsets(%dma_start3A_499 : memref<125xi32, #tpu.memory_space<vmem>>) semaphore(%arg20 : memref<!tpu.dma_semaphore, #tpu.memory_space<semaphore_mem>>)
      } else {
      }
      %mul3A_444 = arith.constant 8 : i32
      %mul3A_445 = arith.muli %mul3A_444, %scan3A_273 : i32
      %add3A_446 = arith.constant 4 : i32
      %add3A_447 = arith.addi %mul3A_445, %add3A_446 : i32
      %add3A_448 = arith.constant 8 : i32
      %add3A_449 = arith.addi %add3A_447, %add3A_448 : i32
      %lt3A_450 = arith.constant 80 : i32
      %lt3A_451 = arith.cmpi slt, %add3A_449, %lt3A_450 : i32
      %convert_element_type3A_452 = arith.extui %lt3A_451 : i1 to i32
      %cond3A_453 = arith.constant 0 : i32
      %cond3A_454 = arith.cmpi ne, %convert_element_type3A_452, %cond3A_453 : i32
      scf.if %cond3A_454 {
        %dma_wait3A_489 = arith.constant 0 : i32
        %dma_wait3A_490 = tpu.memref_slice %arg7[%add3A_447, %dma_wait3A_489] : memref<80x125xi32, #tpu.memory_space<vmem>> -> memref<1x125xi32, #tpu.memory_space<vmem>>
        %dma_wait3A_491 = tpu.memref_squeeze %dma_wait3A_490 : memref<1x125xi32, #tpu.memory_space<vmem>> -> memref<125xi32, #tpu.memory_space<vmem>>
        %dma_wait3A_492 = arith.constant 0 : i32
        %dma_wait3A_493 = arith.constant 0 : i32
        %dma_wait3A_494 = tpu.memref_slice %arg16[%dma_wait3A_492, %dma_wait3A_493] : memref<10000x64xf32, #tpu.memory_space<vmem_shared>> -> memref<10000x64xf32, #tpu.memory_space<vmem_shared>>
        tpu.wait_indirect_dma semaphore(%arg29 : memref<!tpu.dma_semaphore, #tpu.memory_space<semaphore_mem>>) src(%arg12 : memref<125x64xf32, #tpu.memory_space<vmem>>) dst(%dma_wait3A_494 : memref<10000x64xf32, #tpu.memory_space<vmem_shared>>)
        %add3A_495 = arith.constant 8 : i32
        %add3A_496 = arith.addi %add3A_447, %add3A_495 : i32
        %dma_start3A_497 = arith.constant 0 : i32
        %dma_start3A_498 = tpu.memref_slice %arg6[%add3A_496, %dma_start3A_497] : memref<80x125xi32, #tpu.memory_space<vmem>> -> memref<1x125xi32, #tpu.memory_space<vmem>>
        %dma_start3A_499 = tpu.memref_squeeze %dma_start3A_498 : memref<1x125xi32, #tpu.memory_space<vmem>> -> memref<125xi32, #tpu.memory_space<vmem>>
        %dma_start3A_500 = arith.constant 0 : i32
        %dma_start3A_501 = arith.constant 0 : i32
        %dma_start3A_502 = tpu.memref_slice %arg2[%dma_start3A_500, %dma_start3A_501] : memref<40000x64xf32, #tpu.memory_space<hbm>> -> memref<40000x64xf32, #tpu.memory_space<hbm>>
        tpu.enqueue_indirect_dma source(%dma_start3A_502 : memref<40000x64xf32, #tpu.memory_space<hbm>>) target(%arg12 : memref<125x64xf32, #tpu.memory_space<vmem>>) offsets(%dma_start3A_499 : memref<125xi32, #tpu.memory_space<vmem>>) semaphore(%arg21 : memref<!tpu.dma_semaphore, #tpu.memory_space<semaphore_mem>>)
      } else {
      }
      %mul3A_455 = arith.constant 8 : i32
      %mul3A_456 = arith.muli %mul3A_455, %scan3A_273 : i32
      %add3A_457 = arith.constant 5 : i32
      %add3A_458 = arith.addi %mul3A_456, %add3A_457 : i32
      %add3A_459 = arith.constant 8 : i32
      %add3A_460 = arith.addi %add3A_458, %add3A_459 : i32
      %lt3A_461 = arith.constant 80 : i32
      %lt3A_462 = arith.cmpi slt, %add3A_460, %lt3A_461 : i32
      %convert_element_type3A_463 = arith.extui %lt3A_462 : i1 to i32
      %cond3A_464 = arith.constant 0 : i32
      %cond3A_465 = arith.cmpi ne, %convert_element_type3A_463, %cond3A_464 : i32
      scf.if %cond3A_465 {
        %dma_wait3A_489 = arith.constant 0 : i32
        %dma_wait3A_490 = tpu.memref_slice %arg7[%add3A_458, %dma_wait3A_489] : memref<80x125xi32, #tpu.memory_space<vmem>> -> memref<1x125xi32, #tpu.memory_space<vmem>>
        %dma_wait3A_491 = tpu.memref_squeeze %dma_wait3A_490 : memref<1x125xi32, #tpu.memory_space<vmem>> -> memref<125xi32, #tpu.memory_space<vmem>>
        %dma_wait3A_492 = arith.constant 0 : i32
        %dma_wait3A_493 = arith.constant 0 : i32
        %dma_wait3A_494 = tpu.memref_slice %arg16[%dma_wait3A_492, %dma_wait3A_493] : memref<10000x64xf32, #tpu.memory_space<vmem_shared>> -> memref<10000x64xf32, #tpu.memory_space<vmem_shared>>
        tpu.wait_indirect_dma semaphore(%arg30 : memref<!tpu.dma_semaphore, #tpu.memory_space<semaphore_mem>>) src(%arg13 : memref<125x64xf32, #tpu.memory_space<vmem>>) dst(%dma_wait3A_494 : memref<10000x64xf32, #tpu.memory_space<vmem_shared>>)
        %add3A_495 = arith.constant 8 : i32
        %add3A_496 = arith.addi %add3A_458, %add3A_495 : i32
        %dma_start3A_497 = arith.constant 0 : i32
        %dma_start3A_498 = tpu.memref_slice %arg6[%add3A_496, %dma_start3A_497] : memref<80x125xi32, #tpu.memory_space<vmem>> -> memref<1x125xi32, #tpu.memory_space<vmem>>
        %dma_start3A_499 = tpu.memref_squeeze %dma_start3A_498 : memref<1x125xi32, #tpu.memory_space<vmem>> -> memref<125xi32, #tpu.memory_space<vmem>>
        %dma_start3A_500 = arith.constant 0 : i32
        %dma_start3A_501 = arith.constant 0 : i32
        %dma_start3A_502 = tpu.memref_slice %arg2[%dma_start3A_500, %dma_start3A_501] : memref<40000x64xf32, #tpu.memory_space<hbm>> -> memref<40000x64xf32, #tpu.memory_space<hbm>>
        tpu.enqueue_indirect_dma source(%dma_start3A_502 : memref<40000x64xf32, #tpu.memory_space<hbm>>) target(%arg13 : memref<125x64xf32, #tpu.memory_space<vmem>>) offsets(%dma_start3A_499 : memref<125xi32, #tpu.memory_space<vmem>>) semaphore(%arg22 : memref<!tpu.dma_semaphore, #tpu.memory_space<semaphore_mem>>)
      } else {
      }
      %mul3A_466 = arith.constant 8 : i32
      %mul3A_467 = arith.muli %mul3A_466, %scan3A_273 : i32
      %add3A_468 = arith.constant 6 : i32
      %add3A_469 = arith.addi %mul3A_467, %add3A_468 : i32
      %add3A_470 = arith.constant 8 : i32
      %add3A_471 = arith.addi %add3A_469, %add3A_470 : i32
      %lt3A_472 = arith.constant 80 : i32
      %lt3A_473 = arith.cmpi slt, %add3A_471, %lt3A_472 : i32
      %convert_element_type3A_474 = arith.extui %lt3A_473 : i1 to i32
      %cond3A_475 = arith.constant 0 : i32
      %cond3A_476 = arith.cmpi ne, %convert_element_type3A_474, %cond3A_475 : i32
      scf.if %cond3A_476 {
        %dma_wait3A_489 = arith.constant 0 : i32
        %dma_wait3A_490 = tpu.memref_slice %arg7[%add3A_469, %dma_wait3A_489] : memref<80x125xi32, #tpu.memory_space<vmem>> -> memref<1x125xi32, #tpu.memory_space<vmem>>
        %dma_wait3A_491 = tpu.memref_squeeze %dma_wait3A_490 : memref<1x125xi32, #tpu.memory_space<vmem>> -> memref<125xi32, #tpu.memory_space<vmem>>
        %dma_wait3A_492 = arith.constant 0 : i32
        %dma_wait3A_493 = arith.constant 0 : i32
        %dma_wait3A_494 = tpu.memref_slice %arg16[%dma_wait3A_492, %dma_wait3A_493] : memref<10000x64xf32, #tpu.memory_space<vmem_shared>> -> memref<10000x64xf32, #tpu.memory_space<vmem_shared>>
        tpu.wait_indirect_dma semaphore(%arg31 : memref<!tpu.dma_semaphore, #tpu.memory_space<semaphore_mem>>) src(%arg14 : memref<125x64xf32, #tpu.memory_space<vmem>>) dst(%dma_wait3A_494 : memref<10000x64xf32, #tpu.memory_space<vmem_shared>>)
        %add3A_495 = arith.constant 8 : i32
        %add3A_496 = arith.addi %add3A_469, %add3A_495 : i32
        %dma_start3A_497 = arith.constant 0 : i32
        %dma_start3A_498 = tpu.memref_slice %arg6[%add3A_496, %dma_start3A_497] : memref<80x125xi32, #tpu.memory_space<vmem>> -> memref<1x125xi32, #tpu.memory_space<vmem>>
        %dma_start3A_499 = tpu.memref_squeeze %dma_start3A_498 : memref<1x125xi32, #tpu.memory_space<vmem>> -> memref<125xi32, #tpu.memory_space<vmem>>
        %dma_start3A_500 = arith.constant 0 : i32
        %dma_start3A_501 = arith.constant 0 : i32
        %dma_start3A_502 = tpu.memref_slice %arg2[%dma_start3A_500, %dma_start3A_501] : memref<40000x64xf32, #tpu.memory_space<hbm>> -> memref<40000x64xf32, #tpu.memory_space<hbm>>
        tpu.enqueue_indirect_dma source(%dma_start3A_502 : memref<40000x64xf32, #tpu.memory_space<hbm>>) target(%arg14 : memref<125x64xf32, #tpu.memory_space<vmem>>) offsets(%dma_start3A_499 : memref<125xi32, #tpu.memory_space<vmem>>) semaphore(%arg23 : memref<!tpu.dma_semaphore, #tpu.memory_space<semaphore_mem>>)
      } else {
      }
      %mul3A_477 = arith.constant 8 : i32
      %mul3A_478 = arith.muli %mul3A_477, %scan3A_273 : i32
      %add3A_479 = arith.constant 7 : i32
      %add3A_480 = arith.addi %mul3A_478, %add3A_479 : i32
      %add3A_481 = arith.constant 8 : i32
      %add3A_482 = arith.addi %add3A_480, %add3A_481 : i32
      %lt3A_483 = arith.constant 80 : i32
      %lt3A_484 = arith.cmpi slt, %add3A_482, %lt3A_483 : i32
      %convert_element_type3A_485 = arith.extui %lt3A_484 : i1 to i32
      %cond3A_486 = arith.constant 0 : i32
      %cond3A_487 = arith.cmpi ne, %convert_element_type3A_485, %cond3A_486 : i32
      scf.if %cond3A_487 {
        %dma_wait3A_489 = arith.constant 0 : i32
        %dma_wait3A_490 = tpu.memref_slice %arg7[%add3A_480, %dma_wait3A_489] : memref<80x125xi32, #tpu.memory_space<vmem>> -> memref<1x125xi32, #tpu.memory_space<vmem>>
        %dma_wait3A_491 = tpu.memref_squeeze %dma_wait3A_490 : memref<1x125xi32, #tpu.memory_space<vmem>> -> memref<125xi32, #tpu.memory_space<vmem>>
        %dma_wait3A_492 = arith.constant 0 : i32
        %dma_wait3A_493 = arith.constant 0 : i32
        %dma_wait3A_494 = tpu.memref_slice %arg16[%dma_wait3A_492, %dma_wait3A_493] : memref<10000x64xf32, #tpu.memory_space<vmem_shared>> -> memref<10000x64xf32, #tpu.memory_space<vmem_shared>>
        tpu.wait_indirect_dma semaphore(%arg32 : memref<!tpu.dma_semaphore, #tpu.memory_space<semaphore_mem>>) src(%arg15 : memref<125x64xf32, #tpu.memory_space<vmem>>) dst(%dma_wait3A_494 : memref<10000x64xf32, #tpu.memory_space<vmem_shared>>)
        %add3A_495 = arith.constant 8 : i32
        %add3A_496 = arith.addi %add3A_480, %add3A_495 : i32
        %dma_start3A_497 = arith.constant 0 : i32
        %dma_start3A_498 = tpu.memref_slice %arg6[%add3A_496, %dma_start3A_497] : memref<80x125xi32, #tpu.memory_space<vmem>> -> memref<1x125xi32, #tpu.memory_space<vmem>>
        %dma_start3A_499 = tpu.memref_squeeze %dma_start3A_498 : memref<1x125xi32, #tpu.memory_space<vmem>> -> memref<125xi32, #tpu.memory_space<vmem>>
        %dma_start3A_500 = arith.constant 0 : i32
        %dma_start3A_501 = arith.constant 0 : i32
        %dma_start3A_502 = tpu.memref_slice %arg2[%dma_start3A_500, %dma_start3A_501] : memref<40000x64xf32, #tpu.memory_space<hbm>> -> memref<40000x64xf32, #tpu.memory_space<hbm>>
        tpu.enqueue_indirect_dma source(%dma_start3A_502 : memref<40000x64xf32, #tpu.memory_space<hbm>>) target(%arg15 : memref<125x64xf32, #tpu.memory_space<vmem>>) offsets(%dma_start3A_499 : memref<125xi32, #tpu.memory_space<vmem>>) semaphore(%arg24 : memref<!tpu.dma_semaphore, #tpu.memory_space<semaphore_mem>>)
      } else {
      }
      %scan3A_488 = arith.constant 0 : i32
      scf.yield %scan3A_488 : i32
    }
    %scan3A_211 = arith.constant 10 : i32
    %dma_wait3A_212 = arith.constant 72 : i32
    %dma_wait3A_213 = arith.constant 0 : i32
    %dma_wait3A_214 = tpu.memref_slice %arg7[%dma_wait3A_212, %dma_wait3A_213] : memref<80x125xi32, #tpu.memory_space<vmem>> -> memref<1x125xi32, #tpu.memory_space<vmem>>
    %dma_wait3A_215 = tpu.memref_squeeze %dma_wait3A_214 : memref<1x125xi32, #tpu.memory_space<vmem>> -> memref<125xi32, #tpu.memory_space<vmem>>
    %dma_wait3A_216 = arith.constant 0 : i32
    %dma_wait3A_217 = arith.constant 0 : i32
    %dma_wait3A_218 = tpu.memref_slice %arg16[%dma_wait3A_216, %dma_wait3A_217] : memref<10000x64xf32, #tpu.memory_space<vmem_shared>> -> memref<10000x64xf32, #tpu.memory_space<vmem_shared>>
    tpu.wait_indirect_dma semaphore(%arg25 : memref<!tpu.dma_semaphore, #tpu.memory_space<semaphore_mem>>) src(%arg8 : memref<125x64xf32, #tpu.memory_space<vmem>>) dst(%dma_wait3A_218 : memref<10000x64xf32, #tpu.memory_space<vmem_shared>>)
    %dma_wait3A_219 = arith.constant 73 : i32
    %dma_wait3A_220 = arith.constant 0 : i32
    %dma_wait3A_221 = tpu.memref_slice %arg7[%dma_wait3A_219, %dma_wait3A_220] : memref<80x125xi32, #tpu.memory_space<vmem>> -> memref<1x125xi32, #tpu.memory_space<vmem>>
    %dma_wait3A_222 = tpu.memref_squeeze %dma_wait3A_221 : memref<1x125xi32, #tpu.memory_space<vmem>> -> memref<125xi32, #tpu.memory_space<vmem>>
    %dma_wait3A_223 = arith.constant 0 : i32
    %dma_wait3A_224 = arith.constant 0 : i32
    %dma_wait3A_225 = tpu.memref_slice %arg16[%dma_wait3A_223, %dma_wait3A_224] : memref<10000x64xf32, #tpu.memory_space<vmem_shared>> -> memref<10000x64xf32, #tpu.memory_space<vmem_shared>>
    tpu.wait_indirect_dma semaphore(%arg26 : memref<!tpu.dma_semaphore, #tpu.memory_space<semaphore_mem>>) src(%arg9 : memref<125x64xf32, #tpu.memory_space<vmem>>) dst(%dma_wait3A_225 : memref<10000x64xf32, #tpu.memory_space<vmem_shared>>)
    %dma_wait3A_226 = arith.constant 74 : i32
    %dma_wait3A_227 = arith.constant 0 : i32
    %dma_wait3A_228 = tpu.memref_slice %arg7[%dma_wait3A_226, %dma_wait3A_227] : memref<80x125xi32, #tpu.memory_space<vmem>> -> memref<1x125xi32, #tpu.memory_space<vmem>>
    %dma_wait3A_229 = tpu.memref_squeeze %dma_wait3A_228 : memref<1x125xi32, #tpu.memory_space<vmem>> -> memref<125xi32, #tpu.memory_space<vmem>>
    %dma_wait3A_230 = arith.constant 0 : i32
    %dma_wait3A_231 = arith.constant 0 : i32
    %dma_wait3A_232 = tpu.memref_slice %arg16[%dma_wait3A_230, %dma_wait3A_231] : memref<10000x64xf32, #tpu.memory_space<vmem_shared>> -> memref<10000x64xf32, #tpu.memory_space<vmem_shared>>
    tpu.wait_indirect_dma semaphore(%arg27 : memref<!tpu.dma_semaphore, #tpu.memory_space<semaphore_mem>>) src(%arg10 : memref<125x64xf32, #tpu.memory_space<vmem>>) dst(%dma_wait3A_232 : memref<10000x64xf32, #tpu.memory_space<vmem_shared>>)
    %dma_wait3A_233 = arith.constant 75 : i32
    %dma_wait3A_234 = arith.constant 0 : i32
    %dma_wait3A_235 = tpu.memref_slice %arg7[%dma_wait3A_233, %dma_wait3A_234] : memref<80x125xi32, #tpu.memory_space<vmem>> -> memref<1x125xi32, #tpu.memory_space<vmem>>
    %dma_wait3A_236 = tpu.memref_squeeze %dma_wait3A_235 : memref<1x125xi32, #tpu.memory_space<vmem>> -> memref<125xi32, #tpu.memory_space<vmem>>
    %dma_wait3A_237 = arith.constant 0 : i32
    %dma_wait3A_238 = arith.constant 0 : i32
    %dma_wait3A_239 = tpu.memref_slice %arg16[%dma_wait3A_237, %dma_wait3A_238] : memref<10000x64xf32, #tpu.memory_space<vmem_shared>> -> memref<10000x64xf32, #tpu.memory_space<vmem_shared>>
    tpu.wait_indirect_dma semaphore(%arg28 : memref<!tpu.dma_semaphore, #tpu.memory_space<semaphore_mem>>) src(%arg11 : memref<125x64xf32, #tpu.memory_space<vmem>>) dst(%dma_wait3A_239 : memref<10000x64xf32, #tpu.memory_space<vmem_shared>>)
    %dma_wait3A_240 = arith.constant 76 : i32
    %dma_wait3A_241 = arith.constant 0 : i32
    %dma_wait3A_242 = tpu.memref_slice %arg7[%dma_wait3A_240, %dma_wait3A_241] : memref<80x125xi32, #tpu.memory_space<vmem>> -> memref<1x125xi32, #tpu.memory_space<vmem>>
    %dma_wait3A_243 = tpu.memref_squeeze %dma_wait3A_242 : memref<1x125xi32, #tpu.memory_space<vmem>> -> memref<125xi32, #tpu.memory_space<vmem>>
    %dma_wait3A_244 = arith.constant 0 : i32
    %dma_wait3A_245 = arith.constant 0 : i32
    %dma_wait3A_246 = tpu.memref_slice %arg16[%dma_wait3A_244, %dma_wait3A_245] : memref<10000x64xf32, #tpu.memory_space<vmem_shared>> -> memref<10000x64xf32, #tpu.memory_space<vmem_shared>>
    tpu.wait_indirect_dma semaphore(%arg29 : memref<!tpu.dma_semaphore, #tpu.memory_space<semaphore_mem>>) src(%arg12 : memref<125x64xf32, #tpu.memory_space<vmem>>) dst(%dma_wait3A_246 : memref<10000x64xf32, #tpu.memory_space<vmem_shared>>)
    %dma_wait3A_247 = arith.constant 77 : i32
    %dma_wait3A_248 = arith.constant 0 : i32
    %dma_wait3A_249 = tpu.memref_slice %arg7[%dma_wait3A_247, %dma_wait3A_248] : memref<80x125xi32, #tpu.memory_space<vmem>> -> memref<1x125xi32, #tpu.memory_space<vmem>>
    %dma_wait3A_250 = tpu.memref_squeeze %dma_wait3A_249 : memref<1x125xi32, #tpu.memory_space<vmem>> -> memref<125xi32, #tpu.memory_space<vmem>>
    %dma_wait3A_251 = arith.constant 0 : i32
    %dma_wait3A_252 = arith.constant 0 : i32
    %dma_wait3A_253 = tpu.memref_slice %arg16[%dma_wait3A_251, %dma_wait3A_252] : memref<10000x64xf32, #tpu.memory_space<vmem_shared>> -> memref<10000x64xf32, #tpu.memory_space<vmem_shared>>
    tpu.wait_indirect_dma semaphore(%arg30 : memref<!tpu.dma_semaphore, #tpu.memory_space<semaphore_mem>>) src(%arg13 : memref<125x64xf32, #tpu.memory_space<vmem>>) dst(%dma_wait3A_253 : memref<10000x64xf32, #tpu.memory_space<vmem_shared>>)
    %dma_wait3A_254 = arith.constant 78 : i32
    %dma_wait3A_255 = arith.constant 0 : i32
    %dma_wait3A_256 = tpu.memref_slice %arg7[%dma_wait3A_254, %dma_wait3A_255] : memref<80x125xi32, #tpu.memory_space<vmem>> -> memref<1x125xi32, #tpu.memory_space<vmem>>
    %dma_wait3A_257 = tpu.memref_squeeze %dma_wait3A_256 : memref<1x125xi32, #tpu.memory_space<vmem>> -> memref<125xi32, #tpu.memory_space<vmem>>
    %dma_wait3A_258 = arith.constant 0 : i32
    %dma_wait3A_259 = arith.constant 0 : i32
    %dma_wait3A_260 = tpu.memref_slice %arg16[%dma_wait3A_258, %dma_wait3A_259] : memref<10000x64xf32, #tpu.memory_space<vmem_shared>> -> memref<10000x64xf32, #tpu.memory_space<vmem_shared>>
    tpu.wait_indirect_dma semaphore(%arg31 : memref<!tpu.dma_semaphore, #tpu.memory_space<semaphore_mem>>) src(%arg14 : memref<125x64xf32, #tpu.memory_space<vmem>>) dst(%dma_wait3A_260 : memref<10000x64xf32, #tpu.memory_space<vmem_shared>>)
    %dma_wait3A_261 = arith.constant 79 : i32
    %dma_wait3A_262 = arith.constant 0 : i32
    %dma_wait3A_263 = tpu.memref_slice %arg7[%dma_wait3A_261, %dma_wait3A_262] : memref<80x125xi32, #tpu.memory_space<vmem>> -> memref<1x125xi32, #tpu.memory_space<vmem>>
    %dma_wait3A_264 = tpu.memref_squeeze %dma_wait3A_263 : memref<1x125xi32, #tpu.memory_space<vmem>> -> memref<125xi32, #tpu.memory_space<vmem>>
    %dma_wait3A_265 = arith.constant 0 : i32
    %dma_wait3A_266 = arith.constant 0 : i32
    %dma_wait3A_267 = tpu.memref_slice %arg16[%dma_wait3A_265, %dma_wait3A_266] : memref<10000x64xf32, #tpu.memory_space<vmem_shared>> -> memref<10000x64xf32, #tpu.memory_space<vmem_shared>>
    tpu.wait_indirect_dma semaphore(%arg32 : memref<!tpu.dma_semaphore, #tpu.memory_space<semaphore_mem>>) src(%arg15 : memref<125x64xf32, #tpu.memory_space<vmem>>) dst(%dma_wait3A_267 : memref<10000x64xf32, #tpu.memory_space<vmem_shared>>)
    %barrier3A_268 = arith.constant 0 : index
    tpu.barrier barrier_id(%barrier3A_268)
    %mul3A_269 = arith.constant 10000 : i32
    %mul3A_270 = arith.muli %arg0, %mul3A_269 : i32
    %add3A_271 = arith.addi %mul3A_270, %min3A_1 : i32
    "tpu.region"() ({
      %run_scoped3A = tpu.sem_alloc : memref<!tpu.dma_semaphore, #tpu.memory_space<semaphore_mem>>
      %dma_start3A_273 = arith.constant 64 : i32
      %dma_start3A_274 = tpu.memref_slice %arg5[%add3A_271, %dma_start3A_273] : memref<20000x128xf32, #tpu.memory_space<hbm>> -> memref<632x64xf32, #tpu.memory_space<hbm>>
      %dma_start3A_275 = arith.constant 0 : i32
      %dma_start3A_276 = tpu.memref_slice %arg16[%min3A_1, %dma_start3A_275] : memref<10000x64xf32, #tpu.memory_space<vmem_shared>> -> memref<632x64xf32, #tpu.memory_space<vmem_shared>>
      tpu.enqueue_dma source(%dma_start3A_276 : memref<632x64xf32, #tpu.memory_space<vmem_shared>>) target(%dma_start3A_274 : memref<632x64xf32, #tpu.memory_space<hbm>>) target_semaphore(%run_scoped3A : memref<!tpu.dma_semaphore, #tpu.memory_space<semaphore_mem>>)
      %dma_wait3A_277 = arith.constant 64 : i32
      %dma_wait3A_278 = tpu.memref_slice %arg5[%add3A_271, %dma_wait3A_277] : memref<20000x128xf32, #tpu.memory_space<hbm>> -> memref<632x64xf32, #tpu.memory_space<hbm>>
      %dma_wait3A_279 = arith.constant 0 : i32
      %dma_wait3A_280 = tpu.memref_slice %arg16[%min3A_1, %dma_wait3A_279] : memref<10000x64xf32, #tpu.memory_space<vmem_shared>> -> memref<632x64xf32, #tpu.memory_space<vmem_shared>>
      tpu.wait_dma2 semaphore(%run_scoped3A : memref<!tpu.dma_semaphore, #tpu.memory_space<semaphore_mem>>) src(%dma_wait3A_280 : memref<632x64xf32, #tpu.memory_space<vmem_shared>>) dst(%dma_wait3A_278 : memref<632x64xf32, #tpu.memory_space<hbm>>)
      tpu.yield
    }) : () -> ()
    %barrier3A_272 = arith.constant 0 : index
    tpu.barrier barrier_id(%barrier3A_272)
    return
  }
}

#map = affine_map<(d0, d1) -> (0, 0)>
#map1 = affine_map<(d0, d1) -> (0, 0, 0)>
module attributes {stable_mosaic.version = 14 : i64} {
  func.func @_sc_aggregate_body(%arg0: i32, %arg1: i32, %arg2: memref<40000x64xf32, #tpu.memory_space<hbm>>, %arg3: memref<64x80x125xi32, #tpu.memory_space<hbm>>, %arg4: memref<16x80x125xi32, #tpu.memory_space<hbm>>, %arg5: memref<20000x128xf32, #tpu.memory_space<hbm>>, %arg6: memref<80x125xi32, #tpu.memory_space<vmem>>, %arg7: memref<80x125xi32, #tpu.memory_space<vmem>>, %arg8: memref<125x64xf32, #tpu.memory_space<vmem>>, %arg9: memref<125x64xf32, #tpu.memory_space<vmem>>, %arg10: memref<125x64xf32, #tpu.memory_space<vmem>>, %arg11: memref<125x64xf32, #tpu.memory_space<vmem>>, %arg12: memref<125x64xf32, #tpu.memory_space<vmem>>, %arg13: memref<125x64xf32, #tpu.memory_space<vmem>>, %arg14: memref<125x64xf32, #tpu.memory_space<vmem>>, %arg15: memref<125x64xf32, #tpu.memory_space<vmem>>, %arg16: memref<10000x64xf32, #tpu.memory_space<vmem_shared>>, %arg17: memref<!tpu.dma_semaphore, #tpu.memory_space<semaphore_mem>>, %arg18: memref<!tpu.dma_semaphore, #tpu.memory_space<semaphore_mem>>, %arg19: memref<!tpu.dma_semaphore, #tpu.memory_space<semaphore_mem>>, %arg20: memref<!tpu.dma_semaphore, #tpu.memory_space<semaphore_mem>>, %arg21: memref<!tpu.dma_semaphore, #tpu.memory_space<semaphore_mem>>, %arg22: memref<!tpu.dma_semaphore, #tpu.memory_space<semaphore_mem>>, %arg23: memref<!tpu.dma_semaphore, #tpu.memory_space<semaphore_mem>>, %arg24: memref<!tpu.dma_semaphore, #tpu.memory_space<semaphore_mem>>, %arg25: memref<!tpu.dma_semaphore, #tpu.memory_space<semaphore_mem>>, %arg26: memref<!tpu.dma_semaphore, #tpu.memory_space<semaphore_mem>>, %arg27: memref<!tpu.dma_semaphore, #tpu.memory_space<semaphore_mem>>, %arg28: memref<!tpu.dma_semaphore, #tpu.memory_space<semaphore_mem>>, %arg29: memref<!tpu.dma_semaphore, #tpu.memory_space<semaphore_mem>>, %arg30: memref<!tpu.dma_semaphore, #tpu.memory_space<semaphore_mem>>, %arg31: memref<!tpu.dma_semaphore, #tpu.memory_space<semaphore_mem>>, %arg32: memref<!tpu.dma_semaphore, #tpu.memory_space<semaphore_mem>>) attributes {dimension_semantics = [#tpu.dimension_semantics<core_parallel>, #tpu.dimension_semantics<subcore_parallel>], iteration_bounds = array<i64: 2, 16>, scalar_prefetch = 0 : i64, scratch_operands = 27 : i64, tpu.core_type = #tpu.core_type<sc_vector_subcore>, window_params = [{transform_indices = #map}, {transform_indices = #map1}, {transform_indices = #map1}, {transform_indices = #map}]} {
    "tpu.region"() ({
      %run_scoped3A = tpu.sem_alloc : memref<!tpu.dma_semaphore, #tpu.memory_space<semaphore_mem>>
      %dma_start3A_273 = arith.constant 0 : i32
      %dma_start3A_274 = arith.constant 0 : i32
      %dma_start3A_275 = tpu.memref_slice %arg4[%arg1, %dma_start3A_273, %dma_start3A_274] : memref<16x80x125xi32, #tpu.memory_space<hbm>> -> memref<1x80x125xi32, #tpu.memory_space<hbm>>
      %dma_start3A_276 = tpu.memref_squeeze %dma_start3A_275 : memref<1x80x125xi32, #tpu.memory_space<hbm>> -> memref<80x125xi32, #tpu.memory_space<hbm>>
      %dma_start3A_277 = arith.constant 0 : i32
      %dma_start3A_278 = arith.constant 0 : i32
      %dma_start3A_279 = tpu.memref_slice %arg4[%arg1, %dma_start3A_277, %dma_start3A_278] : memref<16x80x125xi32, #tpu.memory_space<hbm>> -> memref<1x80x125xi32, #tpu.memory_space<hbm>>
      %dma_start3A_280 = tpu.memref_squeeze %dma_start3A_279 : memref<1x80x125xi32, #tpu.memory_space<hbm>> -> memref<80x125xi32, #tpu.memory_space<hbm>>
      tpu.enqueue_dma source(%dma_start3A_280 : memref<80x125xi32, #tpu.memory_space<hbm>>) target(%arg7 : memref<80x125xi32, #tpu.memory_space<vmem>>) target_semaphore(%run_scoped3A : memref<!tpu.dma_semaphore, #tpu.memory_space<semaphore_mem>>)
      %dma_wait3A_281 = arith.constant 0 : i32
      %dma_wait3A_282 = arith.constant 0 : i32
      %dma_wait3A_283 = tpu.memref_slice %arg4[%arg1, %dma_wait3A_281, %dma_wait3A_282] : memref<16x80x125xi32, #tpu.memory_space<hbm>> -> memref<1x80x125xi32, #tpu.memory_space<hbm>>
      %dma_wait3A_284 = tpu.memref_squeeze %dma_wait3A_283 : memref<1x80x125xi32, #tpu.memory_space<hbm>> -> memref<80x125xi32, #tpu.memory_space<hbm>>
      %dma_wait3A_285 = arith.constant 0 : i32
      %dma_wait3A_286 = arith.constant 0 : i32
      %dma_wait3A_287 = tpu.memref_slice %arg4[%arg1, %dma_wait3A_285, %dma_wait3A_286] : memref<16x80x125xi32, #tpu.memory_space<hbm>> -> memref<1x80x125xi32, #tpu.memory_space<hbm>>
      %dma_wait3A_288 = tpu.memref_squeeze %dma_wait3A_287 : memref<1x80x125xi32, #tpu.memory_space<hbm>> -> memref<80x125xi32, #tpu.memory_space<hbm>>
      tpu.wait_dma2 semaphore(%run_scoped3A : memref<!tpu.dma_semaphore, #tpu.memory_space<semaphore_mem>>) src(%dma_wait3A_288 : memref<80x125xi32, #tpu.memory_space<hbm>>) dst(%arg7 : memref<80x125xi32, #tpu.memory_space<vmem>>)
      tpu.yield
    }) : () -> ()
    %mul3A = arith.constant 632 : i32
    %mul3A_0 = arith.muli %arg1, %mul3A : i32
    %min3A = arith.constant 9368 : i32
    %min3A_1 = arith.minsi %mul3A_0, %min3A : i32
    %mul3A_2 = arith.constant 2 : i32
    %mul3A_3 = arith.muli %arg0, %mul3A_2 : i32
    %mul3A_4 = arith.constant 16 : i32
    %mul3A_5 = arith.muli %mul3A_3, %mul3A_4 : i32
    %add3A = arith.addi %mul3A_5, %arg1 : i32
    "tpu.region"() ({
      %run_scoped3A = tpu.sem_alloc : memref<!tpu.dma_semaphore, #tpu.memory_space<semaphore_mem>>
      %dma_start3A_273 = arith.constant 0 : i32
      %dma_start3A_274 = arith.constant 0 : i32
      %dma_start3A_275 = tpu.memref_slice %arg3[%add3A, %dma_start3A_273, %dma_start3A_274] : memref<64x80x125xi32, #tpu.memory_space<hbm>> -> memref<1x80x125xi32, #tpu.memory_space<hbm>>
      %dma_start3A_276 = tpu.memref_squeeze %dma_start3A_275 : memref<1x80x125xi32, #tpu.memory_space<hbm>> -> memref<80x125xi32, #tpu.memory_space<hbm>>
      %dma_start3A_277 = arith.constant 0 : i32
      %dma_start3A_278 = arith.constant 0 : i32
      %dma_start3A_279 = tpu.memref_slice %arg3[%add3A, %dma_start3A_277, %dma_start3A_278] : memref<64x80x125xi32, #tpu.memory_space<hbm>> -> memref<1x80x125xi32, #tpu.memory_space<hbm>>
      %dma_start3A_280 = tpu.memref_squeeze %dma_start3A_279 : memref<1x80x125xi32, #tpu.memory_space<hbm>> -> memref<80x125xi32, #tpu.memory_space<hbm>>
      tpu.enqueue_dma source(%dma_start3A_280 : memref<80x125xi32, #tpu.memory_space<hbm>>) target(%arg6 : memref<80x125xi32, #tpu.memory_space<vmem>>) target_semaphore(%run_scoped3A : memref<!tpu.dma_semaphore, #tpu.memory_space<semaphore_mem>>)
      %dma_wait3A_281 = arith.constant 0 : i32
      %dma_wait3A_282 = arith.constant 0 : i32
      %dma_wait3A_283 = tpu.memref_slice %arg3[%add3A, %dma_wait3A_281, %dma_wait3A_282] : memref<64x80x125xi32, #tpu.memory_space<hbm>> -> memref<1x80x125xi32, #tpu.memory_space<hbm>>
      %dma_wait3A_284 = tpu.memref_squeeze %dma_wait3A_283 : memref<1x80x125xi32, #tpu.memory_space<hbm>> -> memref<80x125xi32, #tpu.memory_space<hbm>>
      %dma_wait3A_285 = arith.constant 0 : i32
      %dma_wait3A_286 = arith.constant 0 : i32
      %dma_wait3A_287 = tpu.memref_slice %arg3[%add3A, %dma_wait3A_285, %dma_wait3A_286] : memref<64x80x125xi32, #tpu.memory_space<hbm>> -> memref<1x80x125xi32, #tpu.memory_space<hbm>>
      %dma_wait3A_288 = tpu.memref_squeeze %dma_wait3A_287 : memref<1x80x125xi32, #tpu.memory_space<hbm>> -> memref<80x125xi32, #tpu.memory_space<hbm>>
      tpu.wait_dma2 semaphore(%run_scoped3A : memref<!tpu.dma_semaphore, #tpu.memory_space<semaphore_mem>>) src(%dma_wait3A_288 : memref<80x125xi32, #tpu.memory_space<hbm>>) dst(%arg6 : memref<80x125xi32, #tpu.memory_space<vmem>>)
      tpu.yield
    }) : () -> ()
    %dma_start3A = arith.constant 0 : i32
    %dma_start3A_6 = arith.constant 0 : i32
    %dma_start3A_7 = tpu.memref_slice %arg6[%dma_start3A, %dma_start3A_6] : memref<80x125xi32, #tpu.memory_space<vmem>> -> memref<1x125xi32, #tpu.memory_space<vmem>>
    %dma_start3A_8 = tpu.memref_squeeze %dma_start3A_7 : memref<1x125xi32, #tpu.memory_space<vmem>> -> memref<125xi32, #tpu.memory_space<vmem>>
    %dma_start3A_9 = arith.constant 0 : i32
    %dma_start3A_10 = arith.constant 0 : i32
    %dma_start3A_11 = tpu.memref_slice %arg2[%dma_start3A_9, %dma_start3A_10] : memref<40000x64xf32, #tpu.memory_space<hbm>> -> memref<40000x64xf32, #tpu.memory_space<hbm>>
    tpu.enqueue_indirect_dma source(%dma_start3A_11 : memref<40000x64xf32, #tpu.memory_space<hbm>>) target(%arg8 : memref<125x64xf32, #tpu.memory_space<vmem>>) offsets(%dma_start3A_8 : memref<125xi32, #tpu.memory_space<vmem>>) semaphore(%arg17 : memref<!tpu.dma_semaphore, #tpu.memory_space<semaphore_mem>>)
    %dma_start3A_12 = arith.constant 1 : i32
    %dma_start3A_13 = arith.constant 0 : i32
    %dma_start3A_14 = tpu.memref_slice %arg6[%dma_start3A_12, %dma_start3A_13] : memref<80x125xi32, #tpu.memory_space<vmem>> -> memref<1x125xi32, #tpu.memory_space<vmem>>
    %dma_start3A_15 = tpu.memref_squeeze %dma_start3A_14 : memref<1x125xi32, #tpu.memory_space<vmem>> -> memref<125xi32, #tpu.memory_space<vmem>>
    %dma_start3A_16 = arith.constant 0 : i32
    %dma_start3A_17 = arith.constant 0 : i32
    %dma_start3A_18 = tpu.memref_slice %arg2[%dma_start3A_16, %dma_start3A_17] : memref<40000x64xf32, #tpu.memory_space<hbm>> -> memref<40000x64xf32, #tpu.memory_space<hbm>>
    tpu.enqueue_indirect_dma source(%dma_start3A_18 : memref<40000x64xf32, #tpu.memory_space<hbm>>) target(%arg9 : memref<125x64xf32, #tpu.memory_space<vmem>>) offsets(%dma_start3A_15 : memref<125xi32, #tpu.memory_space<vmem>>) semaphore(%arg18 : memref<!tpu.dma_semaphore, #tpu.memory_space<semaphore_mem>>)
    %dma_start3A_19 = arith.constant 2 : i32
    %dma_start3A_20 = arith.constant 0 : i32
    %dma_start3A_21 = tpu.memref_slice %arg6[%dma_start3A_19, %dma_start3A_20] : memref<80x125xi32, #tpu.memory_space<vmem>> -> memref<1x125xi32, #tpu.memory_space<vmem>>
    %dma_start3A_22 = tpu.memref_squeeze %dma_start3A_21 : memref<1x125xi32, #tpu.memory_space<vmem>> -> memref<125xi32, #tpu.memory_space<vmem>>
    %dma_start3A_23 = arith.constant 0 : i32
    %dma_start3A_24 = arith.constant 0 : i32
    %dma_start3A_25 = tpu.memref_slice %arg2[%dma_start3A_23, %dma_start3A_24] : memref<40000x64xf32, #tpu.memory_space<hbm>> -> memref<40000x64xf32, #tpu.memory_space<hbm>>
    tpu.enqueue_indirect_dma source(%dma_start3A_25 : memref<40000x64xf32, #tpu.memory_space<hbm>>) target(%arg10 : memref<125x64xf32, #tpu.memory_space<vmem>>) offsets(%dma_start3A_22 : memref<125xi32, #tpu.memory_space<vmem>>) semaphore(%arg19 : memref<!tpu.dma_semaphore, #tpu.memory_space<semaphore_mem>>)
    %dma_start3A_26 = arith.constant 3 : i32
    %dma_start3A_27 = arith.constant 0 : i32
    %dma_start3A_28 = tpu.memref_slice %arg6[%dma_start3A_26, %dma_start3A_27] : memref<80x125xi32, #tpu.memory_space<vmem>> -> memref<1x125xi32, #tpu.memory_space<vmem>>
    %dma_start3A_29 = tpu.memref_squeeze %dma_start3A_28 : memref<1x125xi32, #tpu.memory_space<vmem>> -> memref<125xi32, #tpu.memory_space<vmem>>
    %dma_start3A_30 = arith.constant 0 : i32
    %dma_start3A_31 = arith.constant 0 : i32
    %dma_start3A_32 = tpu.memref_slice %arg2[%dma_start3A_30, %dma_start3A_31] : memref<40000x64xf32, #tpu.memory_space<hbm>> -> memref<40000x64xf32, #tpu.memory_space<hbm>>
    tpu.enqueue_indirect_dma source(%dma_start3A_32 : memref<40000x64xf32, #tpu.memory_space<hbm>>) target(%arg11 : memref<125x64xf32, #tpu.memory_space<vmem>>) offsets(%dma_start3A_29 : memref<125xi32, #tpu.memory_space<vmem>>) semaphore(%arg20 : memref<!tpu.dma_semaphore, #tpu.memory_space<semaphore_mem>>)
    %dma_start3A_33 = arith.constant 4 : i32
    %dma_start3A_34 = arith.constant 0 : i32
    %dma_start3A_35 = tpu.memref_slice %arg6[%dma_start3A_33, %dma_start3A_34] : memref<80x125xi32, #tpu.memory_space<vmem>> -> memref<1x125xi32, #tpu.memory_space<vmem>>
    %dma_start3A_36 = tpu.memref_squeeze %dma_start3A_35 : memref<1x125xi32, #tpu.memory_space<vmem>> -> memref<125xi32, #tpu.memory_space<vmem>>
    %dma_start3A_37 = arith.constant 0 : i32
    %dma_start3A_38 = arith.constant 0 : i32
    %dma_start3A_39 = tpu.memref_slice %arg2[%dma_start3A_37, %dma_start3A_38] : memref<40000x64xf32, #tpu.memory_space<hbm>> -> memref<40000x64xf32, #tpu.memory_space<hbm>>
    tpu.enqueue_indirect_dma source(%dma_start3A_39 : memref<40000x64xf32, #tpu.memory_space<hbm>>) target(%arg12 : memref<125x64xf32, #tpu.memory_space<vmem>>) offsets(%dma_start3A_36 : memref<125xi32, #tpu.memory_space<vmem>>) semaphore(%arg21 : memref<!tpu.dma_semaphore, #tpu.memory_space<semaphore_mem>>)
    %dma_start3A_40 = arith.constant 5 : i32
    %dma_start3A_41 = arith.constant 0 : i32
    %dma_start3A_42 = tpu.memref_slice %arg6[%dma_start3A_40, %dma_start3A_41] : memref<80x125xi32, #tpu.memory_space<vmem>> -> memref<1x125xi32, #tpu.memory_space<vmem>>
    %dma_start3A_43 = tpu.memref_squeeze %dma_start3A_42 : memref<1x125xi32, #tpu.memory_space<vmem>> -> memref<125xi32, #tpu.memory_space<vmem>>
    %dma_start3A_44 = arith.constant 0 : i32
    %dma_start3A_45 = arith.constant 0 : i32
    %dma_start3A_46 = tpu.memref_slice %arg2[%dma_start3A_44, %dma_start3A_45] : memref<40000x64xf32, #tpu.memory_space<hbm>> -> memref<40000x64xf32, #tpu.memory_space<hbm>>
    tpu.enqueue_indirect_dma source(%dma_start3A_46 : memref<40000x64xf32, #tpu.memory_space<hbm>>) target(%arg13 : memref<125x64xf32, #tpu.memory_space<vmem>>) offsets(%dma_start3A_43 : memref<125xi32, #tpu.memory_space<vmem>>) semaphore(%arg22 : memref<!tpu.dma_semaphore, #tpu.memory_space<semaphore_mem>>)
    %dma_start3A_47 = arith.constant 6 : i32
    %dma_start3A_48 = arith.constant 0 : i32
    %dma_start3A_49 = tpu.memref_slice %arg6[%dma_start3A_47, %dma_start3A_48] : memref<80x125xi32, #tpu.memory_space<vmem>> -> memref<1x125xi32, #tpu.memory_space<vmem>>
    %dma_start3A_50 = tpu.memref_squeeze %dma_start3A_49 : memref<1x125xi32, #tpu.memory_space<vmem>> -> memref<125xi32, #tpu.memory_space<vmem>>
    %dma_start3A_51 = arith.constant 0 : i32
    %dma_start3A_52 = arith.constant 0 : i32
    %dma_start3A_53 = tpu.memref_slice %arg2[%dma_start3A_51, %dma_start3A_52] : memref<40000x64xf32, #tpu.memory_space<hbm>> -> memref<40000x64xf32, #tpu.memory_space<hbm>>
    tpu.enqueue_indirect_dma source(%dma_start3A_53 : memref<40000x64xf32, #tpu.memory_space<hbm>>) target(%arg14 : memref<125x64xf32, #tpu.memory_space<vmem>>) offsets(%dma_start3A_50 : memref<125xi32, #tpu.memory_space<vmem>>) semaphore(%arg23 : memref<!tpu.dma_semaphore, #tpu.memory_space<semaphore_mem>>)
    %dma_start3A_54 = arith.constant 7 : i32
    %dma_start3A_55 = arith.constant 0 : i32
    %dma_start3A_56 = tpu.memref_slice %arg6[%dma_start3A_54, %dma_start3A_55] : memref<80x125xi32, #tpu.memory_space<vmem>> -> memref<1x125xi32, #tpu.memory_space<vmem>>
    %dma_start3A_57 = tpu.memref_squeeze %dma_start3A_56 : memref<1x125xi32, #tpu.memory_space<vmem>> -> memref<125xi32, #tpu.memory_space<vmem>>
    %dma_start3A_58 = arith.constant 0 : i32
    %dma_start3A_59 = arith.constant 0 : i32
    %dma_start3A_60 = tpu.memref_slice %arg2[%dma_start3A_58, %dma_start3A_59] : memref<40000x64xf32, #tpu.memory_space<hbm>> -> memref<40000x64xf32, #tpu.memory_space<hbm>>
    tpu.enqueue_indirect_dma source(%dma_start3A_60 : memref<40000x64xf32, #tpu.memory_space<hbm>>) target(%arg15 : memref<125x64xf32, #tpu.memory_space<vmem>>) offsets(%dma_start3A_57 : memref<125xi32, #tpu.memory_space<vmem>>) semaphore(%arg24 : memref<!tpu.dma_semaphore, #tpu.memory_space<semaphore_mem>>)
    %mul3A_61 = arith.constant 2 : i32
    %mul3A_62 = arith.muli %arg0, %mul3A_61 : i32
    %add3A_63 = arith.constant 0 : i32
    %add3A_64 = arith.addi %mul3A_62, %add3A_63 : i32
    %mul3A_65 = arith.constant 10000 : i32
    %mul3A_66 = arith.muli %add3A_64, %mul3A_65 : i32
    %add3A_67 = arith.addi %mul3A_66, %min3A_1 : i32
    "tpu.region"() ({
      %run_scoped3A = tpu.sem_alloc : memref<!tpu.dma_semaphore, #tpu.memory_space<semaphore_mem>>
      %dma_start3A_273 = arith.constant 0 : i32
      %dma_start3A_274 = tpu.memref_slice %arg16[%min3A_1, %dma_start3A_273] : memref<10000x64xf32, #tpu.memory_space<vmem_shared>> -> memref<632x64xf32, #tpu.memory_space<vmem_shared>>
      %dma_start3A_275 = arith.constant 0 : i32
      %dma_start3A_276 = tpu.memref_slice %arg2[%add3A_67, %dma_start3A_275] : memref<40000x64xf32, #tpu.memory_space<hbm>> -> memref<632x64xf32, #tpu.memory_space<hbm>>
      tpu.enqueue_dma source(%dma_start3A_276 : memref<632x64xf32, #tpu.memory_space<hbm>>) target(%dma_start3A_274 : memref<632x64xf32, #tpu.memory_space<vmem_shared>>) target_semaphore(%run_scoped3A : memref<!tpu.dma_semaphore, #tpu.memory_space<semaphore_mem>>)
      %dma_wait3A_277 = arith.constant 0 : i32
      %dma_wait3A_278 = tpu.memref_slice %arg16[%min3A_1, %dma_wait3A_277] : memref<10000x64xf32, #tpu.memory_space<vmem_shared>> -> memref<632x64xf32, #tpu.memory_space<vmem_shared>>
      %dma_wait3A_279 = arith.constant 0 : i32
      %dma_wait3A_280 = tpu.memref_slice %arg2[%add3A_67, %dma_wait3A_279] : memref<40000x64xf32, #tpu.memory_space<hbm>> -> memref<632x64xf32, #tpu.memory_space<hbm>>
      tpu.wait_dma2 semaphore(%run_scoped3A : memref<!tpu.dma_semaphore, #tpu.memory_space<semaphore_mem>>) src(%dma_wait3A_280 : memref<632x64xf32, #tpu.memory_space<hbm>>) dst(%dma_wait3A_278 : memref<632x64xf32, #tpu.memory_space<vmem_shared>>)
      tpu.yield
    }) : () -> ()
    %barrier3A = arith.constant 0 : index
    tpu.barrier barrier_id(%barrier3A)
    %scan3A = arith.constant 0 : i32
    %scan3A_68 = arith.constant 0 : i32
    %scan3A_69 = arith.constant 10 : i32
    %scan3A_70 = arith.addi %scan3A_68, %scan3A_69 : i32
    %scan3A_71 = arith.constant 1 : i32
    %scan3A_72 = scf.for %scan3A_273 = %scan3A_68 to %scan3A_70 step %scan3A_71 iter_args(%scan3A_274 = %scan3A) -> (i32)  : i32 {
      %mul3A_275 = arith.constant 8 : i32
      %mul3A_276 = arith.muli %mul3A_275, %scan3A_273 : i32
      %add3A_277 = arith.constant 0 : i32
      %add3A_278 = arith.addi %mul3A_276, %add3A_277 : i32
      %dma_wait3A_279 = arith.constant 0 : i32
      %dma_wait3A_280 = tpu.memref_slice %arg6[%add3A_278, %dma_wait3A_279] : memref<80x125xi32, #tpu.memory_space<vmem>> -> memref<1x125xi32, #tpu.memory_space<vmem>>
      %dma_wait3A_281 = tpu.memref_squeeze %dma_wait3A_280 : memref<1x125xi32, #tpu.memory_space<vmem>> -> memref<125xi32, #tpu.memory_space<vmem>>
      %dma_wait3A_282 = arith.constant 0 : i32
      %dma_wait3A_283 = arith.constant 0 : i32
      %dma_wait3A_284 = tpu.memref_slice %arg2[%dma_wait3A_282, %dma_wait3A_283] : memref<40000x64xf32, #tpu.memory_space<hbm>> -> memref<40000x64xf32, #tpu.memory_space<hbm>>
      tpu.wait_indirect_dma semaphore(%arg17 : memref<!tpu.dma_semaphore, #tpu.memory_space<semaphore_mem>>) src(%dma_wait3A_284 : memref<40000x64xf32, #tpu.memory_space<hbm>>) dst(%arg8 : memref<125x64xf32, #tpu.memory_space<vmem>>)
      %dma_start3A_285 = arith.constant 0 : i32
      %dma_start3A_286 = tpu.memref_slice %arg7[%add3A_278, %dma_start3A_285] : memref<80x125xi32, #tpu.memory_space<vmem>> -> memref<1x125xi32, #tpu.memory_space<vmem>>
      %dma_start3A_287 = tpu.memref_squeeze %dma_start3A_286 : memref<1x125xi32, #tpu.memory_space<vmem>> -> memref<125xi32, #tpu.memory_space<vmem>>
      %dma_start3A_288 = arith.constant 0 : i32
      %dma_start3A_289 = arith.constant 0 : i32
      %dma_start3A_290 = tpu.memref_slice %arg16[%dma_start3A_288, %dma_start3A_289] : memref<10000x64xf32, #tpu.memory_space<vmem_shared>> -> memref<10000x64xf32, #tpu.memory_space<vmem_shared>>
      tpu.enqueue_indirect_dma source(%arg8 : memref<125x64xf32, #tpu.memory_space<vmem>>) target(%dma_start3A_290 : memref<10000x64xf32, #tpu.memory_space<vmem_shared>>) offsets(%dma_start3A_287 : memref<125xi32, #tpu.memory_space<vmem>>) semaphore(%arg25 : memref<!tpu.dma_semaphore, #tpu.memory_space<semaphore_mem>>) {add = true}
      %mul3A_291 = arith.constant 8 : i32
      %mul3A_292 = arith.muli %mul3A_291, %scan3A_273 : i32
      %add3A_293 = arith.constant 1 : i32
      %add3A_294 = arith.addi %mul3A_292, %add3A_293 : i32
      %dma_wait3A_295 = arith.constant 0 : i32
      %dma_wait3A_296 = tpu.memref_slice %arg6[%add3A_294, %dma_wait3A_295] : memref<80x125xi32, #tpu.memory_space<vmem>> -> memref<1x125xi32, #tpu.memory_space<vmem>>
      %dma_wait3A_297 = tpu.memref_squeeze %dma_wait3A_296 : memref<1x125xi32, #tpu.memory_space<vmem>> -> memref<125xi32, #tpu.memory_space<vmem>>
      %dma_wait3A_298 = arith.constant 0 : i32
      %dma_wait3A_299 = arith.constant 0 : i32
      %dma_wait3A_300 = tpu.memref_slice %arg2[%dma_wait3A_298, %dma_wait3A_299] : memref<40000x64xf32, #tpu.memory_space<hbm>> -> memref<40000x64xf32, #tpu.memory_space<hbm>>
      tpu.wait_indirect_dma semaphore(%arg18 : memref<!tpu.dma_semaphore, #tpu.memory_space<semaphore_mem>>) src(%dma_wait3A_300 : memref<40000x64xf32, #tpu.memory_space<hbm>>) dst(%arg9 : memref<125x64xf32, #tpu.memory_space<vmem>>)
      %dma_start3A_301 = arith.constant 0 : i32
      %dma_start3A_302 = tpu.memref_slice %arg7[%add3A_294, %dma_start3A_301] : memref<80x125xi32, #tpu.memory_space<vmem>> -> memref<1x125xi32, #tpu.memory_space<vmem>>
      %dma_start3A_303 = tpu.memref_squeeze %dma_start3A_302 : memref<1x125xi32, #tpu.memory_space<vmem>> -> memref<125xi32, #tpu.memory_space<vmem>>
      %dma_start3A_304 = arith.constant 0 : i32
      %dma_start3A_305 = arith.constant 0 : i32
      %dma_start3A_306 = tpu.memref_slice %arg16[%dma_start3A_304, %dma_start3A_305] : memref<10000x64xf32, #tpu.memory_space<vmem_shared>> -> memref<10000x64xf32, #tpu.memory_space<vmem_shared>>
      tpu.enqueue_indirect_dma source(%arg9 : memref<125x64xf32, #tpu.memory_space<vmem>>) target(%dma_start3A_306 : memref<10000x64xf32, #tpu.memory_space<vmem_shared>>) offsets(%dma_start3A_303 : memref<125xi32, #tpu.memory_space<vmem>>) semaphore(%arg26 : memref<!tpu.dma_semaphore, #tpu.memory_space<semaphore_mem>>) {add = true}
      %mul3A_307 = arith.constant 8 : i32
      %mul3A_308 = arith.muli %mul3A_307, %scan3A_273 : i32
      %add3A_309 = arith.constant 2 : i32
      %add3A_310 = arith.addi %mul3A_308, %add3A_309 : i32
      %dma_wait3A_311 = arith.constant 0 : i32
      %dma_wait3A_312 = tpu.memref_slice %arg6[%add3A_310, %dma_wait3A_311] : memref<80x125xi32, #tpu.memory_space<vmem>> -> memref<1x125xi32, #tpu.memory_space<vmem>>
      %dma_wait3A_313 = tpu.memref_squeeze %dma_wait3A_312 : memref<1x125xi32, #tpu.memory_space<vmem>> -> memref<125xi32, #tpu.memory_space<vmem>>
      %dma_wait3A_314 = arith.constant 0 : i32
      %dma_wait3A_315 = arith.constant 0 : i32
      %dma_wait3A_316 = tpu.memref_slice %arg2[%dma_wait3A_314, %dma_wait3A_315] : memref<40000x64xf32, #tpu.memory_space<hbm>> -> memref<40000x64xf32, #tpu.memory_space<hbm>>
      tpu.wait_indirect_dma semaphore(%arg19 : memref<!tpu.dma_semaphore, #tpu.memory_space<semaphore_mem>>) src(%dma_wait3A_316 : memref<40000x64xf32, #tpu.memory_space<hbm>>) dst(%arg10 : memref<125x64xf32, #tpu.memory_space<vmem>>)
      %dma_start3A_317 = arith.constant 0 : i32
      %dma_start3A_318 = tpu.memref_slice %arg7[%add3A_310, %dma_start3A_317] : memref<80x125xi32, #tpu.memory_space<vmem>> -> memref<1x125xi32, #tpu.memory_space<vmem>>
      %dma_start3A_319 = tpu.memref_squeeze %dma_start3A_318 : memref<1x125xi32, #tpu.memory_space<vmem>> -> memref<125xi32, #tpu.memory_space<vmem>>
      %dma_start3A_320 = arith.constant 0 : i32
      %dma_start3A_321 = arith.constant 0 : i32
      %dma_start3A_322 = tpu.memref_slice %arg16[%dma_start3A_320, %dma_start3A_321] : memref<10000x64xf32, #tpu.memory_space<vmem_shared>> -> memref<10000x64xf32, #tpu.memory_space<vmem_shared>>
      tpu.enqueue_indirect_dma source(%arg10 : memref<125x64xf32, #tpu.memory_space<vmem>>) target(%dma_start3A_322 : memref<10000x64xf32, #tpu.memory_space<vmem_shared>>) offsets(%dma_start3A_319 : memref<125xi32, #tpu.memory_space<vmem>>) semaphore(%arg27 : memref<!tpu.dma_semaphore, #tpu.memory_space<semaphore_mem>>) {add = true}
      %mul3A_323 = arith.constant 8 : i32
      %mul3A_324 = arith.muli %mul3A_323, %scan3A_273 : i32
      %add3A_325 = arith.constant 3 : i32
      %add3A_326 = arith.addi %mul3A_324, %add3A_325 : i32
      %dma_wait3A_327 = arith.constant 0 : i32
      %dma_wait3A_328 = tpu.memref_slice %arg6[%add3A_326, %dma_wait3A_327] : memref<80x125xi32, #tpu.memory_space<vmem>> -> memref<1x125xi32, #tpu.memory_space<vmem>>
      %dma_wait3A_329 = tpu.memref_squeeze %dma_wait3A_328 : memref<1x125xi32, #tpu.memory_space<vmem>> -> memref<125xi32, #tpu.memory_space<vmem>>
      %dma_wait3A_330 = arith.constant 0 : i32
      %dma_wait3A_331 = arith.constant 0 : i32
      %dma_wait3A_332 = tpu.memref_slice %arg2[%dma_wait3A_330, %dma_wait3A_331] : memref<40000x64xf32, #tpu.memory_space<hbm>> -> memref<40000x64xf32, #tpu.memory_space<hbm>>
      tpu.wait_indirect_dma semaphore(%arg20 : memref<!tpu.dma_semaphore, #tpu.memory_space<semaphore_mem>>) src(%dma_wait3A_332 : memref<40000x64xf32, #tpu.memory_space<hbm>>) dst(%arg11 : memref<125x64xf32, #tpu.memory_space<vmem>>)
      %dma_start3A_333 = arith.constant 0 : i32
      %dma_start3A_334 = tpu.memref_slice %arg7[%add3A_326, %dma_start3A_333] : memref<80x125xi32, #tpu.memory_space<vmem>> -> memref<1x125xi32, #tpu.memory_space<vmem>>
      %dma_start3A_335 = tpu.memref_squeeze %dma_start3A_334 : memref<1x125xi32, #tpu.memory_space<vmem>> -> memref<125xi32, #tpu.memory_space<vmem>>
      %dma_start3A_336 = arith.constant 0 : i32
      %dma_start3A_337 = arith.constant 0 : i32
      %dma_start3A_338 = tpu.memref_slice %arg16[%dma_start3A_336, %dma_start3A_337] : memref<10000x64xf32, #tpu.memory_space<vmem_shared>> -> memref<10000x64xf32, #tpu.memory_space<vmem_shared>>
      tpu.enqueue_indirect_dma source(%arg11 : memref<125x64xf32, #tpu.memory_space<vmem>>) target(%dma_start3A_338 : memref<10000x64xf32, #tpu.memory_space<vmem_shared>>) offsets(%dma_start3A_335 : memref<125xi32, #tpu.memory_space<vmem>>) semaphore(%arg28 : memref<!tpu.dma_semaphore, #tpu.memory_space<semaphore_mem>>) {add = true}
      %mul3A_339 = arith.constant 8 : i32
      %mul3A_340 = arith.muli %mul3A_339, %scan3A_273 : i32
      %add3A_341 = arith.constant 4 : i32
      %add3A_342 = arith.addi %mul3A_340, %add3A_341 : i32
      %dma_wait3A_343 = arith.constant 0 : i32
      %dma_wait3A_344 = tpu.memref_slice %arg6[%add3A_342, %dma_wait3A_343] : memref<80x125xi32, #tpu.memory_space<vmem>> -> memref<1x125xi32, #tpu.memory_space<vmem>>
      %dma_wait3A_345 = tpu.memref_squeeze %dma_wait3A_344 : memref<1x125xi32, #tpu.memory_space<vmem>> -> memref<125xi32, #tpu.memory_space<vmem>>
      %dma_wait3A_346 = arith.constant 0 : i32
      %dma_wait3A_347 = arith.constant 0 : i32
      %dma_wait3A_348 = tpu.memref_slice %arg2[%dma_wait3A_346, %dma_wait3A_347] : memref<40000x64xf32, #tpu.memory_space<hbm>> -> memref<40000x64xf32, #tpu.memory_space<hbm>>
      tpu.wait_indirect_dma semaphore(%arg21 : memref<!tpu.dma_semaphore, #tpu.memory_space<semaphore_mem>>) src(%dma_wait3A_348 : memref<40000x64xf32, #tpu.memory_space<hbm>>) dst(%arg12 : memref<125x64xf32, #tpu.memory_space<vmem>>)
      %dma_start3A_349 = arith.constant 0 : i32
      %dma_start3A_350 = tpu.memref_slice %arg7[%add3A_342, %dma_start3A_349] : memref<80x125xi32, #tpu.memory_space<vmem>> -> memref<1x125xi32, #tpu.memory_space<vmem>>
      %dma_start3A_351 = tpu.memref_squeeze %dma_start3A_350 : memref<1x125xi32, #tpu.memory_space<vmem>> -> memref<125xi32, #tpu.memory_space<vmem>>
      %dma_start3A_352 = arith.constant 0 : i32
      %dma_start3A_353 = arith.constant 0 : i32
      %dma_start3A_354 = tpu.memref_slice %arg16[%dma_start3A_352, %dma_start3A_353] : memref<10000x64xf32, #tpu.memory_space<vmem_shared>> -> memref<10000x64xf32, #tpu.memory_space<vmem_shared>>
      tpu.enqueue_indirect_dma source(%arg12 : memref<125x64xf32, #tpu.memory_space<vmem>>) target(%dma_start3A_354 : memref<10000x64xf32, #tpu.memory_space<vmem_shared>>) offsets(%dma_start3A_351 : memref<125xi32, #tpu.memory_space<vmem>>) semaphore(%arg29 : memref<!tpu.dma_semaphore, #tpu.memory_space<semaphore_mem>>) {add = true}
      %mul3A_355 = arith.constant 8 : i32
      %mul3A_356 = arith.muli %mul3A_355, %scan3A_273 : i32
      %add3A_357 = arith.constant 5 : i32
      %add3A_358 = arith.addi %mul3A_356, %add3A_357 : i32
      %dma_wait3A_359 = arith.constant 0 : i32
      %dma_wait3A_360 = tpu.memref_slice %arg6[%add3A_358, %dma_wait3A_359] : memref<80x125xi32, #tpu.memory_space<vmem>> -> memref<1x125xi32, #tpu.memory_space<vmem>>
      %dma_wait3A_361 = tpu.memref_squeeze %dma_wait3A_360 : memref<1x125xi32, #tpu.memory_space<vmem>> -> memref<125xi32, #tpu.memory_space<vmem>>
      %dma_wait3A_362 = arith.constant 0 : i32
      %dma_wait3A_363 = arith.constant 0 : i32
      %dma_wait3A_364 = tpu.memref_slice %arg2[%dma_wait3A_362, %dma_wait3A_363] : memref<40000x64xf32, #tpu.memory_space<hbm>> -> memref<40000x64xf32, #tpu.memory_space<hbm>>
      tpu.wait_indirect_dma semaphore(%arg22 : memref<!tpu.dma_semaphore, #tpu.memory_space<semaphore_mem>>) src(%dma_wait3A_364 : memref<40000x64xf32, #tpu.memory_space<hbm>>) dst(%arg13 : memref<125x64xf32, #tpu.memory_space<vmem>>)
      %dma_start3A_365 = arith.constant 0 : i32
      %dma_start3A_366 = tpu.memref_slice %arg7[%add3A_358, %dma_start3A_365] : memref<80x125xi32, #tpu.memory_space<vmem>> -> memref<1x125xi32, #tpu.memory_space<vmem>>
      %dma_start3A_367 = tpu.memref_squeeze %dma_start3A_366 : memref<1x125xi32, #tpu.memory_space<vmem>> -> memref<125xi32, #tpu.memory_space<vmem>>
      %dma_start3A_368 = arith.constant 0 : i32
      %dma_start3A_369 = arith.constant 0 : i32
      %dma_start3A_370 = tpu.memref_slice %arg16[%dma_start3A_368, %dma_start3A_369] : memref<10000x64xf32, #tpu.memory_space<vmem_shared>> -> memref<10000x64xf32, #tpu.memory_space<vmem_shared>>
      tpu.enqueue_indirect_dma source(%arg13 : memref<125x64xf32, #tpu.memory_space<vmem>>) target(%dma_start3A_370 : memref<10000x64xf32, #tpu.memory_space<vmem_shared>>) offsets(%dma_start3A_367 : memref<125xi32, #tpu.memory_space<vmem>>) semaphore(%arg30 : memref<!tpu.dma_semaphore, #tpu.memory_space<semaphore_mem>>) {add = true}
      %mul3A_371 = arith.constant 8 : i32
      %mul3A_372 = arith.muli %mul3A_371, %scan3A_273 : i32
      %add3A_373 = arith.constant 6 : i32
      %add3A_374 = arith.addi %mul3A_372, %add3A_373 : i32
      %dma_wait3A_375 = arith.constant 0 : i32
      %dma_wait3A_376 = tpu.memref_slice %arg6[%add3A_374, %dma_wait3A_375] : memref<80x125xi32, #tpu.memory_space<vmem>> -> memref<1x125xi32, #tpu.memory_space<vmem>>
      %dma_wait3A_377 = tpu.memref_squeeze %dma_wait3A_376 : memref<1x125xi32, #tpu.memory_space<vmem>> -> memref<125xi32, #tpu.memory_space<vmem>>
      %dma_wait3A_378 = arith.constant 0 : i32
      %dma_wait3A_379 = arith.constant 0 : i32
      %dma_wait3A_380 = tpu.memref_slice %arg2[%dma_wait3A_378, %dma_wait3A_379] : memref<40000x64xf32, #tpu.memory_space<hbm>> -> memref<40000x64xf32, #tpu.memory_space<hbm>>
      tpu.wait_indirect_dma semaphore(%arg23 : memref<!tpu.dma_semaphore, #tpu.memory_space<semaphore_mem>>) src(%dma_wait3A_380 : memref<40000x64xf32, #tpu.memory_space<hbm>>) dst(%arg14 : memref<125x64xf32, #tpu.memory_space<vmem>>)
      %dma_start3A_381 = arith.constant 0 : i32
      %dma_start3A_382 = tpu.memref_slice %arg7[%add3A_374, %dma_start3A_381] : memref<80x125xi32, #tpu.memory_space<vmem>> -> memref<1x125xi32, #tpu.memory_space<vmem>>
      %dma_start3A_383 = tpu.memref_squeeze %dma_start3A_382 : memref<1x125xi32, #tpu.memory_space<vmem>> -> memref<125xi32, #tpu.memory_space<vmem>>
      %dma_start3A_384 = arith.constant 0 : i32
      %dma_start3A_385 = arith.constant 0 : i32
      %dma_start3A_386 = tpu.memref_slice %arg16[%dma_start3A_384, %dma_start3A_385] : memref<10000x64xf32, #tpu.memory_space<vmem_shared>> -> memref<10000x64xf32, #tpu.memory_space<vmem_shared>>
      tpu.enqueue_indirect_dma source(%arg14 : memref<125x64xf32, #tpu.memory_space<vmem>>) target(%dma_start3A_386 : memref<10000x64xf32, #tpu.memory_space<vmem_shared>>) offsets(%dma_start3A_383 : memref<125xi32, #tpu.memory_space<vmem>>) semaphore(%arg31 : memref<!tpu.dma_semaphore, #tpu.memory_space<semaphore_mem>>) {add = true}
      %mul3A_387 = arith.constant 8 : i32
      %mul3A_388 = arith.muli %mul3A_387, %scan3A_273 : i32
      %add3A_389 = arith.constant 7 : i32
      %add3A_390 = arith.addi %mul3A_388, %add3A_389 : i32
      %dma_wait3A_391 = arith.constant 0 : i32
      %dma_wait3A_392 = tpu.memref_slice %arg6[%add3A_390, %dma_wait3A_391] : memref<80x125xi32, #tpu.memory_space<vmem>> -> memref<1x125xi32, #tpu.memory_space<vmem>>
      %dma_wait3A_393 = tpu.memref_squeeze %dma_wait3A_392 : memref<1x125xi32, #tpu.memory_space<vmem>> -> memref<125xi32, #tpu.memory_space<vmem>>
      %dma_wait3A_394 = arith.constant 0 : i32
      %dma_wait3A_395 = arith.constant 0 : i32
      %dma_wait3A_396 = tpu.memref_slice %arg2[%dma_wait3A_394, %dma_wait3A_395] : memref<40000x64xf32, #tpu.memory_space<hbm>> -> memref<40000x64xf32, #tpu.memory_space<hbm>>
      tpu.wait_indirect_dma semaphore(%arg24 : memref<!tpu.dma_semaphore, #tpu.memory_space<semaphore_mem>>) src(%dma_wait3A_396 : memref<40000x64xf32, #tpu.memory_space<hbm>>) dst(%arg15 : memref<125x64xf32, #tpu.memory_space<vmem>>)
      %dma_start3A_397 = arith.constant 0 : i32
      %dma_start3A_398 = tpu.memref_slice %arg7[%add3A_390, %dma_start3A_397] : memref<80x125xi32, #tpu.memory_space<vmem>> -> memref<1x125xi32, #tpu.memory_space<vmem>>
      %dma_start3A_399 = tpu.memref_squeeze %dma_start3A_398 : memref<1x125xi32, #tpu.memory_space<vmem>> -> memref<125xi32, #tpu.memory_space<vmem>>
      %dma_start3A_400 = arith.constant 0 : i32
      %dma_start3A_401 = arith.constant 0 : i32
      %dma_start3A_402 = tpu.memref_slice %arg16[%dma_start3A_400, %dma_start3A_401] : memref<10000x64xf32, #tpu.memory_space<vmem_shared>> -> memref<10000x64xf32, #tpu.memory_space<vmem_shared>>
      tpu.enqueue_indirect_dma source(%arg15 : memref<125x64xf32, #tpu.memory_space<vmem>>) target(%dma_start3A_402 : memref<10000x64xf32, #tpu.memory_space<vmem_shared>>) offsets(%dma_start3A_399 : memref<125xi32, #tpu.memory_space<vmem>>) semaphore(%arg32 : memref<!tpu.dma_semaphore, #tpu.memory_space<semaphore_mem>>) {add = true}
      %mul3A_403 = arith.constant 8 : i32
      %mul3A_404 = arith.muli %mul3A_403, %scan3A_273 : i32
      %add3A_405 = arith.constant 0 : i32
      %add3A_406 = arith.addi %mul3A_404, %add3A_405 : i32
      %add3A_407 = arith.constant 8 : i32
      %add3A_408 = arith.addi %add3A_406, %add3A_407 : i32
      %lt3A = arith.constant 80 : i32
      %lt3A_409 = arith.cmpi slt, %add3A_408, %lt3A : i32
      %convert_element_type3A = arith.extui %lt3A_409 : i1 to i32
      %cond3A = arith.constant 0 : i32
      %cond3A_410 = arith.cmpi ne, %convert_element_type3A, %cond3A : i32
      scf.if %cond3A_410 {
        %dma_wait3A_489 = arith.constant 0 : i32
        %dma_wait3A_490 = tpu.memref_slice %arg7[%add3A_406, %dma_wait3A_489] : memref<80x125xi32, #tpu.memory_space<vmem>> -> memref<1x125xi32, #tpu.memory_space<vmem>>
        %dma_wait3A_491 = tpu.memref_squeeze %dma_wait3A_490 : memref<1x125xi32, #tpu.memory_space<vmem>> -> memref<125xi32, #tpu.memory_space<vmem>>
        %dma_wait3A_492 = arith.constant 0 : i32
        %dma_wait3A_493 = arith.constant 0 : i32
        %dma_wait3A_494 = tpu.memref_slice %arg16[%dma_wait3A_492, %dma_wait3A_493] : memref<10000x64xf32, #tpu.memory_space<vmem_shared>> -> memref<10000x64xf32, #tpu.memory_space<vmem_shared>>
        tpu.wait_indirect_dma semaphore(%arg25 : memref<!tpu.dma_semaphore, #tpu.memory_space<semaphore_mem>>) src(%arg8 : memref<125x64xf32, #tpu.memory_space<vmem>>) dst(%dma_wait3A_494 : memref<10000x64xf32, #tpu.memory_space<vmem_shared>>)
        %add3A_495 = arith.constant 8 : i32
        %add3A_496 = arith.addi %add3A_406, %add3A_495 : i32
        %dma_start3A_497 = arith.constant 0 : i32
        %dma_start3A_498 = tpu.memref_slice %arg6[%add3A_496, %dma_start3A_497] : memref<80x125xi32, #tpu.memory_space<vmem>> -> memref<1x125xi32, #tpu.memory_space<vmem>>
        %dma_start3A_499 = tpu.memref_squeeze %dma_start3A_498 : memref<1x125xi32, #tpu.memory_space<vmem>> -> memref<125xi32, #tpu.memory_space<vmem>>
        %dma_start3A_500 = arith.constant 0 : i32
        %dma_start3A_501 = arith.constant 0 : i32
        %dma_start3A_502 = tpu.memref_slice %arg2[%dma_start3A_500, %dma_start3A_501] : memref<40000x64xf32, #tpu.memory_space<hbm>> -> memref<40000x64xf32, #tpu.memory_space<hbm>>
        tpu.enqueue_indirect_dma source(%dma_start3A_502 : memref<40000x64xf32, #tpu.memory_space<hbm>>) target(%arg8 : memref<125x64xf32, #tpu.memory_space<vmem>>) offsets(%dma_start3A_499 : memref<125xi32, #tpu.memory_space<vmem>>) semaphore(%arg17 : memref<!tpu.dma_semaphore, #tpu.memory_space<semaphore_mem>>)
      } else {
      }
      %mul3A_411 = arith.constant 8 : i32
      %mul3A_412 = arith.muli %mul3A_411, %scan3A_273 : i32
      %add3A_413 = arith.constant 1 : i32
      %add3A_414 = arith.addi %mul3A_412, %add3A_413 : i32
      %add3A_415 = arith.constant 8 : i32
      %add3A_416 = arith.addi %add3A_414, %add3A_415 : i32
      %lt3A_417 = arith.constant 80 : i32
      %lt3A_418 = arith.cmpi slt, %add3A_416, %lt3A_417 : i32
      %convert_element_type3A_419 = arith.extui %lt3A_418 : i1 to i32
      %cond3A_420 = arith.constant 0 : i32
      %cond3A_421 = arith.cmpi ne, %convert_element_type3A_419, %cond3A_420 : i32
      scf.if %cond3A_421 {
        %dma_wait3A_489 = arith.constant 0 : i32
        %dma_wait3A_490 = tpu.memref_slice %arg7[%add3A_414, %dma_wait3A_489] : memref<80x125xi32, #tpu.memory_space<vmem>> -> memref<1x125xi32, #tpu.memory_space<vmem>>
        %dma_wait3A_491 = tpu.memref_squeeze %dma_wait3A_490 : memref<1x125xi32, #tpu.memory_space<vmem>> -> memref<125xi32, #tpu.memory_space<vmem>>
        %dma_wait3A_492 = arith.constant 0 : i32
        %dma_wait3A_493 = arith.constant 0 : i32
        %dma_wait3A_494 = tpu.memref_slice %arg16[%dma_wait3A_492, %dma_wait3A_493] : memref<10000x64xf32, #tpu.memory_space<vmem_shared>> -> memref<10000x64xf32, #tpu.memory_space<vmem_shared>>
        tpu.wait_indirect_dma semaphore(%arg26 : memref<!tpu.dma_semaphore, #tpu.memory_space<semaphore_mem>>) src(%arg9 : memref<125x64xf32, #tpu.memory_space<vmem>>) dst(%dma_wait3A_494 : memref<10000x64xf32, #tpu.memory_space<vmem_shared>>)
        %add3A_495 = arith.constant 8 : i32
        %add3A_496 = arith.addi %add3A_414, %add3A_495 : i32
        %dma_start3A_497 = arith.constant 0 : i32
        %dma_start3A_498 = tpu.memref_slice %arg6[%add3A_496, %dma_start3A_497] : memref<80x125xi32, #tpu.memory_space<vmem>> -> memref<1x125xi32, #tpu.memory_space<vmem>>
        %dma_start3A_499 = tpu.memref_squeeze %dma_start3A_498 : memref<1x125xi32, #tpu.memory_space<vmem>> -> memref<125xi32, #tpu.memory_space<vmem>>
        %dma_start3A_500 = arith.constant 0 : i32
        %dma_start3A_501 = arith.constant 0 : i32
        %dma_start3A_502 = tpu.memref_slice %arg2[%dma_start3A_500, %dma_start3A_501] : memref<40000x64xf32, #tpu.memory_space<hbm>> -> memref<40000x64xf32, #tpu.memory_space<hbm>>
        tpu.enqueue_indirect_dma source(%dma_start3A_502 : memref<40000x64xf32, #tpu.memory_space<hbm>>) target(%arg9 : memref<125x64xf32, #tpu.memory_space<vmem>>) offsets(%dma_start3A_499 : memref<125xi32, #tpu.memory_space<vmem>>) semaphore(%arg18 : memref<!tpu.dma_semaphore, #tpu.memory_space<semaphore_mem>>)
      } else {
      }
      %mul3A_422 = arith.constant 8 : i32
      %mul3A_423 = arith.muli %mul3A_422, %scan3A_273 : i32
      %add3A_424 = arith.constant 2 : i32
      %add3A_425 = arith.addi %mul3A_423, %add3A_424 : i32
      %add3A_426 = arith.constant 8 : i32
      %add3A_427 = arith.addi %add3A_425, %add3A_426 : i32
      %lt3A_428 = arith.constant 80 : i32
      %lt3A_429 = arith.cmpi slt, %add3A_427, %lt3A_428 : i32
      %convert_element_type3A_430 = arith.extui %lt3A_429 : i1 to i32
      %cond3A_431 = arith.constant 0 : i32
      %cond3A_432 = arith.cmpi ne, %convert_element_type3A_430, %cond3A_431 : i32
      scf.if %cond3A_432 {
        %dma_wait3A_489 = arith.constant 0 : i32
        %dma_wait3A_490 = tpu.memref_slice %arg7[%add3A_425, %dma_wait3A_489] : memref<80x125xi32, #tpu.memory_space<vmem>> -> memref<1x125xi32, #tpu.memory_space<vmem>>
        %dma_wait3A_491 = tpu.memref_squeeze %dma_wait3A_490 : memref<1x125xi32, #tpu.memory_space<vmem>> -> memref<125xi32, #tpu.memory_space<vmem>>
        %dma_wait3A_492 = arith.constant 0 : i32
        %dma_wait3A_493 = arith.constant 0 : i32
        %dma_wait3A_494 = tpu.memref_slice %arg16[%dma_wait3A_492, %dma_wait3A_493] : memref<10000x64xf32, #tpu.memory_space<vmem_shared>> -> memref<10000x64xf32, #tpu.memory_space<vmem_shared>>
        tpu.wait_indirect_dma semaphore(%arg27 : memref<!tpu.dma_semaphore, #tpu.memory_space<semaphore_mem>>) src(%arg10 : memref<125x64xf32, #tpu.memory_space<vmem>>) dst(%dma_wait3A_494 : memref<10000x64xf32, #tpu.memory_space<vmem_shared>>)
        %add3A_495 = arith.constant 8 : i32
        %add3A_496 = arith.addi %add3A_425, %add3A_495 : i32
        %dma_start3A_497 = arith.constant 0 : i32
        %dma_start3A_498 = tpu.memref_slice %arg6[%add3A_496, %dma_start3A_497] : memref<80x125xi32, #tpu.memory_space<vmem>> -> memref<1x125xi32, #tpu.memory_space<vmem>>
        %dma_start3A_499 = tpu.memref_squeeze %dma_start3A_498 : memref<1x125xi32, #tpu.memory_space<vmem>> -> memref<125xi32, #tpu.memory_space<vmem>>
        %dma_start3A_500 = arith.constant 0 : i32
        %dma_start3A_501 = arith.constant 0 : i32
        %dma_start3A_502 = tpu.memref_slice %arg2[%dma_start3A_500, %dma_start3A_501] : memref<40000x64xf32, #tpu.memory_space<hbm>> -> memref<40000x64xf32, #tpu.memory_space<hbm>>
        tpu.enqueue_indirect_dma source(%dma_start3A_502 : memref<40000x64xf32, #tpu.memory_space<hbm>>) target(%arg10 : memref<125x64xf32, #tpu.memory_space<vmem>>) offsets(%dma_start3A_499 : memref<125xi32, #tpu.memory_space<vmem>>) semaphore(%arg19 : memref<!tpu.dma_semaphore, #tpu.memory_space<semaphore_mem>>)
      } else {
      }
      %mul3A_433 = arith.constant 8 : i32
      %mul3A_434 = arith.muli %mul3A_433, %scan3A_273 : i32
      %add3A_435 = arith.constant 3 : i32
      %add3A_436 = arith.addi %mul3A_434, %add3A_435 : i32
      %add3A_437 = arith.constant 8 : i32
      %add3A_438 = arith.addi %add3A_436, %add3A_437 : i32
      %lt3A_439 = arith.constant 80 : i32
      %lt3A_440 = arith.cmpi slt, %add3A_438, %lt3A_439 : i32
      %convert_element_type3A_441 = arith.extui %lt3A_440 : i1 to i32
      %cond3A_442 = arith.constant 0 : i32
      %cond3A_443 = arith.cmpi ne, %convert_element_type3A_441, %cond3A_442 : i32
      scf.if %cond3A_443 {
        %dma_wait3A_489 = arith.constant 0 : i32
        %dma_wait3A_490 = tpu.memref_slice %arg7[%add3A_436, %dma_wait3A_489] : memref<80x125xi32, #tpu.memory_space<vmem>> -> memref<1x125xi32, #tpu.memory_space<vmem>>
        %dma_wait3A_491 = tpu.memref_squeeze %dma_wait3A_490 : memref<1x125xi32, #tpu.memory_space<vmem>> -> memref<125xi32, #tpu.memory_space<vmem>>
        %dma_wait3A_492 = arith.constant 0 : i32
        %dma_wait3A_493 = arith.constant 0 : i32
        %dma_wait3A_494 = tpu.memref_slice %arg16[%dma_wait3A_492, %dma_wait3A_493] : memref<10000x64xf32, #tpu.memory_space<vmem_shared>> -> memref<10000x64xf32, #tpu.memory_space<vmem_shared>>
        tpu.wait_indirect_dma semaphore(%arg28 : memref<!tpu.dma_semaphore, #tpu.memory_space<semaphore_mem>>) src(%arg11 : memref<125x64xf32, #tpu.memory_space<vmem>>) dst(%dma_wait3A_494 : memref<10000x64xf32, #tpu.memory_space<vmem_shared>>)
        %add3A_495 = arith.constant 8 : i32
        %add3A_496 = arith.addi %add3A_436, %add3A_495 : i32
        %dma_start3A_497 = arith.constant 0 : i32
        %dma_start3A_498 = tpu.memref_slice %arg6[%add3A_496, %dma_start3A_497] : memref<80x125xi32, #tpu.memory_space<vmem>> -> memref<1x125xi32, #tpu.memory_space<vmem>>
        %dma_start3A_499 = tpu.memref_squeeze %dma_start3A_498 : memref<1x125xi32, #tpu.memory_space<vmem>> -> memref<125xi32, #tpu.memory_space<vmem>>
        %dma_start3A_500 = arith.constant 0 : i32
        %dma_start3A_501 = arith.constant 0 : i32
        %dma_start3A_502 = tpu.memref_slice %arg2[%dma_start3A_500, %dma_start3A_501] : memref<40000x64xf32, #tpu.memory_space<hbm>> -> memref<40000x64xf32, #tpu.memory_space<hbm>>
        tpu.enqueue_indirect_dma source(%dma_start3A_502 : memref<40000x64xf32, #tpu.memory_space<hbm>>) target(%arg11 : memref<125x64xf32, #tpu.memory_space<vmem>>) offsets(%dma_start3A_499 : memref<125xi32, #tpu.memory_space<vmem>>) semaphore(%arg20 : memref<!tpu.dma_semaphore, #tpu.memory_space<semaphore_mem>>)
      } else {
      }
      %mul3A_444 = arith.constant 8 : i32
      %mul3A_445 = arith.muli %mul3A_444, %scan3A_273 : i32
      %add3A_446 = arith.constant 4 : i32
      %add3A_447 = arith.addi %mul3A_445, %add3A_446 : i32
      %add3A_448 = arith.constant 8 : i32
      %add3A_449 = arith.addi %add3A_447, %add3A_448 : i32
      %lt3A_450 = arith.constant 80 : i32
      %lt3A_451 = arith.cmpi slt, %add3A_449, %lt3A_450 : i32
      %convert_element_type3A_452 = arith.extui %lt3A_451 : i1 to i32
      %cond3A_453 = arith.constant 0 : i32
      %cond3A_454 = arith.cmpi ne, %convert_element_type3A_452, %cond3A_453 : i32
      scf.if %cond3A_454 {
        %dma_wait3A_489 = arith.constant 0 : i32
        %dma_wait3A_490 = tpu.memref_slice %arg7[%add3A_447, %dma_wait3A_489] : memref<80x125xi32, #tpu.memory_space<vmem>> -> memref<1x125xi32, #tpu.memory_space<vmem>>
        %dma_wait3A_491 = tpu.memref_squeeze %dma_wait3A_490 : memref<1x125xi32, #tpu.memory_space<vmem>> -> memref<125xi32, #tpu.memory_space<vmem>>
        %dma_wait3A_492 = arith.constant 0 : i32
        %dma_wait3A_493 = arith.constant 0 : i32
        %dma_wait3A_494 = tpu.memref_slice %arg16[%dma_wait3A_492, %dma_wait3A_493] : memref<10000x64xf32, #tpu.memory_space<vmem_shared>> -> memref<10000x64xf32, #tpu.memory_space<vmem_shared>>
        tpu.wait_indirect_dma semaphore(%arg29 : memref<!tpu.dma_semaphore, #tpu.memory_space<semaphore_mem>>) src(%arg12 : memref<125x64xf32, #tpu.memory_space<vmem>>) dst(%dma_wait3A_494 : memref<10000x64xf32, #tpu.memory_space<vmem_shared>>)
        %add3A_495 = arith.constant 8 : i32
        %add3A_496 = arith.addi %add3A_447, %add3A_495 : i32
        %dma_start3A_497 = arith.constant 0 : i32
        %dma_start3A_498 = tpu.memref_slice %arg6[%add3A_496, %dma_start3A_497] : memref<80x125xi32, #tpu.memory_space<vmem>> -> memref<1x125xi32, #tpu.memory_space<vmem>>
        %dma_start3A_499 = tpu.memref_squeeze %dma_start3A_498 : memref<1x125xi32, #tpu.memory_space<vmem>> -> memref<125xi32, #tpu.memory_space<vmem>>
        %dma_start3A_500 = arith.constant 0 : i32
        %dma_start3A_501 = arith.constant 0 : i32
        %dma_start3A_502 = tpu.memref_slice %arg2[%dma_start3A_500, %dma_start3A_501] : memref<40000x64xf32, #tpu.memory_space<hbm>> -> memref<40000x64xf32, #tpu.memory_space<hbm>>
        tpu.enqueue_indirect_dma source(%dma_start3A_502 : memref<40000x64xf32, #tpu.memory_space<hbm>>) target(%arg12 : memref<125x64xf32, #tpu.memory_space<vmem>>) offsets(%dma_start3A_499 : memref<125xi32, #tpu.memory_space<vmem>>) semaphore(%arg21 : memref<!tpu.dma_semaphore, #tpu.memory_space<semaphore_mem>>)
      } else {
      }
      %mul3A_455 = arith.constant 8 : i32
      %mul3A_456 = arith.muli %mul3A_455, %scan3A_273 : i32
      %add3A_457 = arith.constant 5 : i32
      %add3A_458 = arith.addi %mul3A_456, %add3A_457 : i32
      %add3A_459 = arith.constant 8 : i32
      %add3A_460 = arith.addi %add3A_458, %add3A_459 : i32
      %lt3A_461 = arith.constant 80 : i32
      %lt3A_462 = arith.cmpi slt, %add3A_460, %lt3A_461 : i32
      %convert_element_type3A_463 = arith.extui %lt3A_462 : i1 to i32
      %cond3A_464 = arith.constant 0 : i32
      %cond3A_465 = arith.cmpi ne, %convert_element_type3A_463, %cond3A_464 : i32
      scf.if %cond3A_465 {
        %dma_wait3A_489 = arith.constant 0 : i32
        %dma_wait3A_490 = tpu.memref_slice %arg7[%add3A_458, %dma_wait3A_489] : memref<80x125xi32, #tpu.memory_space<vmem>> -> memref<1x125xi32, #tpu.memory_space<vmem>>
        %dma_wait3A_491 = tpu.memref_squeeze %dma_wait3A_490 : memref<1x125xi32, #tpu.memory_space<vmem>> -> memref<125xi32, #tpu.memory_space<vmem>>
        %dma_wait3A_492 = arith.constant 0 : i32
        %dma_wait3A_493 = arith.constant 0 : i32
        %dma_wait3A_494 = tpu.memref_slice %arg16[%dma_wait3A_492, %dma_wait3A_493] : memref<10000x64xf32, #tpu.memory_space<vmem_shared>> -> memref<10000x64xf32, #tpu.memory_space<vmem_shared>>
        tpu.wait_indirect_dma semaphore(%arg30 : memref<!tpu.dma_semaphore, #tpu.memory_space<semaphore_mem>>) src(%arg13 : memref<125x64xf32, #tpu.memory_space<vmem>>) dst(%dma_wait3A_494 : memref<10000x64xf32, #tpu.memory_space<vmem_shared>>)
        %add3A_495 = arith.constant 8 : i32
        %add3A_496 = arith.addi %add3A_458, %add3A_495 : i32
        %dma_start3A_497 = arith.constant 0 : i32
        %dma_start3A_498 = tpu.memref_slice %arg6[%add3A_496, %dma_start3A_497] : memref<80x125xi32, #tpu.memory_space<vmem>> -> memref<1x125xi32, #tpu.memory_space<vmem>>
        %dma_start3A_499 = tpu.memref_squeeze %dma_start3A_498 : memref<1x125xi32, #tpu.memory_space<vmem>> -> memref<125xi32, #tpu.memory_space<vmem>>
        %dma_start3A_500 = arith.constant 0 : i32
        %dma_start3A_501 = arith.constant 0 : i32
        %dma_start3A_502 = tpu.memref_slice %arg2[%dma_start3A_500, %dma_start3A_501] : memref<40000x64xf32, #tpu.memory_space<hbm>> -> memref<40000x64xf32, #tpu.memory_space<hbm>>
        tpu.enqueue_indirect_dma source(%dma_start3A_502 : memref<40000x64xf32, #tpu.memory_space<hbm>>) target(%arg13 : memref<125x64xf32, #tpu.memory_space<vmem>>) offsets(%dma_start3A_499 : memref<125xi32, #tpu.memory_space<vmem>>) semaphore(%arg22 : memref<!tpu.dma_semaphore, #tpu.memory_space<semaphore_mem>>)
      } else {
      }
      %mul3A_466 = arith.constant 8 : i32
      %mul3A_467 = arith.muli %mul3A_466, %scan3A_273 : i32
      %add3A_468 = arith.constant 6 : i32
      %add3A_469 = arith.addi %mul3A_467, %add3A_468 : i32
      %add3A_470 = arith.constant 8 : i32
      %add3A_471 = arith.addi %add3A_469, %add3A_470 : i32
      %lt3A_472 = arith.constant 80 : i32
      %lt3A_473 = arith.cmpi slt, %add3A_471, %lt3A_472 : i32
      %convert_element_type3A_474 = arith.extui %lt3A_473 : i1 to i32
      %cond3A_475 = arith.constant 0 : i32
      %cond3A_476 = arith.cmpi ne, %convert_element_type3A_474, %cond3A_475 : i32
      scf.if %cond3A_476 {
        %dma_wait3A_489 = arith.constant 0 : i32
        %dma_wait3A_490 = tpu.memref_slice %arg7[%add3A_469, %dma_wait3A_489] : memref<80x125xi32, #tpu.memory_space<vmem>> -> memref<1x125xi32, #tpu.memory_space<vmem>>
        %dma_wait3A_491 = tpu.memref_squeeze %dma_wait3A_490 : memref<1x125xi32, #tpu.memory_space<vmem>> -> memref<125xi32, #tpu.memory_space<vmem>>
        %dma_wait3A_492 = arith.constant 0 : i32
        %dma_wait3A_493 = arith.constant 0 : i32
        %dma_wait3A_494 = tpu.memref_slice %arg16[%dma_wait3A_492, %dma_wait3A_493] : memref<10000x64xf32, #tpu.memory_space<vmem_shared>> -> memref<10000x64xf32, #tpu.memory_space<vmem_shared>>
        tpu.wait_indirect_dma semaphore(%arg31 : memref<!tpu.dma_semaphore, #tpu.memory_space<semaphore_mem>>) src(%arg14 : memref<125x64xf32, #tpu.memory_space<vmem>>) dst(%dma_wait3A_494 : memref<10000x64xf32, #tpu.memory_space<vmem_shared>>)
        %add3A_495 = arith.constant 8 : i32
        %add3A_496 = arith.addi %add3A_469, %add3A_495 : i32
        %dma_start3A_497 = arith.constant 0 : i32
        %dma_start3A_498 = tpu.memref_slice %arg6[%add3A_496, %dma_start3A_497] : memref<80x125xi32, #tpu.memory_space<vmem>> -> memref<1x125xi32, #tpu.memory_space<vmem>>
        %dma_start3A_499 = tpu.memref_squeeze %dma_start3A_498 : memref<1x125xi32, #tpu.memory_space<vmem>> -> memref<125xi32, #tpu.memory_space<vmem>>
        %dma_start3A_500 = arith.constant 0 : i32
        %dma_start3A_501 = arith.constant 0 : i32
        %dma_start3A_502 = tpu.memref_slice %arg2[%dma_start3A_500, %dma_start3A_501] : memref<40000x64xf32, #tpu.memory_space<hbm>> -> memref<40000x64xf32, #tpu.memory_space<hbm>>
        tpu.enqueue_indirect_dma source(%dma_start3A_502 : memref<40000x64xf32, #tpu.memory_space<hbm>>) target(%arg14 : memref<125x64xf32, #tpu.memory_space<vmem>>) offsets(%dma_start3A_499 : memref<125xi32, #tpu.memory_space<vmem>>) semaphore(%arg23 : memref<!tpu.dma_semaphore, #tpu.memory_space<semaphore_mem>>)
      } else {
      }
      %mul3A_477 = arith.constant 8 : i32
      %mul3A_478 = arith.muli %mul3A_477, %scan3A_273 : i32
      %add3A_479 = arith.constant 7 : i32
      %add3A_480 = arith.addi %mul3A_478, %add3A_479 : i32
      %add3A_481 = arith.constant 8 : i32
      %add3A_482 = arith.addi %add3A_480, %add3A_481 : i32
      %lt3A_483 = arith.constant 80 : i32
      %lt3A_484 = arith.cmpi slt, %add3A_482, %lt3A_483 : i32
      %convert_element_type3A_485 = arith.extui %lt3A_484 : i1 to i32
      %cond3A_486 = arith.constant 0 : i32
      %cond3A_487 = arith.cmpi ne, %convert_element_type3A_485, %cond3A_486 : i32
      scf.if %cond3A_487 {
        %dma_wait3A_489 = arith.constant 0 : i32
        %dma_wait3A_490 = tpu.memref_slice %arg7[%add3A_480, %dma_wait3A_489] : memref<80x125xi32, #tpu.memory_space<vmem>> -> memref<1x125xi32, #tpu.memory_space<vmem>>
        %dma_wait3A_491 = tpu.memref_squeeze %dma_wait3A_490 : memref<1x125xi32, #tpu.memory_space<vmem>> -> memref<125xi32, #tpu.memory_space<vmem>>
        %dma_wait3A_492 = arith.constant 0 : i32
        %dma_wait3A_493 = arith.constant 0 : i32
        %dma_wait3A_494 = tpu.memref_slice %arg16[%dma_wait3A_492, %dma_wait3A_493] : memref<10000x64xf32, #tpu.memory_space<vmem_shared>> -> memref<10000x64xf32, #tpu.memory_space<vmem_shared>>
        tpu.wait_indirect_dma semaphore(%arg32 : memref<!tpu.dma_semaphore, #tpu.memory_space<semaphore_mem>>) src(%arg15 : memref<125x64xf32, #tpu.memory_space<vmem>>) dst(%dma_wait3A_494 : memref<10000x64xf32, #tpu.memory_space<vmem_shared>>)
        %add3A_495 = arith.constant 8 : i32
        %add3A_496 = arith.addi %add3A_480, %add3A_495 : i32
        %dma_start3A_497 = arith.constant 0 : i32
        %dma_start3A_498 = tpu.memref_slice %arg6[%add3A_496, %dma_start3A_497] : memref<80x125xi32, #tpu.memory_space<vmem>> -> memref<1x125xi32, #tpu.memory_space<vmem>>
        %dma_start3A_499 = tpu.memref_squeeze %dma_start3A_498 : memref<1x125xi32, #tpu.memory_space<vmem>> -> memref<125xi32, #tpu.memory_space<vmem>>
        %dma_start3A_500 = arith.constant 0 : i32
        %dma_start3A_501 = arith.constant 0 : i32
        %dma_start3A_502 = tpu.memref_slice %arg2[%dma_start3A_500, %dma_start3A_501] : memref<40000x64xf32, #tpu.memory_space<hbm>> -> memref<40000x64xf32, #tpu.memory_space<hbm>>
        tpu.enqueue_indirect_dma source(%dma_start3A_502 : memref<40000x64xf32, #tpu.memory_space<hbm>>) target(%arg15 : memref<125x64xf32, #tpu.memory_space<vmem>>) offsets(%dma_start3A_499 : memref<125xi32, #tpu.memory_space<vmem>>) semaphore(%arg24 : memref<!tpu.dma_semaphore, #tpu.memory_space<semaphore_mem>>)
      } else {
      }
      %scan3A_488 = arith.constant 0 : i32
      scf.yield %scan3A_488 : i32
    }
    %scan3A_73 = arith.constant 10 : i32
    %dma_wait3A = arith.constant 72 : i32
    %dma_wait3A_74 = arith.constant 0 : i32
    %dma_wait3A_75 = tpu.memref_slice %arg7[%dma_wait3A, %dma_wait3A_74] : memref<80x125xi32, #tpu.memory_space<vmem>> -> memref<1x125xi32, #tpu.memory_space<vmem>>
    %dma_wait3A_76 = tpu.memref_squeeze %dma_wait3A_75 : memref<1x125xi32, #tpu.memory_space<vmem>> -> memref<125xi32, #tpu.memory_space<vmem>>
    %dma_wait3A_77 = arith.constant 0 : i32
    %dma_wait3A_78 = arith.constant 0 : i32
    %dma_wait3A_79 = tpu.memref_slice %arg16[%dma_wait3A_77, %dma_wait3A_78] : memref<10000x64xf32, #tpu.memory_space<vmem_shared>> -> memref<10000x64xf32, #tpu.memory_space<vmem_shared>>
    tpu.wait_indirect_dma semaphore(%arg25 : memref<!tpu.dma_semaphore, #tpu.memory_space<semaphore_mem>>) src(%arg8 : memref<125x64xf32, #tpu.memory_space<vmem>>) dst(%dma_wait3A_79 : memref<10000x64xf32, #tpu.memory_space<vmem_shared>>)
    %dma_wait3A_80 = arith.constant 73 : i32
    %dma_wait3A_81 = arith.constant 0 : i32
    %dma_wait3A_82 = tpu.memref_slice %arg7[%dma_wait3A_80, %dma_wait3A_81] : memref<80x125xi32, #tpu.memory_space<vmem>> -> memref<1x125xi32, #tpu.memory_space<vmem>>
    %dma_wait3A_83 = tpu.memref_squeeze %dma_wait3A_82 : memref<1x125xi32, #tpu.memory_space<vmem>> -> memref<125xi32, #tpu.memory_space<vmem>>
    %dma_wait3A_84 = arith.constant 0 : i32
    %dma_wait3A_85 = arith.constant 0 : i32
    %dma_wait3A_86 = tpu.memref_slice %arg16[%dma_wait3A_84, %dma_wait3A_85] : memref<10000x64xf32, #tpu.memory_space<vmem_shared>> -> memref<10000x64xf32, #tpu.memory_space<vmem_shared>>
    tpu.wait_indirect_dma semaphore(%arg26 : memref<!tpu.dma_semaphore, #tpu.memory_space<semaphore_mem>>) src(%arg9 : memref<125x64xf32, #tpu.memory_space<vmem>>) dst(%dma_wait3A_86 : memref<10000x64xf32, #tpu.memory_space<vmem_shared>>)
    %dma_wait3A_87 = arith.constant 74 : i32
    %dma_wait3A_88 = arith.constant 0 : i32
    %dma_wait3A_89 = tpu.memref_slice %arg7[%dma_wait3A_87, %dma_wait3A_88] : memref<80x125xi32, #tpu.memory_space<vmem>> -> memref<1x125xi32, #tpu.memory_space<vmem>>
    %dma_wait3A_90 = tpu.memref_squeeze %dma_wait3A_89 : memref<1x125xi32, #tpu.memory_space<vmem>> -> memref<125xi32, #tpu.memory_space<vmem>>
    %dma_wait3A_91 = arith.constant 0 : i32
    %dma_wait3A_92 = arith.constant 0 : i32
    %dma_wait3A_93 = tpu.memref_slice %arg16[%dma_wait3A_91, %dma_wait3A_92] : memref<10000x64xf32, #tpu.memory_space<vmem_shared>> -> memref<10000x64xf32, #tpu.memory_space<vmem_shared>>
    tpu.wait_indirect_dma semaphore(%arg27 : memref<!tpu.dma_semaphore, #tpu.memory_space<semaphore_mem>>) src(%arg10 : memref<125x64xf32, #tpu.memory_space<vmem>>) dst(%dma_wait3A_93 : memref<10000x64xf32, #tpu.memory_space<vmem_shared>>)
    %dma_wait3A_94 = arith.constant 75 : i32
    %dma_wait3A_95 = arith.constant 0 : i32
    %dma_wait3A_96 = tpu.memref_slice %arg7[%dma_wait3A_94, %dma_wait3A_95] : memref<80x125xi32, #tpu.memory_space<vmem>> -> memref<1x125xi32, #tpu.memory_space<vmem>>
    %dma_wait3A_97 = tpu.memref_squeeze %dma_wait3A_96 : memref<1x125xi32, #tpu.memory_space<vmem>> -> memref<125xi32, #tpu.memory_space<vmem>>
    %dma_wait3A_98 = arith.constant 0 : i32
    %dma_wait3A_99 = arith.constant 0 : i32
    %dma_wait3A_100 = tpu.memref_slice %arg16[%dma_wait3A_98, %dma_wait3A_99] : memref<10000x64xf32, #tpu.memory_space<vmem_shared>> -> memref<10000x64xf32, #tpu.memory_space<vmem_shared>>
    tpu.wait_indirect_dma semaphore(%arg28 : memref<!tpu.dma_semaphore, #tpu.memory_space<semaphore_mem>>) src(%arg11 : memref<125x64xf32, #tpu.memory_space<vmem>>) dst(%dma_wait3A_100 : memref<10000x64xf32, #tpu.memory_space<vmem_shared>>)
    %dma_wait3A_101 = arith.constant 76 : i32
    %dma_wait3A_102 = arith.constant 0 : i32
    %dma_wait3A_103 = tpu.memref_slice %arg7[%dma_wait3A_101, %dma_wait3A_102] : memref<80x125xi32, #tpu.memory_space<vmem>> -> memref<1x125xi32, #tpu.memory_space<vmem>>
    %dma_wait3A_104 = tpu.memref_squeeze %dma_wait3A_103 : memref<1x125xi32, #tpu.memory_space<vmem>> -> memref<125xi32, #tpu.memory_space<vmem>>
    %dma_wait3A_105 = arith.constant 0 : i32
    %dma_wait3A_106 = arith.constant 0 : i32
    %dma_wait3A_107 = tpu.memref_slice %arg16[%dma_wait3A_105, %dma_wait3A_106] : memref<10000x64xf32, #tpu.memory_space<vmem_shared>> -> memref<10000x64xf32, #tpu.memory_space<vmem_shared>>
    tpu.wait_indirect_dma semaphore(%arg29 : memref<!tpu.dma_semaphore, #tpu.memory_space<semaphore_mem>>) src(%arg12 : memref<125x64xf32, #tpu.memory_space<vmem>>) dst(%dma_wait3A_107 : memref<10000x64xf32, #tpu.memory_space<vmem_shared>>)
    %dma_wait3A_108 = arith.constant 77 : i32
    %dma_wait3A_109 = arith.constant 0 : i32
    %dma_wait3A_110 = tpu.memref_slice %arg7[%dma_wait3A_108, %dma_wait3A_109] : memref<80x125xi32, #tpu.memory_space<vmem>> -> memref<1x125xi32, #tpu.memory_space<vmem>>
    %dma_wait3A_111 = tpu.memref_squeeze %dma_wait3A_110 : memref<1x125xi32, #tpu.memory_space<vmem>> -> memref<125xi32, #tpu.memory_space<vmem>>
    %dma_wait3A_112 = arith.constant 0 : i32
    %dma_wait3A_113 = arith.constant 0 : i32
    %dma_wait3A_114 = tpu.memref_slice %arg16[%dma_wait3A_112, %dma_wait3A_113] : memref<10000x64xf32, #tpu.memory_space<vmem_shared>> -> memref<10000x64xf32, #tpu.memory_space<vmem_shared>>
    tpu.wait_indirect_dma semaphore(%arg30 : memref<!tpu.dma_semaphore, #tpu.memory_space<semaphore_mem>>) src(%arg13 : memref<125x64xf32, #tpu.memory_space<vmem>>) dst(%dma_wait3A_114 : memref<10000x64xf32, #tpu.memory_space<vmem_shared>>)
    %dma_wait3A_115 = arith.constant 78 : i32
    %dma_wait3A_116 = arith.constant 0 : i32
    %dma_wait3A_117 = tpu.memref_slice %arg7[%dma_wait3A_115, %dma_wait3A_116] : memref<80x125xi32, #tpu.memory_space<vmem>> -> memref<1x125xi32, #tpu.memory_space<vmem>>
    %dma_wait3A_118 = tpu.memref_squeeze %dma_wait3A_117 : memref<1x125xi32, #tpu.memory_space<vmem>> -> memref<125xi32, #tpu.memory_space<vmem>>
    %dma_wait3A_119 = arith.constant 0 : i32
    %dma_wait3A_120 = arith.constant 0 : i32
    %dma_wait3A_121 = tpu.memref_slice %arg16[%dma_wait3A_119, %dma_wait3A_120] : memref<10000x64xf32, #tpu.memory_space<vmem_shared>> -> memref<10000x64xf32, #tpu.memory_space<vmem_shared>>
    tpu.wait_indirect_dma semaphore(%arg31 : memref<!tpu.dma_semaphore, #tpu.memory_space<semaphore_mem>>) src(%arg14 : memref<125x64xf32, #tpu.memory_space<vmem>>) dst(%dma_wait3A_121 : memref<10000x64xf32, #tpu.memory_space<vmem_shared>>)
    %dma_wait3A_122 = arith.constant 79 : i32
    %dma_wait3A_123 = arith.constant 0 : i32
    %dma_wait3A_124 = tpu.memref_slice %arg7[%dma_wait3A_122, %dma_wait3A_123] : memref<80x125xi32, #tpu.memory_space<vmem>> -> memref<1x125xi32, #tpu.memory_space<vmem>>
    %dma_wait3A_125 = tpu.memref_squeeze %dma_wait3A_124 : memref<1x125xi32, #tpu.memory_space<vmem>> -> memref<125xi32, #tpu.memory_space<vmem>>
    %dma_wait3A_126 = arith.constant 0 : i32
    %dma_wait3A_127 = arith.constant 0 : i32
    %dma_wait3A_128 = tpu.memref_slice %arg16[%dma_wait3A_126, %dma_wait3A_127] : memref<10000x64xf32, #tpu.memory_space<vmem_shared>> -> memref<10000x64xf32, #tpu.memory_space<vmem_shared>>
    tpu.wait_indirect_dma semaphore(%arg32 : memref<!tpu.dma_semaphore, #tpu.memory_space<semaphore_mem>>) src(%arg15 : memref<125x64xf32, #tpu.memory_space<vmem>>) dst(%dma_wait3A_128 : memref<10000x64xf32, #tpu.memory_space<vmem_shared>>)
    %barrier3A_129 = arith.constant 0 : index
    tpu.barrier barrier_id(%barrier3A_129)
    %mul3A_130 = arith.constant 2 : i32
    %mul3A_131 = arith.muli %arg0, %mul3A_130 : i32
    %add3A_132 = arith.constant 1 : i32
    %add3A_133 = arith.addi %mul3A_131, %add3A_132 : i32
    %mul3A_134 = arith.constant 16 : i32
    %mul3A_135 = arith.muli %add3A_133, %mul3A_134 : i32
    %add3A_136 = arith.addi %mul3A_135, %arg1 : i32
    "tpu.region"() ({
      %run_scoped3A = tpu.sem_alloc : memref<!tpu.dma_semaphore, #tpu.memory_space<semaphore_mem>>
      %dma_start3A_273 = arith.constant 0 : i32
      %dma_start3A_274 = arith.constant 0 : i32
      %dma_start3A_275 = tpu.memref_slice %arg3[%add3A_136, %dma_start3A_273, %dma_start3A_274] : memref<64x80x125xi32, #tpu.memory_space<hbm>> -> memref<1x80x125xi32, #tpu.memory_space<hbm>>
      %dma_start3A_276 = tpu.memref_squeeze %dma_start3A_275 : memref<1x80x125xi32, #tpu.memory_space<hbm>> -> memref<80x125xi32, #tpu.memory_space<hbm>>
      %dma_start3A_277 = arith.constant 0 : i32
      %dma_start3A_278 = arith.constant 0 : i32
      %dma_start3A_279 = tpu.memref_slice %arg3[%add3A_136, %dma_start3A_277, %dma_start3A_278] : memref<64x80x125xi32, #tpu.memory_space<hbm>> -> memref<1x80x125xi32, #tpu.memory_space<hbm>>
      %dma_start3A_280 = tpu.memref_squeeze %dma_start3A_279 : memref<1x80x125xi32, #tpu.memory_space<hbm>> -> memref<80x125xi32, #tpu.memory_space<hbm>>
      tpu.enqueue_dma source(%dma_start3A_280 : memref<80x125xi32, #tpu.memory_space<hbm>>) target(%arg6 : memref<80x125xi32, #tpu.memory_space<vmem>>) target_semaphore(%run_scoped3A : memref<!tpu.dma_semaphore, #tpu.memory_space<semaphore_mem>>)
      %dma_wait3A_281 = arith.constant 0 : i32
      %dma_wait3A_282 = arith.constant 0 : i32
      %dma_wait3A_283 = tpu.memref_slice %arg3[%add3A_136, %dma_wait3A_281, %dma_wait3A_282] : memref<64x80x125xi32, #tpu.memory_space<hbm>> -> memref<1x80x125xi32, #tpu.memory_space<hbm>>
      %dma_wait3A_284 = tpu.memref_squeeze %dma_wait3A_283 : memref<1x80x125xi32, #tpu.memory_space<hbm>> -> memref<80x125xi32, #tpu.memory_space<hbm>>
      %dma_wait3A_285 = arith.constant 0 : i32
      %dma_wait3A_286 = arith.constant 0 : i32
      %dma_wait3A_287 = tpu.memref_slice %arg3[%add3A_136, %dma_wait3A_285, %dma_wait3A_286] : memref<64x80x125xi32, #tpu.memory_space<hbm>> -> memref<1x80x125xi32, #tpu.memory_space<hbm>>
      %dma_wait3A_288 = tpu.memref_squeeze %dma_wait3A_287 : memref<1x80x125xi32, #tpu.memory_space<hbm>> -> memref<80x125xi32, #tpu.memory_space<hbm>>
      tpu.wait_dma2 semaphore(%run_scoped3A : memref<!tpu.dma_semaphore, #tpu.memory_space<semaphore_mem>>) src(%dma_wait3A_288 : memref<80x125xi32, #tpu.memory_space<hbm>>) dst(%arg6 : memref<80x125xi32, #tpu.memory_space<vmem>>)
      tpu.yield
    }) : () -> ()
    %dma_start3A_137 = arith.constant 0 : i32
    %dma_start3A_138 = arith.constant 0 : i32
    %dma_start3A_139 = tpu.memref_slice %arg6[%dma_start3A_137, %dma_start3A_138] : memref<80x125xi32, #tpu.memory_space<vmem>> -> memref<1x125xi32, #tpu.memory_space<vmem>>
    %dma_start3A_140 = tpu.memref_squeeze %dma_start3A_139 : memref<1x125xi32, #tpu.memory_space<vmem>> -> memref<125xi32, #tpu.memory_space<vmem>>
    %dma_start3A_141 = arith.constant 0 : i32
    %dma_start3A_142 = arith.constant 0 : i32
    %dma_start3A_143 = tpu.memref_slice %arg2[%dma_start3A_141, %dma_start3A_142] : memref<40000x64xf32, #tpu.memory_space<hbm>> -> memref<40000x64xf32, #tpu.memory_space<hbm>>
    tpu.enqueue_indirect_dma source(%dma_start3A_143 : memref<40000x64xf32, #tpu.memory_space<hbm>>) target(%arg8 : memref<125x64xf32, #tpu.memory_space<vmem>>) offsets(%dma_start3A_140 : memref<125xi32, #tpu.memory_space<vmem>>) semaphore(%arg17 : memref<!tpu.dma_semaphore, #tpu.memory_space<semaphore_mem>>)
    %dma_start3A_144 = arith.constant 1 : i32
    %dma_start3A_145 = arith.constant 0 : i32
    %dma_start3A_146 = tpu.memref_slice %arg6[%dma_start3A_144, %dma_start3A_145] : memref<80x125xi32, #tpu.memory_space<vmem>> -> memref<1x125xi32, #tpu.memory_space<vmem>>
    %dma_start3A_147 = tpu.memref_squeeze %dma_start3A_146 : memref<1x125xi32, #tpu.memory_space<vmem>> -> memref<125xi32, #tpu.memory_space<vmem>>
    %dma_start3A_148 = arith.constant 0 : i32
    %dma_start3A_149 = arith.constant 0 : i32
    %dma_start3A_150 = tpu.memref_slice %arg2[%dma_start3A_148, %dma_start3A_149] : memref<40000x64xf32, #tpu.memory_space<hbm>> -> memref<40000x64xf32, #tpu.memory_space<hbm>>
    tpu.enqueue_indirect_dma source(%dma_start3A_150 : memref<40000x64xf32, #tpu.memory_space<hbm>>) target(%arg9 : memref<125x64xf32, #tpu.memory_space<vmem>>) offsets(%dma_start3A_147 : memref<125xi32, #tpu.memory_space<vmem>>) semaphore(%arg18 : memref<!tpu.dma_semaphore, #tpu.memory_space<semaphore_mem>>)
    %dma_start3A_151 = arith.constant 2 : i32
    %dma_start3A_152 = arith.constant 0 : i32
    %dma_start3A_153 = tpu.memref_slice %arg6[%dma_start3A_151, %dma_start3A_152] : memref<80x125xi32, #tpu.memory_space<vmem>> -> memref<1x125xi32, #tpu.memory_space<vmem>>
    %dma_start3A_154 = tpu.memref_squeeze %dma_start3A_153 : memref<1x125xi32, #tpu.memory_space<vmem>> -> memref<125xi32, #tpu.memory_space<vmem>>
    %dma_start3A_155 = arith.constant 0 : i32
    %dma_start3A_156 = arith.constant 0 : i32
    %dma_start3A_157 = tpu.memref_slice %arg2[%dma_start3A_155, %dma_start3A_156] : memref<40000x64xf32, #tpu.memory_space<hbm>> -> memref<40000x64xf32, #tpu.memory_space<hbm>>
    tpu.enqueue_indirect_dma source(%dma_start3A_157 : memref<40000x64xf32, #tpu.memory_space<hbm>>) target(%arg10 : memref<125x64xf32, #tpu.memory_space<vmem>>) offsets(%dma_start3A_154 : memref<125xi32, #tpu.memory_space<vmem>>) semaphore(%arg19 : memref<!tpu.dma_semaphore, #tpu.memory_space<semaphore_mem>>)
    %dma_start3A_158 = arith.constant 3 : i32
    %dma_start3A_159 = arith.constant 0 : i32
    %dma_start3A_160 = tpu.memref_slice %arg6[%dma_start3A_158, %dma_start3A_159] : memref<80x125xi32, #tpu.memory_space<vmem>> -> memref<1x125xi32, #tpu.memory_space<vmem>>
    %dma_start3A_161 = tpu.memref_squeeze %dma_start3A_160 : memref<1x125xi32, #tpu.memory_space<vmem>> -> memref<125xi32, #tpu.memory_space<vmem>>
    %dma_start3A_162 = arith.constant 0 : i32
    %dma_start3A_163 = arith.constant 0 : i32
    %dma_start3A_164 = tpu.memref_slice %arg2[%dma_start3A_162, %dma_start3A_163] : memref<40000x64xf32, #tpu.memory_space<hbm>> -> memref<40000x64xf32, #tpu.memory_space<hbm>>
    tpu.enqueue_indirect_dma source(%dma_start3A_164 : memref<40000x64xf32, #tpu.memory_space<hbm>>) target(%arg11 : memref<125x64xf32, #tpu.memory_space<vmem>>) offsets(%dma_start3A_161 : memref<125xi32, #tpu.memory_space<vmem>>) semaphore(%arg20 : memref<!tpu.dma_semaphore, #tpu.memory_space<semaphore_mem>>)
    %dma_start3A_165 = arith.constant 4 : i32
    %dma_start3A_166 = arith.constant 0 : i32
    %dma_start3A_167 = tpu.memref_slice %arg6[%dma_start3A_165, %dma_start3A_166] : memref<80x125xi32, #tpu.memory_space<vmem>> -> memref<1x125xi32, #tpu.memory_space<vmem>>
    %dma_start3A_168 = tpu.memref_squeeze %dma_start3A_167 : memref<1x125xi32, #tpu.memory_space<vmem>> -> memref<125xi32, #tpu.memory_space<vmem>>
    %dma_start3A_169 = arith.constant 0 : i32
    %dma_start3A_170 = arith.constant 0 : i32
    %dma_start3A_171 = tpu.memref_slice %arg2[%dma_start3A_169, %dma_start3A_170] : memref<40000x64xf32, #tpu.memory_space<hbm>> -> memref<40000x64xf32, #tpu.memory_space<hbm>>
    tpu.enqueue_indirect_dma source(%dma_start3A_171 : memref<40000x64xf32, #tpu.memory_space<hbm>>) target(%arg12 : memref<125x64xf32, #tpu.memory_space<vmem>>) offsets(%dma_start3A_168 : memref<125xi32, #tpu.memory_space<vmem>>) semaphore(%arg21 : memref<!tpu.dma_semaphore, #tpu.memory_space<semaphore_mem>>)
    %dma_start3A_172 = arith.constant 5 : i32
    %dma_start3A_173 = arith.constant 0 : i32
    %dma_start3A_174 = tpu.memref_slice %arg6[%dma_start3A_172, %dma_start3A_173] : memref<80x125xi32, #tpu.memory_space<vmem>> -> memref<1x125xi32, #tpu.memory_space<vmem>>
    %dma_start3A_175 = tpu.memref_squeeze %dma_start3A_174 : memref<1x125xi32, #tpu.memory_space<vmem>> -> memref<125xi32, #tpu.memory_space<vmem>>
    %dma_start3A_176 = arith.constant 0 : i32
    %dma_start3A_177 = arith.constant 0 : i32
    %dma_start3A_178 = tpu.memref_slice %arg2[%dma_start3A_176, %dma_start3A_177] : memref<40000x64xf32, #tpu.memory_space<hbm>> -> memref<40000x64xf32, #tpu.memory_space<hbm>>
    tpu.enqueue_indirect_dma source(%dma_start3A_178 : memref<40000x64xf32, #tpu.memory_space<hbm>>) target(%arg13 : memref<125x64xf32, #tpu.memory_space<vmem>>) offsets(%dma_start3A_175 : memref<125xi32, #tpu.memory_space<vmem>>) semaphore(%arg22 : memref<!tpu.dma_semaphore, #tpu.memory_space<semaphore_mem>>)
    %dma_start3A_179 = arith.constant 6 : i32
    %dma_start3A_180 = arith.constant 0 : i32
    %dma_start3A_181 = tpu.memref_slice %arg6[%dma_start3A_179, %dma_start3A_180] : memref<80x125xi32, #tpu.memory_space<vmem>> -> memref<1x125xi32, #tpu.memory_space<vmem>>
    %dma_start3A_182 = tpu.memref_squeeze %dma_start3A_181 : memref<1x125xi32, #tpu.memory_space<vmem>> -> memref<125xi32, #tpu.memory_space<vmem>>
    %dma_start3A_183 = arith.constant 0 : i32
    %dma_start3A_184 = arith.constant 0 : i32
    %dma_start3A_185 = tpu.memref_slice %arg2[%dma_start3A_183, %dma_start3A_184] : memref<40000x64xf32, #tpu.memory_space<hbm>> -> memref<40000x64xf32, #tpu.memory_space<hbm>>
    tpu.enqueue_indirect_dma source(%dma_start3A_185 : memref<40000x64xf32, #tpu.memory_space<hbm>>) target(%arg14 : memref<125x64xf32, #tpu.memory_space<vmem>>) offsets(%dma_start3A_182 : memref<125xi32, #tpu.memory_space<vmem>>) semaphore(%arg23 : memref<!tpu.dma_semaphore, #tpu.memory_space<semaphore_mem>>)
    %dma_start3A_186 = arith.constant 7 : i32
    %dma_start3A_187 = arith.constant 0 : i32
    %dma_start3A_188 = tpu.memref_slice %arg6[%dma_start3A_186, %dma_start3A_187] : memref<80x125xi32, #tpu.memory_space<vmem>> -> memref<1x125xi32, #tpu.memory_space<vmem>>
    %dma_start3A_189 = tpu.memref_squeeze %dma_start3A_188 : memref<1x125xi32, #tpu.memory_space<vmem>> -> memref<125xi32, #tpu.memory_space<vmem>>
    %dma_start3A_190 = arith.constant 0 : i32
    %dma_start3A_191 = arith.constant 0 : i32
    %dma_start3A_192 = tpu.memref_slice %arg2[%dma_start3A_190, %dma_start3A_191] : memref<40000x64xf32, #tpu.memory_space<hbm>> -> memref<40000x64xf32, #tpu.memory_space<hbm>>
    tpu.enqueue_indirect_dma source(%dma_start3A_192 : memref<40000x64xf32, #tpu.memory_space<hbm>>) target(%arg15 : memref<125x64xf32, #tpu.memory_space<vmem>>) offsets(%dma_start3A_189 : memref<125xi32, #tpu.memory_space<vmem>>) semaphore(%arg24 : memref<!tpu.dma_semaphore, #tpu.memory_space<semaphore_mem>>)
    %mul3A_193 = arith.constant 10000 : i32
    %mul3A_194 = arith.muli %arg0, %mul3A_193 : i32
    %add3A_195 = arith.addi %mul3A_194, %min3A_1 : i32
    "tpu.region"() ({
      %run_scoped3A = tpu.sem_alloc : memref<!tpu.dma_semaphore, #tpu.memory_space<semaphore_mem>>
      %dma_start3A_273 = arith.constant 0 : i32
      %dma_start3A_274 = tpu.memref_slice %arg5[%add3A_195, %dma_start3A_273] : memref<20000x128xf32, #tpu.memory_space<hbm>> -> memref<632x64xf32, #tpu.memory_space<hbm>>
      %dma_start3A_275 = arith.constant 0 : i32
      %dma_start3A_276 = tpu.memref_slice %arg16[%min3A_1, %dma_start3A_275] : memref<10000x64xf32, #tpu.memory_space<vmem_shared>> -> memref<632x64xf32, #tpu.memory_space<vmem_shared>>
      tpu.enqueue_dma source(%dma_start3A_276 : memref<632x64xf32, #tpu.memory_space<vmem_shared>>) target(%dma_start3A_274 : memref<632x64xf32, #tpu.memory_space<hbm>>) target_semaphore(%run_scoped3A : memref<!tpu.dma_semaphore, #tpu.memory_space<semaphore_mem>>)
      %dma_wait3A_277 = arith.constant 0 : i32
      %dma_wait3A_278 = tpu.memref_slice %arg5[%add3A_195, %dma_wait3A_277] : memref<20000x128xf32, #tpu.memory_space<hbm>> -> memref<632x64xf32, #tpu.memory_space<hbm>>
      %dma_wait3A_279 = arith.constant 0 : i32
      %dma_wait3A_280 = tpu.memref_slice %arg16[%min3A_1, %dma_wait3A_279] : memref<10000x64xf32, #tpu.memory_space<vmem_shared>> -> memref<632x64xf32, #tpu.memory_space<vmem_shared>>
      tpu.wait_dma2 semaphore(%run_scoped3A : memref<!tpu.dma_semaphore, #tpu.memory_space<semaphore_mem>>) src(%dma_wait3A_280 : memref<632x64xf32, #tpu.memory_space<vmem_shared>>) dst(%dma_wait3A_278 : memref<632x64xf32, #tpu.memory_space<hbm>>)
      tpu.yield
    }) : () -> ()
    %barrier3A_196 = arith.constant 0 : index
    tpu.barrier barrier_id(%barrier3A_196)
    %mul3A_197 = arith.constant 2 : i32
    %mul3A_198 = arith.muli %arg0, %mul3A_197 : i32
    %add3A_199 = arith.constant 1 : i32
    %add3A_200 = arith.addi %mul3A_198, %add3A_199 : i32
    %mul3A_201 = arith.constant 10000 : i32
    %mul3A_202 = arith.muli %add3A_200, %mul3A_201 : i32
    %add3A_203 = arith.addi %mul3A_202, %min3A_1 : i32
    "tpu.region"() ({
      %run_scoped3A = tpu.sem_alloc : memref<!tpu.dma_semaphore, #tpu.memory_space<semaphore_mem>>
      %dma_start3A_273 = arith.constant 0 : i32
      %dma_start3A_274 = tpu.memref_slice %arg16[%min3A_1, %dma_start3A_273] : memref<10000x64xf32, #tpu.memory_space<vmem_shared>> -> memref<632x64xf32, #tpu.memory_space<vmem_shared>>
      %dma_start3A_275 = arith.constant 0 : i32
      %dma_start3A_276 = tpu.memref_slice %arg2[%add3A_203, %dma_start3A_275] : memref<40000x64xf32, #tpu.memory_space<hbm>> -> memref<632x64xf32, #tpu.memory_space<hbm>>
      tpu.enqueue_dma source(%dma_start3A_276 : memref<632x64xf32, #tpu.memory_space<hbm>>) target(%dma_start3A_274 : memref<632x64xf32, #tpu.memory_space<vmem_shared>>) target_semaphore(%run_scoped3A : memref<!tpu.dma_semaphore, #tpu.memory_space<semaphore_mem>>)
      %dma_wait3A_277 = arith.constant 0 : i32
      %dma_wait3A_278 = tpu.memref_slice %arg16[%min3A_1, %dma_wait3A_277] : memref<10000x64xf32, #tpu.memory_space<vmem_shared>> -> memref<632x64xf32, #tpu.memory_space<vmem_shared>>
      %dma_wait3A_279 = arith.constant 0 : i32
      %dma_wait3A_280 = tpu.memref_slice %arg2[%add3A_203, %dma_wait3A_279] : memref<40000x64xf32, #tpu.memory_space<hbm>> -> memref<632x64xf32, #tpu.memory_space<hbm>>
      tpu.wait_dma2 semaphore(%run_scoped3A : memref<!tpu.dma_semaphore, #tpu.memory_space<semaphore_mem>>) src(%dma_wait3A_280 : memref<632x64xf32, #tpu.memory_space<hbm>>) dst(%dma_wait3A_278 : memref<632x64xf32, #tpu.memory_space<vmem_shared>>)
      tpu.yield
    }) : () -> ()
    %barrier3A_204 = arith.constant 0 : index
    tpu.barrier barrier_id(%barrier3A_204)
    %scan3A_205 = arith.constant 0 : i32
    %scan3A_206 = arith.constant 0 : i32
    %scan3A_207 = arith.constant 10 : i32
    %scan3A_208 = arith.addi %scan3A_206, %scan3A_207 : i32
    %scan3A_209 = arith.constant 1 : i32
    %scan3A_210 = scf.for %scan3A_273 = %scan3A_206 to %scan3A_208 step %scan3A_209 iter_args(%scan3A_274 = %scan3A_205) -> (i32)  : i32 {
      %mul3A_275 = arith.constant 8 : i32
      %mul3A_276 = arith.muli %mul3A_275, %scan3A_273 : i32
      %add3A_277 = arith.constant 0 : i32
      %add3A_278 = arith.addi %mul3A_276, %add3A_277 : i32
      %dma_wait3A_279 = arith.constant 0 : i32
      %dma_wait3A_280 = tpu.memref_slice %arg6[%add3A_278, %dma_wait3A_279] : memref<80x125xi32, #tpu.memory_space<vmem>> -> memref<1x125xi32, #tpu.memory_space<vmem>>
      %dma_wait3A_281 = tpu.memref_squeeze %dma_wait3A_280 : memref<1x125xi32, #tpu.memory_space<vmem>> -> memref<125xi32, #tpu.memory_space<vmem>>
      %dma_wait3A_282 = arith.constant 0 : i32
      %dma_wait3A_283 = arith.constant 0 : i32
      %dma_wait3A_284 = tpu.memref_slice %arg2[%dma_wait3A_282, %dma_wait3A_283] : memref<40000x64xf32, #tpu.memory_space<hbm>> -> memref<40000x64xf32, #tpu.memory_space<hbm>>
      tpu.wait_indirect_dma semaphore(%arg17 : memref<!tpu.dma_semaphore, #tpu.memory_space<semaphore_mem>>) src(%dma_wait3A_284 : memref<40000x64xf32, #tpu.memory_space<hbm>>) dst(%arg8 : memref<125x64xf32, #tpu.memory_space<vmem>>)
      %dma_start3A_285 = arith.constant 0 : i32
      %dma_start3A_286 = tpu.memref_slice %arg7[%add3A_278, %dma_start3A_285] : memref<80x125xi32, #tpu.memory_space<vmem>> -> memref<1x125xi32, #tpu.memory_space<vmem>>
      %dma_start3A_287 = tpu.memref_squeeze %dma_start3A_286 : memref<1x125xi32, #tpu.memory_space<vmem>> -> memref<125xi32, #tpu.memory_space<vmem>>
      %dma_start3A_288 = arith.constant 0 : i32
      %dma_start3A_289 = arith.constant 0 : i32
      %dma_start3A_290 = tpu.memref_slice %arg16[%dma_start3A_288, %dma_start3A_289] : memref<10000x64xf32, #tpu.memory_space<vmem_shared>> -> memref<10000x64xf32, #tpu.memory_space<vmem_shared>>
      tpu.enqueue_indirect_dma source(%arg8 : memref<125x64xf32, #tpu.memory_space<vmem>>) target(%dma_start3A_290 : memref<10000x64xf32, #tpu.memory_space<vmem_shared>>) offsets(%dma_start3A_287 : memref<125xi32, #tpu.memory_space<vmem>>) semaphore(%arg25 : memref<!tpu.dma_semaphore, #tpu.memory_space<semaphore_mem>>) {add = true}
      %mul3A_291 = arith.constant 8 : i32
      %mul3A_292 = arith.muli %mul3A_291, %scan3A_273 : i32
      %add3A_293 = arith.constant 1 : i32
      %add3A_294 = arith.addi %mul3A_292, %add3A_293 : i32
      %dma_wait3A_295 = arith.constant 0 : i32
      %dma_wait3A_296 = tpu.memref_slice %arg6[%add3A_294, %dma_wait3A_295] : memref<80x125xi32, #tpu.memory_space<vmem>> -> memref<1x125xi32, #tpu.memory_space<vmem>>
      %dma_wait3A_297 = tpu.memref_squeeze %dma_wait3A_296 : memref<1x125xi32, #tpu.memory_space<vmem>> -> memref<125xi32, #tpu.memory_space<vmem>>
      %dma_wait3A_298 = arith.constant 0 : i32
      %dma_wait3A_299 = arith.constant 0 : i32
      %dma_wait3A_300 = tpu.memref_slice %arg2[%dma_wait3A_298, %dma_wait3A_299] : memref<40000x64xf32, #tpu.memory_space<hbm>> -> memref<40000x64xf32, #tpu.memory_space<hbm>>
      tpu.wait_indirect_dma semaphore(%arg18 : memref<!tpu.dma_semaphore, #tpu.memory_space<semaphore_mem>>) src(%dma_wait3A_300 : memref<40000x64xf32, #tpu.memory_space<hbm>>) dst(%arg9 : memref<125x64xf32, #tpu.memory_space<vmem>>)
      %dma_start3A_301 = arith.constant 0 : i32
      %dma_start3A_302 = tpu.memref_slice %arg7[%add3A_294, %dma_start3A_301] : memref<80x125xi32, #tpu.memory_space<vmem>> -> memref<1x125xi32, #tpu.memory_space<vmem>>
      %dma_start3A_303 = tpu.memref_squeeze %dma_start3A_302 : memref<1x125xi32, #tpu.memory_space<vmem>> -> memref<125xi32, #tpu.memory_space<vmem>>
      %dma_start3A_304 = arith.constant 0 : i32
      %dma_start3A_305 = arith.constant 0 : i32
      %dma_start3A_306 = tpu.memref_slice %arg16[%dma_start3A_304, %dma_start3A_305] : memref<10000x64xf32, #tpu.memory_space<vmem_shared>> -> memref<10000x64xf32, #tpu.memory_space<vmem_shared>>
      tpu.enqueue_indirect_dma source(%arg9 : memref<125x64xf32, #tpu.memory_space<vmem>>) target(%dma_start3A_306 : memref<10000x64xf32, #tpu.memory_space<vmem_shared>>) offsets(%dma_start3A_303 : memref<125xi32, #tpu.memory_space<vmem>>) semaphore(%arg26 : memref<!tpu.dma_semaphore, #tpu.memory_space<semaphore_mem>>) {add = true}
      %mul3A_307 = arith.constant 8 : i32
      %mul3A_308 = arith.muli %mul3A_307, %scan3A_273 : i32
      %add3A_309 = arith.constant 2 : i32
      %add3A_310 = arith.addi %mul3A_308, %add3A_309 : i32
      %dma_wait3A_311 = arith.constant 0 : i32
      %dma_wait3A_312 = tpu.memref_slice %arg6[%add3A_310, %dma_wait3A_311] : memref<80x125xi32, #tpu.memory_space<vmem>> -> memref<1x125xi32, #tpu.memory_space<vmem>>
      %dma_wait3A_313 = tpu.memref_squeeze %dma_wait3A_312 : memref<1x125xi32, #tpu.memory_space<vmem>> -> memref<125xi32, #tpu.memory_space<vmem>>
      %dma_wait3A_314 = arith.constant 0 : i32
      %dma_wait3A_315 = arith.constant 0 : i32
      %dma_wait3A_316 = tpu.memref_slice %arg2[%dma_wait3A_314, %dma_wait3A_315] : memref<40000x64xf32, #tpu.memory_space<hbm>> -> memref<40000x64xf32, #tpu.memory_space<hbm>>
      tpu.wait_indirect_dma semaphore(%arg19 : memref<!tpu.dma_semaphore, #tpu.memory_space<semaphore_mem>>) src(%dma_wait3A_316 : memref<40000x64xf32, #tpu.memory_space<hbm>>) dst(%arg10 : memref<125x64xf32, #tpu.memory_space<vmem>>)
      %dma_start3A_317 = arith.constant 0 : i32
      %dma_start3A_318 = tpu.memref_slice %arg7[%add3A_310, %dma_start3A_317] : memref<80x125xi32, #tpu.memory_space<vmem>> -> memref<1x125xi32, #tpu.memory_space<vmem>>
      %dma_start3A_319 = tpu.memref_squeeze %dma_start3A_318 : memref<1x125xi32, #tpu.memory_space<vmem>> -> memref<125xi32, #tpu.memory_space<vmem>>
      %dma_start3A_320 = arith.constant 0 : i32
      %dma_start3A_321 = arith.constant 0 : i32
      %dma_start3A_322 = tpu.memref_slice %arg16[%dma_start3A_320, %dma_start3A_321] : memref<10000x64xf32, #tpu.memory_space<vmem_shared>> -> memref<10000x64xf32, #tpu.memory_space<vmem_shared>>
      tpu.enqueue_indirect_dma source(%arg10 : memref<125x64xf32, #tpu.memory_space<vmem>>) target(%dma_start3A_322 : memref<10000x64xf32, #tpu.memory_space<vmem_shared>>) offsets(%dma_start3A_319 : memref<125xi32, #tpu.memory_space<vmem>>) semaphore(%arg27 : memref<!tpu.dma_semaphore, #tpu.memory_space<semaphore_mem>>) {add = true}
      %mul3A_323 = arith.constant 8 : i32
      %mul3A_324 = arith.muli %mul3A_323, %scan3A_273 : i32
      %add3A_325 = arith.constant 3 : i32
      %add3A_326 = arith.addi %mul3A_324, %add3A_325 : i32
      %dma_wait3A_327 = arith.constant 0 : i32
      %dma_wait3A_328 = tpu.memref_slice %arg6[%add3A_326, %dma_wait3A_327] : memref<80x125xi32, #tpu.memory_space<vmem>> -> memref<1x125xi32, #tpu.memory_space<vmem>>
      %dma_wait3A_329 = tpu.memref_squeeze %dma_wait3A_328 : memref<1x125xi32, #tpu.memory_space<vmem>> -> memref<125xi32, #tpu.memory_space<vmem>>
      %dma_wait3A_330 = arith.constant 0 : i32
      %dma_wait3A_331 = arith.constant 0 : i32
      %dma_wait3A_332 = tpu.memref_slice %arg2[%dma_wait3A_330, %dma_wait3A_331] : memref<40000x64xf32, #tpu.memory_space<hbm>> -> memref<40000x64xf32, #tpu.memory_space<hbm>>
      tpu.wait_indirect_dma semaphore(%arg20 : memref<!tpu.dma_semaphore, #tpu.memory_space<semaphore_mem>>) src(%dma_wait3A_332 : memref<40000x64xf32, #tpu.memory_space<hbm>>) dst(%arg11 : memref<125x64xf32, #tpu.memory_space<vmem>>)
      %dma_start3A_333 = arith.constant 0 : i32
      %dma_start3A_334 = tpu.memref_slice %arg7[%add3A_326, %dma_start3A_333] : memref<80x125xi32, #tpu.memory_space<vmem>> -> memref<1x125xi32, #tpu.memory_space<vmem>>
      %dma_start3A_335 = tpu.memref_squeeze %dma_start3A_334 : memref<1x125xi32, #tpu.memory_space<vmem>> -> memref<125xi32, #tpu.memory_space<vmem>>
      %dma_start3A_336 = arith.constant 0 : i32
      %dma_start3A_337 = arith.constant 0 : i32
      %dma_start3A_338 = tpu.memref_slice %arg16[%dma_start3A_336, %dma_start3A_337] : memref<10000x64xf32, #tpu.memory_space<vmem_shared>> -> memref<10000x64xf32, #tpu.memory_space<vmem_shared>>
      tpu.enqueue_indirect_dma source(%arg11 : memref<125x64xf32, #tpu.memory_space<vmem>>) target(%dma_start3A_338 : memref<10000x64xf32, #tpu.memory_space<vmem_shared>>) offsets(%dma_start3A_335 : memref<125xi32, #tpu.memory_space<vmem>>) semaphore(%arg28 : memref<!tpu.dma_semaphore, #tpu.memory_space<semaphore_mem>>) {add = true}
      %mul3A_339 = arith.constant 8 : i32
      %mul3A_340 = arith.muli %mul3A_339, %scan3A_273 : i32
      %add3A_341 = arith.constant 4 : i32
      %add3A_342 = arith.addi %mul3A_340, %add3A_341 : i32
      %dma_wait3A_343 = arith.constant 0 : i32
      %dma_wait3A_344 = tpu.memref_slice %arg6[%add3A_342, %dma_wait3A_343] : memref<80x125xi32, #tpu.memory_space<vmem>> -> memref<1x125xi32, #tpu.memory_space<vmem>>
      %dma_wait3A_345 = tpu.memref_squeeze %dma_wait3A_344 : memref<1x125xi32, #tpu.memory_space<vmem>> -> memref<125xi32, #tpu.memory_space<vmem>>
      %dma_wait3A_346 = arith.constant 0 : i32
      %dma_wait3A_347 = arith.constant 0 : i32
      %dma_wait3A_348 = tpu.memref_slice %arg2[%dma_wait3A_346, %dma_wait3A_347] : memref<40000x64xf32, #tpu.memory_space<hbm>> -> memref<40000x64xf32, #tpu.memory_space<hbm>>
      tpu.wait_indirect_dma semaphore(%arg21 : memref<!tpu.dma_semaphore, #tpu.memory_space<semaphore_mem>>) src(%dma_wait3A_348 : memref<40000x64xf32, #tpu.memory_space<hbm>>) dst(%arg12 : memref<125x64xf32, #tpu.memory_space<vmem>>)
      %dma_start3A_349 = arith.constant 0 : i32
      %dma_start3A_350 = tpu.memref_slice %arg7[%add3A_342, %dma_start3A_349] : memref<80x125xi32, #tpu.memory_space<vmem>> -> memref<1x125xi32, #tpu.memory_space<vmem>>
      %dma_start3A_351 = tpu.memref_squeeze %dma_start3A_350 : memref<1x125xi32, #tpu.memory_space<vmem>> -> memref<125xi32, #tpu.memory_space<vmem>>
      %dma_start3A_352 = arith.constant 0 : i32
      %dma_start3A_353 = arith.constant 0 : i32
      %dma_start3A_354 = tpu.memref_slice %arg16[%dma_start3A_352, %dma_start3A_353] : memref<10000x64xf32, #tpu.memory_space<vmem_shared>> -> memref<10000x64xf32, #tpu.memory_space<vmem_shared>>
      tpu.enqueue_indirect_dma source(%arg12 : memref<125x64xf32, #tpu.memory_space<vmem>>) target(%dma_start3A_354 : memref<10000x64xf32, #tpu.memory_space<vmem_shared>>) offsets(%dma_start3A_351 : memref<125xi32, #tpu.memory_space<vmem>>) semaphore(%arg29 : memref<!tpu.dma_semaphore, #tpu.memory_space<semaphore_mem>>) {add = true}
      %mul3A_355 = arith.constant 8 : i32
      %mul3A_356 = arith.muli %mul3A_355, %scan3A_273 : i32
      %add3A_357 = arith.constant 5 : i32
      %add3A_358 = arith.addi %mul3A_356, %add3A_357 : i32
      %dma_wait3A_359 = arith.constant 0 : i32
      %dma_wait3A_360 = tpu.memref_slice %arg6[%add3A_358, %dma_wait3A_359] : memref<80x125xi32, #tpu.memory_space<vmem>> -> memref<1x125xi32, #tpu.memory_space<vmem>>
      %dma_wait3A_361 = tpu.memref_squeeze %dma_wait3A_360 : memref<1x125xi32, #tpu.memory_space<vmem>> -> memref<125xi32, #tpu.memory_space<vmem>>
      %dma_wait3A_362 = arith.constant 0 : i32
      %dma_wait3A_363 = arith.constant 0 : i32
      %dma_wait3A_364 = tpu.memref_slice %arg2[%dma_wait3A_362, %dma_wait3A_363] : memref<40000x64xf32, #tpu.memory_space<hbm>> -> memref<40000x64xf32, #tpu.memory_space<hbm>>
      tpu.wait_indirect_dma semaphore(%arg22 : memref<!tpu.dma_semaphore, #tpu.memory_space<semaphore_mem>>) src(%dma_wait3A_364 : memref<40000x64xf32, #tpu.memory_space<hbm>>) dst(%arg13 : memref<125x64xf32, #tpu.memory_space<vmem>>)
      %dma_start3A_365 = arith.constant 0 : i32
      %dma_start3A_366 = tpu.memref_slice %arg7[%add3A_358, %dma_start3A_365] : memref<80x125xi32, #tpu.memory_space<vmem>> -> memref<1x125xi32, #tpu.memory_space<vmem>>
      %dma_start3A_367 = tpu.memref_squeeze %dma_start3A_366 : memref<1x125xi32, #tpu.memory_space<vmem>> -> memref<125xi32, #tpu.memory_space<vmem>>
      %dma_start3A_368 = arith.constant 0 : i32
      %dma_start3A_369 = arith.constant 0 : i32
      %dma_start3A_370 = tpu.memref_slice %arg16[%dma_start3A_368, %dma_start3A_369] : memref<10000x64xf32, #tpu.memory_space<vmem_shared>> -> memref<10000x64xf32, #tpu.memory_space<vmem_shared>>
      tpu.enqueue_indirect_dma source(%arg13 : memref<125x64xf32, #tpu.memory_space<vmem>>) target(%dma_start3A_370 : memref<10000x64xf32, #tpu.memory_space<vmem_shared>>) offsets(%dma_start3A_367 : memref<125xi32, #tpu.memory_space<vmem>>) semaphore(%arg30 : memref<!tpu.dma_semaphore, #tpu.memory_space<semaphore_mem>>) {add = true}
      %mul3A_371 = arith.constant 8 : i32
      %mul3A_372 = arith.muli %mul3A_371, %scan3A_273 : i32
      %add3A_373 = arith.constant 6 : i32
      %add3A_374 = arith.addi %mul3A_372, %add3A_373 : i32
      %dma_wait3A_375 = arith.constant 0 : i32
      %dma_wait3A_376 = tpu.memref_slice %arg6[%add3A_374, %dma_wait3A_375] : memref<80x125xi32, #tpu.memory_space<vmem>> -> memref<1x125xi32, #tpu.memory_space<vmem>>
      %dma_wait3A_377 = tpu.memref_squeeze %dma_wait3A_376 : memref<1x125xi32, #tpu.memory_space<vmem>> -> memref<125xi32, #tpu.memory_space<vmem>>
      %dma_wait3A_378 = arith.constant 0 : i32
      %dma_wait3A_379 = arith.constant 0 : i32
      %dma_wait3A_380 = tpu.memref_slice %arg2[%dma_wait3A_378, %dma_wait3A_379] : memref<40000x64xf32, #tpu.memory_space<hbm>> -> memref<40000x64xf32, #tpu.memory_space<hbm>>
      tpu.wait_indirect_dma semaphore(%arg23 : memref<!tpu.dma_semaphore, #tpu.memory_space<semaphore_mem>>) src(%dma_wait3A_380 : memref<40000x64xf32, #tpu.memory_space<hbm>>) dst(%arg14 : memref<125x64xf32, #tpu.memory_space<vmem>>)
      %dma_start3A_381 = arith.constant 0 : i32
      %dma_start3A_382 = tpu.memref_slice %arg7[%add3A_374, %dma_start3A_381] : memref<80x125xi32, #tpu.memory_space<vmem>> -> memref<1x125xi32, #tpu.memory_space<vmem>>
      %dma_start3A_383 = tpu.memref_squeeze %dma_start3A_382 : memref<1x125xi32, #tpu.memory_space<vmem>> -> memref<125xi32, #tpu.memory_space<vmem>>
      %dma_start3A_384 = arith.constant 0 : i32
      %dma_start3A_385 = arith.constant 0 : i32
      %dma_start3A_386 = tpu.memref_slice %arg16[%dma_start3A_384, %dma_start3A_385] : memref<10000x64xf32, #tpu.memory_space<vmem_shared>> -> memref<10000x64xf32, #tpu.memory_space<vmem_shared>>
      tpu.enqueue_indirect_dma source(%arg14 : memref<125x64xf32, #tpu.memory_space<vmem>>) target(%dma_start3A_386 : memref<10000x64xf32, #tpu.memory_space<vmem_shared>>) offsets(%dma_start3A_383 : memref<125xi32, #tpu.memory_space<vmem>>) semaphore(%arg31 : memref<!tpu.dma_semaphore, #tpu.memory_space<semaphore_mem>>) {add = true}
      %mul3A_387 = arith.constant 8 : i32
      %mul3A_388 = arith.muli %mul3A_387, %scan3A_273 : i32
      %add3A_389 = arith.constant 7 : i32
      %add3A_390 = arith.addi %mul3A_388, %add3A_389 : i32
      %dma_wait3A_391 = arith.constant 0 : i32
      %dma_wait3A_392 = tpu.memref_slice %arg6[%add3A_390, %dma_wait3A_391] : memref<80x125xi32, #tpu.memory_space<vmem>> -> memref<1x125xi32, #tpu.memory_space<vmem>>
      %dma_wait3A_393 = tpu.memref_squeeze %dma_wait3A_392 : memref<1x125xi32, #tpu.memory_space<vmem>> -> memref<125xi32, #tpu.memory_space<vmem>>
      %dma_wait3A_394 = arith.constant 0 : i32
      %dma_wait3A_395 = arith.constant 0 : i32
      %dma_wait3A_396 = tpu.memref_slice %arg2[%dma_wait3A_394, %dma_wait3A_395] : memref<40000x64xf32, #tpu.memory_space<hbm>> -> memref<40000x64xf32, #tpu.memory_space<hbm>>
      tpu.wait_indirect_dma semaphore(%arg24 : memref<!tpu.dma_semaphore, #tpu.memory_space<semaphore_mem>>) src(%dma_wait3A_396 : memref<40000x64xf32, #tpu.memory_space<hbm>>) dst(%arg15 : memref<125x64xf32, #tpu.memory_space<vmem>>)
      %dma_start3A_397 = arith.constant 0 : i32
      %dma_start3A_398 = tpu.memref_slice %arg7[%add3A_390, %dma_start3A_397] : memref<80x125xi32, #tpu.memory_space<vmem>> -> memref<1x125xi32, #tpu.memory_space<vmem>>
      %dma_start3A_399 = tpu.memref_squeeze %dma_start3A_398 : memref<1x125xi32, #tpu.memory_space<vmem>> -> memref<125xi32, #tpu.memory_space<vmem>>
      %dma_start3A_400 = arith.constant 0 : i32
      %dma_start3A_401 = arith.constant 0 : i32
      %dma_start3A_402 = tpu.memref_slice %arg16[%dma_start3A_400, %dma_start3A_401] : memref<10000x64xf32, #tpu.memory_space<vmem_shared>> -> memref<10000x64xf32, #tpu.memory_space<vmem_shared>>
      tpu.enqueue_indirect_dma source(%arg15 : memref<125x64xf32, #tpu.memory_space<vmem>>) target(%dma_start3A_402 : memref<10000x64xf32, #tpu.memory_space<vmem_shared>>) offsets(%dma_start3A_399 : memref<125xi32, #tpu.memory_space<vmem>>) semaphore(%arg32 : memref<!tpu.dma_semaphore, #tpu.memory_space<semaphore_mem>>) {add = true}
      %mul3A_403 = arith.constant 8 : i32
      %mul3A_404 = arith.muli %mul3A_403, %scan3A_273 : i32
      %add3A_405 = arith.constant 0 : i32
      %add3A_406 = arith.addi %mul3A_404, %add3A_405 : i32
      %add3A_407 = arith.constant 8 : i32
      %add3A_408 = arith.addi %add3A_406, %add3A_407 : i32
      %lt3A = arith.constant 80 : i32
      %lt3A_409 = arith.cmpi slt, %add3A_408, %lt3A : i32
      %convert_element_type3A = arith.extui %lt3A_409 : i1 to i32
      %cond3A = arith.constant 0 : i32
      %cond3A_410 = arith.cmpi ne, %convert_element_type3A, %cond3A : i32
      scf.if %cond3A_410 {
        %dma_wait3A_489 = arith.constant 0 : i32
        %dma_wait3A_490 = tpu.memref_slice %arg7[%add3A_406, %dma_wait3A_489] : memref<80x125xi32, #tpu.memory_space<vmem>> -> memref<1x125xi32, #tpu.memory_space<vmem>>
        %dma_wait3A_491 = tpu.memref_squeeze %dma_wait3A_490 : memref<1x125xi32, #tpu.memory_space<vmem>> -> memref<125xi32, #tpu.memory_space<vmem>>
        %dma_wait3A_492 = arith.constant 0 : i32
        %dma_wait3A_493 = arith.constant 0 : i32
        %dma_wait3A_494 = tpu.memref_slice %arg16[%dma_wait3A_492, %dma_wait3A_493] : memref<10000x64xf32, #tpu.memory_space<vmem_shared>> -> memref<10000x64xf32, #tpu.memory_space<vmem_shared>>
        tpu.wait_indirect_dma semaphore(%arg25 : memref<!tpu.dma_semaphore, #tpu.memory_space<semaphore_mem>>) src(%arg8 : memref<125x64xf32, #tpu.memory_space<vmem>>) dst(%dma_wait3A_494 : memref<10000x64xf32, #tpu.memory_space<vmem_shared>>)
        %add3A_495 = arith.constant 8 : i32
        %add3A_496 = arith.addi %add3A_406, %add3A_495 : i32
        %dma_start3A_497 = arith.constant 0 : i32
        %dma_start3A_498 = tpu.memref_slice %arg6[%add3A_496, %dma_start3A_497] : memref<80x125xi32, #tpu.memory_space<vmem>> -> memref<1x125xi32, #tpu.memory_space<vmem>>
        %dma_start3A_499 = tpu.memref_squeeze %dma_start3A_498 : memref<1x125xi32, #tpu.memory_space<vmem>> -> memref<125xi32, #tpu.memory_space<vmem>>
        %dma_start3A_500 = arith.constant 0 : i32
        %dma_start3A_501 = arith.constant 0 : i32
        %dma_start3A_502 = tpu.memref_slice %arg2[%dma_start3A_500, %dma_start3A_501] : memref<40000x64xf32, #tpu.memory_space<hbm>> -> memref<40000x64xf32, #tpu.memory_space<hbm>>
        tpu.enqueue_indirect_dma source(%dma_start3A_502 : memref<40000x64xf32, #tpu.memory_space<hbm>>) target(%arg8 : memref<125x64xf32, #tpu.memory_space<vmem>>) offsets(%dma_start3A_499 : memref<125xi32, #tpu.memory_space<vmem>>) semaphore(%arg17 : memref<!tpu.dma_semaphore, #tpu.memory_space<semaphore_mem>>)
      } else {
      }
      %mul3A_411 = arith.constant 8 : i32
      %mul3A_412 = arith.muli %mul3A_411, %scan3A_273 : i32
      %add3A_413 = arith.constant 1 : i32
      %add3A_414 = arith.addi %mul3A_412, %add3A_413 : i32
      %add3A_415 = arith.constant 8 : i32
      %add3A_416 = arith.addi %add3A_414, %add3A_415 : i32
      %lt3A_417 = arith.constant 80 : i32
      %lt3A_418 = arith.cmpi slt, %add3A_416, %lt3A_417 : i32
      %convert_element_type3A_419 = arith.extui %lt3A_418 : i1 to i32
      %cond3A_420 = arith.constant 0 : i32
      %cond3A_421 = arith.cmpi ne, %convert_element_type3A_419, %cond3A_420 : i32
      scf.if %cond3A_421 {
        %dma_wait3A_489 = arith.constant 0 : i32
        %dma_wait3A_490 = tpu.memref_slice %arg7[%add3A_414, %dma_wait3A_489] : memref<80x125xi32, #tpu.memory_space<vmem>> -> memref<1x125xi32, #tpu.memory_space<vmem>>
        %dma_wait3A_491 = tpu.memref_squeeze %dma_wait3A_490 : memref<1x125xi32, #tpu.memory_space<vmem>> -> memref<125xi32, #tpu.memory_space<vmem>>
        %dma_wait3A_492 = arith.constant 0 : i32
        %dma_wait3A_493 = arith.constant 0 : i32
        %dma_wait3A_494 = tpu.memref_slice %arg16[%dma_wait3A_492, %dma_wait3A_493] : memref<10000x64xf32, #tpu.memory_space<vmem_shared>> -> memref<10000x64xf32, #tpu.memory_space<vmem_shared>>
        tpu.wait_indirect_dma semaphore(%arg26 : memref<!tpu.dma_semaphore, #tpu.memory_space<semaphore_mem>>) src(%arg9 : memref<125x64xf32, #tpu.memory_space<vmem>>) dst(%dma_wait3A_494 : memref<10000x64xf32, #tpu.memory_space<vmem_shared>>)
        %add3A_495 = arith.constant 8 : i32
        %add3A_496 = arith.addi %add3A_414, %add3A_495 : i32
        %dma_start3A_497 = arith.constant 0 : i32
        %dma_start3A_498 = tpu.memref_slice %arg6[%add3A_496, %dma_start3A_497] : memref<80x125xi32, #tpu.memory_space<vmem>> -> memref<1x125xi32, #tpu.memory_space<vmem>>
        %dma_start3A_499 = tpu.memref_squeeze %dma_start3A_498 : memref<1x125xi32, #tpu.memory_space<vmem>> -> memref<125xi32, #tpu.memory_space<vmem>>
        %dma_start3A_500 = arith.constant 0 : i32
        %dma_start3A_501 = arith.constant 0 : i32
        %dma_start3A_502 = tpu.memref_slice %arg2[%dma_start3A_500, %dma_start3A_501] : memref<40000x64xf32, #tpu.memory_space<hbm>> -> memref<40000x64xf32, #tpu.memory_space<hbm>>
        tpu.enqueue_indirect_dma source(%dma_start3A_502 : memref<40000x64xf32, #tpu.memory_space<hbm>>) target(%arg9 : memref<125x64xf32, #tpu.memory_space<vmem>>) offsets(%dma_start3A_499 : memref<125xi32, #tpu.memory_space<vmem>>) semaphore(%arg18 : memref<!tpu.dma_semaphore, #tpu.memory_space<semaphore_mem>>)
      } else {
      }
      %mul3A_422 = arith.constant 8 : i32
      %mul3A_423 = arith.muli %mul3A_422, %scan3A_273 : i32
      %add3A_424 = arith.constant 2 : i32
      %add3A_425 = arith.addi %mul3A_423, %add3A_424 : i32
      %add3A_426 = arith.constant 8 : i32
      %add3A_427 = arith.addi %add3A_425, %add3A_426 : i32
      %lt3A_428 = arith.constant 80 : i32
      %lt3A_429 = arith.cmpi slt, %add3A_427, %lt3A_428 : i32
      %convert_element_type3A_430 = arith.extui %lt3A_429 : i1 to i32
      %cond3A_431 = arith.constant 0 : i32
      %cond3A_432 = arith.cmpi ne, %convert_element_type3A_430, %cond3A_431 : i32
      scf.if %cond3A_432 {
        %dma_wait3A_489 = arith.constant 0 : i32
        %dma_wait3A_490 = tpu.memref_slice %arg7[%add3A_425, %dma_wait3A_489] : memref<80x125xi32, #tpu.memory_space<vmem>> -> memref<1x125xi32, #tpu.memory_space<vmem>>
        %dma_wait3A_491 = tpu.memref_squeeze %dma_wait3A_490 : memref<1x125xi32, #tpu.memory_space<vmem>> -> memref<125xi32, #tpu.memory_space<vmem>>
        %dma_wait3A_492 = arith.constant 0 : i32
        %dma_wait3A_493 = arith.constant 0 : i32
        %dma_wait3A_494 = tpu.memref_slice %arg16[%dma_wait3A_492, %dma_wait3A_493] : memref<10000x64xf32, #tpu.memory_space<vmem_shared>> -> memref<10000x64xf32, #tpu.memory_space<vmem_shared>>
        tpu.wait_indirect_dma semaphore(%arg27 : memref<!tpu.dma_semaphore, #tpu.memory_space<semaphore_mem>>) src(%arg10 : memref<125x64xf32, #tpu.memory_space<vmem>>) dst(%dma_wait3A_494 : memref<10000x64xf32, #tpu.memory_space<vmem_shared>>)
        %add3A_495 = arith.constant 8 : i32
        %add3A_496 = arith.addi %add3A_425, %add3A_495 : i32
        %dma_start3A_497 = arith.constant 0 : i32
        %dma_start3A_498 = tpu.memref_slice %arg6[%add3A_496, %dma_start3A_497] : memref<80x125xi32, #tpu.memory_space<vmem>> -> memref<1x125xi32, #tpu.memory_space<vmem>>
        %dma_start3A_499 = tpu.memref_squeeze %dma_start3A_498 : memref<1x125xi32, #tpu.memory_space<vmem>> -> memref<125xi32, #tpu.memory_space<vmem>>
        %dma_start3A_500 = arith.constant 0 : i32
        %dma_start3A_501 = arith.constant 0 : i32
        %dma_start3A_502 = tpu.memref_slice %arg2[%dma_start3A_500, %dma_start3A_501] : memref<40000x64xf32, #tpu.memory_space<hbm>> -> memref<40000x64xf32, #tpu.memory_space<hbm>>
        tpu.enqueue_indirect_dma source(%dma_start3A_502 : memref<40000x64xf32, #tpu.memory_space<hbm>>) target(%arg10 : memref<125x64xf32, #tpu.memory_space<vmem>>) offsets(%dma_start3A_499 : memref<125xi32, #tpu.memory_space<vmem>>) semaphore(%arg19 : memref<!tpu.dma_semaphore, #tpu.memory_space<semaphore_mem>>)
      } else {
      }
      %mul3A_433 = arith.constant 8 : i32
      %mul3A_434 = arith.muli %mul3A_433, %scan3A_273 : i32
      %add3A_435 = arith.constant 3 : i32
      %add3A_436 = arith.addi %mul3A_434, %add3A_435 : i32
      %add3A_437 = arith.constant 8 : i32
      %add3A_438 = arith.addi %add3A_436, %add3A_437 : i32
      %lt3A_439 = arith.constant 80 : i32
      %lt3A_440 = arith.cmpi slt, %add3A_438, %lt3A_439 : i32
      %convert_element_type3A_441 = arith.extui %lt3A_440 : i1 to i32
      %cond3A_442 = arith.constant 0 : i32
      %cond3A_443 = arith.cmpi ne, %convert_element_type3A_441, %cond3A_442 : i32
      scf.if %cond3A_443 {
        %dma_wait3A_489 = arith.constant 0 : i32
        %dma_wait3A_490 = tpu.memref_slice %arg7[%add3A_436, %dma_wait3A_489] : memref<80x125xi32, #tpu.memory_space<vmem>> -> memref<1x125xi32, #tpu.memory_space<vmem>>
        %dma_wait3A_491 = tpu.memref_squeeze %dma_wait3A_490 : memref<1x125xi32, #tpu.memory_space<vmem>> -> memref<125xi32, #tpu.memory_space<vmem>>
        %dma_wait3A_492 = arith.constant 0 : i32
        %dma_wait3A_493 = arith.constant 0 : i32
        %dma_wait3A_494 = tpu.memref_slice %arg16[%dma_wait3A_492, %dma_wait3A_493] : memref<10000x64xf32, #tpu.memory_space<vmem_shared>> -> memref<10000x64xf32, #tpu.memory_space<vmem_shared>>
        tpu.wait_indirect_dma semaphore(%arg28 : memref<!tpu.dma_semaphore, #tpu.memory_space<semaphore_mem>>) src(%arg11 : memref<125x64xf32, #tpu.memory_space<vmem>>) dst(%dma_wait3A_494 : memref<10000x64xf32, #tpu.memory_space<vmem_shared>>)
        %add3A_495 = arith.constant 8 : i32
        %add3A_496 = arith.addi %add3A_436, %add3A_495 : i32
        %dma_start3A_497 = arith.constant 0 : i32
        %dma_start3A_498 = tpu.memref_slice %arg6[%add3A_496, %dma_start3A_497] : memref<80x125xi32, #tpu.memory_space<vmem>> -> memref<1x125xi32, #tpu.memory_space<vmem>>
        %dma_start3A_499 = tpu.memref_squeeze %dma_start3A_498 : memref<1x125xi32, #tpu.memory_space<vmem>> -> memref<125xi32, #tpu.memory_space<vmem>>
        %dma_start3A_500 = arith.constant 0 : i32
        %dma_start3A_501 = arith.constant 0 : i32
        %dma_start3A_502 = tpu.memref_slice %arg2[%dma_start3A_500, %dma_start3A_501] : memref<40000x64xf32, #tpu.memory_space<hbm>> -> memref<40000x64xf32, #tpu.memory_space<hbm>>
        tpu.enqueue_indirect_dma source(%dma_start3A_502 : memref<40000x64xf32, #tpu.memory_space<hbm>>) target(%arg11 : memref<125x64xf32, #tpu.memory_space<vmem>>) offsets(%dma_start3A_499 : memref<125xi32, #tpu.memory_space<vmem>>) semaphore(%arg20 : memref<!tpu.dma_semaphore, #tpu.memory_space<semaphore_mem>>)
      } else {
      }
      %mul3A_444 = arith.constant 8 : i32
      %mul3A_445 = arith.muli %mul3A_444, %scan3A_273 : i32
      %add3A_446 = arith.constant 4 : i32
      %add3A_447 = arith.addi %mul3A_445, %add3A_446 : i32
      %add3A_448 = arith.constant 8 : i32
      %add3A_449 = arith.addi %add3A_447, %add3A_448 : i32
      %lt3A_450 = arith.constant 80 : i32
      %lt3A_451 = arith.cmpi slt, %add3A_449, %lt3A_450 : i32
      %convert_element_type3A_452 = arith.extui %lt3A_451 : i1 to i32
      %cond3A_453 = arith.constant 0 : i32
      %cond3A_454 = arith.cmpi ne, %convert_element_type3A_452, %cond3A_453 : i32
      scf.if %cond3A_454 {
        %dma_wait3A_489 = arith.constant 0 : i32
        %dma_wait3A_490 = tpu.memref_slice %arg7[%add3A_447, %dma_wait3A_489] : memref<80x125xi32, #tpu.memory_space<vmem>> -> memref<1x125xi32, #tpu.memory_space<vmem>>
        %dma_wait3A_491 = tpu.memref_squeeze %dma_wait3A_490 : memref<1x125xi32, #tpu.memory_space<vmem>> -> memref<125xi32, #tpu.memory_space<vmem>>
        %dma_wait3A_492 = arith.constant 0 : i32
        %dma_wait3A_493 = arith.constant 0 : i32
        %dma_wait3A_494 = tpu.memref_slice %arg16[%dma_wait3A_492, %dma_wait3A_493] : memref<10000x64xf32, #tpu.memory_space<vmem_shared>> -> memref<10000x64xf32, #tpu.memory_space<vmem_shared>>
        tpu.wait_indirect_dma semaphore(%arg29 : memref<!tpu.dma_semaphore, #tpu.memory_space<semaphore_mem>>) src(%arg12 : memref<125x64xf32, #tpu.memory_space<vmem>>) dst(%dma_wait3A_494 : memref<10000x64xf32, #tpu.memory_space<vmem_shared>>)
        %add3A_495 = arith.constant 8 : i32
        %add3A_496 = arith.addi %add3A_447, %add3A_495 : i32
        %dma_start3A_497 = arith.constant 0 : i32
        %dma_start3A_498 = tpu.memref_slice %arg6[%add3A_496, %dma_start3A_497] : memref<80x125xi32, #tpu.memory_space<vmem>> -> memref<1x125xi32, #tpu.memory_space<vmem>>
        %dma_start3A_499 = tpu.memref_squeeze %dma_start3A_498 : memref<1x125xi32, #tpu.memory_space<vmem>> -> memref<125xi32, #tpu.memory_space<vmem>>
        %dma_start3A_500 = arith.constant 0 : i32
        %dma_start3A_501 = arith.constant 0 : i32
        %dma_start3A_502 = tpu.memref_slice %arg2[%dma_start3A_500, %dma_start3A_501] : memref<40000x64xf32, #tpu.memory_space<hbm>> -> memref<40000x64xf32, #tpu.memory_space<hbm>>
        tpu.enqueue_indirect_dma source(%dma_start3A_502 : memref<40000x64xf32, #tpu.memory_space<hbm>>) target(%arg12 : memref<125x64xf32, #tpu.memory_space<vmem>>) offsets(%dma_start3A_499 : memref<125xi32, #tpu.memory_space<vmem>>) semaphore(%arg21 : memref<!tpu.dma_semaphore, #tpu.memory_space<semaphore_mem>>)
      } else {
      }
      %mul3A_455 = arith.constant 8 : i32
      %mul3A_456 = arith.muli %mul3A_455, %scan3A_273 : i32
      %add3A_457 = arith.constant 5 : i32
      %add3A_458 = arith.addi %mul3A_456, %add3A_457 : i32
      %add3A_459 = arith.constant 8 : i32
      %add3A_460 = arith.addi %add3A_458, %add3A_459 : i32
      %lt3A_461 = arith.constant 80 : i32
      %lt3A_462 = arith.cmpi slt, %add3A_460, %lt3A_461 : i32
      %convert_element_type3A_463 = arith.extui %lt3A_462 : i1 to i32
      %cond3A_464 = arith.constant 0 : i32
      %cond3A_465 = arith.cmpi ne, %convert_element_type3A_463, %cond3A_464 : i32
      scf.if %cond3A_465 {
        %dma_wait3A_489 = arith.constant 0 : i32
        %dma_wait3A_490 = tpu.memref_slice %arg7[%add3A_458, %dma_wait3A_489] : memref<80x125xi32, #tpu.memory_space<vmem>> -> memref<1x125xi32, #tpu.memory_space<vmem>>
        %dma_wait3A_491 = tpu.memref_squeeze %dma_wait3A_490 : memref<1x125xi32, #tpu.memory_space<vmem>> -> memref<125xi32, #tpu.memory_space<vmem>>
        %dma_wait3A_492 = arith.constant 0 : i32
        %dma_wait3A_493 = arith.constant 0 : i32
        %dma_wait3A_494 = tpu.memref_slice %arg16[%dma_wait3A_492, %dma_wait3A_493] : memref<10000x64xf32, #tpu.memory_space<vmem_shared>> -> memref<10000x64xf32, #tpu.memory_space<vmem_shared>>
        tpu.wait_indirect_dma semaphore(%arg30 : memref<!tpu.dma_semaphore, #tpu.memory_space<semaphore_mem>>) src(%arg13 : memref<125x64xf32, #tpu.memory_space<vmem>>) dst(%dma_wait3A_494 : memref<10000x64xf32, #tpu.memory_space<vmem_shared>>)
        %add3A_495 = arith.constant 8 : i32
        %add3A_496 = arith.addi %add3A_458, %add3A_495 : i32
        %dma_start3A_497 = arith.constant 0 : i32
        %dma_start3A_498 = tpu.memref_slice %arg6[%add3A_496, %dma_start3A_497] : memref<80x125xi32, #tpu.memory_space<vmem>> -> memref<1x125xi32, #tpu.memory_space<vmem>>
        %dma_start3A_499 = tpu.memref_squeeze %dma_start3A_498 : memref<1x125xi32, #tpu.memory_space<vmem>> -> memref<125xi32, #tpu.memory_space<vmem>>
        %dma_start3A_500 = arith.constant 0 : i32
        %dma_start3A_501 = arith.constant 0 : i32
        %dma_start3A_502 = tpu.memref_slice %arg2[%dma_start3A_500, %dma_start3A_501] : memref<40000x64xf32, #tpu.memory_space<hbm>> -> memref<40000x64xf32, #tpu.memory_space<hbm>>
        tpu.enqueue_indirect_dma source(%dma_start3A_502 : memref<40000x64xf32, #tpu.memory_space<hbm>>) target(%arg13 : memref<125x64xf32, #tpu.memory_space<vmem>>) offsets(%dma_start3A_499 : memref<125xi32, #tpu.memory_space<vmem>>) semaphore(%arg22 : memref<!tpu.dma_semaphore, #tpu.memory_space<semaphore_mem>>)
      } else {
      }
      %mul3A_466 = arith.constant 8 : i32
      %mul3A_467 = arith.muli %mul3A_466, %scan3A_273 : i32
      %add3A_468 = arith.constant 6 : i32
      %add3A_469 = arith.addi %mul3A_467, %add3A_468 : i32
      %add3A_470 = arith.constant 8 : i32
      %add3A_471 = arith.addi %add3A_469, %add3A_470 : i32
      %lt3A_472 = arith.constant 80 : i32
      %lt3A_473 = arith.cmpi slt, %add3A_471, %lt3A_472 : i32
      %convert_element_type3A_474 = arith.extui %lt3A_473 : i1 to i32
      %cond3A_475 = arith.constant 0 : i32
      %cond3A_476 = arith.cmpi ne, %convert_element_type3A_474, %cond3A_475 : i32
      scf.if %cond3A_476 {
        %dma_wait3A_489 = arith.constant 0 : i32
        %dma_wait3A_490 = tpu.memref_slice %arg7[%add3A_469, %dma_wait3A_489] : memref<80x125xi32, #tpu.memory_space<vmem>> -> memref<1x125xi32, #tpu.memory_space<vmem>>
        %dma_wait3A_491 = tpu.memref_squeeze %dma_wait3A_490 : memref<1x125xi32, #tpu.memory_space<vmem>> -> memref<125xi32, #tpu.memory_space<vmem>>
        %dma_wait3A_492 = arith.constant 0 : i32
        %dma_wait3A_493 = arith.constant 0 : i32
        %dma_wait3A_494 = tpu.memref_slice %arg16[%dma_wait3A_492, %dma_wait3A_493] : memref<10000x64xf32, #tpu.memory_space<vmem_shared>> -> memref<10000x64xf32, #tpu.memory_space<vmem_shared>>
        tpu.wait_indirect_dma semaphore(%arg31 : memref<!tpu.dma_semaphore, #tpu.memory_space<semaphore_mem>>) src(%arg14 : memref<125x64xf32, #tpu.memory_space<vmem>>) dst(%dma_wait3A_494 : memref<10000x64xf32, #tpu.memory_space<vmem_shared>>)
        %add3A_495 = arith.constant 8 : i32
        %add3A_496 = arith.addi %add3A_469, %add3A_495 : i32
        %dma_start3A_497 = arith.constant 0 : i32
        %dma_start3A_498 = tpu.memref_slice %arg6[%add3A_496, %dma_start3A_497] : memref<80x125xi32, #tpu.memory_space<vmem>> -> memref<1x125xi32, #tpu.memory_space<vmem>>
        %dma_start3A_499 = tpu.memref_squeeze %dma_start3A_498 : memref<1x125xi32, #tpu.memory_space<vmem>> -> memref<125xi32, #tpu.memory_space<vmem>>
        %dma_start3A_500 = arith.constant 0 : i32
        %dma_start3A_501 = arith.constant 0 : i32
        %dma_start3A_502 = tpu.memref_slice %arg2[%dma_start3A_500, %dma_start3A_501] : memref<40000x64xf32, #tpu.memory_space<hbm>> -> memref<40000x64xf32, #tpu.memory_space<hbm>>
        tpu.enqueue_indirect_dma source(%dma_start3A_502 : memref<40000x64xf32, #tpu.memory_space<hbm>>) target(%arg14 : memref<125x64xf32, #tpu.memory_space<vmem>>) offsets(%dma_start3A_499 : memref<125xi32, #tpu.memory_space<vmem>>) semaphore(%arg23 : memref<!tpu.dma_semaphore, #tpu.memory_space<semaphore_mem>>)
      } else {
      }
      %mul3A_477 = arith.constant 8 : i32
      %mul3A_478 = arith.muli %mul3A_477, %scan3A_273 : i32
      %add3A_479 = arith.constant 7 : i32
      %add3A_480 = arith.addi %mul3A_478, %add3A_479 : i32
      %add3A_481 = arith.constant 8 : i32
      %add3A_482 = arith.addi %add3A_480, %add3A_481 : i32
      %lt3A_483 = arith.constant 80 : i32
      %lt3A_484 = arith.cmpi slt, %add3A_482, %lt3A_483 : i32
      %convert_element_type3A_485 = arith.extui %lt3A_484 : i1 to i32
      %cond3A_486 = arith.constant 0 : i32
      %cond3A_487 = arith.cmpi ne, %convert_element_type3A_485, %cond3A_486 : i32
      scf.if %cond3A_487 {
        %dma_wait3A_489 = arith.constant 0 : i32
        %dma_wait3A_490 = tpu.memref_slice %arg7[%add3A_480, %dma_wait3A_489] : memref<80x125xi32, #tpu.memory_space<vmem>> -> memref<1x125xi32, #tpu.memory_space<vmem>>
        %dma_wait3A_491 = tpu.memref_squeeze %dma_wait3A_490 : memref<1x125xi32, #tpu.memory_space<vmem>> -> memref<125xi32, #tpu.memory_space<vmem>>
        %dma_wait3A_492 = arith.constant 0 : i32
        %dma_wait3A_493 = arith.constant 0 : i32
        %dma_wait3A_494 = tpu.memref_slice %arg16[%dma_wait3A_492, %dma_wait3A_493] : memref<10000x64xf32, #tpu.memory_space<vmem_shared>> -> memref<10000x64xf32, #tpu.memory_space<vmem_shared>>
        tpu.wait_indirect_dma semaphore(%arg32 : memref<!tpu.dma_semaphore, #tpu.memory_space<semaphore_mem>>) src(%arg15 : memref<125x64xf32, #tpu.memory_space<vmem>>) dst(%dma_wait3A_494 : memref<10000x64xf32, #tpu.memory_space<vmem_shared>>)
        %add3A_495 = arith.constant 8 : i32
        %add3A_496 = arith.addi %add3A_480, %add3A_495 : i32
        %dma_start3A_497 = arith.constant 0 : i32
        %dma_start3A_498 = tpu.memref_slice %arg6[%add3A_496, %dma_start3A_497] : memref<80x125xi32, #tpu.memory_space<vmem>> -> memref<1x125xi32, #tpu.memory_space<vmem>>
        %dma_start3A_499 = tpu.memref_squeeze %dma_start3A_498 : memref<1x125xi32, #tpu.memory_space<vmem>> -> memref<125xi32, #tpu.memory_space<vmem>>
        %dma_start3A_500 = arith.constant 0 : i32
        %dma_start3A_501 = arith.constant 0 : i32
        %dma_start3A_502 = tpu.memref_slice %arg2[%dma_start3A_500, %dma_start3A_501] : memref<40000x64xf32, #tpu.memory_space<hbm>> -> memref<40000x64xf32, #tpu.memory_space<hbm>>
        tpu.enqueue_indirect_dma source(%dma_start3A_502 : memref<40000x64xf32, #tpu.memory_space<hbm>>) target(%arg15 : memref<125x64xf32, #tpu.memory_space<vmem>>) offsets(%dma_start3A_499 : memref<125xi32, #tpu.memory_space<vmem>>) semaphore(%arg24 : memref<!tpu.dma_semaphore, #tpu.memory_space<semaphore_mem>>)
      } else {
      }
      %scan3A_488 = arith.constant 0 : i32
      scf.yield %scan3A_488 : i32
    }
    %scan3A_211 = arith.constant 10 : i32
    %dma_wait3A_212 = arith.constant 72 : i32
    %dma_wait3A_213 = arith.constant 0 : i32
    %dma_wait3A_214 = tpu.memref_slice %arg7[%dma_wait3A_212, %dma_wait3A_213] : memref<80x125xi32, #tpu.memory_space<vmem>> -> memref<1x125xi32, #tpu.memory_space<vmem>>
    %dma_wait3A_215 = tpu.memref_squeeze %dma_wait3A_214 : memref<1x125xi32, #tpu.memory_space<vmem>> -> memref<125xi32, #tpu.memory_space<vmem>>
    %dma_wait3A_216 = arith.constant 0 : i32
    %dma_wait3A_217 = arith.constant 0 : i32
    %dma_wait3A_218 = tpu.memref_slice %arg16[%dma_wait3A_216, %dma_wait3A_217] : memref<10000x64xf32, #tpu.memory_space<vmem_shared>> -> memref<10000x64xf32, #tpu.memory_space<vmem_shared>>
    tpu.wait_indirect_dma semaphore(%arg25 : memref<!tpu.dma_semaphore, #tpu.memory_space<semaphore_mem>>) src(%arg8 : memref<125x64xf32, #tpu.memory_space<vmem>>) dst(%dma_wait3A_218 : memref<10000x64xf32, #tpu.memory_space<vmem_shared>>)
    %dma_wait3A_219 = arith.constant 73 : i32
    %dma_wait3A_220 = arith.constant 0 : i32
    %dma_wait3A_221 = tpu.memref_slice %arg7[%dma_wait3A_219, %dma_wait3A_220] : memref<80x125xi32, #tpu.memory_space<vmem>> -> memref<1x125xi32, #tpu.memory_space<vmem>>
    %dma_wait3A_222 = tpu.memref_squeeze %dma_wait3A_221 : memref<1x125xi32, #tpu.memory_space<vmem>> -> memref<125xi32, #tpu.memory_space<vmem>>
    %dma_wait3A_223 = arith.constant 0 : i32
    %dma_wait3A_224 = arith.constant 0 : i32
    %dma_wait3A_225 = tpu.memref_slice %arg16[%dma_wait3A_223, %dma_wait3A_224] : memref<10000x64xf32, #tpu.memory_space<vmem_shared>> -> memref<10000x64xf32, #tpu.memory_space<vmem_shared>>
    tpu.wait_indirect_dma semaphore(%arg26 : memref<!tpu.dma_semaphore, #tpu.memory_space<semaphore_mem>>) src(%arg9 : memref<125x64xf32, #tpu.memory_space<vmem>>) dst(%dma_wait3A_225 : memref<10000x64xf32, #tpu.memory_space<vmem_shared>>)
    %dma_wait3A_226 = arith.constant 74 : i32
    %dma_wait3A_227 = arith.constant 0 : i32
    %dma_wait3A_228 = tpu.memref_slice %arg7[%dma_wait3A_226, %dma_wait3A_227] : memref<80x125xi32, #tpu.memory_space<vmem>> -> memref<1x125xi32, #tpu.memory_space<vmem>>
    %dma_wait3A_229 = tpu.memref_squeeze %dma_wait3A_228 : memref<1x125xi32, #tpu.memory_space<vmem>> -> memref<125xi32, #tpu.memory_space<vmem>>
    %dma_wait3A_230 = arith.constant 0 : i32
    %dma_wait3A_231 = arith.constant 0 : i32
    %dma_wait3A_232 = tpu.memref_slice %arg16[%dma_wait3A_230, %dma_wait3A_231] : memref<10000x64xf32, #tpu.memory_space<vmem_shared>> -> memref<10000x64xf32, #tpu.memory_space<vmem_shared>>
    tpu.wait_indirect_dma semaphore(%arg27 : memref<!tpu.dma_semaphore, #tpu.memory_space<semaphore_mem>>) src(%arg10 : memref<125x64xf32, #tpu.memory_space<vmem>>) dst(%dma_wait3A_232 : memref<10000x64xf32, #tpu.memory_space<vmem_shared>>)
    %dma_wait3A_233 = arith.constant 75 : i32
    %dma_wait3A_234 = arith.constant 0 : i32
    %dma_wait3A_235 = tpu.memref_slice %arg7[%dma_wait3A_233, %dma_wait3A_234] : memref<80x125xi32, #tpu.memory_space<vmem>> -> memref<1x125xi32, #tpu.memory_space<vmem>>
    %dma_wait3A_236 = tpu.memref_squeeze %dma_wait3A_235 : memref<1x125xi32, #tpu.memory_space<vmem>> -> memref<125xi32, #tpu.memory_space<vmem>>
    %dma_wait3A_237 = arith.constant 0 : i32
    %dma_wait3A_238 = arith.constant 0 : i32
    %dma_wait3A_239 = tpu.memref_slice %arg16[%dma_wait3A_237, %dma_wait3A_238] : memref<10000x64xf32, #tpu.memory_space<vmem_shared>> -> memref<10000x64xf32, #tpu.memory_space<vmem_shared>>
    tpu.wait_indirect_dma semaphore(%arg28 : memref<!tpu.dma_semaphore, #tpu.memory_space<semaphore_mem>>) src(%arg11 : memref<125x64xf32, #tpu.memory_space<vmem>>) dst(%dma_wait3A_239 : memref<10000x64xf32, #tpu.memory_space<vmem_shared>>)
    %dma_wait3A_240 = arith.constant 76 : i32
    %dma_wait3A_241 = arith.constant 0 : i32
    %dma_wait3A_242 = tpu.memref_slice %arg7[%dma_wait3A_240, %dma_wait3A_241] : memref<80x125xi32, #tpu.memory_space<vmem>> -> memref<1x125xi32, #tpu.memory_space<vmem>>
    %dma_wait3A_243 = tpu.memref_squeeze %dma_wait3A_242 : memref<1x125xi32, #tpu.memory_space<vmem>> -> memref<125xi32, #tpu.memory_space<vmem>>
    %dma_wait3A_244 = arith.constant 0 : i32
    %dma_wait3A_245 = arith.constant 0 : i32
    %dma_wait3A_246 = tpu.memref_slice %arg16[%dma_wait3A_244, %dma_wait3A_245] : memref<10000x64xf32, #tpu.memory_space<vmem_shared>> -> memref<10000x64xf32, #tpu.memory_space<vmem_shared>>
    tpu.wait_indirect_dma semaphore(%arg29 : memref<!tpu.dma_semaphore, #tpu.memory_space<semaphore_mem>>) src(%arg12 : memref<125x64xf32, #tpu.memory_space<vmem>>) dst(%dma_wait3A_246 : memref<10000x64xf32, #tpu.memory_space<vmem_shared>>)
    %dma_wait3A_247 = arith.constant 77 : i32
    %dma_wait3A_248 = arith.constant 0 : i32
    %dma_wait3A_249 = tpu.memref_slice %arg7[%dma_wait3A_247, %dma_wait3A_248] : memref<80x125xi32, #tpu.memory_space<vmem>> -> memref<1x125xi32, #tpu.memory_space<vmem>>
    %dma_wait3A_250 = tpu.memref_squeeze %dma_wait3A_249 : memref<1x125xi32, #tpu.memory_space<vmem>> -> memref<125xi32, #tpu.memory_space<vmem>>
    %dma_wait3A_251 = arith.constant 0 : i32
    %dma_wait3A_252 = arith.constant 0 : i32
    %dma_wait3A_253 = tpu.memref_slice %arg16[%dma_wait3A_251, %dma_wait3A_252] : memref<10000x64xf32, #tpu.memory_space<vmem_shared>> -> memref<10000x64xf32, #tpu.memory_space<vmem_shared>>
    tpu.wait_indirect_dma semaphore(%arg30 : memref<!tpu.dma_semaphore, #tpu.memory_space<semaphore_mem>>) src(%arg13 : memref<125x64xf32, #tpu.memory_space<vmem>>) dst(%dma_wait3A_253 : memref<10000x64xf32, #tpu.memory_space<vmem_shared>>)
    %dma_wait3A_254 = arith.constant 78 : i32
    %dma_wait3A_255 = arith.constant 0 : i32
    %dma_wait3A_256 = tpu.memref_slice %arg7[%dma_wait3A_254, %dma_wait3A_255] : memref<80x125xi32, #tpu.memory_space<vmem>> -> memref<1x125xi32, #tpu.memory_space<vmem>>
    %dma_wait3A_257 = tpu.memref_squeeze %dma_wait3A_256 : memref<1x125xi32, #tpu.memory_space<vmem>> -> memref<125xi32, #tpu.memory_space<vmem>>
    %dma_wait3A_258 = arith.constant 0 : i32
    %dma_wait3A_259 = arith.constant 0 : i32
    %dma_wait3A_260 = tpu.memref_slice %arg16[%dma_wait3A_258, %dma_wait3A_259] : memref<10000x64xf32, #tpu.memory_space<vmem_shared>> -> memref<10000x64xf32, #tpu.memory_space<vmem_shared>>
    tpu.wait_indirect_dma semaphore(%arg31 : memref<!tpu.dma_semaphore, #tpu.memory_space<semaphore_mem>>) src(%arg14 : memref<125x64xf32, #tpu.memory_space<vmem>>) dst(%dma_wait3A_260 : memref<10000x64xf32, #tpu.memory_space<vmem_shared>>)
    %dma_wait3A_261 = arith.constant 79 : i32
    %dma_wait3A_262 = arith.constant 0 : i32
    %dma_wait3A_263 = tpu.memref_slice %arg7[%dma_wait3A_261, %dma_wait3A_262] : memref<80x125xi32, #tpu.memory_space<vmem>> -> memref<1x125xi32, #tpu.memory_space<vmem>>
    %dma_wait3A_264 = tpu.memref_squeeze %dma_wait3A_263 : memref<1x125xi32, #tpu.memory_space<vmem>> -> memref<125xi32, #tpu.memory_space<vmem>>
    %dma_wait3A_265 = arith.constant 0 : i32
    %dma_wait3A_266 = arith.constant 0 : i32
    %dma_wait3A_267 = tpu.memref_slice %arg16[%dma_wait3A_265, %dma_wait3A_266] : memref<10000x64xf32, #tpu.memory_space<vmem_shared>> -> memref<10000x64xf32, #tpu.memory_space<vmem_shared>>
    tpu.wait_indirect_dma semaphore(%arg32 : memref<!tpu.dma_semaphore, #tpu.memory_space<semaphore_mem>>) src(%arg15 : memref<125x64xf32, #tpu.memory_space<vmem>>) dst(%dma_wait3A_267 : memref<10000x64xf32, #tpu.memory_space<vmem_shared>>)
    %barrier3A_268 = arith.constant 0 : index
    tpu.barrier barrier_id(%barrier3A_268)
    %mul3A_269 = arith.constant 10000 : i32
    %mul3A_270 = arith.muli %arg0, %mul3A_269 : i32
    %add3A_271 = arith.addi %mul3A_270, %min3A_1 : i32
    "tpu.region"() ({
      %run_scoped3A = tpu.sem_alloc : memref<!tpu.dma_semaphore, #tpu.memory_space<semaphore_mem>>
      %dma_start3A_273 = arith.constant 64 : i32
      %dma_start3A_274 = tpu.memref_slice %arg5[%add3A_271, %dma_start3A_273] : memref<20000x128xf32, #tpu.memory_space<hbm>> -> memref<632x64xf32, #tpu.memory_space<hbm>>
      %dma_start3A_275 = arith.constant 0 : i32
      %dma_start3A_276 = tpu.memref_slice %arg16[%min3A_1, %dma_start3A_275] : memref<10000x64xf32, #tpu.memory_space<vmem_shared>> -> memref<632x64xf32, #tpu.memory_space<vmem_shared>>
      tpu.enqueue_dma source(%dma_start3A_276 : memref<632x64xf32, #tpu.memory_space<vmem_shared>>) target(%dma_start3A_274 : memref<632x64xf32, #tpu.memory_space<hbm>>) target_semaphore(%run_scoped3A : memref<!tpu.dma_semaphore, #tpu.memory_space<semaphore_mem>>)
      %dma_wait3A_277 = arith.constant 64 : i32
      %dma_wait3A_278 = tpu.memref_slice %arg5[%add3A_271, %dma_wait3A_277] : memref<20000x128xf32, #tpu.memory_space<hbm>> -> memref<632x64xf32, #tpu.memory_space<hbm>>
      %dma_wait3A_279 = arith.constant 0 : i32
      %dma_wait3A_280 = tpu.memref_slice %arg16[%min3A_1, %dma_wait3A_279] : memref<10000x64xf32, #tpu.memory_space<vmem_shared>> -> memref<632x64xf32, #tpu.memory_space<vmem_shared>>
      tpu.wait_dma2 semaphore(%run_scoped3A : memref<!tpu.dma_semaphore, #tpu.memory_space<semaphore_mem>>) src(%dma_wait3A_280 : memref<632x64xf32, #tpu.memory_space<vmem_shared>>) dst(%dma_wait3A_278 : memref<632x64xf32, #tpu.memory_space<hbm>>)
      tpu.yield
    }) : () -> ()
    %barrier3A_272 = arith.constant 0 : index
    tpu.barrier barrier_id(%barrier3A_272)
    return
  }
}

module attributes {stable_mosaic.version = 14 : i64} {
  func.func @_mlp_body_split(%arg0: i32, %arg1: memref<2000x128xf32, #tpu.memory_space<vmem>>, %arg2: memref<2000x128xf32, #tpu.memory_space<vmem>>, %arg3: memref<256x256xf32, #tpu.memory_space<vmem>>, %arg4: memref<1x256xf32, #tpu.memory_space<vmem>>, %arg5: memref<256x256xf32, #tpu.memory_space<vmem>>, %arg6: memref<1x256xf32, #tpu.memory_space<vmem>>, %arg7: memref<4x1000x128xf32, #tpu.memory_space<vmem>>) attributes {dimension_semantics = [#tpu.dimension_semantics<arbitrary>], iteration_bounds = array<i64: 5>, scalar_prefetch = 0 : i64, scratch_operands = 0 : i64, tpu.core_type = #tpu.core_type<tc>, window_params = [{transform_indices = @transform_0, window_bounds = array<i64: 2000, 128>}, {transform_indices = @transform_1, window_bounds = array<i64: 2000, 128>}, {pipeline_mode = #tpu.pipeline_mode<synchronous>, transform_indices = @transform_2, window_bounds = array<i64: 256, 256>}, {pipeline_mode = #tpu.pipeline_mode<synchronous>, transform_indices = @transform_3, window_bounds = array<i64: 1, 256>}, {pipeline_mode = #tpu.pipeline_mode<synchronous>, transform_indices = @transform_4, window_bounds = array<i64: 256, 256>}, {pipeline_mode = #tpu.pipeline_mode<synchronous>, transform_indices = @transform_5, window_bounds = array<i64: 1, 256>}, {transform_indices = @transform_6, window_bounds = array<i64: 4, 1000, 128>}]} {
    %get3A = arith.constant 0 : index
    %get3A_0 = arith.constant 0 : index
    %get3A_1 = vector.load %arg1[%get3A, %get3A_0] : memref<2000x128xf32, #tpu.memory_space<vmem>>, vector<2000x128xf32>
    %get3A_2 = arith.constant 0 : index
    %get3A_3 = arith.constant 0 : index
    %get3A_4 = vector.load %arg2[%get3A_2, %get3A_3] : memref<2000x128xf32, #tpu.memory_space<vmem>>, vector<2000x128xf32>
    %concatenate3A = tpu.concatenate %get3A_1, %get3A_4 in 1 : vector<2000x128xf32>, vector<2000x128xf32> -> vector<2000x256xf32>
    %get3A_5 = arith.constant 0 : index
    %get3A_6 = arith.constant 0 : index
    %get3A_7 = vector.load %arg3[%get3A_5, %get3A_6] : memref<256x256xf32, #tpu.memory_space<vmem>>, vector<256x256xf32>
    %dot_general3A = arith.constant dense<0.000000e+00> : vector<2000x256xf32>
    %dot_general3A_8 = tpu.matmul %concatenate3A, %get3A_7, %dot_general3A {dimension_numbers = #tpu.dot_dimension_numbers<[1], [0], [0], [1], [0, 0, 1, 1], [], []>, transpose_lhs_hint = false} : vector<2000x256xf32>, vector<256x256xf32>, vector<2000x256xf32> -> vector<2000x256xf32>
    %get3A_9 = arith.constant 0 : index
    %get3A_10 = arith.constant 0 : index
    %get3A_11 = vector.load %arg4[%get3A_9, %get3A_10] : memref<1x256xf32, #tpu.memory_space<vmem>>, vector<1x256xf32>
    %add3A = vector.broadcast %get3A_11 : vector<1x256xf32> to vector<2000x256xf32>
    %add3A_12 = arith.addf %dot_general3A_8, %add3A : vector<2000x256xf32>
    %max3A = arith.constant 0.000000e+00 : f32
    %max3A_13 = vector.broadcast %max3A : f32 to vector<2000x256xf32>
    %max3A_14 = arith.maximumf %add3A_12, %max3A_13 : vector<2000x256xf32>
    %get3A_15 = arith.constant 0 : index
    %get3A_16 = arith.constant 0 : index
    %get3A_17 = vector.load %arg5[%get3A_15, %get3A_16] : memref<256x256xf32, #tpu.memory_space<vmem>>, vector<256x256xf32>
    %dot_general3A_18 = arith.constant dense<0.000000e+00> : vector<2000x256xf32>
    %dot_general3A_19 = tpu.matmul %max3A_14, %get3A_17, %dot_general3A_18 {dimension_numbers = #tpu.dot_dimension_numbers<[1], [0], [0], [1], [0, 0, 1, 1], [], []>, transpose_lhs_hint = false} : vector<2000x256xf32>, vector<256x256xf32>, vector<2000x256xf32> -> vector<2000x256xf32>
    %get3A_20 = arith.constant 0 : index
    %get3A_21 = arith.constant 0 : index
    %get3A_22 = vector.load %arg6[%get3A_20, %get3A_21] : memref<1x256xf32, #tpu.memory_space<vmem>>, vector<1x256xf32>
    %add3A_23 = vector.broadcast %get3A_22 : vector<1x256xf32> to vector<2000x256xf32>
    %add3A_24 = arith.addf %dot_general3A_19, %add3A_23 : vector<2000x256xf32>
    %reshape3A = vector.shape_cast %add3A_24 : vector<2000x256xf32> to vector<1000x2x4x64xf32>
    %slice3A = vector.extract_strided_slice %reshape3A {offsets = [0, 0, 0, 0], sizes = [1000, 2, 1, 64], strides = [1, 1, 1, 1]} : vector<1000x2x4x64xf32> to vector<1000x2x1x64xf32>
    %squeeze3A = vector.shape_cast %slice3A : vector<1000x2x1x64xf32> to vector<1000x2x64xf32>
    %reshape3A_25 = vector.shape_cast %squeeze3A : vector<1000x2x64xf32> to vector<1000x128xf32>
    %swap3A = arith.constant 0 : index
    %swap3A_26 = arith.constant 0 : index
    %swap3A_27 = arith.constant 0 : index
    %swap3A_28 = vector.load %arg7[%swap3A, %swap3A_26, %swap3A_27] : memref<4x1000x128xf32, #tpu.memory_space<vmem>>, vector<1x1000x128xf32>
    %swap3A_29 = vector.shape_cast %swap3A_28 : vector<1x1000x128xf32> to vector<1000x128xf32>
    %swap3A_30 = vector.shape_cast %reshape3A_25 : vector<1000x128xf32> to vector<1x1000x128xf32>
    tpu.vector_store %arg7[%swap3A, %swap3A_26, %swap3A_27], %swap3A_30 {strides = array<i32>} : memref<4x1000x128xf32, #tpu.memory_space<vmem>>, vector<1x1000x128xf32>,
    %slice3A_31 = vector.extract_strided_slice %reshape3A {offsets = [0, 0, 1, 0], sizes = [1000, 2, 1, 64], strides = [1, 1, 1, 1]} : vector<1000x2x4x64xf32> to vector<1000x2x1x64xf32>
    %squeeze3A_32 = vector.shape_cast %slice3A_31 : vector<1000x2x1x64xf32> to vector<1000x2x64xf32>
    %reshape3A_33 = vector.shape_cast %squeeze3A_32 : vector<1000x2x64xf32> to vector<1000x128xf32>
    %swap3A_34 = arith.constant 1 : index
    %swap3A_35 = arith.constant 0 : index
    %swap3A_36 = arith.constant 0 : index
    %swap3A_37 = vector.load %arg7[%swap3A_34, %swap3A_35, %swap3A_36] : memref<4x1000x128xf32, #tpu.memory_space<vmem>>, vector<1x1000x128xf32>
    %swap3A_38 = vector.shape_cast %swap3A_37 : vector<1x1000x128xf32> to vector<1000x128xf32>
    %swap3A_39 = vector.shape_cast %reshape3A_33 : vector<1000x128xf32> to vector<1x1000x128xf32>
    tpu.vector_store %arg7[%swap3A_34, %swap3A_35, %swap3A_36], %swap3A_39 {strides = array<i32>} : memref<4x1000x128xf32, #tpu.memory_space<vmem>>, vector<1x1000x128xf32>,
    %slice3A_40 = vector.extract_strided_slice %reshape3A {offsets = [0, 0, 2, 0], sizes = [1000, 2, 1, 64], strides = [1, 1, 1, 1]} : vector<1000x2x4x64xf32> to vector<1000x2x1x64xf32>
    %squeeze3A_41 = vector.shape_cast %slice3A_40 : vector<1000x2x1x64xf32> to vector<1000x2x64xf32>
    %reshape3A_42 = vector.shape_cast %squeeze3A_41 : vector<1000x2x64xf32> to vector<1000x128xf32>
    %swap3A_43 = arith.constant 2 : index
    %swap3A_44 = arith.constant 0 : index
    %swap3A_45 = arith.constant 0 : index
    %swap3A_46 = vector.load %arg7[%swap3A_43, %swap3A_44, %swap3A_45] : memref<4x1000x128xf32, #tpu.memory_space<vmem>>, vector<1x1000x128xf32>
    %swap3A_47 = vector.shape_cast %swap3A_46 : vector<1x1000x128xf32> to vector<1000x128xf32>
    %swap3A_48 = vector.shape_cast %reshape3A_42 : vector<1000x128xf32> to vector<1x1000x128xf32>
    tpu.vector_store %arg7[%swap3A_43, %swap3A_44, %swap3A_45], %swap3A_48 {strides = array<i32>} : memref<4x1000x128xf32, #tpu.memory_space<vmem>>, vector<1x1000x128xf32>,
    %slice3A_49 = vector.extract_strided_slice %reshape3A {offsets = [0, 0, 3, 0], sizes = [1000, 2, 1, 64], strides = [1, 1, 1, 1]} : vector<1000x2x4x64xf32> to vector<1000x2x1x64xf32>
    %squeeze3A_50 = vector.shape_cast %slice3A_49 : vector<1000x2x1x64xf32> to vector<1000x2x64xf32>
    %reshape3A_51 = vector.shape_cast %squeeze3A_50 : vector<1000x2x64xf32> to vector<1000x128xf32>
    %swap3A_52 = arith.constant 3 : index
    %swap3A_53 = arith.constant 0 : index
    %swap3A_54 = arith.constant 0 : index
    %swap3A_55 = vector.load %arg7[%swap3A_52, %swap3A_53, %swap3A_54] : memref<4x1000x128xf32, #tpu.memory_space<vmem>>, vector<1x1000x128xf32>
    %swap3A_56 = vector.shape_cast %swap3A_55 : vector<1x1000x128xf32> to vector<1000x128xf32>
    %swap3A_57 = vector.shape_cast %reshape3A_51 : vector<1000x128xf32> to vector<1x1000x128xf32>
    tpu.vector_store %arg7[%swap3A_52, %swap3A_53, %swap3A_54], %swap3A_57 {strides = array<i32>} : memref<4x1000x128xf32, #tpu.memory_space<vmem>>, vector<1x1000x128xf32>,
    return
  }
  func.func @transform_0(%arg0: i32) -> (i32, i32) {
    %c0_i32 = arith.constant 0 : i32
    %c0_i32_0 = arith.constant 0 : i32
    return %arg0, %c0_i32 : i32, i32
  }
  func.func @transform_1(%arg0: i32) -> (i32, i32) {
    %add3A = arith.constant 5 : i32
    %add3A_0 = arith.addi %arg0, %add3A : i32
    %c0_i32 = arith.constant 0 : i32
    %c0_i32_1 = arith.constant 0 : i32
    return %add3A_0, %c0_i32 : i32, i32
  }
  func.func @transform_2(%arg0: i32) -> (i32, i32) {
    %c0_i32 = arith.constant 0 : i32
    %c0_i32_0 = arith.constant 0 : i32
    %c0_i32_1 = arith.constant 0 : i32
    return %c0_i32, %c0_i32_0 : i32, i32
  }
  func.func @transform_3(%arg0: i32) -> (i32, i32) {
    %c0_i32 = arith.constant 0 : i32
    %c0_i32_0 = arith.constant 0 : i32
    %c0_i32_1 = arith.constant 0 : i32
    return %c0_i32, %c0_i32_0 : i32, i32
  }
  func.func @transform_4(%arg0: i32) -> (i32, i32) {
    %c0_i32 = arith.constant 0 : i32
    %c0_i32_0 = arith.constant 0 : i32
    %c0_i32_1 = arith.constant 0 : i32
    return %c0_i32, %c0_i32_0 : i32, i32
  }
  func.func @transform_5(%arg0: i32) -> (i32, i32) {
    %c0_i32 = arith.constant 0 : i32
    %c0_i32_0 = arith.constant 0 : i32
    %c0_i32_1 = arith.constant 0 : i32
    return %c0_i32, %c0_i32_0 : i32, i32
  }
  func.func @transform_6(%arg0: i32) -> (i32, i32, i32) {
    %c0_i32 = arith.constant 0 : i32
    %c0_i32_0 = arith.constant 0 : i32
    %c0_i32_1 = arith.constant 0 : i32
    return %c0_i32, %arg0, %c0_i32_0 : i32, i32, i32
  }
}

module attributes {stable_mosaic.version = 14 : i64} {
  func.func @_mlp_body_full(%arg0: i32, %arg1: memref<2000x128xf32, #tpu.memory_space<vmem>>, %arg2: memref<2000x128xf32, #tpu.memory_space<vmem>>, %arg3: memref<256x256xf32, #tpu.memory_space<vmem>>, %arg4: memref<1x256xf32, #tpu.memory_space<vmem>>, %arg5: memref<256x256xf32, #tpu.memory_space<vmem>>, %arg6: memref<1x256xf32, #tpu.memory_space<vmem>>, %arg7: memref<2000x256xf32, #tpu.memory_space<vmem>>) attributes {dimension_semantics = [#tpu.dimension_semantics<arbitrary>], iteration_bounds = array<i64: 5>, scalar_prefetch = 0 : i64, scratch_operands = 0 : i64, tpu.core_type = #tpu.core_type<tc>, window_params = [{transform_indices = @transform_0, window_bounds = array<i64: 2000, 128>}, {transform_indices = @transform_1, window_bounds = array<i64: 2000, 128>}, {pipeline_mode = #tpu.pipeline_mode<synchronous>, transform_indices = @transform_2, window_bounds = array<i64: 256, 256>}, {pipeline_mode = #tpu.pipeline_mode<synchronous>, transform_indices = @transform_3, window_bounds = array<i64: 1, 256>}, {pipeline_mode = #tpu.pipeline_mode<synchronous>, transform_indices = @transform_4, window_bounds = array<i64: 256, 256>}, {pipeline_mode = #tpu.pipeline_mode<synchronous>, transform_indices = @transform_5, window_bounds = array<i64: 1, 256>}, {transform_indices = @transform_6, window_bounds = array<i64: 2000, 256>}]} {
    %get3A = arith.constant 0 : index
    %get3A_0 = arith.constant 0 : index
    %get3A_1 = vector.load %arg1[%get3A, %get3A_0] : memref<2000x128xf32, #tpu.memory_space<vmem>>, vector<2000x128xf32>
    %get3A_2 = arith.constant 0 : index
    %get3A_3 = arith.constant 0 : index
    %get3A_4 = vector.load %arg2[%get3A_2, %get3A_3] : memref<2000x128xf32, #tpu.memory_space<vmem>>, vector<2000x128xf32>
    %concatenate3A = tpu.concatenate %get3A_1, %get3A_4 in 1 : vector<2000x128xf32>, vector<2000x128xf32> -> vector<2000x256xf32>
    %get3A_5 = arith.constant 0 : index
    %get3A_6 = arith.constant 0 : index
    %get3A_7 = vector.load %arg3[%get3A_5, %get3A_6] : memref<256x256xf32, #tpu.memory_space<vmem>>, vector<256x256xf32>
    %dot_general3A = arith.constant dense<0.000000e+00> : vector<2000x256xf32>
    %dot_general3A_8 = tpu.matmul %concatenate3A, %get3A_7, %dot_general3A {dimension_numbers = #tpu.dot_dimension_numbers<[1], [0], [0], [1], [0, 0, 1, 1], [], []>, transpose_lhs_hint = false} : vector<2000x256xf32>, vector<256x256xf32>, vector<2000x256xf32> -> vector<2000x256xf32>
    %get3A_9 = arith.constant 0 : index
    %get3A_10 = arith.constant 0 : index
    %get3A_11 = vector.load %arg4[%get3A_9, %get3A_10] : memref<1x256xf32, #tpu.memory_space<vmem>>, vector<1x256xf32>
    %add3A = vector.broadcast %get3A_11 : vector<1x256xf32> to vector<2000x256xf32>
    %add3A_12 = arith.addf %dot_general3A_8, %add3A : vector<2000x256xf32>
    %max3A = arith.constant 0.000000e+00 : f32
    %max3A_13 = vector.broadcast %max3A : f32 to vector<2000x256xf32>
    %max3A_14 = arith.maximumf %add3A_12, %max3A_13 : vector<2000x256xf32>
    %get3A_15 = arith.constant 0 : index
    %get3A_16 = arith.constant 0 : index
    %get3A_17 = vector.load %arg5[%get3A_15, %get3A_16] : memref<256x256xf32, #tpu.memory_space<vmem>>, vector<256x256xf32>
    %dot_general3A_18 = arith.constant dense<0.000000e+00> : vector<2000x256xf32>
    %dot_general3A_19 = tpu.matmul %max3A_14, %get3A_17, %dot_general3A_18 {dimension_numbers = #tpu.dot_dimension_numbers<[1], [0], [0], [1], [0, 0, 1, 1], [], []>, transpose_lhs_hint = false} : vector<2000x256xf32>, vector<256x256xf32>, vector<2000x256xf32> -> vector<2000x256xf32>
    %get3A_20 = arith.constant 0 : index
    %get3A_21 = arith.constant 0 : index
    %get3A_22 = vector.load %arg6[%get3A_20, %get3A_21] : memref<1x256xf32, #tpu.memory_space<vmem>>, vector<1x256xf32>
    %add3A_23 = vector.broadcast %get3A_22 : vector<1x256xf32> to vector<2000x256xf32>
    %add3A_24 = arith.addf %dot_general3A_19, %add3A_23 : vector<2000x256xf32>
    %swap3A = arith.constant 0 : index
    %swap3A_25 = arith.constant 0 : index
    %swap3A_26 = vector.load %arg7[%swap3A, %swap3A_25] : memref<2000x256xf32, #tpu.memory_space<vmem>>, vector<2000x256xf32>
    tpu.vector_store %arg7[%swap3A, %swap3A_25], %add3A_24 {strides = array<i32>} : memref<2000x256xf32, #tpu.memory_space<vmem>>, vector<2000x256xf32>,
    return
  }
  func.func @transform_0(%arg0: i32) -> (i32, i32) {
    %c0_i32 = arith.constant 0 : i32
    %c0_i32_0 = arith.constant 0 : i32
    return %arg0, %c0_i32 : i32, i32
  }
  func.func @transform_1(%arg0: i32) -> (i32, i32) {
    %add3A = arith.constant 5 : i32
    %add3A_0 = arith.addi %arg0, %add3A : i32
    %c0_i32 = arith.constant 0 : i32
    %c0_i32_1 = arith.constant 0 : i32
    return %add3A_0, %c0_i32 : i32, i32
  }
  func.func @transform_2(%arg0: i32) -> (i32, i32) {
    %c0_i32 = arith.constant 0 : i32
    %c0_i32_0 = arith.constant 0 : i32
    %c0_i32_1 = arith.constant 0 : i32
    return %c0_i32, %c0_i32_0 : i32, i32
  }
  func.func @transform_3(%arg0: i32) -> (i32, i32) {
    %c0_i32 = arith.constant 0 : i32
    %c0_i32_0 = arith.constant 0 : i32
    %c0_i32_1 = arith.constant 0 : i32
    return %c0_i32, %c0_i32_0 : i32, i32
  }
  func.func @transform_4(%arg0: i32) -> (i32, i32) {
    %c0_i32 = arith.constant 0 : i32
    %c0_i32_0 = arith.constant 0 : i32
    %c0_i32_1 = arith.constant 0 : i32
    return %c0_i32, %c0_i32_0 : i32, i32
  }
  func.func @transform_5(%arg0: i32) -> (i32, i32) {
    %c0_i32 = arith.constant 0 : i32
    %c0_i32_0 = arith.constant 0 : i32
    %c0_i32_1 = arith.constant 0 : i32
    return %c0_i32, %c0_i32_0 : i32, i32
  }
  func.func @transform_6(%arg0: i32) -> (i32, i32) {
    %c0_i32 = arith.constant 0 : i32
    %c0_i32_0 = arith.constant 0 : i32
    return %arg0, %c0_i32 : i32, i32
  }
}

</mosaic_0001>

<sc_bundles>
// kernel: kernel.6.cloned.1.call-start
scs
__scs_entry_jumppad:
0x0: {  	(pc) =	sbr.rel $0x88, $3  }
0x1: {  	(tag) =	ssettag $0x0;
	lr =	simm.s32 $0x1  }
0x2: {  	[smem:$0x3F97] =	sst lr;
	_ =	strace $0xD0000000  }
0x3: {  	_ = 	snop  }
0x4: {  	_ = 	snop  }
0x5: {  	_ = 	snop  }
0x6: {  	_ = 	snop  }
0x7: {  	_ = 	snop  }
__scs_overlays_trampoline_lowered:
0x8: {  	[smem:$0x3FA6] =	sst s0  }
0x9: {  	[smem:$0x3FA7] =	sst s1  }
0xa: {  	[smem:$0x3FA8] =	sst s2  }
0xb: {  	[smem:$0x3FA9] =	sst s3  }
0xc: {  	[smem:$0x3FAA] =	sst s4  }
0xd: {  	[smem:$0x3FAB] =	sst s5  }
0xe: {  	[smem:$0x3FAC] =	sst s6  }
0xf: {  	[smem:$0x3FAD] =	sst s7  }
0x10: {  	[smem:$0x3FAE] =	sst s8  }
0x11: {  	[smem:$0x3FAF] =	sst s9;
	s0 =	simm.s32 @!p0 $0x0  }
0x12: {  	s1 =	sld [smem:$0x3F95];
	s0 =	simm.s32 @p0 $0x1  }
0x13: {  	[smem:$0x3FB0] =	sst s0;
	s0 =	simm.s32 @!p1 $0x0  }
0x14: {  	s2 =	sld [smem:$0x3F94];
	s0 =	simm.s32 @p1 $0x1  }
0x15: {  	[smem:$0x3FB1] =	sst s0;
	s0 =	simm.s32 @!p2 $0x0  }
0x16: {  	s3 =	sld [smem:$0x3FDB];
	s0 =	simm.s32 @p2 $0x1  }
0x17: {  	s4 =	simm.s32 $0x1BF5;
	[smem:$0x3FB3] =	sst s0  }
0x18: {  	s0 =	sld [smem:$0x3F96];
	_ =	swait.ge [sflag:s4], $0x0  }
0x19: {  	s7 =	sld [smem:$0x3F97]  }
0x1a: {  	s8 =	sadd.s32 $0xFFFFE003, lr  }
0x1b: {  	s9 =	sadd.s32 $0xFFFFFEF7, lr;
	s5 =	simm.s32 $0xFFFFFFFF;
	p2 =	slt.u32 s8, $0xFFFFF086  }
0x1c: {  	p1 =	slt.u32 s9, $0xF7A;
	s5 =	simm.s32 @!p2 $0x0  }
0x1d: {  	s5 =	simm.s32 @p1 $0x1;
	p0 =	seq.s32 s7, s2  }
0x1e: {  	s7 =	smul.u32 @!p0 $0xF7A, s2;
	p2 =	seq.s32 @!p0 s5, $0x0  }
0x1f: {  	s9 =	smul.u32 $0xF7A, s1;
	s8 =	simm.s32 @!p0 $0x1BF5;
	p2 =	por !p2, p0  }
0x20: {  	[sflag:s8] =	ssyncset.s32 @!p0 $0xFFFFF086;
	s6 =	sadd.s32 @!p0 s3, s7;
	s7 =	simm.s32 @!p0 $0x108  }
0x21: {  	s3 =	sadd.s32 s3, s9;
	s6 =	sadd.s32 @!p0 $0x88, s6;
	s7 =	simm.s32 @p2 $0x1082  }
0x22: {  	[simem:s7], [sflag:s8] =	dma.local @!p0 [hbm:s6], $0xF7A  }
0x23: {  	s9 =	sor.u32 $0xD0000000, s2;
	s6 =	simm.s32 $0x108;
	_ =	swait.ge @!p0 [sflag:s8], $0x0  }
0x24: {  	s3 =	sadd.s32 $0x88, s3;
	s6 =	simm.s32 @!p1 $0x1082;
	[sflag:s4] =	ssyncset.s32 $0xFFFFF086  }
0x25: {  	[simem:s6], [sflag:s4] =	dma.local [hbm:s3], $0xF7A  }
0x26: {  	[smem:$0x3F97] =	sst s1;
	(tag) =	ssettag s2;
	_ =	strace s9  }
0x27: {  	s1 =	sld [smem:$0x3FA7]  }
0x28: {  	s2 =	sld [smem:$0x3FA8]  }
0x29: {  	s4 =	sld [smem:$0x3FAA]  }
0x2a: {  	p0 =	seq.s32 s5, $0x0;
	s5 =	sld [smem:$0x3FAB]  }
0x2b: {  	s6 =	sld [smem:$0x3FAC]  }
0x2c: {  	s7 =	sld [smem:$0x3FAD]  }
0x2d: {  	s3 =	simm.s32 $0x108;
	s8 =	sld [smem:$0x3FAE]  }
0x2e: {  	s3 =	simm.s32 @!p0 $0x1082;
	s9 =	sld [smem:$0x3FAF]  }
0x2f: {  	lr =	sadd.s32 s0, s3;
	s0 =	sld [smem:$0x3FA6]  }
0x30: {  	s3 =	sld [smem:$0x3FA9]  }
0x31: {  	[smem:$0x3FB2] =	sst s10  }
0x32: {  	s10 =	sld [smem:$0x3FB0];
	_ =	sdelay $0x3  }
0x33: {  	p0 =	seq.s32 s10, $0x1;
	s10 =	sld [smem:$0x3FB2];
	_ =	sdelay $0x3  }
0x34: {  	[smem:$0x3FB2] =	sst s10  }
0x35: {  	s10 =	sld [smem:$0x3FB1];
	_ =	sdelay $0x3  }
0x36: {  	p1 =	seq.s32 s10, $0x1;
	s10 =	sld [smem:$0x3FB2];
	_ =	sdelay $0x3  }
0x37: {  	[smem:$0x3FB2] =	sst s10  }
0x38: {  	s10 =	sld [smem:$0x3FB3]  }
0x39: {  	_ = 	snop;
	(pc) =	sbr.ind lr, $3  }
0x3a: {  	_ = 	snop  }
0x3b: {  	_ = 	snop  }
0x3c: {  	p2 =	seq.s32 s10, $0x1;
	s10 =	sld [smem:$0x3FB2]  }
0x3d: {  	_ =	shalt  }
0x3e: {  	_ =	shalt  }
0x3f: {  	_ =	shalt  }
0x40: {  	_ =	shalt  }
0x41: {  	_ =	shalt  }
0x42: {  	_ =	shalt  }
0x43: {  	_ =	shalt  }
0x44: {  	_ =	shalt  }
0x45: {  	_ =	shalt  }
0x46: {  	_ =	shalt  }
0x47: {  	_ =	shalt  }
0x48: {  	_ =	shalt  }
0x49: {  	_ =	shalt  }
0x4a: {  	_ =	shalt  }
0x4b: {  	_ =	shalt  }
0x4c: {  	_ =	shalt  }
0x4d: {  	_ =	shalt  }
0x4e: {  	_ =	shalt  }
0x4f: {  	_ =	shalt  }
0x50: {  	_ =	shalt  }
0x51: {  	_ =	shalt  }
0x52: {  	_ =	shalt  }
0x53: {  	_ =	shalt  }
0x54: {  	_ =	shalt  }
0x55: {  	_ =	shalt  }
0x56: {  	_ =	shalt  }
0x57: {  	_ =	shalt  }
0x58: {  	_ =	shalt  }
0x59: {  	_ =	shalt  }
0x5a: {  	_ =	shalt  }
0x5b: {  	_ =	shalt  }
0x5c: {  	_ =	shalt  }
0x5d: {  	_ =	shalt  }
0x5e: {  	_ =	shalt  }
0x5f: {  	_ =	shalt  }
0x60: {  	_ =	shalt  }
0x61: {  	_ =	shalt  }
0x62: {  	_ =	shalt  }
0x63: {  	_ =	shalt  }
0x64: {  	_ =	shalt  }
0x65: {  	_ =	shalt  }
0x66: {  	_ =	shalt  }
0x67: {  	_ =	shalt  }
0x68: {  	_ =	shalt  }
0x69: {  	_ =	shalt  }
0x6a: {  	_ =	shalt  }
0x6b: {  	_ =	shalt  }
0x6c: {  	_ =	shalt  }
0x6d: {  	_ =	shalt  }
0x6e: {  	_ =	shalt  }
0x6f: {  	_ =	shalt  }
0x70: {  	_ =	shalt  }
0x71: {  	_ =	shalt  }
0x72: {  	_ =	shalt  }
0x73: {  	_ =	shalt  }
0x74: {  	_ =	shalt  }
0x75: {  	_ =	shalt  }
0x76: {  	_ =	shalt  }
0x77: {  	_ =	shalt  }
0x78: {  	_ =	shalt  }
0x79: {  	_ =	shalt  }
0x7a: {  	_ =	shalt  }
0x7b: {  	_ =	shalt  }
0x7c: {  	_ =	shalt  }
0x7d: {  	_ =	shalt  }
0x7e: {  	_ =	shalt  }
0x7f: {  	_ =	shalt  }
0x80: {  	_ =	shalt  }
0x81: {  	_ =	shalt  }
0x82: {  	_ =	shalt  }
0x83: {  	_ =	shalt  }
0x84: {  	_ =	shalt  }
0x85: {  	_ =	shalt  }
0x86: {  	_ =	shalt  }
0x87: {  	_ =	shalt  }
.Lfunc_end0:
.L_simem_size_0:
called_computation_lowered:
.L_overlay_start_0:
0x88: {  	s2 =	sld [smem:$0x3FD9]  }
0x89: {  	s3 =	sld [smem:$0x3FFE];
	_ =	sdelay $0x1  }
0x8a: {  	s1 =	srdreg.scid  }
0x8b: {  	s0 =	sand.u32 $0x1, s1  }
0x8c: {  	s17 =	sshll.u32 s0, $0xA;
	s2 =	sadd.s32 s3, s2  }
0x8d: {  	s2 =	sadd.s32 s2, s17  }
0x8e: {  	[smem:$0x3FBE] =	sst s2  }
0x8f: {  	_ = 	snop  }
0x90: {  	s2 =	sld [smem:$0x3FD0];
	(tm) =	ssettm $0x1  }
0x91: {  	s18 =	sld [smem:$0x3FFB];
	_ =	sdelay $0x3  }
0x92: {  	_ =	strace s18  }
0x93: {  	s3 =	sld [smem:$0x3FFC];
	_ =	sdelay $0x3  }
0x94: {  	_ =	strace s3  }
0x95: {  	s3 =	sld [smem:$0x3FFD];
	_ =	sdelay $0x3  }
0x96: {  	_ =	strace s3  }
0x97: {  	_ =	strace $0x8FFFFFFF  }
0x98: {  	s19 =	sld [smem:$0x3FDB];
	_ =	sdelay $0x1  }
0x99: {  	s4 =	simm.s32 $_scs_section_size  }
0x9a: {  	s5 =	simm.s32 $_size__tile_overlayer_lowered;
	s6 =	simm.s32 $_tile_overlayer_lowered  }
0x9b: {  	s22 =	simm.s32 $0x1BFF;
	s21 =	sshll.u32 s6, $0x1;
	s3 =	sadd.s32 s4, s19  }
0x9c: {  	s7 =	simm.s32 $0x0;
	s20 =	sshll.u32 s5, $0x1;
	s5 =	sadd.s32 s21, s3  }
0x9d: {  	[timem:s7], [sflag:s22] =	dma.local [hbm:s5], s20  }
0x9e: {  	_ =	swait.ge [sflag:s22], s20  }
0x9f: {  	s4 =	ssub.s32 $0x0, s20;
	[sflag:s22] =	ssyncset.done $0x0  }
0xa0: {  	[sflag:s22] =	ssyncadd.s32 s4;
	_ =	sdelay $0x1  }
0xa1: {  	s23 =	simm.s32 $0x1B8B  }
0xa2: {  	_ =	swait.ge [sflag:s23], $0x1  }
0xa3: {  	[sflag:s23] =	ssyncset.done $0x0  }
0xa4: {  	s25 =	simm.s32 $0x1B8E;
	s24 =	sld [smem:$0x3FFE];
	[sflag:s23] =	ssyncadd.s32 $0xFFFFFFFF  }
0xa5: {  	s26 =	simm.s32 $execute0_lowered;
	[smem:$0x3FD2] =	sst s25  }
0xa6: {  	s5 =	sshll.u32 s26, $0x1;
	_ =	strace $0x80000046;
	[dreg:$0x1] =	wrdreg $0xFFFFFFFF  }
0xa7: {  	s28 =	simm.s32 $_size_execute0_lowered;
	s3 =	sadd.s32 s3, s5;
	[dreg:$0x0] =	wrdreg $0x0  }
0xa8: {  	s5 =	sshll.u32 s28, $0x1;
	[dreg:$0x2] =	wrdreg s3  }
0xa9: {  	[dreg:$0x3] =	wrdreg s5  }
0xaa: {  	[dreg:$0x4] =	wrdreg $0xC0  }
0xab: {  	_ =	task [dreg:s7], $0x5FFFF  }
0xac: {  	[dreg:$0x1] =	wrdreg $0xFFFFFFFF  }
0xad: {  	[dreg:$0x0] =	wrdreg $0x60  }
0xae: {  	[dreg:$0x2] =	wrdreg s2  }
0xaf: {  	[dreg:$0x3] =	wrdreg s24  }
0xb0: {  	[dreg:$0x4] =	wrdreg $0x14A000  }
0xb1: {  	[dreg:$0x5] =	wrdreg $0x9  }
0xb2: {  	_ =	task.clear_ibuf [dreg:s7], $0x6FFFF;
	_ =	strace $0x90000046  }
0xb3: {  	s29 =	simm.s32 $0x9;
	_ =	strace $0x80000048  }
0xb4: {  	_ =	swait.ge [sflag:s29], $0x1  }
0xb5: {  	[sflag:s29] =	ssyncadd.s32 $0xFFFFFFFF  }
0xb6: {  	_ =	strace $0x90000048  }
0xb7: {  	_ =	sfence  }
0xb8: {  	s30 =	sld [smem:$0x0];
	_ =	sdelay $0x2  }
0xb9: {  	s31 =	sshll.u32 s1, $0xD;
	s1 =	sshrl.u32 s1, $0x2  }
0xba: {  	s3 =	sand.u32 $0x4000, s31;
	s1 =	sadd.s32 s1, s30  }
0xbb: {  	s0 =	sor.u32 s3, s0;
	s1 =	sshll.u32 s1, $0x11  }
0xbc: {  	s0 =	sor.u32 s1, s0  }
0xbd: {  	s0 =	sadd.s32 $0x8F2B, s0  }
0xbe: {  	[sflag:s0] =	ssyncadd.remote.s32 $0x1  }
0xbf: {  	_ =	sfence.sel $0xFFFF  }
0xc0: {  	[dreg:$0x0] =	wrdreg $0xFFFFFFFF;
	(pc) =	sbr.abs _section_cstart, $3  }
0xc1: {  	[dreg:$0x1] =	wrdreg $0xFFFFFFFF  }
0xc2: {  	_ =	task.clear_ibuf [dreg:s7], $0x2FFFF;
	_ =	strace $0x9FFFFFFF  }
0xc3: {  	(tm) =	ssettm $0x7FFFFFFF  }
tec
execute0_lowered:
.L_overlay_start_1:
0x0: {  	(tag) =	ssettag $0x1  }
0x1: {  	s2 =	rddreg [dreg:$0x0]  }
0x2: {  	s0 =	rddreg [dreg:$0x1]  }
0x3: {  	s3 =	rddreg [dreg:$0x2];
	s11 =	stileid.u32;
	s5 =	simm.s32 $0x0  }
0x4: {  	s4 =	srdreg.scid;
	s15 =	simm.s32 $0x11;
	s16 =	simm.s32 $0x7D  }
0x5: {  	s28 =	simm.s32 $0xEC40;
	s30 =	simm.s32 $0x10B80;
	s14 =	simm.s32 $0x1  }
0x6: {  	s12 =	simm.s32 $0xD;
	s13 =	simm.s32 $0xE;
	s29 =	simm.s32 $0x0  }
0x7: {  	s1 =	smul.u32 $0x500, s11;
	[smem:$0x7FF] =	sst s5;
	s4 =	sand.u32 $0x1, s4  }
0x8: {  	s17 =	smul.u32 $0x278, s11;
	s7 =	sadd.s32 $0x1A00, s0;
	_ =	strace $0x80000047  }
0x9: {  	s6 =	smul.u32 $0x2710, s4;
	s8 =	ssub.s32 $0x2, s4;
	s9 =	sshll.u32 s4, $0x5  }
0xa: {  	s20 =	smul.u32 $0x4E20, s4;
	s4 =	sshllo.u32 s4, $0x1;
	s1 =	sadd.s32 s1, s0  }
0xb: {  	s5 =	smin.u32 s17, $0x2498;
	s10 =	sshrl.u32 s8, $0x1;
	s9 =	sor.u32 s11, s9  }
0xc: {  	s21 =	sshll.u32 s4, $0x4;
	s4 =	smul.u32 $0x2710, s4;
	s17 =	simm.s32 $0x5000  }
0xd: {  	s6 =	sadd.s32 s6, s5;
	s18 =	ssub.s32 s8, s10;
	s19 =	smul.u32 $0x500, s9  }
0xe: {  	s1 =	sadd.s32 $0x15A00, s1;
	s22 =	sshll.u32 s5, $0x6;
	s9 =	simm.s32 $0x8  }
0xf: {  	s10 =	simm.s32 $0xA;
	s6 =	sshll.u32 s6, $0x4;
	[dreg:$0x4] =	wrdreg s1  }
0x10: {  	s1 =	sadd.s32 s20, s5;
	s4 =	sadd.s32 s5, s4;
	s23 =	sadd.s32 s22, s3  }
0x11: {  	s31 =	smax.u32 s18, $0x1;
	s5 =	simm.s32 $0x3;
	s18 =	simm.s32 $0x7  }
0x12: {  	s20 =	simm.s32 $0x9;
	s22 =	simm.s32 $0xC;
	s0 =	sadd.s32 s6, s0  }
0x13: {  	s8 =	sadd.s32 s7, s19;
	s1 =	sshll.u32 s1, $0x3;
	[dreg:$0x6] =	wrdreg s23  }
0x14: {  	s24 =	sshll.u32 s4, $0x3;
	[dreg:$0xc] =	wrdreg s31;
	s19 =	simm.s32 $0x6F40  }
0x15: {  	s23 =	simm.s32 $0xADC0;
	s6 =	simm.s32 $0x4;
	[dreg:$0x5] =	wrdreg s8  }
0x16: {  	s8 =	sor.u32 s11, s21;
	s1 =	sadd.s32 s2, s1;
	s26 =	sadd.s32 $0x1AA00, s0  }
0x17: {  	s0 =	sadd.s32 $0x1AA08, s0;
	s21 =	simm.s32 $0x8E80;
	[dreg:$0x7] =	wrdreg s1  }
0x18: {  	s11 =	simm.s32 $0xB;
	s8 =	smul.u32 $0x500, s8;
	[dreg:$0x9] =	wrdreg s26  }
0x19: {  	s1 =	sadd.s32 s2, s24;
	[dreg:$0xb] =	wrdreg s0;
	s0 =	simm.s32 $0x12AC0  }
0x1a: {  	s24 =	simm.s32 $0xF;
	s26 =	simm.s32 $0x10;
	[dreg:$0xa] =	wrdreg s1  }
0x1b: {  	s1 =	simm.s32 $0x2;
	s25 =	sadd.s32 s7, s8;
	s7 =	simm.s32 $0x5  }
0x1c: {  	s8 =	simm.s32 $0x6;
	[dreg:$0x8] =	wrdreg s25;
	s25 =	simm.s32 $0xCD00  }
.LBB2_1:
0x1d: {  	[dreg:$0xd] =	wrdreg s29  }
0x1e: {  	s4 =	simm.s32 $0x0;
	s29 =	rddreg [dreg:$0x4];
	s31 =	simm.s32 $0x2800  }
0x1f: {  	[tilespmem:s31], [sflag:$0x11] =	stream.linear.gather [hbm4b:s29+s4], $0x2800, $0x38;
	[tilespmem:$0x1E640] =	vst v63  }
0x20: {  	_ =	swait.ge [sflag:s15], $0x2800  }
0x21: {  	[sflag:s15] =	ssyncset.done $0x0  }
0x22: {  	s29 =	rddreg [dreg:$0x5];
	[sflag:s15] =	ssyncadd.s32 $0xFFFFD800  }
0x23: {  	[tilespmem:s4], [sflag:$0x11] =	stream.linear.gather [hbm4b:s29+s4], $0x2800, $0x38;
	[tilespmem:$0x1E640] =	vst v63  }
0x24: {  	_ =	swait.ge [sflag:s15], $0x2800  }
0x25: {  	[sflag:s15] =	ssyncset.done $0x0  }
0x26: {  	[sflag:s15] =	ssyncadd.s32 $0xFFFFD800  }
0x27: {  	[tilespmem:s17], [sflag:$0x1] =	stream.indirect.gather [hbm4b:s2+s16], $0x40, s4, s16, $0xb8;
	[tilespmem:$0x1E640] =	vst v63  }
0x28: {  	s29 =	simm.s32 $0x80  }
0x29: {  	[tilespmem:s19], [sflag:$0x2] =	stream.indirect.gather [hbm4b:s2+s16], $0x40, s29, s16, $0xb8;
	[tilespmem:$0x1E640] =	vst v63  }
0x2a: {  	s29 =	simm.s32 $0x100  }
0x2b: {  	[tilespmem:s21], [sflag:$0x3] =	stream.indirect.gather [hbm4b:s2+s16], $0x40, s29, s16, $0xb8;
	[tilespmem:$0x1E640] =	vst v63  }
0x2c: {  	s29 =	simm.s32 $0x180  }
0x2d: {  	[tilespmem:s23], [sflag:$0x4] =	stream.indirect.gather [hbm4b:s2+s16], $0x40, s29, s16, $0xb8;
	[tilespmem:$0x1E640] =	vst v63  }
0x2e: {  	s29 =	simm.s32 $0x200  }
0x2f: {  	[tilespmem:s25], [sflag:$0x5] =	stream.indirect.gather [hbm4b:s2+s16], $0x40, s29, s16, $0xb8;
	[tilespmem:$0x1E640] =	vst v63  }
0x30: {  	s29 =	simm.s32 $0x280  }
0x31: {  	[tilespmem:s28], [sflag:$0x6] =	stream.indirect.gather [hbm4b:s2+s16], $0x40, s29, s16, $0xb8;
	[tilespmem:$0x1E640] =	vst v63  }
0x32: {  	s29 =	simm.s32 $0x300  }
0x33: {  	[tilespmem:s30], [sflag:$0x7] =	stream.indirect.gather [hbm4b:s2+s16], $0x40, s29, s16, $0xb8;
	[tilespmem:$0x1E640] =	vst v63  }
0x34: {  	s29 =	simm.s32 $0x380  }
0x35: {  	[tilespmem:s0], [sflag:$0x8] =	stream.indirect.gather [hbm4b:s2+s16], $0x40, s29, s16, $0xb8;
	[tilespmem:$0x1E640] =	vst v63  }
0x36: {  	s29 =	stileid.u32  }
0x37: {  	s4 =	sshll.u32 s29, $0x6  }
0x38: {  	s29 =	sor.u32 $0x1C11, s4;
	s4 =	rddreg [dreg:$0x6]  }
0x39: {  	s31 =	sshrl.u32 s4, $0x3;
	s4 =	rddreg [dreg:$0x7]  }
0x3a: {  	[dreg:$0xe] =	wrdreg s29  }
0x3b: {  	[dreg:$0xf] =	wrdreg s31  }
0x3c: {  	[spmem:s31], [sflag:s29] =	dma.local [hbm:s4], $0x13C0  }
0x3d: {  	_ =	swait.ge [sflag:s15], $0x13C0  }
0x3e: {  	[sflag:s15] =	ssyncset.done $0x0  }
0x3f: {  	[sflag:s15] =	ssyncadd.s32 $0xFFFFEC40  }
0x40: {  	[bflag:$0x0] =	sbarrier.arrive $0xFFFF  }
0x41: {  	_ =	swait.ge [sflag:s14], $0x1F40  }
0x42: {  	[sflag:s14] =	ssyncset.done $0x0  }
0x43: {  	s29 =	simm.s32 $0x2800;
	[sflag:s14] =	ssyncadd.s32 $0xFFFFE0C0  }
0x44: {  	[spmem:s3] =	stream.indirect.scatter.add.f32 [tilespmem:s17], [sflag:$0x9], $0x40, s29, s16, $0xb8;
	[tilespmem:$0x1E640] =	vst v63  }
0x45: {  	_ =	swait.ge [sflag:s1], $0x1F40  }
0x46: {  	[sflag:s1] =	ssyncset.done $0x0  }
0x47: {  	s29 =	simm.s32 $0x2880;
	[sflag:s1] =	ssyncadd.s32 $0xFFFFE0C0  }
0x48: {  	[spmem:s3] =	stream.indirect.scatter.add.f32 [tilespmem:s19], [sflag:$0xA], $0x40, s29, s16, $0xb8;
	[tilespmem:$0x1E640] =	vst v63  }
0x49: {  	_ =	swait.ge [sflag:s5], $0x1F40  }
0x4a: {  	[sflag:s5] =	ssyncset.done $0x0  }
0x4b: {  	s29 =	simm.s32 $0x2900;
	[sflag:s5] =	ssyncadd.s32 $0xFFFFE0C0  }
0x4c: {  	[spmem:s3] =	stream.indirect.scatter.add.f32 [tilespmem:s21], [sflag:$0xB], $0x40, s29, s16, $0xb8;
	[tilespmem:$0x1E640] =	vst v63  }
0x4d: {  	_ =	swait.ge [sflag:s6], $0x1F40  }
0x4e: {  	[sflag:s6] =	ssyncset.done $0x0  }
0x4f: {  	s29 =	simm.s32 $0x2980;
	[sflag:s6] =	ssyncadd.s32 $0xFFFFE0C0  }
0x50: {  	[spmem:s3] =	stream.indirect.scatter.add.f32 [tilespmem:s23], [sflag:$0xC], $0x40, s29, s16, $0xb8;
	[tilespmem:$0x1E640] =	vst v63  }
0x51: {  	_ =	swait.ge [sflag:s7], $0x1F40  }
0x52: {  	[sflag:s7] =	ssyncset.done $0x0  }
0x53: {  	s29 =	simm.s32 $0x2A00;
	[sflag:s7] =	ssyncadd.s32 $0xFFFFE0C0  }
0x54: {  	[spmem:s3] =	stream.indirect.scatter.add.f32 [tilespmem:s25], [sflag:$0xD], $0x40, s29, s16, $0xb8;
	[tilespmem:$0x1E640] =	vst v63  }
0x55: {  	_ =	swait.ge [sflag:s8], $0x1F40  }
0x56: {  	[sflag:s8] =	ssyncset.done $0x0  }
0x57: {  	s29 =	simm.s32 $0x2A80;
	[sflag:s8] =	ssyncadd.s32 $0xFFFFE0C0  }
0x58: {  	[spmem:s3] =	stream.indirect.scatter.add.f32 [tilespmem:s28], [sflag:$0xE], $0x40, s29, s16, $0xb8;
	[tilespmem:$0x1E640] =	vst v63  }
0x59: {  	_ =	swait.ge [sflag:s18], $0x1F40  }
0x5a: {  	[sflag:s18] =	ssyncset.done $0x0  }
0x5b: {  	s29 =	simm.s32 $0x2B00;
	[sflag:s18] =	ssyncadd.s32 $0xFFFFE0C0  }
0x5c: {  	[spmem:s3] =	stream.indirect.scatter.add.f32 [tilespmem:s30], [sflag:$0xF], $0x40, s29, s16, $0xb8;
	[tilespmem:$0x1E640] =	vst v63  }
0x5d: {  	_ =	swait.ge [sflag:s9], $0x1F40  }
0x5e: {  	[sflag:s9] =	ssyncset.done $0x0  }
0x5f: {  	s29 =	simm.s32 $0x2B80;
	[sflag:s9] =	ssyncadd.s32 $0xFFFFE0C0  }
0x60: {  	[spmem:s3] =	stream.indirect.scatter.add.f32 [tilespmem:s0], [sflag:$0x10], $0x40, s29, s16, $0xb8;
	[tilespmem:$0x1E640] =	vst v63  }
0x61: {  	_ =	swait.ge [sflag:s20], $0x1F40  }
0x62: {  	[sflag:s20] =	ssyncset.done $0x0  }
0x63: {  	s29 =	simm.s32 $0x400;
	[sflag:s20] =	ssyncadd.s32 $0xFFFFE0C0  }
0x64: {  	[tilespmem:s17], [sflag:$0x1] =	stream.indirect.gather [hbm4b:s2+s16], $0x40, s29, s16, $0xb8;
	[tilespmem:$0x1E640] =	vst v63  }
0x65: {  	_ =	swait.ge [sflag:s10], $0x1F40  }
0x66: {  	[sflag:s10] =	ssyncset.done $0x0  }
0x67: {  	s29 =	simm.s32 $0x480;
	[sflag:s10] =	ssyncadd.s32 $0xFFFFE0C0  }
0x68: {  	[tilespmem:s19], [sflag:$0x2] =	stream.indirect.gather [hbm4b:s2+s16], $0x40, s29, s16, $0xb8;
	[tilespmem:$0x1E640] =	vst v63  }
0x69: {  	_ =	swait.ge [sflag:s11], $0x1F40  }
0x6a: {  	[sflag:s11] =	ssyncset.done $0x0  }
0x6b: {  	s29 =	simm.s32 $0x500;
	[sflag:s11] =	ssyncadd.s32 $0xFFFFE0C0  }
0x6c: {  	[tilespmem:s21], [sflag:$0x3] =	stream.indirect.gather [hbm4b:s2+s16], $0x40, s29, s16, $0xb8;
	[tilespmem:$0x1E640] =	vst v63  }
0x6d: {  	_ =	swait.ge [sflag:s22], $0x1F40  }
0x6e: {  	[sflag:s22] =	ssyncset.done $0x0  }
0x6f: {  	s29 =	simm.s32 $0x580;
	[sflag:s22] =	ssyncadd.s32 $0xFFFFE0C0  }
0x70: {  	[tilespmem:s23], [sflag:$0x4] =	stream.indirect.gather [hbm4b:s2+s16], $0x40, s29, s16, $0xb8;
	[tilespmem:$0x1E640] =	vst v63  }
0x71: {  	_ =	swait.ge [sflag:s12], $0x1F40  }
0x72: {  	[sflag:s12] =	ssyncset.done $0x0  }
0x73: {  	s29 =	simm.s32 $0x600;
	[sflag:s12] =	ssyncadd.s32 $0xFFFFE0C0  }
0x74: {  	[tilespmem:s25], [sflag:$0x5] =	stream.indirect.gather [hbm4b:s2+s16], $0x40, s29, s16, $0xb8;
	[tilespmem:$0x1E640] =	vst v63  }
0x75: {  	_ =	swait.ge [sflag:s13], $0x1F40  }
0x76: {  	[sflag:s13] =	ssyncset.done $0x0  }
0x77: {  	s29 =	simm.s32 $0x680;
	[sflag:s13] =	ssyncadd.s32 $0xFFFFE0C0  }
0x78: {  	[tilespmem:s28], [sflag:$0x6] =	stream.indirect.gather [hbm4b:s2+s16], $0x40, s29, s16, $0xb8;
	[tilespmem:$0x1E640] =	vst v63  }
0x79: {  	_ =	swait.ge [sflag:s24], $0x1F40  }
0x7a: {  	[sflag:s24] =	ssyncset.done $0x0  }
0x7b: {  	s29 =	simm.s32 $0x700;
	[sflag:s24] =	ssyncadd.s32 $0xFFFFE0C0  }
0x7c: {  	[tilespmem:s30], [sflag:$0x7] =	stream.indirect.gather [hbm4b:s2+s16], $0x40, s29, s16, $0xb8;
	[tilespmem:$0x1E640] =	vst v63  }
0x7d: {  	_ =	swait.ge [sflag:s26], $0x1F40  }
0x7e: {  	[sflag:s26] =	ssyncset.done $0x0  }
0x7f: {  	s31 =	simm.s32 $0x1000;
	s4 =	simm.s32 $0x780;
	[sflag:s26] =	ssyncadd.s32 $0xFFFFE0C0  }
.LBB2_2:
0x80: {  	[tilespmem:s0], [sflag:$0x8] =	stream.indirect.gather [hbm4b:s2+s16], $0x40, s4, s16, $0xb8;
	[tilespmem:$0x1E640] =	vst v63  }
0x81: {  	s4 =	smov.u32 s31  }
0x82: {  	p0 =	sne.s32 s31, $0x8000;
	s31 =	sadd.s32 $0x1000, s31;
	_ =	swait.ge [sflag:s14], $0x1F40  }
0x83: {  	s4 =	sshra.s32 s4, $0x2;
	[sflag:s14] =	ssyncset.done $0x0  }
0x84: {  	s29 =	sadd.s32 $0x2800, s4;
	[sflag:s14] =	ssyncadd.s32 $0xFFFFE0C0  }
0x85: {  	[spmem:s3] =	stream.indirect.scatter.add.f32 [tilespmem:s17], [sflag:$0x9], $0x40, s29, s16, $0xb8;
	[tilespmem:$0x1E640] =	vst v63  }
0x86: {  	_ =	swait.ge [sflag:s1], $0x1F40  }
0x87: {  	[sflag:s1] =	ssyncset.done $0x0  }
0x88: {  	s29 =	sadd.s32 $0x2880, s4;
	[sflag:s1] =	ssyncadd.s32 $0xFFFFE0C0  }
0x89: {  	[spmem:s3] =	stream.indirect.scatter.add.f32 [tilespmem:s19], [sflag:$0xA], $0x40, s29, s16, $0xb8;
	[tilespmem:$0x1E640] =	vst v63  }
0x8a: {  	_ =	swait.ge [sflag:s5], $0x1F40  }
0x8b: {  	[sflag:s5] =	ssyncset.done $0x0  }
0x8c: {  	s29 =	sadd.s32 $0x2900, s4;
	[sflag:s5] =	ssyncadd.s32 $0xFFFFE0C0  }
0x8d: {  	[spmem:s3] =	stream.indirect.scatter.add.f32 [tilespmem:s21], [sflag:$0xB], $0x40, s29, s16, $0xb8;
	[tilespmem:$0x1E640] =	vst v63  }
0x8e: {  	_ =	swait.ge [sflag:s6], $0x1F40  }
0x8f: {  	[sflag:s6] =	ssyncset.done $0x0  }
0x90: {  	s29 =	sadd.s32 $0x2980, s4;
	[sflag:s6] =	ssyncadd.s32 $0xFFFFE0C0  }
0x91: {  	[spmem:s3] =	stream.indirect.scatter.add.f32 [tilespmem:s23], [sflag:$0xC], $0x40, s29, s16, $0xb8;
	[tilespmem:$0x1E640] =	vst v63  }
0x92: {  	_ =	swait.ge [sflag:s7], $0x1F40  }
0x93: {  	[sflag:s7] =	ssyncset.done $0x0  }
0x94: {  	s29 =	sadd.s32 $0x2A00, s4;
	[sflag:s7] =	ssyncadd.s32 $0xFFFFE0C0  }
0x95: {  	[spmem:s3] =	stream.indirect.scatter.add.f32 [tilespmem:s25], [sflag:$0xD], $0x40, s29, s16, $0xb8;
	[tilespmem:$0x1E640] =	vst v63  }
0x96: {  	_ =	swait.ge [sflag:s8], $0x1F40  }
0x97: {  	[sflag:s8] =	ssyncset.done $0x0  }
0x98: {  	s29 =	sadd.s32 $0x2A80, s4;
	[sflag:s8] =	ssyncadd.s32 $0xFFFFE0C0  }
0x99: {  	[spmem:s3] =	stream.indirect.scatter.add.f32 [tilespmem:s28], [sflag:$0xE], $0x40, s29, s16, $0xb8;
	[tilespmem:$0x1E640] =	vst v63  }
0x9a: {  	_ =	swait.ge [sflag:s18], $0x1F40  }
0x9b: {  	[sflag:s18] =	ssyncset.done $0x0  }
0x9c: {  	s29 =	sadd.s32 $0x2B00, s4;
	[sflag:s18] =	ssyncadd.s32 $0xFFFFE0C0  }
0x9d: {  	[spmem:s3] =	stream.indirect.scatter.add.f32 [tilespmem:s30], [sflag:$0xF], $0x40, s29, s16, $0xb8;
	[tilespmem:$0x1E640] =	vst v63  }
0x9e: {  	_ =	swait.ge [sflag:s9], $0x1F40  }
0x9f: {  	[sflag:s9] =	ssyncset.done $0x0  }
0xa0: {  	s29 =	sadd.s32 $0x2B80, s4;
	[sflag:s9] =	ssyncadd.s32 $0xFFFFE0C0  }
0xa1: {  	[spmem:s3] =	stream.indirect.scatter.add.f32 [tilespmem:s0], [sflag:$0x10], $0x40, s29, s16, $0xb8;
	[tilespmem:$0x1E640] =	vst v63  }
0xa2: {  	_ =	swait.ge [sflag:s20], $0x1F40  }
0xa3: {  	[sflag:s20] =	ssyncset.done $0x0  }
0xa4: {  	s29 =	sadd.s32 $0x400, s4;
	[sflag:s20] =	ssyncadd.s32 $0xFFFFE0C0  }
0xa5: {  	[tilespmem:s17], [sflag:$0x1] =	stream.indirect.gather [hbm4b:s2+s16], $0x40, s29, s16, $0xb8;
	[tilespmem:$0x1E640] =	vst v63  }
0xa6: {  	_ =	swait.ge [sflag:s10], $0x1F40  }
0xa7: {  	[sflag:s10] =	ssyncset.done $0x0  }
0xa8: {  	s29 =	sadd.s32 $0x480, s4;
	[sflag:s10] =	ssyncadd.s32 $0xFFFFE0C0  }
0xa9: {  	[tilespmem:s19], [sflag:$0x2] =	stream.indirect.gather [hbm4b:s2+s16], $0x40, s29, s16, $0xb8;
	[tilespmem:$0x1E640] =	vst v63  }
0xaa: {  	_ =	swait.ge [sflag:s11], $0x1F40  }
0xab: {  	[sflag:s11] =	ssyncset.done $0x0  }
0xac: {  	s29 =	sadd.s32 $0x500, s4;
	[sflag:s11] =	ssyncadd.s32 $0xFFFFE0C0  }
0xad: {  	[tilespmem:s21], [sflag:$0x3] =	stream.indirect.gather [hbm4b:s2+s16], $0x40, s29, s16, $0xb8;
	[tilespmem:$0x1E640] =	vst v63  }
0xae: {  	_ =	swait.ge [sflag:s22], $0x1F40  }
0xaf: {  	[sflag:s22] =	ssyncset.done $0x0  }
0xb0: {  	s29 =	sadd.s32 $0x580, s4;
	[sflag:s22] =	ssyncadd.s32 $0xFFFFE0C0  }
0xb1: {  	[tilespmem:s23], [sflag:$0x4] =	stream.indirect.gather [hbm4b:s2+s16], $0x40, s29, s16, $0xb8;
	[tilespmem:$0x1E640] =	vst v63  }
0xb2: {  	_ =	swait.ge [sflag:s12], $0x1F40  }
0xb3: {  	[sflag:s12] =	ssyncset.done $0x0  }
0xb4: {  	s29 =	sadd.s32 $0x600, s4;
	[sflag:s12] =	ssyncadd.s32 $0xFFFFE0C0  }
0xb5: {  	[tilespmem:s25], [sflag:$0x5] =	stream.indirect.gather [hbm4b:s2+s16], $0x40, s29, s16, $0xb8;
	[tilespmem:$0x1E640] =	vst v63  }
0xb6: {  	_ =	swait.ge [sflag:s13], $0x1F40  }
0xb7: {  	[sflag:s13] =	ssyncset.done $0x0  }
0xb8: {  	s29 =	sadd.s32 $0x680, s4;
	[sflag:s13] =	ssyncadd.s32 $0xFFFFE0C0  }
0xb9: {  	[tilespmem:s28], [sflag:$0x6] =	stream.indirect.gather [hbm4b:s2+s16], $0x40, s29, s16, $0xb8;
	[tilespmem:$0x1E640] =	vst v63  }
0xba: {  	_ =	swait.ge [sflag:s24], $0x1F40  }
0xbb: {  	[sflag:s24] =	ssyncset.done $0x0  }
.Ltmp0:
0xbc: {  	s29 =	sadd.s32 $0x700, s4;
	[sflag:s24] =	ssyncadd.s32 $0xFFFFE0C0;
	(pc) =	sbr.rel @p0 .LBB2_2-.Ltmp0, $4  }
0xbd: {  	[tilespmem:s30], [sflag:$0x7] =	stream.indirect.gather [hbm4b:s2+s16], $0x40, s29, s16, $0xb8;
	[tilespmem:$0x1E640] =	vst v63  }
0xbe: {  	_ =	swait.ge [sflag:s26], $0x1F40  }
0xbf: {  	[sflag:s26] =	ssyncset.done $0x0  }
0xc0: {  	s4 =	sadd.s32 $0x780, s4;
	[sflag:s26] =	ssyncadd.s32 $0xFFFFE0C0  }
0xc1: {  	[tilespmem:s0], [sflag:$0x8] =	stream.indirect.gather [hbm4b:s2+s16], $0x40, s4, s16, $0xb8;
	[tilespmem:$0x1E640] =	vst v63  }
0xc2: {  	_ =	swait.ge [sflag:s14], $0x1F40  }
0xc3: {  	[sflag:s14] =	ssyncset.done $0x0  }
0xc4: {  	s29 =	simm.s32 $0x4C00;
	[sflag:s14] =	ssyncadd.s32 $0xFFFFE0C0  }
0xc5: {  	[spmem:s3] =	stream.indirect.scatter.add.f32 [tilespmem:s17], [sflag:$0x9], $0x40, s29, s16, $0xb8;
	[tilespmem:$0x1E640] =	vst v63  }
0xc6: {  	_ =	swait.ge [sflag:s1], $0x1F40  }
0xc7: {  	[sflag:s1] =	ssyncset.done $0x0  }
0xc8: {  	s29 =	simm.s32 $0x4C80;
	[sflag:s1] =	ssyncadd.s32 $0xFFFFE0C0  }
0xc9: {  	[spmem:s3] =	stream.indirect.scatter.add.f32 [tilespmem:s19], [sflag:$0xA], $0x40, s29, s16, $0xb8;
	[tilespmem:$0x1E640] =	vst v63  }
0xca: {  	_ =	swait.ge [sflag:s5], $0x1F40  }
0xcb: {  	[sflag:s5] =	ssyncset.done $0x0  }
0xcc: {  	s29 =	simm.s32 $0x4D00;
	[sflag:s5] =	ssyncadd.s32 $0xFFFFE0C0  }
0xcd: {  	[spmem:s3] =	stream.indirect.scatter.add.f32 [tilespmem:s21], [sflag:$0xB], $0x40, s29, s16, $0xb8;
	[tilespmem:$0x1E640] =	vst v63  }
0xce: {  	_ =	swait.ge [sflag:s6], $0x1F40  }
0xcf: {  	[sflag:s6] =	ssyncset.done $0x0  }
0xd0: {  	s29 =	simm.s32 $0x4D80;
	[sflag:s6] =	ssyncadd.s32 $0xFFFFE0C0  }
0xd1: {  	[spmem:s3] =	stream.indirect.scatter.add.f32 [tilespmem:s23], [sflag:$0xC], $0x40, s29, s16, $0xb8;
	[tilespmem:$0x1E640] =	vst v63  }
0xd2: {  	_ =	swait.ge [sflag:s7], $0x1F40  }
0xd3: {  	[sflag:s7] =	ssyncset.done $0x0  }
0xd4: {  	s29 =	simm.s32 $0x4E00;
	[sflag:s7] =	ssyncadd.s32 $0xFFFFE0C0  }
0xd5: {  	[spmem:s3] =	stream.indirect.scatter.add.f32 [tilespmem:s25], [sflag:$0xD], $0x40, s29, s16, $0xb8;
	[tilespmem:$0x1E640] =	vst v63  }
0xd6: {  	_ =	swait.ge [sflag:s8], $0x1F40  }
0xd7: {  	[sflag:s8] =	ssyncset.done $0x0  }
0xd8: {  	s29 =	simm.s32 $0x4E80;
	[sflag:s8] =	ssyncadd.s32 $0xFFFFE0C0  }
0xd9: {  	[spmem:s3] =	stream.indirect.scatter.add.f32 [tilespmem:s28], [sflag:$0xE], $0x40, s29, s16, $0xb8;
	[tilespmem:$0x1E640] =	vst v63  }
0xda: {  	_ =	swait.ge [sflag:s18], $0x1F40  }
0xdb: {  	[sflag:s18] =	ssyncset.done $0x0  }
0xdc: {  	s29 =	simm.s32 $0x4F00;
	[sflag:s18] =	ssyncadd.s32 $0xFFFFE0C0  }
0xdd: {  	[spmem:s3] =	stream.indirect.scatter.add.f32 [tilespmem:s30], [sflag:$0xF], $0x40, s29, s16, $0xb8;
	[tilespmem:$0x1E640] =	vst v63  }
0xde: {  	_ =	swait.ge [sflag:s9], $0x1F40  }
0xdf: {  	[sflag:s9] =	ssyncset.done $0x0  }
0xe0: {  	s29 =	simm.s32 $0x4F80;
	[sflag:s9] =	ssyncadd.s32 $0xFFFFE0C0  }
0xe1: {  	[spmem:s3] =	stream.indirect.scatter.add.f32 [tilespmem:s0], [sflag:$0x10], $0x40, s29, s16, $0xb8;
	[tilespmem:$0x1E640] =	vst v63  }
0xe2: {  	_ =	swait.ge [sflag:s20], $0x1F40  }
0xe3: {  	[sflag:s20] =	ssyncset.done $0x0  }
0xe4: {  	[sflag:s20] =	ssyncadd.s32 $0xFFFFE0C0  }
0xe5: {  	_ =	swait.ge [sflag:s10], $0x1F40  }
0xe6: {  	[sflag:s10] =	ssyncset.done $0x0  }
0xe7: {  	[sflag:s10] =	ssyncadd.s32 $0xFFFFE0C0  }
0xe8: {  	_ =	swait.ge [sflag:s11], $0x1F40  }
0xe9: {  	[sflag:s11] =	ssyncset.done $0x0  }
0xea: {  	[sflag:s11] =	ssyncadd.s32 $0xFFFFE0C0  }
0xeb: {  	_ =	swait.ge [sflag:s22], $0x1F40  }
0xec: {  	[sflag:s22] =	ssyncset.done $0x0  }
0xed: {  	[sflag:s22] =	ssyncadd.s32 $0xFFFFE0C0  }
0xee: {  	_ =	swait.ge [sflag:s12], $0x1F40  }
0xef: {  	[sflag:s12] =	ssyncset.done $0x0  }
0xf0: {  	[sflag:s12] =	ssyncadd.s32 $0xFFFFE0C0  }
0xf1: {  	_ =	swait.ge [sflag:s13], $0x1F40  }
0xf2: {  	[sflag:s13] =	ssyncset.done $0x0  }
0xf3: {  	[sflag:s13] =	ssyncadd.s32 $0xFFFFE0C0  }
0xf4: {  	_ =	swait.ge [sflag:s24], $0x1F40  }
0xf5: {  	[sflag:s24] =	ssyncset.done $0x0  }
0xf6: {  	[sflag:s24] =	ssyncadd.s32 $0xFFFFE0C0  }
0xf7: {  	_ =	swait.ge [sflag:s26], $0x1F40  }
0xf8: {  	[sflag:s26] =	ssyncset.done $0x0  }
0xf9: {  	[sflag:s26] =	ssyncadd.s32 $0xFFFFE0C0  }
0xfa: {  	[bflag:$0x0] =	sbarrier.arrive $0xFFFF  }
0xfb: {  	s4 =	simm.s32 $0x0;
	s29 =	rddreg [dreg:$0x8]  }
0xfc: {  	[tilespmem:s4], [sflag:$0x11] =	stream.linear.gather [hbm4b:s29+s4], $0x2800, $0x38;
	[tilespmem:$0x1E640] =	vst v63  }
0xfd: {  	_ =	swait.ge [sflag:s15], $0x2800  }
0xfe: {  	[sflag:s15] =	ssyncset.done $0x0  }
0xff: {  	[sflag:s15] =	ssyncadd.s32 $0xFFFFD800  }
0x100: {  	[tilespmem:s17], [sflag:$0x1] =	stream.indirect.gather [hbm4b:s2+s16], $0x40, s4, s16, $0xb8;
	[tilespmem:$0x1E640] =	vst v63  }
0x101: {  	s29 =	simm.s32 $0x80  }
0x102: {  	[tilespmem:s19], [sflag:$0x2] =	stream.indirect.gather [hbm4b:s2+s16], $0x40, s29, s16, $0xb8;
	[tilespmem:$0x1E640] =	vst v63  }
0x103: {  	s29 =	simm.s32 $0x100  }
0x104: {  	[tilespmem:s21], [sflag:$0x3] =	stream.indirect.gather [hbm4b:s2+s16], $0x40, s29, s16, $0xb8;
	[tilespmem:$0x1E640] =	vst v63  }
0x105: {  	s29 =	simm.s32 $0x180  }
0x106: {  	[tilespmem:s23], [sflag:$0x4] =	stream.indirect.gather [hbm4b:s2+s16], $0x40, s29, s16, $0xb8;
	[tilespmem:$0x1E640] =	vst v63  }
0x107: {  	s29 =	simm.s32 $0x200  }
0x108: {  	[tilespmem:s25], [sflag:$0x5] =	stream.indirect.gather [hbm4b:s2+s16], $0x40, s29, s16, $0xb8;
	[tilespmem:$0x1E640] =	vst v63  }
0x109: {  	s29 =	simm.s32 $0x280  }
0x10a: {  	[tilespmem:s28], [sflag:$0x6] =	stream.indirect.gather [hbm4b:s2+s16], $0x40, s29, s16, $0xb8;
	[tilespmem:$0x1E640] =	vst v63  }
0x10b: {  	s31 =	rddreg [dreg:$0xf];
	s29 =	simm.s32 $0x300  }
0x10c: {  	[tilespmem:s30], [sflag:$0x7] =	stream.indirect.gather [hbm4b:s2+s16], $0x40, s29, s16, $0xb8;
	[tilespmem:$0x1E640] =	vst v63  }
0x10d: {  	s4 =	rddreg [dreg:$0x9];
	s29 =	simm.s32 $0x380  }
0x10e: {  	[tilespmem:s0], [sflag:$0x8] =	stream.indirect.gather [hbm4b:s2+s16], $0x40, s29, s16, $0xb8;
	[tilespmem:$0x1E640] =	vst v63  }
0x10f: {  	s29 =	rddreg [dreg:$0xe]  }
0x110: {  	[hbm:s4@s26], [sflag:s29] =	dma.strided [spmem:s31@s9], $0x13C0, s14, $0x8   }
0x111: {  	_ =	swait.ge [sflag:s15], $0x13C0  }
0x112: {  	[sflag:s15] =	ssyncset.done $0x0  }
0x113: {  	[sflag:s15] =	ssyncadd.s32 $0xFFFFEC40  }
0x114: {  	[bflag:$0x0] =	sbarrier.arrive $0xFFFF  }
0x115: {  	s4 =	rddreg [dreg:$0xa]  }
0x116: {  	[spmem:s31], [sflag:s29] =	dma.local [hbm:s4], $0x13C0  }
0x117: {  	_ =	swait.ge [sflag:s15], $0x13C0  }
0x118: {  	[sflag:s15] =	ssyncset.done $0x0  }
0x119: {  	[sflag:s15] =	ssyncadd.s32 $0xFFFFEC40  }
0x11a: {  	[bflag:$0x0] =	sbarrier.arrive $0xFFFF  }
0x11b: {  	_ =	swait.ge [sflag:s14], $0x1F40  }
0x11c: {  	[sflag:s14] =	ssyncset.done $0x0  }
0x11d: {  	s29 =	simm.s32 $0x2800;
	[sflag:s14] =	ssyncadd.s32 $0xFFFFE0C0  }
0x11e: {  	[spmem:s3] =	stream.indirect.scatter.add.f32 [tilespmem:s17], [sflag:$0x9], $0x40, s29, s16, $0xb8;
	[tilespmem:$0x1E640] =	vst v63  }
0x11f: {  	_ =	swait.ge [sflag:s1], $0x1F40  }
0x120: {  	[sflag:s1] =	ssyncset.done $0x0  }
0x121: {  	s29 =	simm.s32 $0x2880;
	[sflag:s1] =	ssyncadd.s32 $0xFFFFE0C0  }
0x122: {  	[spmem:s3] =	stream.indirect.scatter.add.f32 [tilespmem:s19], [sflag:$0xA], $0x40, s29, s16, $0xb8;
	[tilespmem:$0x1E640] =	vst v63  }
0x123: {  	_ =	swait.ge [sflag:s5], $0x1F40  }
0x124: {  	[sflag:s5] =	ssyncset.done $0x0  }
0x125: {  	s29 =	simm.s32 $0x2900;
	[sflag:s5] =	ssyncadd.s32 $0xFFFFE0C0  }
0x126: {  	[spmem:s3] =	stream.indirect.scatter.add.f32 [tilespmem:s21], [sflag:$0xB], $0x40, s29, s16, $0xb8;
	[tilespmem:$0x1E640] =	vst v63  }
0x127: {  	_ =	swait.ge [sflag:s6], $0x1F40  }
0x128: {  	[sflag:s6] =	ssyncset.done $0x0  }
0x129: {  	s29 =	simm.s32 $0x2980;
	[sflag:s6] =	ssyncadd.s32 $0xFFFFE0C0  }
0x12a: {  	[spmem:s3] =	stream.indirect.scatter.add.f32 [tilespmem:s23], [sflag:$0xC], $0x40, s29, s16, $0xb8;
	[tilespmem:$0x1E640] =	vst v63  }
0x12b: {  	_ =	swait.ge [sflag:s7], $0x1F40  }
0x12c: {  	[sflag:s7] =	ssyncset.done $0x0  }
0x12d: {  	s29 =	simm.s32 $0x2A00;
	[sflag:s7] =	ssyncadd.s32 $0xFFFFE0C0  }
0x12e: {  	[spmem:s3] =	stream.indirect.scatter.add.f32 [tilespmem:s25], [sflag:$0xD], $0x40, s29, s16, $0xb8;
	[tilespmem:$0x1E640] =	vst v63  }
0x12f: {  	_ =	swait.ge [sflag:s8], $0x1F40  }
0x130: {  	[sflag:s8] =	ssyncset.done $0x0  }
0x131: {  	s29 =	simm.s32 $0x2A80;
	[sflag:s8] =	ssyncadd.s32 $0xFFFFE0C0  }
0x132: {  	[spmem:s3] =	stream.indirect.scatter.add.f32 [tilespmem:s28], [sflag:$0xE], $0x40, s29, s16, $0xb8;
	[tilespmem:$0x1E640] =	vst v63  }
0x133: {  	_ =	swait.ge [sflag:s18], $0x1F40  }
0x134: {  	[sflag:s18] =	ssyncset.done $0x0  }
0x135: {  	s29 =	simm.s32 $0x2B00;
	[sflag:s18] =	ssyncadd.s32 $0xFFFFE0C0  }
0x136: {  	[spmem:s3] =	stream.indirect.scatter.add.f32 [tilespmem:s30], [sflag:$0xF], $0x40, s29, s16, $0xb8;
	[tilespmem:$0x1E640] =	vst v63  }
0x137: {  	_ =	swait.ge [sflag:s9], $0x1F40  }
0x138: {  	[sflag:s9] =	ssyncset.done $0x0  }
0x139: {  	s29 =	simm.s32 $0x2B80;
	[sflag:s9] =	ssyncadd.s32 $0xFFFFE0C0  }
0x13a: {  	[spmem:s3] =	stream.indirect.scatter.add.f32 [tilespmem:s0], [sflag:$0x10], $0x40, s29, s16, $0xb8;
	[tilespmem:$0x1E640] =	vst v63  }
0x13b: {  	_ =	swait.ge [sflag:s20], $0x1F40  }
0x13c: {  	[sflag:s20] =	ssyncset.done $0x0  }
0x13d: {  	s29 =	simm.s32 $0x400;
	[sflag:s20] =	ssyncadd.s32 $0xFFFFE0C0  }
0x13e: {  	[tilespmem:s17], [sflag:$0x1] =	stream.indirect.gather [hbm4b:s2+s16], $0x40, s29, s16, $0xb8;
	[tilespmem:$0x1E640] =	vst v63  }
0x13f: {  	_ =	swait.ge [sflag:s10], $0x1F40  }
0x140: {  	[sflag:s10] =	ssyncset.done $0x0  }
0x141: {  	s29 =	simm.s32 $0x480;
	[sflag:s10] =	ssyncadd.s32 $0xFFFFE0C0  }
0x142: {  	[tilespmem:s19], [sflag:$0x2] =	stream.indirect.gather [hbm4b:s2+s16], $0x40, s29, s16, $0xb8;
	[tilespmem:$0x1E640] =	vst v63  }
0x143: {  	_ =	swait.ge [sflag:s11], $0x1F40  }
0x144: {  	[sflag:s11] =	ssyncset.done $0x0  }
0x145: {  	s29 =	simm.s32 $0x500;
	[sflag:s11] =	ssyncadd.s32 $0xFFFFE0C0  }
0x146: {  	[tilespmem:s21], [sflag:$0x3] =	stream.indirect.gather [hbm4b:s2+s16], $0x40, s29, s16, $0xb8;
	[tilespmem:$0x1E640] =	vst v63  }
0x147: {  	_ =	swait.ge [sflag:s22], $0x1F40  }
0x148: {  	[sflag:s22] =	ssyncset.done $0x0  }
0x149: {  	s29 =	simm.s32 $0x580;
	[sflag:s22] =	ssyncadd.s32 $0xFFFFE0C0  }
0x14a: {  	[tilespmem:s23], [sflag:$0x4] =	stream.indirect.gather [hbm4b:s2+s16], $0x40, s29, s16, $0xb8;
	[tilespmem:$0x1E640] =	vst v63  }
0x14b: {  	_ =	swait.ge [sflag:s12], $0x1F40  }
0x14c: {  	[sflag:s12] =	ssyncset.done $0x0  }
0x14d: {  	s29 =	simm.s32 $0x600;
	[sflag:s12] =	ssyncadd.s32 $0xFFFFE0C0  }
0x14e: {  	[tilespmem:s25], [sflag:$0x5] =	stream.indirect.gather [hbm4b:s2+s16], $0x40, s29, s16, $0xb8;
	[tilespmem:$0x1E640] =	vst v63  }
0x14f: {  	_ =	swait.ge [sflag:s13], $0x1F40  }
0x150: {  	[sflag:s13] =	ssyncset.done $0x0  }
0x151: {  	s29 =	simm.s32 $0x680;
	[sflag:s13] =	ssyncadd.s32 $0xFFFFE0C0  }
0x152: {  	[tilespmem:s28], [sflag:$0x6] =	stream.indirect.gather [hbm4b:s2+s16], $0x40, s29, s16, $0xb8;
	[tilespmem:$0x1E640] =	vst v63  }
0x153: {  	_ =	swait.ge [sflag:s24], $0x1F40  }
0x154: {  	[sflag:s24] =	ssyncset.done $0x0  }
0x155: {  	s29 =	simm.s32 $0x700;
	[sflag:s24] =	ssyncadd.s32 $0xFFFFE0C0  }
0x156: {  	[tilespmem:s30], [sflag:$0x7] =	stream.indirect.gather [hbm4b:s2+s16], $0x40, s29, s16, $0xb8;
	[tilespmem:$0x1E640] =	vst v63  }
0x157: {  	_ =	swait.ge [sflag:s26], $0x1F40  }
0x158: {  	[sflag:s26] =	ssyncset.done $0x0  }
0x159: {  	s31 =	simm.s32 $0x1000;
	s4 =	simm.s32 $0x780;
	[sflag:s26] =	ssyncadd.s32 $0xFFFFE0C0  }
.LBB2_4:
0x15a: {  	[tilespmem:s0], [sflag:$0x8] =	stream.indirect.gather [hbm4b:s2+s16], $0x40, s4, s16, $0xb8;
	[tilespmem:$0x1E640] =	vst v63  }
0x15b: {  	s4 =	smov.u32 s31  }
0x15c: {  	p0 =	sne.s32 s31, $0x8000;
	s31 =	sadd.s32 $0x1000, s31;
	_ =	swait.ge [sflag:s14], $0x1F40  }
0x15d: {  	s4 =	sshra.s32 s4, $0x2;
	[sflag:s14] =	ssyncset.done $0x0  }
0x15e: {  	s29 =	sadd.s32 $0x2800, s4;
	[sflag:s14] =	ssyncadd.s32 $0xFFFFE0C0  }
0x15f: {  	[spmem:s3] =	stream.indirect.scatter.add.f32 [tilespmem:s17], [sflag:$0x9], $0x40, s29, s16, $0xb8;
	[tilespmem:$0x1E640] =	vst v63  }
0x160: {  	_ =	swait.ge [sflag:s1], $0x1F40  }
0x161: {  	[sflag:s1] =	ssyncset.done $0x0  }
0x162: {  	s29 =	sadd.s32 $0x2880, s4;
	[sflag:s1] =	ssyncadd.s32 $0xFFFFE0C0  }
0x163: {  	[spmem:s3] =	stream.indirect.scatter.add.f32 [tilespmem:s19], [sflag:$0xA], $0x40, s29, s16, $0xb8;
	[tilespmem:$0x1E640] =	vst v63  }
0x164: {  	_ =	swait.ge [sflag:s5], $0x1F40  }
0x165: {  	[sflag:s5] =	ssyncset.done $0x0  }
0x166: {  	s29 =	sadd.s32 $0x2900, s4;
	[sflag:s5] =	ssyncadd.s32 $0xFFFFE0C0  }
0x167: {  	[spmem:s3] =	stream.indirect.scatter.add.f32 [tilespmem:s21], [sflag:$0xB], $0x40, s29, s16, $0xb8;
	[tilespmem:$0x1E640] =	vst v63  }
0x168: {  	_ =	swait.ge [sflag:s6], $0x1F40  }
0x169: {  	[sflag:s6] =	ssyncset.done $0x0  }
0x16a: {  	s29 =	sadd.s32 $0x2980, s4;
	[sflag:s6] =	ssyncadd.s32 $0xFFFFE0C0  }
0x16b: {  	[spmem:s3] =	stream.indirect.scatter.add.f32 [tilespmem:s23], [sflag:$0xC], $0x40, s29, s16, $0xb8;
	[tilespmem:$0x1E640] =	vst v63  }
0x16c: {  	_ =	swait.ge [sflag:s7], $0x1F40  }
0x16d: {  	[sflag:s7] =	ssyncset.done $0x0  }
0x16e: {  	s29 =	sadd.s32 $0x2A00, s4;
	[sflag:s7] =	ssyncadd.s32 $0xFFFFE0C0  }
0x16f: {  	[spmem:s3] =	stream.indirect.scatter.add.f32 [tilespmem:s25], [sflag:$0xD], $0x40, s29, s16, $0xb8;
	[tilespmem:$0x1E640] =	vst v63  }
0x170: {  	_ =	swait.ge [sflag:s8], $0x1F40  }
0x171: {  	[sflag:s8] =	ssyncset.done $0x0  }
0x172: {  	s29 =	sadd.s32 $0x2A80, s4;
	[sflag:s8] =	ssyncadd.s32 $0xFFFFE0C0  }
0x173: {  	[spmem:s3] =	stream.indirect.scatter.add.f32 [tilespmem:s28], [sflag:$0xE], $0x40, s29, s16, $0xb8;
	[tilespmem:$0x1E640] =	vst v63  }
0x174: {  	_ =	swait.ge [sflag:s18], $0x1F40  }
0x175: {  	[sflag:s18] =	ssyncset.done $0x0  }
0x176: {  	s29 =	sadd.s32 $0x2B00, s4;
	[sflag:s18] =	ssyncadd.s32 $0xFFFFE0C0  }
0x177: {  	[spmem:s3] =	stream.indirect.scatter.add.f32 [tilespmem:s30], [sflag:$0xF], $0x40, s29, s16, $0xb8;
	[tilespmem:$0x1E640] =	vst v63  }
0x178: {  	_ =	swait.ge [sflag:s9], $0x1F40  }
0x179: {  	[sflag:s9] =	ssyncset.done $0x0  }
0x17a: {  	s29 =	sadd.s32 $0x2B80, s4;
	[sflag:s9] =	ssyncadd.s32 $0xFFFFE0C0  }
0x17b: {  	[spmem:s3] =	stream.indirect.scatter.add.f32 [tilespmem:s0], [sflag:$0x10], $0x40, s29, s16, $0xb8;
	[tilespmem:$0x1E640] =	vst v63  }
0x17c: {  	_ =	swait.ge [sflag:s20], $0x1F40  }
0x17d: {  	[sflag:s20] =	ssyncset.done $0x0  }
0x17e: {  	s29 =	sadd.s32 $0x400, s4;
	[sflag:s20] =	ssyncadd.s32 $0xFFFFE0C0  }
0x17f: {  	[tilespmem:s17], [sflag:$0x1] =	stream.indirect.gather [hbm4b:s2+s16], $0x40, s29, s16, $0xb8;
	[tilespmem:$0x1E640] =	vst v63  }
0x180: {  	_ =	swait.ge [sflag:s10], $0x1F40  }
0x181: {  	[sflag:s10] =	ssyncset.done $0x0  }
0x182: {  	s29 =	sadd.s32 $0x480, s4;
	[sflag:s10] =	ssyncadd.s32 $0xFFFFE0C0  }
0x183: {  	[tilespmem:s19], [sflag:$0x2] =	stream.indirect.gather [hbm4b:s2+s16], $0x40, s29, s16, $0xb8;
	[tilespmem:$0x1E640] =	vst v63  }
0x184: {  	_ =	swait.ge [sflag:s11], $0x1F40  }
0x185: {  	[sflag:s11] =	ssyncset.done $0x0  }
0x186: {  	s29 =	sadd.s32 $0x500, s4;
	[sflag:s11] =	ssyncadd.s32 $0xFFFFE0C0  }
0x187: {  	[tilespmem:s21], [sflag:$0x3] =	stream.indirect.gather [hbm4b:s2+s16], $0x40, s29, s16, $0xb8;
	[tilespmem:$0x1E640] =	vst v63  }
0x188: {  	_ =	swait.ge [sflag:s22], $0x1F40  }
0x189: {  	[sflag:s22] =	ssyncset.done $0x0  }
0x18a: {  	s29 =	sadd.s32 $0x580, s4;
	[sflag:s22] =	ssyncadd.s32 $0xFFFFE0C0  }
0x18b: {  	[tilespmem:s23], [sflag:$0x4] =	stream.indirect.gather [hbm4b:s2+s16], $0x40, s29, s16, $0xb8;
	[tilespmem:$0x1E640] =	vst v63  }
0x18c: {  	_ =	swait.ge [sflag:s12], $0x1F40  }
0x18d: {  	[sflag:s12] =	ssyncset.done $0x0  }
0x18e: {  	s29 =	sadd.s32 $0x600, s4;
	[sflag:s12] =	ssyncadd.s32 $0xFFFFE0C0  }
0x18f: {  	[tilespmem:s25], [sflag:$0x5] =	stream.indirect.gather [hbm4b:s2+s16], $0x40, s29, s16, $0xb8;
	[tilespmem:$0x1E640] =	vst v63  }
0x190: {  	_ =	swait.ge [sflag:s13], $0x1F40  }
0x191: {  	[sflag:s13] =	ssyncset.done $0x0  }
0x192: {  	s29 =	sadd.s32 $0x680, s4;
	[sflag:s13] =	ssyncadd.s32 $0xFFFFE0C0  }
0x193: {  	[tilespmem:s28], [sflag:$0x6] =	stream.indirect.gather [hbm4b:s2+s16], $0x40, s29, s16, $0xb8;
	[tilespmem:$0x1E640] =	vst v63  }
0x194: {  	_ =	swait.ge [sflag:s24], $0x1F40  }
0x195: {  	[sflag:s24] =	ssyncset.done $0x0  }
.Ltmp1:
0x196: {  	s29 =	sadd.s32 $0x700, s4;
	[sflag:s24] =	ssyncadd.s32 $0xFFFFE0C0;
	(pc) =	sbr.rel @p0 .LBB2_4-.Ltmp1, $4  }
0x197: {  	[tilespmem:s30], [sflag:$0x7] =	stream.indirect.gather [hbm4b:s2+s16], $0x40, s29, s16, $0xb8;
	[tilespmem:$0x1E640] =	vst v63  }
0x198: {  	_ =	swait.ge [sflag:s26], $0x1F40  }
0x199: {  	[sflag:s26] =	ssyncset.done $0x0  }
0x19a: {  	s4 =	sadd.s32 $0x780, s4;
	[sflag:s26] =	ssyncadd.s32 $0xFFFFE0C0  }
0x19b: {  	[tilespmem:s0], [sflag:$0x8] =	stream.indirect.gather [hbm4b:s2+s16], $0x40, s4, s16, $0xb8;
	[tilespmem:$0x1E640] =	vst v63  }
0x19c: {  	_ =	swait.ge [sflag:s14], $0x1F40  }
0x19d: {  	[sflag:s14] =	ssyncset.done $0x0  }
0x19e: {  	s31 =	simm.s32 $0x4C00;
	[sflag:s14] =	ssyncadd.s32 $0xFFFFE0C0  }
0x19f: {  	[spmem:s3] =	stream.indirect.scatter.add.f32 [tilespmem:s17], [sflag:$0x9], $0x40, s31, s16, $0xb8;
	[tilespmem:$0x1E640] =	vst v63  }
0x1a0: {  	_ =	swait.ge [sflag:s1], $0x1F40  }
0x1a1: {  	[sflag:s1] =	ssyncset.done $0x0  }
0x1a2: {  	s31 =	simm.s32 $0x4C80;
	[sflag:s1] =	ssyncadd.s32 $0xFFFFE0C0  }
0x1a3: {  	[spmem:s3] =	stream.indirect.scatter.add.f32 [tilespmem:s19], [sflag:$0xA], $0x40, s31, s16, $0xb8;
	[tilespmem:$0x1E640] =	vst v63  }
0x1a4: {  	_ =	swait.ge [sflag:s5], $0x1F40  }
0x1a5: {  	[sflag:s5] =	ssyncset.done $0x0  }
0x1a6: {  	s31 =	simm.s32 $0x4D00;
	[sflag:s5] =	ssyncadd.s32 $0xFFFFE0C0  }
0x1a7: {  	[spmem:s3] =	stream.indirect.scatter.add.f32 [tilespmem:s21], [sflag:$0xB], $0x40, s31, s16, $0xb8;
	[tilespmem:$0x1E640] =	vst v63  }
0x1a8: {  	_ =	swait.ge [sflag:s6], $0x1F40  }
0x1a9: {  	[sflag:s6] =	ssyncset.done $0x0  }
0x1aa: {  	s31 =	simm.s32 $0x4D80;
	[sflag:s6] =	ssyncadd.s32 $0xFFFFE0C0  }
0x1ab: {  	[spmem:s3] =	stream.indirect.scatter.add.f32 [tilespmem:s23], [sflag:$0xC], $0x40, s31, s16, $0xb8;
	[tilespmem:$0x1E640] =	vst v63  }
0x1ac: {  	_ =	swait.ge [sflag:s7], $0x1F40  }
0x1ad: {  	[sflag:s7] =	ssyncset.done $0x0  }
0x1ae: {  	s31 =	simm.s32 $0x4E00;
	[sflag:s7] =	ssyncadd.s32 $0xFFFFE0C0  }
0x1af: {  	[spmem:s3] =	stream.indirect.scatter.add.f32 [tilespmem:s25], [sflag:$0xD], $0x40, s31, s16, $0xb8;
	[tilespmem:$0x1E640] =	vst v63  }
0x1b0: {  	_ =	swait.ge [sflag:s8], $0x1F40  }
0x1b1: {  	[sflag:s8] =	ssyncset.done $0x0  }
0x1b2: {  	s31 =	simm.s32 $0x4E80;
	[sflag:s8] =	ssyncadd.s32 $0xFFFFE0C0  }
0x1b3: {  	[spmem:s3] =	stream.indirect.scatter.add.f32 [tilespmem:s28], [sflag:$0xE], $0x40, s31, s16, $0xb8;
	[tilespmem:$0x1E640] =	vst v63  }
0x1b4: {  	_ =	swait.ge [sflag:s18], $0x1F40  }
0x1b5: {  	[sflag:s18] =	ssyncset.done $0x0  }
0x1b6: {  	s31 =	simm.s32 $0x4F00;
	[sflag:s18] =	ssyncadd.s32 $0xFFFFE0C0  }
0x1b7: {  	[spmem:s3] =	stream.indirect.scatter.add.f32 [tilespmem:s30], [sflag:$0xF], $0x40, s31, s16, $0xb8;
	[tilespmem:$0x1E640] =	vst v63  }
0x1b8: {  	_ =	swait.ge [sflag:s9], $0x1F40  }
0x1b9: {  	[sflag:s9] =	ssyncset.done $0x0  }
0x1ba: {  	s31 =	simm.s32 $0x4F80;
	[sflag:s9] =	ssyncadd.s32 $0xFFFFE0C0  }
0x1bb: {  	[spmem:s3] =	stream.indirect.scatter.add.f32 [tilespmem:s0], [sflag:$0x10], $0x40, s31, s16, $0xb8;
	[tilespmem:$0x1E640] =	vst v63  }
0x1bc: {  	_ =	swait.ge [sflag:s20], $0x1F40  }
0x1bd: {  	[sflag:s20] =	ssyncset.done $0x0  }
0x1be: {  	[sflag:s20] =	ssyncadd.s32 $0xFFFFE0C0  }
0x1bf: {  	_ =	swait.ge [sflag:s10], $0x1F40  }
0x1c0: {  	[sflag:s10] =	ssyncset.done $0x0  }
0x1c1: {  	[sflag:s10] =	ssyncadd.s32 $0xFFFFE0C0  }
0x1c2: {  	_ =	swait.ge [sflag:s11], $0x1F40  }
0x1c3: {  	[sflag:s11] =	ssyncset.done $0x0  }
0x1c4: {  	[sflag:s11] =	ssyncadd.s32 $0xFFFFE0C0  }
0x1c5: {  	_ =	swait.ge [sflag:s22], $0x1F40  }
0x1c6: {  	[sflag:s22] =	ssyncset.done $0x0  }
0x1c7: {  	[sflag:s22] =	ssyncadd.s32 $0xFFFFE0C0  }
0x1c8: {  	_ =	swait.ge [sflag:s12], $0x1F40  }
0x1c9: {  	[sflag:s12] =	ssyncset.done $0x0  }
0x1ca: {  	[sflag:s12] =	ssyncadd.s32 $0xFFFFE0C0  }
0x1cb: {  	_ =	swait.ge [sflag:s13], $0x1F40  }
0x1cc: {  	[sflag:s13] =	ssyncset.done $0x0  }
0x1cd: {  	[sflag:s13] =	ssyncadd.s32 $0xFFFFE0C0  }
0x1ce: {  	_ =	swait.ge [sflag:s24], $0x1F40  }
0x1cf: {  	[sflag:s24] =	ssyncset.done $0x0  }
0x1d0: {  	[sflag:s24] =	ssyncadd.s32 $0xFFFFE0C0  }
0x1d1: {  	_ =	swait.ge [sflag:s26], $0x1F40  }
0x1d2: {  	[sflag:s26] =	ssyncset.done $0x0  }
0x1d3: {  	[sflag:s26] =	ssyncadd.s32 $0xFFFFE0C0  }
0x1d4: {  	[bflag:$0x0] =	sbarrier.arrive $0xFFFF  }
0x1d5: {  	s4 =	rddreg [dreg:$0xb]  }
0x1d6: {  	s29 =	rddreg [dreg:$0xe]  }
0x1d7: {  	s31 =	rddreg [dreg:$0xf]  }
0x1d8: {  	[hbm:s4@s26], [sflag:s29] =	dma.strided [spmem:s31@s9], $0x13C0, s14, $0x8   }
0x1d9: {  	_ =	swait.ge [sflag:s15], $0x13C0  }
0x1da: {  	s29 =	rddreg [dreg:$0xd]  }
0x1db: {  	s31 =	rddreg [dreg:$0xc];
	s29 =	sadd.s32 $0x1, s29  }
0x1dc: {  	p0 =	sne.s32 s29, s31  }
.Ltmp2:
0x1dd: {  	_ = 	snop;
	(pc) =	sbr.rel @p0 .LBB2_1-.Ltmp2, $3  }
0x1de: {  	[sflag:s15] =	ssyncset.done $0x0  }
0x1df: {  	[sflag:s15] =	ssyncadd.s32 $0xFFFFEC40  }
0x1e0: {  	[bflag:$0x0] =	sbarrier.arrive $0xFFFF;
	_ =	sdelay $0x1  }
0x1e1: {  	_ =	sfence.sel $0x180000  }
0x1e2: {  	[bflag:$0x0] =	sbarrier.arrive $0xFFFF  }
0x1e3: {  	_ =	strace $0x90000047  }
0x1e4: {  	s0 =	stileid.u32;
	[bflag:$0x2] =	sbarrier.arrive $0xFFFF  }
0x1e5: {  	p0 =	sne.s32 s0, $0x0;
	s0 =	rddreg [dreg:$0x3]  }
0x1e6: {  	s0 =	sadd.s32 @!p0 $0x100000, s0  }
0x1e7: {  	[sflag:s0] =	ssyncadd.tile.s32 @!p0 $0x1;
	_ =	shalt  }
.Lfunc_end2:
_tile_overlayer_lowered:
.L_overlay_start_2:
0x1e8: {  	(tag) =	ssettag $0x2  }
0x1e9: {  	s0 =	rddreg [dreg:$0x0];
	s2 =	stileid.u32  }
0x1ea: {  	s1 =	rddreg [dreg:$0x1];
	p0 =	sne.s32 s2, $0x0  }
0x1eb: {  	s3 =	rddreg [dreg:$0x2];
	[bflag:$0x3] =	sbarrier.arrive $0xFFFF;
	s2 =	simm.s32 @!p0 $0x1C11  }
0x1ec: {  	[timem:s3], [sflag:s2] =	dma.local @!p0 [hbm:s0], s1  }
0x1ed: {  	s0 =	simm.s32 @!p0 $0x11  }
0x1ee: {  	_ =	swait.ge @!p0 [sflag:s0], s1  }
0x1ef: {  	s1 =	ssub.s32 @!p0 $0x0, s1;
	[sflag:s0] =	ssyncset.done @!p0 $0x0  }
0x1f0: {  	[sflag:s0] =	ssyncadd.s32 @!p0 s1  }
0x1f1: {  	[bflag:$0x3] =	sbarrier.arrive $0xFFFF  }
0x1f2: {  	_ =	shalt  }

// kernel: kernel.9.cloned.1.call-start
scs
__scs_entry_jumppad:
0x0: {  	(pc) =	sbr.rel $0x88, $3  }
0x1: {  	(tag) =	ssettag $0x0;
	lr =	simm.s32 $0x1  }
0x2: {  	[smem:$0x3F97] =	sst lr;
	_ =	strace $0xD0000000  }
0x3: {  	_ = 	snop  }
0x4: {  	_ = 	snop  }
0x5: {  	_ = 	snop  }
0x6: {  	_ = 	snop  }
0x7: {  	_ = 	snop  }
__scs_overlays_trampoline_lowered:
0x8: {  	[smem:$0x3FA6] =	sst s0  }
0x9: {  	[smem:$0x3FA7] =	sst s1  }
0xa: {  	[smem:$0x3FA8] =	sst s2  }
0xb: {  	[smem:$0x3FA9] =	sst s3  }
0xc: {  	[smem:$0x3FAA] =	sst s4  }
0xd: {  	[smem:$0x3FAB] =	sst s5  }
0xe: {  	[smem:$0x3FAC] =	sst s6  }
0xf: {  	[smem:$0x3FAD] =	sst s7  }
0x10: {  	[smem:$0x3FAE] =	sst s8  }
0x11: {  	[smem:$0x3FAF] =	sst s9;
	s0 =	simm.s32 @!p0 $0x0  }
0x12: {  	s1 =	sld [smem:$0x3F95];
	s0 =	simm.s32 @p0 $0x1  }
0x13: {  	[smem:$0x3FB0] =	sst s0;
	s0 =	simm.s32 @!p1 $0x0  }
0x14: {  	s2 =	sld [smem:$0x3F94];
	s0 =	simm.s32 @p1 $0x1  }
0x15: {  	[smem:$0x3FB1] =	sst s0;
	s0 =	simm.s32 @!p2 $0x0  }
0x16: {  	s3 =	sld [smem:$0x3FDB];
	s0 =	simm.s32 @p2 $0x1  }
0x17: {  	s4 =	simm.s32 $0x1BF5;
	[smem:$0x3FB3] =	sst s0  }
0x18: {  	s0 =	sld [smem:$0x3F96];
	_ =	swait.ge [sflag:s4], $0x0  }
0x19: {  	s7 =	sld [smem:$0x3F97]  }
0x1a: {  	s8 =	sadd.s32 $0xFFFFE003, lr  }
0x1b: {  	s9 =	sadd.s32 $0xFFFFFEF7, lr;
	s5 =	simm.s32 $0xFFFFFFFF;
	p2 =	slt.u32 s8, $0xFFFFF086  }
0x1c: {  	p1 =	slt.u32 s9, $0xF7A;
	s5 =	simm.s32 @!p2 $0x0  }
0x1d: {  	s5 =	simm.s32 @p1 $0x1;
	p0 =	seq.s32 s7, s2  }
0x1e: {  	s7 =	smul.u32 @!p0 $0xF7A, s2;
	p2 =	seq.s32 @!p0 s5, $0x0  }
0x1f: {  	s9 =	smul.u32 $0xF7A, s1;
	s8 =	simm.s32 @!p0 $0x1BF5;
	p2 =	por !p2, p0  }
0x20: {  	[sflag:s8] =	ssyncset.s32 @!p0 $0xFFFFF086;
	s6 =	sadd.s32 @!p0 s3, s7;
	s7 =	simm.s32 @!p0 $0x108  }
0x21: {  	s3 =	sadd.s32 s3, s9;
	s6 =	sadd.s32 @!p0 $0x88, s6;
	s7 =	simm.s32 @p2 $0x1082  }
0x22: {  	[simem:s7], [sflag:s8] =	dma.local @!p0 [hbm:s6], $0xF7A  }
0x23: {  	s9 =	sor.u32 $0xD0000000, s2;
	s6 =	simm.s32 $0x108;
	_ =	swait.ge @!p0 [sflag:s8], $0x0  }
0x24: {  	s3 =	sadd.s32 $0x88, s3;
	s6 =	simm.s32 @!p1 $0x1082;
	[sflag:s4] =	ssyncset.s32 $0xFFFFF086  }
0x25: {  	[simem:s6], [sflag:s4] =	dma.local [hbm:s3], $0xF7A  }
0x26: {  	[smem:$0x3F97] =	sst s1;
	(tag) =	ssettag s2;
	_ =	strace s9  }
0x27: {  	s1 =	sld [smem:$0x3FA7]  }
0x28: {  	s2 =	sld [smem:$0x3FA8]  }
0x29: {  	s4 =	sld [smem:$0x3FAA]  }
0x2a: {  	p0 =	seq.s32 s5, $0x0;
	s5 =	sld [smem:$0x3FAB]  }
0x2b: {  	s6 =	sld [smem:$0x3FAC]  }
0x2c: {  	s7 =	sld [smem:$0x3FAD]  }
0x2d: {  	s3 =	simm.s32 $0x108;
	s8 =	sld [smem:$0x3FAE]  }
0x2e: {  	s3 =	simm.s32 @!p0 $0x1082;
	s9 =	sld [smem:$0x3FAF]  }
0x2f: {  	lr =	sadd.s32 s0, s3;
	s0 =	sld [smem:$0x3FA6]  }
0x30: {  	s3 =	sld [smem:$0x3FA9]  }
0x31: {  	[smem:$0x3FB2] =	sst s10  }
0x32: {  	s10 =	sld [smem:$0x3FB0];
	_ =	sdelay $0x3  }
0x33: {  	p0 =	seq.s32 s10, $0x1;
	s10 =	sld [smem:$0x3FB2];
	_ =	sdelay $0x3  }
0x34: {  	[smem:$0x3FB2] =	sst s10  }
0x35: {  	s10 =	sld [smem:$0x3FB1];
	_ =	sdelay $0x3  }
0x36: {  	p1 =	seq.s32 s10, $0x1;
	s10 =	sld [smem:$0x3FB2];
	_ =	sdelay $0x3  }
0x37: {  	[smem:$0x3FB2] =	sst s10  }
0x38: {  	s10 =	sld [smem:$0x3FB3]  }
0x39: {  	_ = 	snop;
	(pc) =	sbr.ind lr, $3  }
0x3a: {  	_ = 	snop  }
0x3b: {  	_ = 	snop  }
0x3c: {  	p2 =	seq.s32 s10, $0x1;
	s10 =	sld [smem:$0x3FB2]  }
0x3d: {  	_ =	shalt  }
0x3e: {  	_ =	shalt  }
0x3f: {  	_ =	shalt  }
0x40: {  	_ =	shalt  }
0x41: {  	_ =	shalt  }
0x42: {  	_ =	shalt  }
0x43: {  	_ =	shalt  }
0x44: {  	_ =	shalt  }
0x45: {  	_ =	shalt  }
0x46: {  	_ =	shalt  }
0x47: {  	_ =	shalt  }
0x48: {  	_ =	shalt  }
0x49: {  	_ =	shalt  }
0x4a: {  	_ =	shalt  }
0x4b: {  	_ =	shalt  }
0x4c: {  	_ =	shalt  }
0x4d: {  	_ =	shalt  }
0x4e: {  	_ =	shalt  }
0x4f: {  	_ =	shalt  }
0x50: {  	_ =	shalt  }
0x51: {  	_ =	shalt  }
0x52: {  	_ =	shalt  }
0x53: {  	_ =	shalt  }
0x54: {  	_ =	shalt  }
0x55: {  	_ =	shalt  }
0x56: {  	_ =	shalt  }
0x57: {  	_ =	shalt  }
0x58: {  	_ =	shalt  }
0x59: {  	_ =	shalt  }
0x5a: {  	_ =	shalt  }
0x5b: {  	_ =	shalt  }
0x5c: {  	_ =	shalt  }
0x5d: {  	_ =	shalt  }
0x5e: {  	_ =	shalt  }
0x5f: {  	_ =	shalt  }
0x60: {  	_ =	shalt  }
0x61: {  	_ =	shalt  }
0x62: {  	_ =	shalt  }
0x63: {  	_ =	shalt  }
0x64: {  	_ =	shalt  }
0x65: {  	_ =	shalt  }
0x66: {  	_ =	shalt  }
0x67: {  	_ =	shalt  }
0x68: {  	_ =	shalt  }
0x69: {  	_ =	shalt  }
0x6a: {  	_ =	shalt  }
0x6b: {  	_ =	shalt  }
0x6c: {  	_ =	shalt  }
0x6d: {  	_ =	shalt  }
0x6e: {  	_ =	shalt  }
0x6f: {  	_ =	shalt  }
0x70: {  	_ =	shalt  }
0x71: {  	_ =	shalt  }
0x72: {  	_ =	shalt  }
0x73: {  	_ =	shalt  }
0x74: {  	_ =	shalt  }
0x75: {  	_ =	shalt  }
0x76: {  	_ =	shalt  }
0x77: {  	_ =	shalt  }
0x78: {  	_ =	shalt  }
0x79: {  	_ =	shalt  }
0x7a: {  	_ =	shalt  }
0x7b: {  	_ =	shalt  }
0x7c: {  	_ =	shalt  }
0x7d: {  	_ =	shalt  }
0x7e: {  	_ =	shalt  }
0x7f: {  	_ =	shalt  }
0x80: {  	_ =	shalt  }
0x81: {  	_ =	shalt  }
0x82: {  	_ =	shalt  }
0x83: {  	_ =	shalt  }
0x84: {  	_ =	shalt  }
0x85: {  	_ =	shalt  }
0x86: {  	_ =	shalt  }
0x87: {  	_ =	shalt  }
.Lfunc_end0:
.L_simem_size_0:
called_computation.1_lowered:
.L_overlay_start_0:
0x88: {  	s2 =	sld [smem:$0x3FD9]  }
0x89: {  	s3 =	sld [smem:$0x3FFE];
	_ =	sdelay $0x1  }
0x8a: {  	s1 =	srdreg.scid  }
0x8b: {  	s0 =	sand.u32 $0x1, s1  }
0x8c: {  	s17 =	sshll.u32 s0, $0xA;
	s2 =	sadd.s32 s3, s2  }
0x8d: {  	s2 =	sadd.s32 s2, s17  }
0x8e: {  	[smem:$0x3FBE] =	sst s2  }
0x8f: {  	_ = 	snop  }
0x90: {  	s2 =	sld [smem:$0x3FD0];
	(tm) =	ssettm $0x1  }
0x91: {  	s18 =	sld [smem:$0x3FFB];
	_ =	sdelay $0x3  }
0x92: {  	_ =	strace s18  }
0x93: {  	s3 =	sld [smem:$0x3FFC];
	_ =	sdelay $0x3  }
0x94: {  	_ =	strace s3  }
0x95: {  	s3 =	sld [smem:$0x3FFD];
	_ =	sdelay $0x3  }
0x96: {  	_ =	strace s3  }
0x97: {  	_ =	strace $0x8FFFFFFF  }
0x98: {  	s19 =	sld [smem:$0x3FDB];
	_ =	sdelay $0x1  }
0x99: {  	s4 =	simm.s32 $_scs_section_size  }
0x9a: {  	s5 =	simm.s32 $_size__tile_overlayer_lowered;
	s6 =	simm.s32 $_tile_overlayer_lowered  }
0x9b: {  	s22 =	simm.s32 $0x1BFF;
	s21 =	sshll.u32 s6, $0x1;
	s3 =	sadd.s32 s4, s19  }
0x9c: {  	s7 =	simm.s32 $0x0;
	s20 =	sshll.u32 s5, $0x1;
	s5 =	sadd.s32 s21, s3  }
0x9d: {  	[timem:s7], [sflag:s22] =	dma.local [hbm:s5], s20  }
0x9e: {  	_ =	swait.ge [sflag:s22], s20  }
0x9f: {  	s4 =	ssub.s32 $0x0, s20;
	[sflag:s22] =	ssyncset.done $0x0  }
0xa0: {  	[sflag:s22] =	ssyncadd.s32 s4;
	_ =	sdelay $0x1  }
0xa1: {  	s23 =	simm.s32 $0x1B8B  }
0xa2: {  	_ =	swait.ge [sflag:s23], $0x1  }
0xa3: {  	[sflag:s23] =	ssyncset.done $0x0  }
0xa4: {  	s25 =	simm.s32 $0x1B8E;
	s24 =	sld [smem:$0x3FFE];
	[sflag:s23] =	ssyncadd.s32 $0xFFFFFFFF  }
0xa5: {  	s26 =	simm.s32 $execute0_lowered;
	[smem:$0x3FD2] =	sst s25  }
0xa6: {  	s5 =	sshll.u32 s26, $0x1;
	_ =	strace $0x80000049;
	[dreg:$0x1] =	wrdreg $0xFFFFFFFF  }
0xa7: {  	s28 =	simm.s32 $_size_execute0_lowered;
	s3 =	sadd.s32 s3, s5;
	[dreg:$0x0] =	wrdreg $0x0  }
0xa8: {  	s5 =	sshll.u32 s28, $0x1;
	[dreg:$0x2] =	wrdreg s3  }
0xa9: {  	[dreg:$0x3] =	wrdreg s5  }
0xaa: {  	[dreg:$0x4] =	wrdreg $0xC0  }
0xab: {  	_ =	task [dreg:s7], $0x5FFFF  }
0xac: {  	[dreg:$0x1] =	wrdreg $0xFFFFFFFF  }
0xad: {  	[dreg:$0x0] =	wrdreg $0x60  }
0xae: {  	[dreg:$0x2] =	wrdreg s2  }
0xaf: {  	[dreg:$0x3] =	wrdreg s24  }
0xb0: {  	[dreg:$0x4] =	wrdreg $0x14A000  }
0xb1: {  	[dreg:$0x5] =	wrdreg $0x9  }
0xb2: {  	_ =	task.clear_ibuf [dreg:s7], $0x6FFFF;
	_ =	strace $0x90000049  }
0xb3: {  	s29 =	simm.s32 $0x9;
	_ =	strace $0x8000004B  }
0xb4: {  	_ =	swait.ge [sflag:s29], $0x1  }
0xb5: {  	[sflag:s29] =	ssyncadd.s32 $0xFFFFFFFF  }
0xb6: {  	_ =	strace $0x9000004B  }
0xb7: {  	_ =	sfence  }
0xb8: {  	s30 =	sld [smem:$0x0];
	_ =	sdelay $0x2  }
0xb9: {  	s31 =	sshll.u32 s1, $0xD;
	s1 =	sshrl.u32 s1, $0x2  }
0xba: {  	s3 =	sand.u32 $0x4000, s31;
	s1 =	sadd.s32 s1, s30  }
0xbb: {  	s0 =	sor.u32 s3, s0;
	s1 =	sshll.u32 s1, $0x11  }
0xbc: {  	s0 =	sor.u32 s1, s0  }
0xbd: {  	s0 =	sadd.s32 $0x8F2B, s0  }
0xbe: {  	[sflag:s0] =	ssyncadd.remote.s32 $0x1  }
0xbf: {  	_ =	sfence.sel $0xFFFF  }
0xc0: {  	[dreg:$0x0] =	wrdreg $0xFFFFFFFF;
	(pc) =	sbr.abs _section_cstart, $3  }
0xc1: {  	[dreg:$0x1] =	wrdreg $0xFFFFFFFF  }
0xc2: {  	_ =	task.clear_ibuf [dreg:s7], $0x2FFFF;
	_ =	strace $0x9FFFFFFF  }
0xc3: {  	(tm) =	ssettm $0x7FFFFFFF  }
tec
execute0_lowered:
.L_overlay_start_1:
0x0: {  	(tag) =	ssettag $0x1  }
0x1: {  	s2 =	rddreg [dreg:$0x0]  }
0x2: {  	s0 =	rddreg [dreg:$0x1]  }
0x3: {  	s3 =	rddreg [dreg:$0x2];
	s11 =	stileid.u32;
	s5 =	simm.s32 $0x0  }
0x4: {  	s4 =	srdreg.scid;
	s15 =	simm.s32 $0x11;
	s16 =	simm.s32 $0x7D  }
0x5: {  	s28 =	simm.s32 $0xEC40;
	s30 =	simm.s32 $0x10B80;
	s14 =	simm.s32 $0x1  }
0x6: {  	s12 =	simm.s32 $0xD;
	s13 =	simm.s32 $0xE;
	s29 =	simm.s32 $0x0  }
0x7: {  	s1 =	smul.u32 $0x500, s11;
	[smem:$0x7FF] =	sst s5;
	s4 =	sand.u32 $0x1, s4  }
0x8: {  	s17 =	smul.u32 $0x278, s11;
	s7 =	sadd.s32 $0x1A00, s0;
	_ =	strace $0x8000004A  }
0x9: {  	s6 =	smul.u32 $0x2710, s4;
	s8 =	ssub.s32 $0x2, s4;
	s9 =	sshll.u32 s4, $0x5  }
0xa: {  	s20 =	smul.u32 $0x4E20, s4;
	s4 =	sshllo.u32 s4, $0x1;
	s1 =	sadd.s32 s1, s0  }
0xb: {  	s5 =	smin.u32 s17, $0x2498;
	s10 =	sshrl.u32 s8, $0x1;
	s9 =	sor.u32 s11, s9  }
0xc: {  	s21 =	sshll.u32 s4, $0x4;
	s4 =	smul.u32 $0x2710, s4;
	s17 =	simm.s32 $0x5000  }
0xd: {  	s6 =	sadd.s32 s6, s5;
	s18 =	ssub.s32 s8, s10;
	s19 =	smul.u32 $0x500, s9  }
0xe: {  	s1 =	sadd.s32 $0x15A00, s1;
	s22 =	sshll.u32 s5, $0x6;
	s9 =	simm.s32 $0x8  }
0xf: {  	s10 =	simm.s32 $0xA;
	s6 =	sshll.u32 s6, $0x4;
	[dreg:$0x4] =	wrdreg s1  }
0x10: {  	s1 =	sadd.s32 s20, s5;
	s4 =	sadd.s32 s5, s4;
	s23 =	sadd.s32 s22, s3  }
0x11: {  	s31 =	smax.u32 s18, $0x1;
	s5 =	simm.s32 $0x3;
	s18 =	simm.s32 $0x7  }
0x12: {  	s20 =	simm.s32 $0x9;
	s22 =	simm.s32 $0xC;
	s0 =	sadd.s32 s6, s0  }
0x13: {  	s8 =	sadd.s32 s7, s19;
	s1 =	sshll.u32 s1, $0x3;
	[dreg:$0x6] =	wrdreg s23  }
0x14: {  	s24 =	sshll.u32 s4, $0x3;
	[dreg:$0xc] =	wrdreg s31;
	s19 =	simm.s32 $0x6F40  }
0x15: {  	s23 =	simm.s32 $0xADC0;
	s6 =	simm.s32 $0x4;
	[dreg:$0x5] =	wrdreg s8  }
0x16: {  	s8 =	sor.u32 s11, s21;
	s1 =	sadd.s32 s2, s1;
	s26 =	sadd.s32 $0x1AA00, s0  }
0x17: {  	s0 =	sadd.s32 $0x1AA08, s0;
	s21 =	simm.s32 $0x8E80;
	[dreg:$0x7] =	wrdreg s1  }
0x18: {  	s11 =	simm.s32 $0xB;
	s8 =	smul.u32 $0x500, s8;
	[dreg:$0x9] =	wrdreg s26  }
0x19: {  	s1 =	sadd.s32 s2, s24;
	[dreg:$0xb] =	wrdreg s0;
	s0 =	simm.s32 $0x12AC0  }
0x1a: {  	s24 =	simm.s32 $0xF;
	s26 =	simm.s32 $0x10;
	[dreg:$0xa] =	wrdreg s1  }
0x1b: {  	s1 =	simm.s32 $0x2;
	s25 =	sadd.s32 s7, s8;
	s7 =	simm.s32 $0x5  }
0x1c: {  	s8 =	simm.s32 $0x6;
	[dreg:$0x8] =	wrdreg s25;
	s25 =	simm.s32 $0xCD00  }
.LBB2_1:
0x1d: {  	[dreg:$0xd] =	wrdreg s29  }
0x1e: {  	s4 =	simm.s32 $0x0;
	s29 =	rddreg [dreg:$0x4];
	s31 =	simm.s32 $0x2800  }
0x1f: {  	[tilespmem:s31], [sflag:$0x11] =	stream.linear.gather [hbm4b:s29+s4], $0x2800, $0x38;
	[tilespmem:$0x1E640] =	vst v63  }
0x20: {  	_ =	swait.ge [sflag:s15], $0x2800  }
0x21: {  	[sflag:s15] =	ssyncset.done $0x0  }
0x22: {  	s29 =	rddreg [dreg:$0x5];
	[sflag:s15] =	ssyncadd.s32 $0xFFFFD800  }
0x23: {  	[tilespmem:s4], [sflag:$0x11] =	stream.linear.gather [hbm4b:s29+s4], $0x2800, $0x38;
	[tilespmem:$0x1E640] =	vst v63  }
0x24: {  	_ =	swait.ge [sflag:s15], $0x2800  }
0x25: {  	[sflag:s15] =	ssyncset.done $0x0  }
0x26: {  	[sflag:s15] =	ssyncadd.s32 $0xFFFFD800  }
0x27: {  	[tilespmem:s17], [sflag:$0x1] =	stream.indirect.gather [hbm4b:s2+s16], $0x40, s4, s16, $0xb8;
	[tilespmem:$0x1E640] =	vst v63  }
0x28: {  	s29 =	simm.s32 $0x80  }
0x29: {  	[tilespmem:s19], [sflag:$0x2] =	stream.indirect.gather [hbm4b:s2+s16], $0x40, s29, s16, $0xb8;
	[tilespmem:$0x1E640] =	vst v63  }
0x2a: {  	s29 =	simm.s32 $0x100  }
0x2b: {  	[tilespmem:s21], [sflag:$0x3] =	stream.indirect.gather [hbm4b:s2+s16], $0x40, s29, s16, $0xb8;
	[tilespmem:$0x1E640] =	vst v63  }
0x2c: {  	s29 =	simm.s32 $0x180  }
0x2d: {  	[tilespmem:s23], [sflag:$0x4] =	stream.indirect.gather [hbm4b:s2+s16], $0x40, s29, s16, $0xb8;
	[tilespmem:$0x1E640] =	vst v63  }
0x2e: {  	s29 =	simm.s32 $0x200  }
0x2f: {  	[tilespmem:s25], [sflag:$0x5] =	stream.indirect.gather [hbm4b:s2+s16], $0x40, s29, s16, $0xb8;
	[tilespmem:$0x1E640] =	vst v63  }
0x30: {  	s29 =	simm.s32 $0x280  }
0x31: {  	[tilespmem:s28], [sflag:$0x6] =	stream.indirect.gather [hbm4b:s2+s16], $0x40, s29, s16, $0xb8;
	[tilespmem:$0x1E640] =	vst v63  }
0x32: {  	s29 =	simm.s32 $0x300  }
0x33: {  	[tilespmem:s30], [sflag:$0x7] =	stream.indirect.gather [hbm4b:s2+s16], $0x40, s29, s16, $0xb8;
	[tilespmem:$0x1E640] =	vst v63  }
0x34: {  	s29 =	simm.s32 $0x380  }
0x35: {  	[tilespmem:s0], [sflag:$0x8] =	stream.indirect.gather [hbm4b:s2+s16], $0x40, s29, s16, $0xb8;
	[tilespmem:$0x1E640] =	vst v63  }
0x36: {  	s29 =	stileid.u32  }
0x37: {  	s4 =	sshll.u32 s29, $0x6  }
0x38: {  	s29 =	sor.u32 $0x1C11, s4;
	s4 =	rddreg [dreg:$0x6]  }
0x39: {  	s31 =	sshrl.u32 s4, $0x3;
	s4 =	rddreg [dreg:$0x7]  }
0x3a: {  	[dreg:$0xe] =	wrdreg s29  }
0x3b: {  	[dreg:$0xf] =	wrdreg s31  }
0x3c: {  	[spmem:s31], [sflag:s29] =	dma.local [hbm:s4], $0x13C0  }
0x3d: {  	_ =	swait.ge [sflag:s15], $0x13C0  }
0x3e: {  	[sflag:s15] =	ssyncset.done $0x0  }
0x3f: {  	[sflag:s15] =	ssyncadd.s32 $0xFFFFEC40  }
0x40: {  	[bflag:$0x0] =	sbarrier.arrive $0xFFFF  }
0x41: {  	_ =	swait.ge [sflag:s14], $0x1F40  }
0x42: {  	[sflag:s14] =	ssyncset.done $0x0  }
0x43: {  	s29 =	simm.s32 $0x2800;
	[sflag:s14] =	ssyncadd.s32 $0xFFFFE0C0  }
0x44: {  	[spmem:s3] =	stream.indirect.scatter.add.f32 [tilespmem:s17], [sflag:$0x9], $0x40, s29, s16, $0xb8;
	[tilespmem:$0x1E640] =	vst v63  }
0x45: {  	_ =	swait.ge [sflag:s1], $0x1F40  }
0x46: {  	[sflag:s1] =	ssyncset.done $0x0  }
0x47: {  	s29 =	simm.s32 $0x2880;
	[sflag:s1] =	ssyncadd.s32 $0xFFFFE0C0  }
0x48: {  	[spmem:s3] =	stream.indirect.scatter.add.f32 [tilespmem:s19], [sflag:$0xA], $0x40, s29, s16, $0xb8;
	[tilespmem:$0x1E640] =	vst v63  }
0x49: {  	_ =	swait.ge [sflag:s5], $0x1F40  }
0x4a: {  	[sflag:s5] =	ssyncset.done $0x0  }
0x4b: {  	s29 =	simm.s32 $0x2900;
	[sflag:s5] =	ssyncadd.s32 $0xFFFFE0C0  }
0x4c: {  	[spmem:s3] =	stream.indirect.scatter.add.f32 [tilespmem:s21], [sflag:$0xB], $0x40, s29, s16, $0xb8;
	[tilespmem:$0x1E640] =	vst v63  }
0x4d: {  	_ =	swait.ge [sflag:s6], $0x1F40  }
0x4e: {  	[sflag:s6] =	ssyncset.done $0x0  }
0x4f: {  	s29 =	simm.s32 $0x2980;
	[sflag:s6] =	ssyncadd.s32 $0xFFFFE0C0  }
0x50: {  	[spmem:s3] =	stream.indirect.scatter.add.f32 [tilespmem:s23], [sflag:$0xC], $0x40, s29, s16, $0xb8;
	[tilespmem:$0x1E640] =	vst v63  }
0x51: {  	_ =	swait.ge [sflag:s7], $0x1F40  }
0x52: {  	[sflag:s7] =	ssyncset.done $0x0  }
0x53: {  	s29 =	simm.s32 $0x2A00;
	[sflag:s7] =	ssyncadd.s32 $0xFFFFE0C0  }
0x54: {  	[spmem:s3] =	stream.indirect.scatter.add.f32 [tilespmem:s25], [sflag:$0xD], $0x40, s29, s16, $0xb8;
	[tilespmem:$0x1E640] =	vst v63  }
0x55: {  	_ =	swait.ge [sflag:s8], $0x1F40  }
0x56: {  	[sflag:s8] =	ssyncset.done $0x0  }
0x57: {  	s29 =	simm.s32 $0x2A80;
	[sflag:s8] =	ssyncadd.s32 $0xFFFFE0C0  }
0x58: {  	[spmem:s3] =	stream.indirect.scatter.add.f32 [tilespmem:s28], [sflag:$0xE], $0x40, s29, s16, $0xb8;
	[tilespmem:$0x1E640] =	vst v63  }
0x59: {  	_ =	swait.ge [sflag:s18], $0x1F40  }
0x5a: {  	[sflag:s18] =	ssyncset.done $0x0  }
0x5b: {  	s29 =	simm.s32 $0x2B00;
	[sflag:s18] =	ssyncadd.s32 $0xFFFFE0C0  }
0x5c: {  	[spmem:s3] =	stream.indirect.scatter.add.f32 [tilespmem:s30], [sflag:$0xF], $0x40, s29, s16, $0xb8;
	[tilespmem:$0x1E640] =	vst v63  }
0x5d: {  	_ =	swait.ge [sflag:s9], $0x1F40  }
0x5e: {  	[sflag:s9] =	ssyncset.done $0x0  }
0x5f: {  	s29 =	simm.s32 $0x2B80;
	[sflag:s9] =	ssyncadd.s32 $0xFFFFE0C0  }
0x60: {  	[spmem:s3] =	stream.indirect.scatter.add.f32 [tilespmem:s0], [sflag:$0x10], $0x40, s29, s16, $0xb8;
	[tilespmem:$0x1E640] =	vst v63  }
0x61: {  	_ =	swait.ge [sflag:s20], $0x1F40  }
0x62: {  	[sflag:s20] =	ssyncset.done $0x0  }
0x63: {  	s29 =	simm.s32 $0x400;
	[sflag:s20] =	ssyncadd.s32 $0xFFFFE0C0  }
0x64: {  	[tilespmem:s17], [sflag:$0x1] =	stream.indirect.gather [hbm4b:s2+s16], $0x40, s29, s16, $0xb8;
	[tilespmem:$0x1E640] =	vst v63  }
0x65: {  	_ =	swait.ge [sflag:s10], $0x1F40  }
0x66: {  	[sflag:s10] =	ssyncset.done $0x0  }
0x67: {  	s29 =	simm.s32 $0x480;
	[sflag:s10] =	ssyncadd.s32 $0xFFFFE0C0  }
0x68: {  	[tilespmem:s19], [sflag:$0x2] =	stream.indirect.gather [hbm4b:s2+s16], $0x40, s29, s16, $0xb8;
	[tilespmem:$0x1E640] =	vst v63  }
0x69: {  	_ =	swait.ge [sflag:s11], $0x1F40  }
0x6a: {  	[sflag:s11] =	ssyncset.done $0x0  }
0x6b: {  	s29 =	simm.s32 $0x500;
	[sflag:s11] =	ssyncadd.s32 $0xFFFFE0C0  }
0x6c: {  	[tilespmem:s21], [sflag:$0x3] =	stream.indirect.gather [hbm4b:s2+s16], $0x40, s29, s16, $0xb8;
	[tilespmem:$0x1E640] =	vst v63  }
0x6d: {  	_ =	swait.ge [sflag:s22], $0x1F40  }
0x6e: {  	[sflag:s22] =	ssyncset.done $0x0  }
0x6f: {  	s29 =	simm.s32 $0x580;
	[sflag:s22] =	ssyncadd.s32 $0xFFFFE0C0  }
0x70: {  	[tilespmem:s23], [sflag:$0x4] =	stream.indirect.gather [hbm4b:s2+s16], $0x40, s29, s16, $0xb8;
	[tilespmem:$0x1E640] =	vst v63  }
0x71: {  	_ =	swait.ge [sflag:s12], $0x1F40  }
0x72: {  	[sflag:s12] =	ssyncset.done $0x0  }
0x73: {  	s29 =	simm.s32 $0x600;
	[sflag:s12] =	ssyncadd.s32 $0xFFFFE0C0  }
0x74: {  	[tilespmem:s25], [sflag:$0x5] =	stream.indirect.gather [hbm4b:s2+s16], $0x40, s29, s16, $0xb8;
	[tilespmem:$0x1E640] =	vst v63  }
0x75: {  	_ =	swait.ge [sflag:s13], $0x1F40  }
0x76: {  	[sflag:s13] =	ssyncset.done $0x0  }
0x77: {  	s29 =	simm.s32 $0x680;
	[sflag:s13] =	ssyncadd.s32 $0xFFFFE0C0  }
0x78: {  	[tilespmem:s28], [sflag:$0x6] =	stream.indirect.gather [hbm4b:s2+s16], $0x40, s29, s16, $0xb8;
	[tilespmem:$0x1E640] =	vst v63  }
0x79: {  	_ =	swait.ge [sflag:s24], $0x1F40  }
0x7a: {  	[sflag:s24] =	ssyncset.done $0x0  }
0x7b: {  	s29 =	simm.s32 $0x700;
	[sflag:s24] =	ssyncadd.s32 $0xFFFFE0C0  }
0x7c: {  	[tilespmem:s30], [sflag:$0x7] =	stream.indirect.gather [hbm4b:s2+s16], $0x40, s29, s16, $0xb8;
	[tilespmem:$0x1E640] =	vst v63  }
0x7d: {  	_ =	swait.ge [sflag:s26], $0x1F40  }
0x7e: {  	[sflag:s26] =	ssyncset.done $0x0  }
0x7f: {  	s31 =	simm.s32 $0x1000;
	s4 =	simm.s32 $0x780;
	[sflag:s26] =	ssyncadd.s32 $0xFFFFE0C0  }
.LBB2_2:
0x80: {  	[tilespmem:s0], [sflag:$0x8] =	stream.indirect.gather [hbm4b:s2+s16], $0x40, s4, s16, $0xb8;
	[tilespmem:$0x1E640] =	vst v63  }
0x81: {  	s4 =	smov.u32 s31  }
0x82: {  	p0 =	sne.s32 s31, $0x8000;
	s31 =	sadd.s32 $0x1000, s31;
	_ =	swait.ge [sflag:s14], $0x1F40  }
0x83: {  	s4 =	sshra.s32 s4, $0x2;
	[sflag:s14] =	ssyncset.done $0x0  }
0x84: {  	s29 =	sadd.s32 $0x2800, s4;
	[sflag:s14] =	ssyncadd.s32 $0xFFFFE0C0  }
0x85: {  	[spmem:s3] =	stream.indirect.scatter.add.f32 [tilespmem:s17], [sflag:$0x9], $0x40, s29, s16, $0xb8;
	[tilespmem:$0x1E640] =	vst v63  }
0x86: {  	_ =	swait.ge [sflag:s1], $0x1F40  }
0x87: {  	[sflag:s1] =	ssyncset.done $0x0  }
0x88: {  	s29 =	sadd.s32 $0x2880, s4;
	[sflag:s1] =	ssyncadd.s32 $0xFFFFE0C0  }
0x89: {  	[spmem:s3] =	stream.indirect.scatter.add.f32 [tilespmem:s19], [sflag:$0xA], $0x40, s29, s16, $0xb8;
	[tilespmem:$0x1E640] =	vst v63  }
0x8a: {  	_ =	swait.ge [sflag:s5], $0x1F40  }
0x8b: {  	[sflag:s5] =	ssyncset.done $0x0  }
0x8c: {  	s29 =	sadd.s32 $0x2900, s4;
	[sflag:s5] =	ssyncadd.s32 $0xFFFFE0C0  }
0x8d: {  	[spmem:s3] =	stream.indirect.scatter.add.f32 [tilespmem:s21], [sflag:$0xB], $0x40, s29, s16, $0xb8;
	[tilespmem:$0x1E640] =	vst v63  }
0x8e: {  	_ =	swait.ge [sflag:s6], $0x1F40  }
0x8f: {  	[sflag:s6] =	ssyncset.done $0x0  }
0x90: {  	s29 =	sadd.s32 $0x2980, s4;
	[sflag:s6] =	ssyncadd.s32 $0xFFFFE0C0  }
0x91: {  	[spmem:s3] =	stream.indirect.scatter.add.f32 [tilespmem:s23], [sflag:$0xC], $0x40, s29, s16, $0xb8;
	[tilespmem:$0x1E640] =	vst v63  }
0x92: {  	_ =	swait.ge [sflag:s7], $0x1F40  }
0x93: {  	[sflag:s7] =	ssyncset.done $0x0  }
0x94: {  	s29 =	sadd.s32 $0x2A00, s4;
	[sflag:s7] =	ssyncadd.s32 $0xFFFFE0C0  }
0x95: {  	[spmem:s3] =	stream.indirect.scatter.add.f32 [tilespmem:s25], [sflag:$0xD], $0x40, s29, s16, $0xb8;
	[tilespmem:$0x1E640] =	vst v63  }
0x96: {  	_ =	swait.ge [sflag:s8], $0x1F40  }
0x97: {  	[sflag:s8] =	ssyncset.done $0x0  }
0x98: {  	s29 =	sadd.s32 $0x2A80, s4;
	[sflag:s8] =	ssyncadd.s32 $0xFFFFE0C0  }
0x99: {  	[spmem:s3] =	stream.indirect.scatter.add.f32 [tilespmem:s28], [sflag:$0xE], $0x40, s29, s16, $0xb8;
	[tilespmem:$0x1E640] =	vst v63  }
0x9a: {  	_ =	swait.ge [sflag:s18], $0x1F40  }
0x9b: {  	[sflag:s18] =	ssyncset.done $0x0  }
0x9c: {  	s29 =	sadd.s32 $0x2B00, s4;
	[sflag:s18] =	ssyncadd.s32 $0xFFFFE0C0  }
0x9d: {  	[spmem:s3] =	stream.indirect.scatter.add.f32 [tilespmem:s30], [sflag:$0xF], $0x40, s29, s16, $0xb8;
	[tilespmem:$0x1E640] =	vst v63  }
0x9e: {  	_ =	swait.ge [sflag:s9], $0x1F40  }
0x9f: {  	[sflag:s9] =	ssyncset.done $0x0  }
0xa0: {  	s29 =	sadd.s32 $0x2B80, s4;
	[sflag:s9] =	ssyncadd.s32 $0xFFFFE0C0  }
0xa1: {  	[spmem:s3] =	stream.indirect.scatter.add.f32 [tilespmem:s0], [sflag:$0x10], $0x40, s29, s16, $0xb8;
	[tilespmem:$0x1E640] =	vst v63  }
0xa2: {  	_ =	swait.ge [sflag:s20], $0x1F40  }
0xa3: {  	[sflag:s20] =	ssyncset.done $0x0  }
0xa4: {  	s29 =	sadd.s32 $0x400, s4;
	[sflag:s20] =	ssyncadd.s32 $0xFFFFE0C0  }
0xa5: {  	[tilespmem:s17], [sflag:$0x1] =	stream.indirect.gather [hbm4b:s2+s16], $0x40, s29, s16, $0xb8;
	[tilespmem:$0x1E640] =	vst v63  }
0xa6: {  	_ =	swait.ge [sflag:s10], $0x1F40  }
0xa7: {  	[sflag:s10] =	ssyncset.done $0x0  }
0xa8: {  	s29 =	sadd.s32 $0x480, s4;
	[sflag:s10] =	ssyncadd.s32 $0xFFFFE0C0  }
0xa9: {  	[tilespmem:s19], [sflag:$0x2] =	stream.indirect.gather [hbm4b:s2+s16], $0x40, s29, s16, $0xb8;
	[tilespmem:$0x1E640] =	vst v63  }
0xaa: {  	_ =	swait.ge [sflag:s11], $0x1F40  }
0xab: {  	[sflag:s11] =	ssyncset.done $0x0  }
0xac: {  	s29 =	sadd.s32 $0x500, s4;
	[sflag:s11] =	ssyncadd.s32 $0xFFFFE0C0  }
0xad: {  	[tilespmem:s21], [sflag:$0x3] =	stream.indirect.gather [hbm4b:s2+s16], $0x40, s29, s16, $0xb8;
	[tilespmem:$0x1E640] =	vst v63  }
0xae: {  	_ =	swait.ge [sflag:s22], $0x1F40  }
0xaf: {  	[sflag:s22] =	ssyncset.done $0x0  }
0xb0: {  	s29 =	sadd.s32 $0x580, s4;
	[sflag:s22] =	ssyncadd.s32 $0xFFFFE0C0  }
0xb1: {  	[tilespmem:s23], [sflag:$0x4] =	stream.indirect.gather [hbm4b:s2+s16], $0x40, s29, s16, $0xb8;
	[tilespmem:$0x1E640] =	vst v63  }
0xb2: {  	_ =	swait.ge [sflag:s12], $0x1F40  }
0xb3: {  	[sflag:s12] =	ssyncset.done $0x0  }
0xb4: {  	s29 =	sadd.s32 $0x600, s4;
	[sflag:s12] =	ssyncadd.s32 $0xFFFFE0C0  }
0xb5: {  	[tilespmem:s25], [sflag:$0x5] =	stream.indirect.gather [hbm4b:s2+s16], $0x40, s29, s16, $0xb8;
	[tilespmem:$0x1E640] =	vst v63  }
0xb6: {  	_ =	swait.ge [sflag:s13], $0x1F40  }
0xb7: {  	[sflag:s13] =	ssyncset.done $0x0  }
0xb8: {  	s29 =	sadd.s32 $0x680, s4;
	[sflag:s13] =	ssyncadd.s32 $0xFFFFE0C0  }
0xb9: {  	[tilespmem:s28], [sflag:$0x6] =	stream.indirect.gather [hbm4b:s2+s16], $0x40, s29, s16, $0xb8;
	[tilespmem:$0x1E640] =	vst v63  }
0xba: {  	_ =	swait.ge [sflag:s24], $0x1F40  }
0xbb: {  	[sflag:s24] =	ssyncset.done $0x0  }
.Ltmp0:
0xbc: {  	s29 =	sadd.s32 $0x700, s4;
	[sflag:s24] =	ssyncadd.s32 $0xFFFFE0C0;
	(pc) =	sbr.rel @p0 .LBB2_2-.Ltmp0, $4  }
0xbd: {  	[tilespmem:s30], [sflag:$0x7] =	stream.indirect.gather [hbm4b:s2+s16], $0x40, s29, s16, $0xb8;
	[tilespmem:$0x1E640] =	vst v63  }
0xbe: {  	_ =	swait.ge [sflag:s26], $0x1F40  }
0xbf: {  	[sflag:s26] =	ssyncset.done $0x0  }
0xc0: {  	s4 =	sadd.s32 $0x780, s4;
	[sflag:s26] =	ssyncadd.s32 $0xFFFFE0C0  }
0xc1: {  	[tilespmem:s0], [sflag:$0x8] =	stream.indirect.gather [hbm4b:s2+s16], $0x40, s4, s16, $0xb8;
	[tilespmem:$0x1E640] =	vst v63  }
0xc2: {  	_ =	swait.ge [sflag:s14], $0x1F40  }
0xc3: {  	[sflag:s14] =	ssyncset.done $0x0  }
0xc4: {  	s29 =	simm.s32 $0x4C00;
	[sflag:s14] =	ssyncadd.s32 $0xFFFFE0C0  }
0xc5: {  	[spmem:s3] =	stream.indirect.scatter.add.f32 [tilespmem:s17], [sflag:$0x9], $0x40, s29, s16, $0xb8;
	[tilespmem:$0x1E640] =	vst v63  }
0xc6: {  	_ =	swait.ge [sflag:s1], $0x1F40  }
0xc7: {  	[sflag:s1] =	ssyncset.done $0x0  }
0xc8: {  	s29 =	simm.s32 $0x4C80;
	[sflag:s1] =	ssyncadd.s32 $0xFFFFE0C0  }
0xc9: {  	[spmem:s3] =	stream.indirect.scatter.add.f32 [tilespmem:s19], [sflag:$0xA], $0x40, s29, s16, $0xb8;
	[tilespmem:$0x1E640] =	vst v63  }
0xca: {  	_ =	swait.ge [sflag:s5], $0x1F40  }
0xcb: {  	[sflag:s5] =	ssyncset.done $0x0  }
0xcc: {  	s29 =	simm.s32 $0x4D00;
	[sflag:s5] =	ssyncadd.s32 $0xFFFFE0C0  }
0xcd: {  	[spmem:s3] =	stream.indirect.scatter.add.f32 [tilespmem:s21], [sflag:$0xB], $0x40, s29, s16, $0xb8;
	[tilespmem:$0x1E640] =	vst v63  }
0xce: {  	_ =	swait.ge [sflag:s6], $0x1F40  }
0xcf: {  	[sflag:s6] =	ssyncset.done $0x0  }
0xd0: {  	s29 =	simm.s32 $0x4D80;
	[sflag:s6] =	ssyncadd.s32 $0xFFFFE0C0  }
0xd1: {  	[spmem:s3] =	stream.indirect.scatter.add.f32 [tilespmem:s23], [sflag:$0xC], $0x40, s29, s16, $0xb8;
	[tilespmem:$0x1E640] =	vst v63  }
0xd2: {  	_ =	swait.ge [sflag:s7], $0x1F40  }
0xd3: {  	[sflag:s7] =	ssyncset.done $0x0  }
0xd4: {  	s29 =	simm.s32 $0x4E00;
	[sflag:s7] =	ssyncadd.s32 $0xFFFFE0C0  }
0xd5: {  	[spmem:s3] =	stream.indirect.scatter.add.f32 [tilespmem:s25], [sflag:$0xD], $0x40, s29, s16, $0xb8;
	[tilespmem:$0x1E640] =	vst v63  }
0xd6: {  	_ =	swait.ge [sflag:s8], $0x1F40  }
0xd7: {  	[sflag:s8] =	ssyncset.done $0x0  }
0xd8: {  	s29 =	simm.s32 $0x4E80;
	[sflag:s8] =	ssyncadd.s32 $0xFFFFE0C0  }
0xd9: {  	[spmem:s3] =	stream.indirect.scatter.add.f32 [tilespmem:s28], [sflag:$0xE], $0x40, s29, s16, $0xb8;
	[tilespmem:$0x1E640] =	vst v63  }
0xda: {  	_ =	swait.ge [sflag:s18], $0x1F40  }
0xdb: {  	[sflag:s18] =	ssyncset.done $0x0  }
0xdc: {  	s29 =	simm.s32 $0x4F00;
	[sflag:s18] =	ssyncadd.s32 $0xFFFFE0C0  }
0xdd: {  	[spmem:s3] =	stream.indirect.scatter.add.f32 [tilespmem:s30], [sflag:$0xF], $0x40, s29, s16, $0xb8;
	[tilespmem:$0x1E640] =	vst v63  }
0xde: {  	_ =	swait.ge [sflag:s9], $0x1F40  }
0xdf: {  	[sflag:s9] =	ssyncset.done $0x0  }
0xe0: {  	s29 =	simm.s32 $0x4F80;
	[sflag:s9] =	ssyncadd.s32 $0xFFFFE0C0  }
0xe1: {  	[spmem:s3] =	stream.indirect.scatter.add.f32 [tilespmem:s0], [sflag:$0x10], $0x40, s29, s16, $0xb8;
	[tilespmem:$0x1E640] =	vst v63  }
0xe2: {  	_ =	swait.ge [sflag:s20], $0x1F40  }
0xe3: {  	[sflag:s20] =	ssyncset.done $0x0  }
0xe4: {  	[sflag:s20] =	ssyncadd.s32 $0xFFFFE0C0  }
0xe5: {  	_ =	swait.ge [sflag:s10], $0x1F40  }
0xe6: {  	[sflag:s10] =	ssyncset.done $0x0  }
0xe7: {  	[sflag:s10] =	ssyncadd.s32 $0xFFFFE0C0  }
0xe8: {  	_ =	swait.ge [sflag:s11], $0x1F40  }
0xe9: {  	[sflag:s11] =	ssyncset.done $0x0  }
0xea: {  	[sflag:s11] =	ssyncadd.s32 $0xFFFFE0C0  }
0xeb: {  	_ =	swait.ge [sflag:s22], $0x1F40  }
0xec: {  	[sflag:s22] =	ssyncset.done $0x0  }
0xed: {  	[sflag:s22] =	ssyncadd.s32 $0xFFFFE0C0  }
0xee: {  	_ =	swait.ge [sflag:s12], $0x1F40  }
0xef: {  	[sflag:s12] =	ssyncset.done $0x0  }
0xf0: {  	[sflag:s12] =	ssyncadd.s32 $0xFFFFE0C0  }
0xf1: {  	_ =	swait.ge [sflag:s13], $0x1F40  }
0xf2: {  	[sflag:s13] =	ssyncset.done $0x0  }
0xf3: {  	[sflag:s13] =	ssyncadd.s32 $0xFFFFE0C0  }
0xf4: {  	_ =	swait.ge [sflag:s24], $0x1F40  }
0xf5: {  	[sflag:s24] =	ssyncset.done $0x0  }
0xf6: {  	[sflag:s24] =	ssyncadd.s32 $0xFFFFE0C0  }
0xf7: {  	_ =	swait.ge [sflag:s26], $0x1F40  }
0xf8: {  	[sflag:s26] =	ssyncset.done $0x0  }
0xf9: {  	[sflag:s26] =	ssyncadd.s32 $0xFFFFE0C0  }
0xfa: {  	[bflag:$0x0] =	sbarrier.arrive $0xFFFF  }
0xfb: {  	s4 =	simm.s32 $0x0;
	s29 =	rddreg [dreg:$0x8]  }
0xfc: {  	[tilespmem:s4], [sflag:$0x11] =	stream.linear.gather [hbm4b:s29+s4], $0x2800, $0x38;
	[tilespmem:$0x1E640] =	vst v63  }
0xfd: {  	_ =	swait.ge [sflag:s15], $0x2800  }
0xfe: {  	[sflag:s15] =	ssyncset.done $0x0  }
0xff: {  	[sflag:s15] =	ssyncadd.s32 $0xFFFFD800  }
0x100: {  	[tilespmem:s17], [sflag:$0x1] =	stream.indirect.gather [hbm4b:s2+s16], $0x40, s4, s16, $0xb8;
	[tilespmem:$0x1E640] =	vst v63  }
0x101: {  	s29 =	simm.s32 $0x80  }
0x102: {  	[tilespmem:s19], [sflag:$0x2] =	stream.indirect.gather [hbm4b:s2+s16], $0x40, s29, s16, $0xb8;
	[tilespmem:$0x1E640] =	vst v63  }
0x103: {  	s29 =	simm.s32 $0x100  }
0x104: {  	[tilespmem:s21], [sflag:$0x3] =	stream.indirect.gather [hbm4b:s2+s16], $0x40, s29, s16, $0xb8;
	[tilespmem:$0x1E640] =	vst v63  }
0x105: {  	s29 =	simm.s32 $0x180  }
0x106: {  	[tilespmem:s23], [sflag:$0x4] =	stream.indirect.gather [hbm4b:s2+s16], $0x40, s29, s16, $0xb8;
	[tilespmem:$0x1E640] =	vst v63  }
0x107: {  	s29 =	simm.s32 $0x200  }
0x108: {  	[tilespmem:s25], [sflag:$0x5] =	stream.indirect.gather [hbm4b:s2+s16], $0x40, s29, s16, $0xb8;
	[tilespmem:$0x1E640] =	vst v63  }
0x109: {  	s29 =	simm.s32 $0x280  }
0x10a: {  	[tilespmem:s28], [sflag:$0x6] =	stream.indirect.gather [hbm4b:s2+s16], $0x40, s29, s16, $0xb8;
	[tilespmem:$0x1E640] =	vst v63  }
0x10b: {  	s31 =	rddreg [dreg:$0xf];
	s29 =	simm.s32 $0x300  }
0x10c: {  	[tilespmem:s30], [sflag:$0x7] =	stream.indirect.gather [hbm4b:s2+s16], $0x40, s29, s16, $0xb8;
	[tilespmem:$0x1E640] =	vst v63  }
0x10d: {  	s4 =	rddreg [dreg:$0x9];
	s29 =	simm.s32 $0x380  }
0x10e: {  	[tilespmem:s0], [sflag:$0x8] =	stream.indirect.gather [hbm4b:s2+s16], $0x40, s29, s16, $0xb8;
	[tilespmem:$0x1E640] =	vst v63  }
0x10f: {  	s29 =	rddreg [dreg:$0xe]  }
0x110: {  	[hbm:s4@s26], [sflag:s29] =	dma.strided [spmem:s31@s9], $0x13C0, s14, $0x8   }
0x111: {  	_ =	swait.ge [sflag:s15], $0x13C0  }
0x112: {  	[sflag:s15] =	ssyncset.done $0x0  }
0x113: {  	[sflag:s15] =	ssyncadd.s32 $0xFFFFEC40  }
0x114: {  	[bflag:$0x0] =	sbarrier.arrive $0xFFFF  }
0x115: {  	s4 =	rddreg [dreg:$0xa]  }
0x116: {  	[spmem:s31], [sflag:s29] =	dma.local [hbm:s4], $0x13C0  }
0x117: {  	_ =	swait.ge [sflag:s15], $0x13C0  }
0x118: {  	[sflag:s15] =	ssyncset.done $0x0  }
0x119: {  	[sflag:s15] =	ssyncadd.s32 $0xFFFFEC40  }
0x11a: {  	[bflag:$0x0] =	sbarrier.arrive $0xFFFF  }
0x11b: {  	_ =	swait.ge [sflag:s14], $0x1F40  }
0x11c: {  	[sflag:s14] =	ssyncset.done $0x0  }
0x11d: {  	s29 =	simm.s32 $0x2800;
	[sflag:s14] =	ssyncadd.s32 $0xFFFFE0C0  }
0x11e: {  	[spmem:s3] =	stream.indirect.scatter.add.f32 [tilespmem:s17], [sflag:$0x9], $0x40, s29, s16, $0xb8;
	[tilespmem:$0x1E640] =	vst v63  }
0x11f: {  	_ =	swait.ge [sflag:s1], $0x1F40  }
0x120: {  	[sflag:s1] =	ssyncset.done $0x0  }
0x121: {  	s29 =	simm.s32 $0x2880;
	[sflag:s1] =	ssyncadd.s32 $0xFFFFE0C0  }
0x122: {  	[spmem:s3] =	stream.indirect.scatter.add.f32 [tilespmem:s19], [sflag:$0xA], $0x40, s29, s16, $0xb8;
	[tilespmem:$0x1E640] =	vst v63  }
0x123: {  	_ =	swait.ge [sflag:s5], $0x1F40  }
0x124: {  	[sflag:s5] =	ssyncset.done $0x0  }
0x125: {  	s29 =	simm.s32 $0x2900;
	[sflag:s5] =	ssyncadd.s32 $0xFFFFE0C0  }
0x126: {  	[spmem:s3] =	stream.indirect.scatter.add.f32 [tilespmem:s21], [sflag:$0xB], $0x40, s29, s16, $0xb8;
	[tilespmem:$0x1E640] =	vst v63  }
0x127: {  	_ =	swait.ge [sflag:s6], $0x1F40  }
0x128: {  	[sflag:s6] =	ssyncset.done $0x0  }
0x129: {  	s29 =	simm.s32 $0x2980;
	[sflag:s6] =	ssyncadd.s32 $0xFFFFE0C0  }
0x12a: {  	[spmem:s3] =	stream.indirect.scatter.add.f32 [tilespmem:s23], [sflag:$0xC], $0x40, s29, s16, $0xb8;
	[tilespmem:$0x1E640] =	vst v63  }
0x12b: {  	_ =	swait.ge [sflag:s7], $0x1F40  }
0x12c: {  	[sflag:s7] =	ssyncset.done $0x0  }
0x12d: {  	s29 =	simm.s32 $0x2A00;
	[sflag:s7] =	ssyncadd.s32 $0xFFFFE0C0  }
0x12e: {  	[spmem:s3] =	stream.indirect.scatter.add.f32 [tilespmem:s25], [sflag:$0xD], $0x40, s29, s16, $0xb8;
	[tilespmem:$0x1E640] =	vst v63  }
0x12f: {  	_ =	swait.ge [sflag:s8], $0x1F40  }
0x130: {  	[sflag:s8] =	ssyncset.done $0x0  }
0x131: {  	s29 =	simm.s32 $0x2A80;
	[sflag:s8] =	ssyncadd.s32 $0xFFFFE0C0  }
0x132: {  	[spmem:s3] =	stream.indirect.scatter.add.f32 [tilespmem:s28], [sflag:$0xE], $0x40, s29, s16, $0xb8;
	[tilespmem:$0x1E640] =	vst v63  }
0x133: {  	_ =	swait.ge [sflag:s18], $0x1F40  }
0x134: {  	[sflag:s18] =	ssyncset.done $0x0  }
0x135: {  	s29 =	simm.s32 $0x2B00;
	[sflag:s18] =	ssyncadd.s32 $0xFFFFE0C0  }
0x136: {  	[spmem:s3] =	stream.indirect.scatter.add.f32 [tilespmem:s30], [sflag:$0xF], $0x40, s29, s16, $0xb8;
	[tilespmem:$0x1E640] =	vst v63  }
0x137: {  	_ =	swait.ge [sflag:s9], $0x1F40  }
0x138: {  	[sflag:s9] =	ssyncset.done $0x0  }
0x139: {  	s29 =	simm.s32 $0x2B80;
	[sflag:s9] =	ssyncadd.s32 $0xFFFFE0C0  }
0x13a: {  	[spmem:s3] =	stream.indirect.scatter.add.f32 [tilespmem:s0], [sflag:$0x10], $0x40, s29, s16, $0xb8;
	[tilespmem:$0x1E640] =	vst v63  }
0x13b: {  	_ =	swait.ge [sflag:s20], $0x1F40  }
0x13c: {  	[sflag:s20] =	ssyncset.done $0x0  }
0x13d: {  	s29 =	simm.s32 $0x400;
	[sflag:s20] =	ssyncadd.s32 $0xFFFFE0C0  }
0x13e: {  	[tilespmem:s17], [sflag:$0x1] =	stream.indirect.gather [hbm4b:s2+s16], $0x40, s29, s16, $0xb8;
	[tilespmem:$0x1E640] =	vst v63  }
0x13f: {  	_ =	swait.ge [sflag:s10], $0x1F40  }
0x140: {  	[sflag:s10] =	ssyncset.done $0x0  }
0x141: {  	s29 =	simm.s32 $0x480;
	[sflag:s10] =	ssyncadd.s32 $0xFFFFE0C0  }
0x142: {  	[tilespmem:s19], [sflag:$0x2] =	stream.indirect.gather [hbm4b:s2+s16], $0x40, s29, s16, $0xb8;
	[tilespmem:$0x1E640] =	vst v63  }
0x143: {  	_ =	swait.ge [sflag:s11], $0x1F40  }
0x144: {  	[sflag:s11] =	ssyncset.done $0x0  }
0x145: {  	s29 =	simm.s32 $0x500;
	[sflag:s11] =	ssyncadd.s32 $0xFFFFE0C0  }
0x146: {  	[tilespmem:s21], [sflag:$0x3] =	stream.indirect.gather [hbm4b:s2+s16], $0x40, s29, s16, $0xb8;
	[tilespmem:$0x1E640] =	vst v63  }
0x147: {  	_ =	swait.ge [sflag:s22], $0x1F40  }
0x148: {  	[sflag:s22] =	ssyncset.done $0x0  }
0x149: {  	s29 =	simm.s32 $0x580;
	[sflag:s22] =	ssyncadd.s32 $0xFFFFE0C0  }
0x14a: {  	[tilespmem:s23], [sflag:$0x4] =	stream.indirect.gather [hbm4b:s2+s16], $0x40, s29, s16, $0xb8;
	[tilespmem:$0x1E640] =	vst v63  }
0x14b: {  	_ =	swait.ge [sflag:s12], $0x1F40  }
0x14c: {  	[sflag:s12] =	ssyncset.done $0x0  }
0x14d: {  	s29 =	simm.s32 $0x600;
	[sflag:s12] =	ssyncadd.s32 $0xFFFFE0C0  }
0x14e: {  	[tilespmem:s25], [sflag:$0x5] =	stream.indirect.gather [hbm4b:s2+s16], $0x40, s29, s16, $0xb8;
	[tilespmem:$0x1E640] =	vst v63  }
0x14f: {  	_ =	swait.ge [sflag:s13], $0x1F40  }
0x150: {  	[sflag:s13] =	ssyncset.done $0x0  }
0x151: {  	s29 =	simm.s32 $0x680;
	[sflag:s13] =	ssyncadd.s32 $0xFFFFE0C0  }
0x152: {  	[tilespmem:s28], [sflag:$0x6] =	stream.indirect.gather [hbm4b:s2+s16], $0x40, s29, s16, $0xb8;
	[tilespmem:$0x1E640] =	vst v63  }
0x153: {  	_ =	swait.ge [sflag:s24], $0x1F40  }
0x154: {  	[sflag:s24] =	ssyncset.done $0x0  }
0x155: {  	s29 =	simm.s32 $0x700;
	[sflag:s24] =	ssyncadd.s32 $0xFFFFE0C0  }
0x156: {  	[tilespmem:s30], [sflag:$0x7] =	stream.indirect.gather [hbm4b:s2+s16], $0x40, s29, s16, $0xb8;
	[tilespmem:$0x1E640] =	vst v63  }
0x157: {  	_ =	swait.ge [sflag:s26], $0x1F40  }
0x158: {  	[sflag:s26] =	ssyncset.done $0x0  }
0x159: {  	s31 =	simm.s32 $0x1000;
	s4 =	simm.s32 $0x780;
	[sflag:s26] =	ssyncadd.s32 $0xFFFFE0C0  }
.LBB2_4:
0x15a: {  	[tilespmem:s0], [sflag:$0x8] =	stream.indirect.gather [hbm4b:s2+s16], $0x40, s4, s16, $0xb8;
	[tilespmem:$0x1E640] =	vst v63  }
0x15b: {  	s4 =	smov.u32 s31  }
0x15c: {  	p0 =	sne.s32 s31, $0x8000;
	s31 =	sadd.s32 $0x1000, s31;
	_ =	swait.ge [sflag:s14], $0x1F40  }
0x15d: {  	s4 =	sshra.s32 s4, $0x2;
	[sflag:s14] =	ssyncset.done $0x0  }
0x15e: {  	s29 =	sadd.s32 $0x2800, s4;
	[sflag:s14] =	ssyncadd.s32 $0xFFFFE0C0  }
0x15f: {  	[spmem:s3] =	stream.indirect.scatter.add.f32 [tilespmem:s17], [sflag:$0x9], $0x40, s29, s16, $0xb8;
	[tilespmem:$0x1E640] =	vst v63  }
0x160: {  	_ =	swait.ge [sflag:s1], $0x1F40  }
0x161: {  	[sflag:s1] =	ssyncset.done $0x0  }
0x162: {  	s29 =	sadd.s32 $0x2880, s4;
	[sflag:s1] =	ssyncadd.s32 $0xFFFFE0C0  }
0x163: {  	[spmem:s3] =	stream.indirect.scatter.add.f32 [tilespmem:s19], [sflag:$0xA], $0x40, s29, s16, $0xb8;
	[tilespmem:$0x1E640] =	vst v63  }
0x164: {  	_ =	swait.ge [sflag:s5], $0x1F40  }
0x165: {  	[sflag:s5] =	ssyncset.done $0x0  }
0x166: {  	s29 =	sadd.s32 $0x2900, s4;
	[sflag:s5] =	ssyncadd.s32 $0xFFFFE0C0  }
0x167: {  	[spmem:s3] =	stream.indirect.scatter.add.f32 [tilespmem:s21], [sflag:$0xB], $0x40, s29, s16, $0xb8;
	[tilespmem:$0x1E640] =	vst v63  }
0x168: {  	_ =	swait.ge [sflag:s6], $0x1F40  }
0x169: {  	[sflag:s6] =	ssyncset.done $0x0  }
0x16a: {  	s29 =	sadd.s32 $0x2980, s4;
	[sflag:s6] =	ssyncadd.s32 $0xFFFFE0C0  }
0x16b: {  	[spmem:s3] =	stream.indirect.scatter.add.f32 [tilespmem:s23], [sflag:$0xC], $0x40, s29, s16, $0xb8;
	[tilespmem:$0x1E640] =	vst v63  }
0x16c: {  	_ =	swait.ge [sflag:s7], $0x1F40  }
0x16d: {  	[sflag:s7] =	ssyncset.done $0x0  }
0x16e: {  	s29 =	sadd.s32 $0x2A00, s4;
	[sflag:s7] =	ssyncadd.s32 $0xFFFFE0C0  }
0x16f: {  	[spmem:s3] =	stream.indirect.scatter.add.f32 [tilespmem:s25], [sflag:$0xD], $0x40, s29, s16, $0xb8;
	[tilespmem:$0x1E640] =	vst v63  }
0x170: {  	_ =	swait.ge [sflag:s8], $0x1F40  }
0x171: {  	[sflag:s8] =	ssyncset.done $0x0  }
0x172: {  	s29 =	sadd.s32 $0x2A80, s4;
	[sflag:s8] =	ssyncadd.s32 $0xFFFFE0C0  }
0x173: {  	[spmem:s3] =	stream.indirect.scatter.add.f32 [tilespmem:s28], [sflag:$0xE], $0x40, s29, s16, $0xb8;
	[tilespmem:$0x1E640] =	vst v63  }
0x174: {  	_ =	swait.ge [sflag:s18], $0x1F40  }
0x175: {  	[sflag:s18] =	ssyncset.done $0x0  }
0x176: {  	s29 =	sadd.s32 $0x2B00, s4;
	[sflag:s18] =	ssyncadd.s32 $0xFFFFE0C0  }
0x177: {  	[spmem:s3] =	stream.indirect.scatter.add.f32 [tilespmem:s30], [sflag:$0xF], $0x40, s29, s16, $0xb8;
	[tilespmem:$0x1E640] =	vst v63  }
0x178: {  	_ =	swait.ge [sflag:s9], $0x1F40  }
0x179: {  	[sflag:s9] =	ssyncset.done $0x0  }
0x17a: {  	s29 =	sadd.s32 $0x2B80, s4;
	[sflag:s9] =	ssyncadd.s32 $0xFFFFE0C0  }
0x17b: {  	[spmem:s3] =	stream.indirect.scatter.add.f32 [tilespmem:s0], [sflag:$0x10], $0x40, s29, s16, $0xb8;
	[tilespmem:$0x1E640] =	vst v63  }
0x17c: {  	_ =	swait.ge [sflag:s20], $0x1F40  }
0x17d: {  	[sflag:s20] =	ssyncset.done $0x0  }
0x17e: {  	s29 =	sadd.s32 $0x400, s4;
	[sflag:s20] =	ssyncadd.s32 $0xFFFFE0C0  }
0x17f: {  	[tilespmem:s17], [sflag:$0x1] =	stream.indirect.gather [hbm4b:s2+s16], $0x40, s29, s16, $0xb8;
	[tilespmem:$0x1E640] =	vst v63  }
0x180: {  	_ =	swait.ge [sflag:s10], $0x1F40  }
0x181: {  	[sflag:s10] =	ssyncset.done $0x0  }
0x182: {  	s29 =	sadd.s32 $0x480, s4;
	[sflag:s10] =	ssyncadd.s32 $0xFFFFE0C0  }
0x183: {  	[tilespmem:s19], [sflag:$0x2] =	stream.indirect.gather [hbm4b:s2+s16], $0x40, s29, s16, $0xb8;
	[tilespmem:$0x1E640] =	vst v63  }
0x184: {  	_ =	swait.ge [sflag:s11], $0x1F40  }
0x185: {  	[sflag:s11] =	ssyncset.done $0x0  }
0x186: {  	s29 =	sadd.s32 $0x500, s4;
	[sflag:s11] =	ssyncadd.s32 $0xFFFFE0C0  }
0x187: {  	[tilespmem:s21], [sflag:$0x3] =	stream.indirect.gather [hbm4b:s2+s16], $0x40, s29, s16, $0xb8;
	[tilespmem:$0x1E640] =	vst v63  }
0x188: {  	_ =	swait.ge [sflag:s22], $0x1F40  }
0x189: {  	[sflag:s22] =	ssyncset.done $0x0  }
0x18a: {  	s29 =	sadd.s32 $0x580, s4;
	[sflag:s22] =	ssyncadd.s32 $0xFFFFE0C0  }
0x18b: {  	[tilespmem:s23], [sflag:$0x4] =	stream.indirect.gather [hbm4b:s2+s16], $0x40, s29, s16, $0xb8;
	[tilespmem:$0x1E640] =	vst v63  }
0x18c: {  	_ =	swait.ge [sflag:s12], $0x1F40  }
0x18d: {  	[sflag:s12] =	ssyncset.done $0x0  }
0x18e: {  	s29 =	sadd.s32 $0x600, s4;
	[sflag:s12] =	ssyncadd.s32 $0xFFFFE0C0  }
0x18f: {  	[tilespmem:s25], [sflag:$0x5] =	stream.indirect.gather [hbm4b:s2+s16], $0x40, s29, s16, $0xb8;
	[tilespmem:$0x1E640] =	vst v63  }
0x190: {  	_ =	swait.ge [sflag:s13], $0x1F40  }
0x191: {  	[sflag:s13] =	ssyncset.done $0x0  }
0x192: {  	s29 =	sadd.s32 $0x680, s4;
	[sflag:s13] =	ssyncadd.s32 $0xFFFFE0C0  }
0x193: {  	[tilespmem:s28], [sflag:$0x6] =	stream.indirect.gather [hbm4b:s2+s16], $0x40, s29, s16, $0xb8;
	[tilespmem:$0x1E640] =	vst v63  }
0x194: {  	_ =	swait.ge [sflag:s24], $0x1F40  }
0x195: {  	[sflag:s24] =	ssyncset.done $0x0  }
.Ltmp1:
0x196: {  	s29 =	sadd.s32 $0x700, s4;
	[sflag:s24] =	ssyncadd.s32 $0xFFFFE0C0;
	(pc) =	sbr.rel @p0 .LBB2_4-.Ltmp1, $4  }
0x197: {  	[tilespmem:s30], [sflag:$0x7] =	stream.indirect.gather [hbm4b:s2+s16], $0x40, s29, s16, $0xb8;
	[tilespmem:$0x1E640] =	vst v63  }
0x198: {  	_ =	swait.ge [sflag:s26], $0x1F40  }
0x199: {  	[sflag:s26] =	ssyncset.done $0x0  }
0x19a: {  	s4 =	sadd.s32 $0x780, s4;
	[sflag:s26] =	ssyncadd.s32 $0xFFFFE0C0  }
0x19b: {  	[tilespmem:s0], [sflag:$0x8] =	stream.indirect.gather [hbm4b:s2+s16], $0x40, s4, s16, $0xb8;
	[tilespmem:$0x1E640] =	vst v63  }
0x19c: {  	_ =	swait.ge [sflag:s14], $0x1F40  }
0x19d: {  	[sflag:s14] =	ssyncset.done $0x0  }
0x19e: {  	s31 =	simm.s32 $0x4C00;
	[sflag:s14] =	ssyncadd.s32 $0xFFFFE0C0  }
0x19f: {  	[spmem:s3] =	stream.indirect.scatter.add.f32 [tilespmem:s17], [sflag:$0x9], $0x40, s31, s16, $0xb8;
	[tilespmem:$0x1E640] =	vst v63  }
0x1a0: {  	_ =	swait.ge [sflag:s1], $0x1F40  }
0x1a1: {  	[sflag:s1] =	ssyncset.done $0x0  }
0x1a2: {  	s31 =	simm.s32 $0x4C80;
	[sflag:s1] =	ssyncadd.s32 $0xFFFFE0C0  }
0x1a3: {  	[spmem:s3] =	stream.indirect.scatter.add.f32 [tilespmem:s19], [sflag:$0xA], $0x40, s31, s16, $0xb8;
	[tilespmem:$0x1E640] =	vst v63  }
0x1a4: {  	_ =	swait.ge [sflag:s5], $0x1F40  }
0x1a5: {  	[sflag:s5] =	ssyncset.done $0x0  }
0x1a6: {  	s31 =	simm.s32 $0x4D00;
	[sflag:s5] =	ssyncadd.s32 $0xFFFFE0C0  }
0x1a7: {  	[spmem:s3] =	stream.indirect.scatter.add.f32 [tilespmem:s21], [sflag:$0xB], $0x40, s31, s16, $0xb8;
	[tilespmem:$0x1E640] =	vst v63  }
0x1a8: {  	_ =	swait.ge [sflag:s6], $0x1F40  }
0x1a9: {  	[sflag:s6] =	ssyncset.done $0x0  }
0x1aa: {  	s31 =	simm.s32 $0x4D80;
	[sflag:s6] =	ssyncadd.s32 $0xFFFFE0C0  }
0x1ab: {  	[spmem:s3] =	stream.indirect.scatter.add.f32 [tilespmem:s23], [sflag:$0xC], $0x40, s31, s16, $0xb8;
	[tilespmem:$0x1E640] =	vst v63  }
0x1ac: {  	_ =	swait.ge [sflag:s7], $0x1F40  }
0x1ad: {  	[sflag:s7] =	ssyncset.done $0x0  }
0x1ae: {  	s31 =	simm.s32 $0x4E00;
	[sflag:s7] =	ssyncadd.s32 $0xFFFFE0C0  }
0x1af: {  	[spmem:s3] =	stream.indirect.scatter.add.f32 [tilespmem:s25], [sflag:$0xD], $0x40, s31, s16, $0xb8;
	[tilespmem:$0x1E640] =	vst v63  }
0x1b0: {  	_ =	swait.ge [sflag:s8], $0x1F40  }
0x1b1: {  	[sflag:s8] =	ssyncset.done $0x0  }
0x1b2: {  	s31 =	simm.s32 $0x4E80;
	[sflag:s8] =	ssyncadd.s32 $0xFFFFE0C0  }
0x1b3: {  	[spmem:s3] =	stream.indirect.scatter.add.f32 [tilespmem:s28], [sflag:$0xE], $0x40, s31, s16, $0xb8;
	[tilespmem:$0x1E640] =	vst v63  }
0x1b4: {  	_ =	swait.ge [sflag:s18], $0x1F40  }
0x1b5: {  	[sflag:s18] =	ssyncset.done $0x0  }
0x1b6: {  	s31 =	simm.s32 $0x4F00;
	[sflag:s18] =	ssyncadd.s32 $0xFFFFE0C0  }
0x1b7: {  	[spmem:s3] =	stream.indirect.scatter.add.f32 [tilespmem:s30], [sflag:$0xF], $0x40, s31, s16, $0xb8;
	[tilespmem:$0x1E640] =	vst v63  }
0x1b8: {  	_ =	swait.ge [sflag:s9], $0x1F40  }
0x1b9: {  	[sflag:s9] =	ssyncset.done $0x0  }
0x1ba: {  	s31 =	simm.s32 $0x4F80;
	[sflag:s9] =	ssyncadd.s32 $0xFFFFE0C0  }
0x1bb: {  	[spmem:s3] =	stream.indirect.scatter.add.f32 [tilespmem:s0], [sflag:$0x10], $0x40, s31, s16, $0xb8;
	[tilespmem:$0x1E640] =	vst v63  }
0x1bc: {  	_ =	swait.ge [sflag:s20], $0x1F40  }
0x1bd: {  	[sflag:s20] =	ssyncset.done $0x0  }
0x1be: {  	[sflag:s20] =	ssyncadd.s32 $0xFFFFE0C0  }
0x1bf: {  	_ =	swait.ge [sflag:s10], $0x1F40  }
0x1c0: {  	[sflag:s10] =	ssyncset.done $0x0  }
0x1c1: {  	[sflag:s10] =	ssyncadd.s32 $0xFFFFE0C0  }
0x1c2: {  	_ =	swait.ge [sflag:s11], $0x1F40  }
0x1c3: {  	[sflag:s11] =	ssyncset.done $0x0  }
0x1c4: {  	[sflag:s11] =	ssyncadd.s32 $0xFFFFE0C0  }
0x1c5: {  	_ =	swait.ge [sflag:s22], $0x1F40  }
0x1c6: {  	[sflag:s22] =	ssyncset.done $0x0  }
0x1c7: {  	[sflag:s22] =	ssyncadd.s32 $0xFFFFE0C0  }
0x1c8: {  	_ =	swait.ge [sflag:s12], $0x1F40  }
0x1c9: {  	[sflag:s12] =	ssyncset.done $0x0  }
0x1ca: {  	[sflag:s12] =	ssyncadd.s32 $0xFFFFE0C0  }
0x1cb: {  	_ =	swait.ge [sflag:s13], $0x1F40  }
0x1cc: {  	[sflag:s13] =	ssyncset.done $0x0  }
0x1cd: {  	[sflag:s13] =	ssyncadd.s32 $0xFFFFE0C0  }
0x1ce: {  	_ =	swait.ge [sflag:s24], $0x1F40  }
0x1cf: {  	[sflag:s24] =	ssyncset.done $0x0  }
0x1d0: {  	[sflag:s24] =	ssyncadd.s32 $0xFFFFE0C0  }
0x1d1: {  	_ =	swait.ge [sflag:s26], $0x1F40  }
0x1d2: {  	[sflag:s26] =	ssyncset.done $0x0  }
0x1d3: {  	[sflag:s26] =	ssyncadd.s32 $0xFFFFE0C0  }
0x1d4: {  	[bflag:$0x0] =	sbarrier.arrive $0xFFFF  }
0x1d5: {  	s4 =	rddreg [dreg:$0xb]  }
0x1d6: {  	s29 =	rddreg [dreg:$0xe]  }
0x1d7: {  	s31 =	rddreg [dreg:$0xf]  }
0x1d8: {  	[hbm:s4@s26], [sflag:s29] =	dma.strided [spmem:s31@s9], $0x13C0, s14, $0x8   }
0x1d9: {  	_ =	swait.ge [sflag:s15], $0x13C0  }
0x1da: {  	s29 =	rddreg [dreg:$0xd]  }
0x1db: {  	s31 =	rddreg [dreg:$0xc];
	s29 =	sadd.s32 $0x1, s29  }
0x1dc: {  	p0 =	sne.s32 s29, s31  }
.Ltmp2:
0x1dd: {  	_ = 	snop;
	(pc) =	sbr.rel @p0 .LBB2_1-.Ltmp2, $3  }
0x1de: {  	[sflag:s15] =	ssyncset.done $0x0  }
0x1df: {  	[sflag:s15] =	ssyncadd.s32 $0xFFFFEC40  }
0x1e0: {  	[bflag:$0x0] =	sbarrier.arrive $0xFFFF;
	_ =	sdelay $0x1  }
0x1e1: {  	_ =	sfence.sel $0x180000  }
0x1e2: {  	[bflag:$0x0] =	sbarrier.arrive $0xFFFF  }
0x1e3: {  	_ =	strace $0x9000004A  }
0x1e4: {  	s0 =	stileid.u32;
	[bflag:$0x2] =	sbarrier.arrive $0xFFFF  }
0x1e5: {  	p0 =	sne.s32 s0, $0x0;
	s0 =	rddreg [dreg:$0x3]  }
0x1e6: {  	s0 =	sadd.s32 @!p0 $0x100000, s0  }
0x1e7: {  	[sflag:s0] =	ssyncadd.tile.s32 @!p0 $0x1;
	_ =	shalt  }
.Lfunc_end2:
_tile_overlayer_lowered:
.L_overlay_start_2:
0x1e8: {  	(tag) =	ssettag $0x2  }
0x1e9: {  	s0 =	rddreg [dreg:$0x0];
	s2 =	stileid.u32  }
0x1ea: {  	s1 =	rddreg [dreg:$0x1];
	p0 =	sne.s32 s2, $0x0  }
0x1eb: {  	s3 =	rddreg [dreg:$0x2];
	[bflag:$0x3] =	sbarrier.arrive $0xFFFF;
	s2 =	simm.s32 @!p0 $0x1C11  }
0x1ec: {  	[timem:s3], [sflag:s2] =	dma.local @!p0 [hbm:s0], s1  }
0x1ed: {  	s0 =	simm.s32 @!p0 $0x11  }
0x1ee: {  	_ =	swait.ge @!p0 [sflag:s0], s1  }
0x1ef: {  	s1 =	ssub.s32 @!p0 $0x0, s1;
	[sflag:s0] =	ssyncset.done @!p0 $0x0  }
0x1f0: {  	[sflag:s0] =	ssyncadd.s32 @!p0 s1  }
0x1f1: {  	[bflag:$0x3] =	sbarrier.arrive $0xFFFF  }
0x1f2: {  	_ =	shalt  }

</sc_bundles>
